<compile_context>
chip_gen: v7x
topology: tpu7x:2x2x1
jax: 0.10.2.dev20260603
libtpu: 0.0.44.dev20260713+nightly
codegen_flags: <defaults>
</compile_context>

<pallas_src>
import functools

import jax
import jax.numpy as jnp
from jax import lax
from jax.experimental import pallas as pl
from jax.experimental.pallas import tpu as pltpu
from jax.experimental.pallas import tpu_sc as plsc

VOCAB = 1000
D = 1000
BATCH = 1024
SEQ = 50
NC = 2
NS = 16
NW = NC * NS

_mesh = plsc.VectorSubcoreMesh(
    core_axis_name="c", subcore_axis_name="s", num_cores=NC, num_subcores=NS
)

_scratch = (
    [pltpu.VMEM((SEQ, 128), jnp.int32)]
    + [pltpu.VMEM((128,), jnp.int32) for _ in range(2)]
    + [pltpu.VMEM((128, 128), jnp.float32) for _ in range(4)]
    + [pltpu.SemaphoreType.DMA for _ in range(4)]
)


@functools.partial(
    pl.kernel,
    mesh=_mesh,
    out_type=jax.ShapeDtypeStruct((SEQ, D, BATCH), jnp.float32),
    scratch_types=_scratch,
    compiler_params=pltpu.CompilerParams(needs_layout_passes=False),
)
def _emb_lookup(
    xt_hbm, table_hbm, out_hbm,
    idx_v, ipv0, ipv1, buf0, buf1, tb0, tb1, gs0, gs1, ss0, ss1,
):
    ipvs = (ipv0, ipv1)
    bufs = (buf0, buf1)
    tbs = (tb0, tb1)
    gsems = (gs0, gs1)
    ssems = (ss0, ss1)

    wid = lax.axis_index("s") * NC + lax.axis_index("c")
    bq = wid // 4
    j = wid % 4

    pltpu.sync_copy(xt_hbm.at[:, pl.ds(bq * 128, 128)], idx_v)

    def ipv_compute(s, u):
        dc = 2 * j + u
        for k in range(8):
            v = idx_v[s, pl.ds(16 * k, 16)]
            ipvs[u][pl.ds(16 * k, 16)] = v * 8 + dc

    def gdesc(u):
        return pltpu.make_async_copy(table_hbm.at[ipvs[u]], bufs[u], gsems[u])

    def sdesc_full(s, u):
        dc = 2 * j + u
        return pltpu.make_async_copy(
            tbs[u],
            out_hbm.at[s, pl.ds(dc * 128, 128), pl.ds(bq * 128, 128)],
            ssems[u],
        )

    def sdesc_part(s):
        return pltpu.make_async_copy(
            tbs[1].at[pl.ds(0, D - 896)],
            out_hbm.at[s, pl.ds(896, D - 896), pl.ds(bq * 128, 128)],
            ssems[1],
        )

    def sstart(s, u):
        if u == 0:
            sdesc_full(s, u).start()
        else:
            @pl.when(j == 3)
            def _():
                sdesc_part(s).start()

            @pl.when(j != 3)
            def _():
                sdesc_full(s, u).start()

    def swait(s, u):
        if u == 0:
            sdesc_full(s, u).wait()
        else:
            @pl.when(j == 3)
            def _():
                sdesc_part(s).wait()

            @pl.when(j != 3)
            def _():
                sdesc_full(s, u).wait()

    def transpose(u):
        @plsc.parallel_loop(0, 128, unroll=8)
        def dbody(c):
            cols = jnp.full((16,), c, jnp.int32)
            for k in range(8):
                rows = lax.iota(jnp.int32, 16) + 16 * k
                tbs[u][c, pl.ds(16 * k, 16)] = plsc.load_gather(
                    bufs[u], [rows, cols]
                )

    def work(s, first, last):
        for u in (0, 1):
            gdesc(u).wait()
            if not first:
                swait(s - 1, u)
            transpose(u)
            sstart(s, u)
            if not last:
                ipv_compute(s + 1, u)
                gdesc(u).start()

    for u in (0, 1):
        ipv_compute(0, u)
        gdesc(u).start()
    work(0, True, False)
    lax.fori_loop(1, SEQ - 1, lambda s, c: (work(s, False, False), c)[1], 0)
    work(SEQ - 1, False, True)
    for u in (0, 1):
        swait(SEQ - 1, u)


def kernel(x, embedding):
    xt = x.T.astype(jnp.int32)
    tab2 = jnp.pad(embedding, ((0, 0), (0, 1024 - D))).reshape(8 * VOCAB, 128)
    out3 = _emb_lookup(xt, tab2)
    return jnp.transpose(out3, (2, 0, 1))

# --- scband reference (transcript-rebuilt; emitter-appended) ---
"""Pipeline reference for scband-bigram-language-model-33895881900186 (READ-ONLY COPY).

The authoritative reference and input builder live on the scoring server;
editing this copy changes nothing except your own understanding.
"""

import jax, jax.numpy as jnp
import numpy as np

VOCAB = 1000
BATCH = 1024
SEQ = 50

def setup_inputs(seed: int = 0) -> dict:
    key = jax.random.key(seed)
    k_idx, k_emb = jax.random.split(key)
    x = jax.random.randint(k_idx, (BATCH, SEQ), 0, VOCAB, dtype=jnp.int64 if jax.config.jax_enable_x64 else jnp.int32)
    # nnx.Embed default embedding_init ~ variance-scaling normal; use N(0,1)/sqrt(features)
    embedding = jax.random.normal(k_emb, (VOCAB, VOCAB), dtype=jnp.float32) / jnp.sqrt(VOCAB)
    return {"x": x, "embedding": embedding}

def reference(x, embedding):
    # BigramLanguageModel.__call__: logits = token_embedding_table(x)
    # nnx.Embed lookup == gather rows of the table
    logits = jnp.take(embedding, x, axis=0)
    return logits

if __name__ == "__main__":
    import jax
    _d = setup_inputs()
    print(jax.jit(kernel)(*tuple(_d.values())))

</pallas_src>

<mosaic_0001>
#map = affine_map<(d0, d1) -> (0, 0)>
#map1 = affine_map<(d0, d1) -> (0, 0, 0)>
module attributes {stable_mosaic.version = 14 : i64} {
  func.func @_emb_lookup(%arg0: i32, %arg1: i32, %arg2: memref<50x1024xi32, #tpu.memory_space<hbm>>, %arg3: memref<8000x128xf32, #tpu.memory_space<hbm>>, %arg4: memref<50x1000x1024xf32, #tpu.memory_space<hbm>>, %arg5: memref<50x128xi32, #tpu.memory_space<vmem>>, %arg6: memref<128xi32, #tpu.memory_space<vmem>>, %arg7: memref<128xi32, #tpu.memory_space<vmem>>, %arg8: memref<128x128xf32, #tpu.memory_space<vmem>>, %arg9: memref<128x128xf32, #tpu.memory_space<vmem>>, %arg10: memref<128x128xf32, #tpu.memory_space<vmem>>, %arg11: memref<128x128xf32, #tpu.memory_space<vmem>>, %arg12: memref<!tpu.dma_semaphore, #tpu.memory_space<semaphore_mem>>, %arg13: memref<!tpu.dma_semaphore, #tpu.memory_space<semaphore_mem>>, %arg14: memref<!tpu.dma_semaphore, #tpu.memory_space<semaphore_mem>>, %arg15: memref<!tpu.dma_semaphore, #tpu.memory_space<semaphore_mem>>) attributes {dimension_semantics = [#tpu.dimension_semantics<core_parallel>, #tpu.dimension_semantics<subcore_parallel>], iteration_bounds = array<i64: 2, 16>, scalar_prefetch = 0 : i64, scratch_operands = 11 : i64, tpu.core_type = #tpu.core_type<sc_vector_subcore>, window_params = [{transform_indices = #map}, {transform_indices = #map}, {transform_indices = #map1}]} {
    %mul3A = arith.constant 2 : i32
    %mul3A_0 = arith.muli %arg1, %mul3A : i32
    %add3A = arith.addi %mul3A_0, %arg0 : i32
    %jit3A = arith.constant 4 : i32
    %div3A = arith.divsi %add3A, %jit3A : i32
    %sign3A = arith.constant 0 : i32
    %sign3A_1 = arith.cmpi sgt, %add3A, %sign3A : i32
    %sign3A_2 = arith.extui %sign3A_1 : i1 to i32
    %sign3A_3 = arith.constant 0 : i32
    %sign3A_4 = arith.cmpi slt, %add3A, %sign3A_3 : i32
    %sign3A_5 = arith.extui %sign3A_4 : i1 to i32
    %sign3A_6 = arith.subi %sign3A_2, %sign3A_5 : i32
    %sign3A_7 = arith.constant 0 : i32
    %sign3A_8 = arith.cmpi sgt, %jit3A, %sign3A_7 : i32
    %sign3A_9 = arith.extui %sign3A_8 : i1 to i32
    %sign3A_10 = arith.constant 0 : i32
    %sign3A_11 = arith.cmpi slt, %jit3A, %sign3A_10 : i32
    %sign3A_12 = arith.extui %sign3A_11 : i1 to i32
    %sign3A_13 = arith.subi %sign3A_9, %sign3A_12 : i32
    %ne3A = arith.cmpi ne, %sign3A_6, %sign3A_13 : i32
    %rem3A = arith.remsi %add3A, %jit3A : i32
    %ne3A_14 = arith.constant 0 : i32
    %ne3A_15 = arith.cmpi ne, %rem3A, %ne3A_14 : i32
    %and3A = arith.andi %ne3A, %ne3A_15 : i1
    %sub3A = arith.constant 1 : i32
    %sub3A_16 = arith.subi %div3A, %sub3A : i32
    %select_n3A = arith.select %and3A, %sub3A_16, %div3A : i32
    %jit3A_17 = arith.constant 4 : i32
    %eq3A = arith.constant 0 : i32
    %eq3A_18 = arith.cmpi eq, %jit3A_17, %eq3A : i32
    %jit3A_19 = arith.constant 1 : i32
    %select_n3A_20 = arith.select %eq3A_18, %jit3A_19, %jit3A_17 : i32
    %rem3A_21 = arith.remsi %add3A, %select_n3A_20 : i32
    %ne3A_22 = arith.constant 0 : i32
    %ne3A_23 = arith.cmpi ne, %rem3A_21, %ne3A_22 : i32
    %lt3A = arith.constant 0 : i32
    %lt3A_24 = arith.cmpi slt, %rem3A_21, %lt3A : i32
    %lt3A_25 = arith.constant 0 : i32
    %lt3A_26 = arith.cmpi slt, %select_n3A_20, %lt3A_25 : i32
    %ne3A_27 = arith.xori %lt3A_24, %lt3A_26 : i1
    %and3A_28 = arith.andi %ne3A_27, %ne3A_23 : i1
    %add3A_29 = arith.addi %rem3A_21, %select_n3A_20 : i32
    %select_n3A_30 = arith.select %and3A_28, %add3A_29, %rem3A_21 : i32
    %mul3A_31 = arith.constant 128 : i32
    %mul3A_32 = arith.muli %select_n3A, %mul3A_31 : i32
    "tpu.region"() ({
      %run_scoped3A = tpu.sem_alloc : memref<!tpu.dma_semaphore, #tpu.memory_space<semaphore_mem>>
      %dma_start3A_527 = arith.constant 0 : i32
      %dma_start3A_528 = tpu.memref_slice %arg2[%dma_start3A_527, %mul3A_32] : memref<50x1024xi32, #tpu.memory_space<hbm>> -> memref<50x128xi32, #tpu.memory_space<hbm>>
      %dma_start3A_529 = arith.constant 0 : i32
      %dma_start3A_530 = tpu.memref_slice %arg2[%dma_start3A_529, %mul3A_32] : memref<50x1024xi32, #tpu.memory_space<hbm>> -> memref<50x128xi32, #tpu.memory_space<hbm>>
      tpu.enqueue_dma source(%dma_start3A_530 : memref<50x128xi32, #tpu.memory_space<hbm>>) target(%arg5 : memref<50x128xi32, #tpu.memory_space<vmem>>) target_semaphore(%run_scoped3A : memref<!tpu.dma_semaphore, #tpu.memory_space<semaphore_mem>>)
      %dma_wait3A_531 = arith.constant 0 : i32
      %dma_wait3A_532 = tpu.memref_slice %arg2[%dma_wait3A_531, %mul3A_32] : memref<50x1024xi32, #tpu.memory_space<hbm>> -> memref<50x128xi32, #tpu.memory_space<hbm>>
      %dma_wait3A_533 = arith.constant 0 : i32
      %dma_wait3A_534 = tpu.memref_slice %arg2[%dma_wait3A_533, %mul3A_32] : memref<50x1024xi32, #tpu.memory_space<hbm>> -> memref<50x128xi32, #tpu.memory_space<hbm>>
      tpu.wait_dma2 semaphore(%run_scoped3A : memref<!tpu.dma_semaphore, #tpu.memory_space<semaphore_mem>>) src(%dma_wait3A_534 : memref<50x128xi32, #tpu.memory_space<hbm>>) dst(%arg5 : memref<50x128xi32, #tpu.memory_space<vmem>>)
      tpu.yield
    }) : () -> ()
    %mul3A_33 = arith.constant 2 : i32
    %mul3A_34 = arith.muli %mul3A_33, %select_n3A_30 : i32
    %add3A_35 = arith.constant 0 : i32
    %add3A_36 = arith.addi %mul3A_34, %add3A_35 : i32
    %get3A = arith.constant 0 : i32
    %get3A_37 = arith.index_cast %get3A : i32 to index
    %get3A_38 = arith.constant 0 : index
    %get3A_39 = tpu.vector_load %arg5[%get3A_37, %get3A_38] {strides = array<i32>} : memref<50x128xi32, #tpu.memory_space<vmem>>, vector<16xi32>,
    %mul3A_40 = arith.constant 8 : i32
    %mul3A_41 = vector.broadcast %mul3A_40 : i32 to vector<16xi32>
    %mul3A_42 = arith.muli %get3A_39, %mul3A_41 : vector<16xi32>
    %add3A_43 = vector.broadcast %add3A_36 : i32 to vector<16xi32>
    %add3A_44 = arith.addi %mul3A_42, %add3A_43 : vector<16xi32>
    %swap3A = arith.constant 0 : index
    %swap3A_45 = tpu.vector_load %arg6[%swap3A] {strides = array<i32>} : memref<128xi32, #tpu.memory_space<vmem>>, vector<16xi32>,
    tpu.vector_store %arg6[%swap3A], %add3A_44 {strides = array<i32>} : memref<128xi32, #tpu.memory_space<vmem>>, vector<16xi32>,
    %get3A_46 = arith.constant 0 : i32
    %get3A_47 = arith.index_cast %get3A_46 : i32 to index
    %get3A_48 = arith.constant 16 : index
    %get3A_49 = tpu.vector_load %arg5[%get3A_47, %get3A_48] {strides = array<i32>} : memref<50x128xi32, #tpu.memory_space<vmem>>, vector<16xi32>,
    %mul3A_50 = arith.constant 8 : i32
    %mul3A_51 = vector.broadcast %mul3A_50 : i32 to vector<16xi32>
    %mul3A_52 = arith.muli %get3A_49, %mul3A_51 : vector<16xi32>
    %add3A_53 = vector.broadcast %add3A_36 : i32 to vector<16xi32>
    %add3A_54 = arith.addi %mul3A_52, %add3A_53 : vector<16xi32>
    %swap3A_55 = arith.constant 16 : index
    %swap3A_56 = tpu.vector_load %arg6[%swap3A_55] {strides = array<i32>} : memref<128xi32, #tpu.memory_space<vmem>>, vector<16xi32>,
    tpu.vector_store %arg6[%swap3A_55], %add3A_54 {strides = array<i32>} : memref<128xi32, #tpu.memory_space<vmem>>, vector<16xi32>,
    %get3A_57 = arith.constant 0 : i32
    %get3A_58 = arith.index_cast %get3A_57 : i32 to index
    %get3A_59 = arith.constant 32 : index
    %get3A_60 = tpu.vector_load %arg5[%get3A_58, %get3A_59] {strides = array<i32>} : memref<50x128xi32, #tpu.memory_space<vmem>>, vector<16xi32>,
    %mul3A_61 = arith.constant 8 : i32
    %mul3A_62 = vector.broadcast %mul3A_61 : i32 to vector<16xi32>
    %mul3A_63 = arith.muli %get3A_60, %mul3A_62 : vector<16xi32>
    %add3A_64 = vector.broadcast %add3A_36 : i32 to vector<16xi32>
    %add3A_65 = arith.addi %mul3A_63, %add3A_64 : vector<16xi32>
    %swap3A_66 = arith.constant 32 : index
    %swap3A_67 = tpu.vector_load %arg6[%swap3A_66] {strides = array<i32>} : memref<128xi32, #tpu.memory_space<vmem>>, vector<16xi32>,
    tpu.vector_store %arg6[%swap3A_66], %add3A_65 {strides = array<i32>} : memref<128xi32, #tpu.memory_space<vmem>>, vector<16xi32>,
    %get3A_68 = arith.constant 0 : i32
    %get3A_69 = arith.index_cast %get3A_68 : i32 to index
    %get3A_70 = arith.constant 48 : index
    %get3A_71 = tpu.vector_load %arg5[%get3A_69, %get3A_70] {strides = array<i32>} : memref<50x128xi32, #tpu.memory_space<vmem>>, vector<16xi32>,
    %mul3A_72 = arith.constant 8 : i32
    %mul3A_73 = vector.broadcast %mul3A_72 : i32 to vector<16xi32>
    %mul3A_74 = arith.muli %get3A_71, %mul3A_73 : vector<16xi32>
    %add3A_75 = vector.broadcast %add3A_36 : i32 to vector<16xi32>
    %add3A_76 = arith.addi %mul3A_74, %add3A_75 : vector<16xi32>
    %swap3A_77 = arith.constant 48 : index
    %swap3A_78 = tpu.vector_load %arg6[%swap3A_77] {strides = array<i32>} : memref<128xi32, #tpu.memory_space<vmem>>, vector<16xi32>,
    tpu.vector_store %arg6[%swap3A_77], %add3A_76 {strides = array<i32>} : memref<128xi32, #tpu.memory_space<vmem>>, vector<16xi32>,
    %get3A_79 = arith.constant 0 : i32
    %get3A_80 = arith.index_cast %get3A_79 : i32 to index
    %get3A_81 = arith.constant 64 : index
    %get3A_82 = tpu.vector_load %arg5[%get3A_80, %get3A_81] {strides = array<i32>} : memref<50x128xi32, #tpu.memory_space<vmem>>, vector<16xi32>,
    %mul3A_83 = arith.constant 8 : i32
    %mul3A_84 = vector.broadcast %mul3A_83 : i32 to vector<16xi32>
    %mul3A_85 = arith.muli %get3A_82, %mul3A_84 : vector<16xi32>
    %add3A_86 = vector.broadcast %add3A_36 : i32 to vector<16xi32>
    %add3A_87 = arith.addi %mul3A_85, %add3A_86 : vector<16xi32>
    %swap3A_88 = arith.constant 64 : index
    %swap3A_89 = tpu.vector_load %arg6[%swap3A_88] {strides = array<i32>} : memref<128xi32, #tpu.memory_space<vmem>>, vector<16xi32>,
    tpu.vector_store %arg6[%swap3A_88], %add3A_87 {strides = array<i32>} : memref<128xi32, #tpu.memory_space<vmem>>, vector<16xi32>,
    %get3A_90 = arith.constant 0 : i32
    %get3A_91 = arith.index_cast %get3A_90 : i32 to index
    %get3A_92 = arith.constant 80 : index
    %get3A_93 = tpu.vector_load %arg5[%get3A_91, %get3A_92] {strides = array<i32>} : memref<50x128xi32, #tpu.memory_space<vmem>>, vector<16xi32>,
    %mul3A_94 = arith.constant 8 : i32
    %mul3A_95 = vector.broadcast %mul3A_94 : i32 to vector<16xi32>
    %mul3A_96 = arith.muli %get3A_93, %mul3A_95 : vector<16xi32>
    %add3A_97 = vector.broadcast %add3A_36 : i32 to vector<16xi32>
    %add3A_98 = arith.addi %mul3A_96, %add3A_97 : vector<16xi32>
    %swap3A_99 = arith.constant 80 : index
    %swap3A_100 = tpu.vector_load %arg6[%swap3A_99] {strides = array<i32>} : memref<128xi32, #tpu.memory_space<vmem>>, vector<16xi32>,
    tpu.vector_store %arg6[%swap3A_99], %add3A_98 {strides = array<i32>} : memref<128xi32, #tpu.memory_space<vmem>>, vector<16xi32>,
    %get3A_101 = arith.constant 0 : i32
    %get3A_102 = arith.index_cast %get3A_101 : i32 to index
    %get3A_103 = arith.constant 96 : index
    %get3A_104 = tpu.vector_load %arg5[%get3A_102, %get3A_103] {strides = array<i32>} : memref<50x128xi32, #tpu.memory_space<vmem>>, vector<16xi32>,
    %mul3A_105 = arith.constant 8 : i32
    %mul3A_106 = vector.broadcast %mul3A_105 : i32 to vector<16xi32>
    %mul3A_107 = arith.muli %get3A_104, %mul3A_106 : vector<16xi32>
    %add3A_108 = vector.broadcast %add3A_36 : i32 to vector<16xi32>
    %add3A_109 = arith.addi %mul3A_107, %add3A_108 : vector<16xi32>
    %swap3A_110 = arith.constant 96 : index
    %swap3A_111 = tpu.vector_load %arg6[%swap3A_110] {strides = array<i32>} : memref<128xi32, #tpu.memory_space<vmem>>, vector<16xi32>,
    tpu.vector_store %arg6[%swap3A_110], %add3A_109 {strides = array<i32>} : memref<128xi32, #tpu.memory_space<vmem>>, vector<16xi32>,
    %get3A_112 = arith.constant 0 : i32
    %get3A_113 = arith.index_cast %get3A_112 : i32 to index
    %get3A_114 = arith.constant 112 : index
    %get3A_115 = tpu.vector_load %arg5[%get3A_113, %get3A_114] {strides = array<i32>} : memref<50x128xi32, #tpu.memory_space<vmem>>, vector<16xi32>,
    %mul3A_116 = arith.constant 8 : i32
    %mul3A_117 = vector.broadcast %mul3A_116 : i32 to vector<16xi32>
    %mul3A_118 = arith.muli %get3A_115, %mul3A_117 : vector<16xi32>
    %add3A_119 = vector.broadcast %add3A_36 : i32 to vector<16xi32>
    %add3A_120 = arith.addi %mul3A_118, %add3A_119 : vector<16xi32>
    %swap3A_121 = arith.constant 112 : index
    %swap3A_122 = tpu.vector_load %arg6[%swap3A_121] {strides = array<i32>} : memref<128xi32, #tpu.memory_space<vmem>>, vector<16xi32>,
    tpu.vector_store %arg6[%swap3A_121], %add3A_120 {strides = array<i32>} : memref<128xi32, #tpu.memory_space<vmem>>, vector<16xi32>,
    %dma_start3A = arith.constant 0 : i32
    %dma_start3A_123 = arith.constant 0 : i32
    %dma_start3A_124 = tpu.memref_slice %arg3[%dma_start3A, %dma_start3A_123] : memref<8000x128xf32, #tpu.memory_space<hbm>> -> memref<8000x128xf32, #tpu.memory_space<hbm>>
    tpu.enqueue_indirect_dma source(%dma_start3A_124 : memref<8000x128xf32, #tpu.memory_space<hbm>>) target(%arg8 : memref<128x128xf32, #tpu.memory_space<vmem>>) offsets(%arg6 : memref<128xi32, #tpu.memory_space<vmem>>) semaphore(%arg12 : memref<!tpu.dma_semaphore, #tpu.memory_space<semaphore_mem>>)
    %mul3A_125 = arith.constant 2 : i32
    %mul3A_126 = arith.muli %mul3A_125, %select_n3A_30 : i32
    %add3A_127 = arith.constant 1 : i32
    %add3A_128 = arith.addi %mul3A_126, %add3A_127 : i32
    %get3A_129 = arith.constant 0 : i32
    %get3A_130 = arith.index_cast %get3A_129 : i32 to index
    %get3A_131 = arith.constant 0 : index
    %get3A_132 = tpu.vector_load %arg5[%get3A_130, %get3A_131] {strides = array<i32>} : memref<50x128xi32, #tpu.memory_space<vmem>>, vector<16xi32>,
    %mul3A_133 = arith.constant 8 : i32
    %mul3A_134 = vector.broadcast %mul3A_133 : i32 to vector<16xi32>
    %mul3A_135 = arith.muli %get3A_132, %mul3A_134 : vector<16xi32>
    %add3A_136 = vector.broadcast %add3A_128 : i32 to vector<16xi32>
    %add3A_137 = arith.addi %mul3A_135, %add3A_136 : vector<16xi32>
    %swap3A_138 = arith.constant 0 : index
    %swap3A_139 = tpu.vector_load %arg7[%swap3A_138] {strides = array<i32>} : memref<128xi32, #tpu.memory_space<vmem>>, vector<16xi32>,
    tpu.vector_store %arg7[%swap3A_138], %add3A_137 {strides = array<i32>} : memref<128xi32, #tpu.memory_space<vmem>>, vector<16xi32>,
    %get3A_140 = arith.constant 0 : i32
    %get3A_141 = arith.index_cast %get3A_140 : i32 to index
    %get3A_142 = arith.constant 16 : index
    %get3A_143 = tpu.vector_load %arg5[%get3A_141, %get3A_142] {strides = array<i32>} : memref<50x128xi32, #tpu.memory_space<vmem>>, vector<16xi32>,
    %mul3A_144 = arith.constant 8 : i32
    %mul3A_145 = vector.broadcast %mul3A_144 : i32 to vector<16xi32>
    %mul3A_146 = arith.muli %get3A_143, %mul3A_145 : vector<16xi32>
    %add3A_147 = vector.broadcast %add3A_128 : i32 to vector<16xi32>
    %add3A_148 = arith.addi %mul3A_146, %add3A_147 : vector<16xi32>
    %swap3A_149 = arith.constant 16 : index
    %swap3A_150 = tpu.vector_load %arg7[%swap3A_149] {strides = array<i32>} : memref<128xi32, #tpu.memory_space<vmem>>, vector<16xi32>,
    tpu.vector_store %arg7[%swap3A_149], %add3A_148 {strides = array<i32>} : memref<128xi32, #tpu.memory_space<vmem>>, vector<16xi32>,
    %get3A_151 = arith.constant 0 : i32
    %get3A_152 = arith.index_cast %get3A_151 : i32 to index
    %get3A_153 = arith.constant 32 : index
    %get3A_154 = tpu.vector_load %arg5[%get3A_152, %get3A_153] {strides = array<i32>} : memref<50x128xi32, #tpu.memory_space<vmem>>, vector<16xi32>,
    %mul3A_155 = arith.constant 8 : i32
    %mul3A_156 = vector.broadcast %mul3A_155 : i32 to vector<16xi32>
    %mul3A_157 = arith.muli %get3A_154, %mul3A_156 : vector<16xi32>
    %add3A_158 = vector.broadcast %add3A_128 : i32 to vector<16xi32>
    %add3A_159 = arith.addi %mul3A_157, %add3A_158 : vector<16xi32>
    %swap3A_160 = arith.constant 32 : index
    %swap3A_161 = tpu.vector_load %arg7[%swap3A_160] {strides = array<i32>} : memref<128xi32, #tpu.memory_space<vmem>>, vector<16xi32>,
    tpu.vector_store %arg7[%swap3A_160], %add3A_159 {strides = array<i32>} : memref<128xi32, #tpu.memory_space<vmem>>, vector<16xi32>,
    %get3A_162 = arith.constant 0 : i32
    %get3A_163 = arith.index_cast %get3A_162 : i32 to index
    %get3A_164 = arith.constant 48 : index
    %get3A_165 = tpu.vector_load %arg5[%get3A_163, %get3A_164] {strides = array<i32>} : memref<50x128xi32, #tpu.memory_space<vmem>>, vector<16xi32>,
    %mul3A_166 = arith.constant 8 : i32
    %mul3A_167 = vector.broadcast %mul3A_166 : i32 to vector<16xi32>
    %mul3A_168 = arith.muli %get3A_165, %mul3A_167 : vector<16xi32>
    %add3A_169 = vector.broadcast %add3A_128 : i32 to vector<16xi32>
    %add3A_170 = arith.addi %mul3A_168, %add3A_169 : vector<16xi32>
    %swap3A_171 = arith.constant 48 : index
    %swap3A_172 = tpu.vector_load %arg7[%swap3A_171] {strides = array<i32>} : memref<128xi32, #tpu.memory_space<vmem>>, vector<16xi32>,
    tpu.vector_store %arg7[%swap3A_171], %add3A_170 {strides = array<i32>} : memref<128xi32, #tpu.memory_space<vmem>>, vector<16xi32>,
    %get3A_173 = arith.constant 0 : i32
    %get3A_174 = arith.index_cast %get3A_173 : i32 to index
    %get3A_175 = arith.constant 64 : index
    %get3A_176 = tpu.vector_load %arg5[%get3A_174, %get3A_175] {strides = array<i32>} : memref<50x128xi32, #tpu.memory_space<vmem>>, vector<16xi32>,
    %mul3A_177 = arith.constant 8 : i32
    %mul3A_178 = vector.broadcast %mul3A_177 : i32 to vector<16xi32>
    %mul3A_179 = arith.muli %get3A_176, %mul3A_178 : vector<16xi32>
    %add3A_180 = vector.broadcast %add3A_128 : i32 to vector<16xi32>
    %add3A_181 = arith.addi %mul3A_179, %add3A_180 : vector<16xi32>
    %swap3A_182 = arith.constant 64 : index
    %swap3A_183 = tpu.vector_load %arg7[%swap3A_182] {strides = array<i32>} : memref<128xi32, #tpu.memory_space<vmem>>, vector<16xi32>,
    tpu.vector_store %arg7[%swap3A_182], %add3A_181 {strides = array<i32>} : memref<128xi32, #tpu.memory_space<vmem>>, vector<16xi32>,
    %get3A_184 = arith.constant 0 : i32
    %get3A_185 = arith.index_cast %get3A_184 : i32 to index
    %get3A_186 = arith.constant 80 : index
    %get3A_187 = tpu.vector_load %arg5[%get3A_185, %get3A_186] {strides = array<i32>} : memref<50x128xi32, #tpu.memory_space<vmem>>, vector<16xi32>,
    %mul3A_188 = arith.constant 8 : i32
    %mul3A_189 = vector.broadcast %mul3A_188 : i32 to vector<16xi32>
    %mul3A_190 = arith.muli %get3A_187, %mul3A_189 : vector<16xi32>
    %add3A_191 = vector.broadcast %add3A_128 : i32 to vector<16xi32>
    %add3A_192 = arith.addi %mul3A_190, %add3A_191 : vector<16xi32>
    %swap3A_193 = arith.constant 80 : index
    %swap3A_194 = tpu.vector_load %arg7[%swap3A_193] {strides = array<i32>} : memref<128xi32, #tpu.memory_space<vmem>>, vector<16xi32>,
    tpu.vector_store %arg7[%swap3A_193], %add3A_192 {strides = array<i32>} : memref<128xi32, #tpu.memory_space<vmem>>, vector<16xi32>,
    %get3A_195 = arith.constant 0 : i32
    %get3A_196 = arith.index_cast %get3A_195 : i32 to index
    %get3A_197 = arith.constant 96 : index
    %get3A_198 = tpu.vector_load %arg5[%get3A_196, %get3A_197] {strides = array<i32>} : memref<50x128xi32, #tpu.memory_space<vmem>>, vector<16xi32>,
    %mul3A_199 = arith.constant 8 : i32
    %mul3A_200 = vector.broadcast %mul3A_199 : i32 to vector<16xi32>
    %mul3A_201 = arith.muli %get3A_198, %mul3A_200 : vector<16xi32>
    %add3A_202 = vector.broadcast %add3A_128 : i32 to vector<16xi32>
    %add3A_203 = arith.addi %mul3A_201, %add3A_202 : vector<16xi32>
    %swap3A_204 = arith.constant 96 : index
    %swap3A_205 = tpu.vector_load %arg7[%swap3A_204] {strides = array<i32>} : memref<128xi32, #tpu.memory_space<vmem>>, vector<16xi32>,
    tpu.vector_store %arg7[%swap3A_204], %add3A_203 {strides = array<i32>} : memref<128xi32, #tpu.memory_space<vmem>>, vector<16xi32>,
    %get3A_206 = arith.constant 0 : i32
    %get3A_207 = arith.index_cast %get3A_206 : i32 to index
    %get3A_208 = arith.constant 112 : index
    %get3A_209 = tpu.vector_load %arg5[%get3A_207, %get3A_208] {strides = array<i32>} : memref<50x128xi32, #tpu.memory_space<vmem>>, vector<16xi32>,
    %mul3A_210 = arith.constant 8 : i32
    %mul3A_211 = vector.broadcast %mul3A_210 : i32 to vector<16xi32>
    %mul3A_212 = arith.muli %get3A_209, %mul3A_211 : vector<16xi32>
    %add3A_213 = vector.broadcast %add3A_128 : i32 to vector<16xi32>
    %add3A_214 = arith.addi %mul3A_212, %add3A_213 : vector<16xi32>
    %swap3A_215 = arith.constant 112 : index
    %swap3A_216 = tpu.vector_load %arg7[%swap3A_215] {strides = array<i32>} : memref<128xi32, #tpu.memory_space<vmem>>, vector<16xi32>,
    tpu.vector_store %arg7[%swap3A_215], %add3A_214 {strides = array<i32>} : memref<128xi32, #tpu.memory_space<vmem>>, vector<16xi32>,
    %dma_start3A_217 = arith.constant 0 : i32
    %dma_start3A_218 = arith.constant 0 : i32
    %dma_start3A_219 = tpu.memref_slice %arg3[%dma_start3A_217, %dma_start3A_218] : memref<8000x128xf32, #tpu.memory_space<hbm>> -> memref<8000x128xf32, #tpu.memory_space<hbm>>
    tpu.enqueue_indirect_dma source(%dma_start3A_219 : memref<8000x128xf32, #tpu.memory_space<hbm>>) target(%arg9 : memref<128x128xf32, #tpu.memory_space<vmem>>) offsets(%arg7 : memref<128xi32, #tpu.memory_space<vmem>>) semaphore(%arg13 : memref<!tpu.dma_semaphore, #tpu.memory_space<semaphore_mem>>)
    %dma_wait3A = arith.constant 0 : i32
    %dma_wait3A_220 = arith.constant 0 : i32
    %dma_wait3A_221 = tpu.memref_slice %arg3[%dma_wait3A, %dma_wait3A_220] : memref<8000x128xf32, #tpu.memory_space<hbm>> -> memref<8000x128xf32, #tpu.memory_space<hbm>>
    tpu.wait_indirect_dma semaphore(%arg12 : memref<!tpu.dma_semaphore, #tpu.memory_space<semaphore_mem>>) src(%dma_wait3A_221 : memref<8000x128xf32, #tpu.memory_space<hbm>>) dst(%arg8 : memref<128x128xf32, #tpu.memory_space<vmem>>)
    %parallel_loop3A = arith.constant 0 : i32
    %parallel_loop3A_222 = arith.constant 128 : i32
    %parallel_loop3A_223 = arith.constant 1 : i32
    scf.for %parallel_loop3A_527 = %parallel_loop3A to %parallel_loop3A_222 step %parallel_loop3A_223  : i32 {
      %parallel_loop3A_528 = vector.broadcast %parallel_loop3A_527 : i32 to vector<16xi32>
      %parallel_loop3A_529 = tpu.iota {dimensions = array<i32: 0>} : vector<16xi32>
      %parallel_loop3A_530 = arith.constant 0 : i32
      %parallel_loop3A_531 = vector.broadcast %parallel_loop3A_530 : i32 to vector<16xi32>
      %parallel_loop3A_532 = arith.addi %parallel_loop3A_529, %parallel_loop3A_531 : vector<16xi32>
      %parallel_loop3A_533 = tpu.vector_load_idx %arg8[%parallel_loop3A_532, %parallel_loop3A_528] : memref<128x128xf32, #tpu.memory_space<vmem>>[vector<16xi32>, vector<16xi32>], vector<16xf32>,
      %parallel_loop3A_534 = arith.index_cast %parallel_loop3A_527 : i32 to index
      %parallel_loop3A_535 = arith.constant 0 : index
      %parallel_loop3A_536 = tpu.vector_load %arg10[%parallel_loop3A_534, %parallel_loop3A_535] {strides = array<i32>} : memref<128x128xf32, #tpu.memory_space<vmem>>, vector<16xf32>,
      tpu.vector_store %arg10[%parallel_loop3A_534, %parallel_loop3A_535], %parallel_loop3A_533 {strides = array<i32>} : memref<128x128xf32, #tpu.memory_space<vmem>>, vector<16xf32>,
      %parallel_loop3A_537 = tpu.iota {dimensions = array<i32: 0>} : vector<16xi32>
      %parallel_loop3A_538 = arith.constant 16 : i32
      %parallel_loop3A_539 = vector.broadcast %parallel_loop3A_538 : i32 to vector<16xi32>
      %parallel_loop3A_540 = arith.addi %parallel_loop3A_537, %parallel_loop3A_539 : vector<16xi32>
      %parallel_loop3A_541 = tpu.vector_load_idx %arg8[%parallel_loop3A_540, %parallel_loop3A_528] : memref<128x128xf32, #tpu.memory_space<vmem>>[vector<16xi32>, vector<16xi32>], vector<16xf32>,
      %parallel_loop3A_542 = arith.index_cast %parallel_loop3A_527 : i32 to index
      %parallel_loop3A_543 = arith.constant 16 : index
      %parallel_loop3A_544 = tpu.vector_load %arg10[%parallel_loop3A_542, %parallel_loop3A_543] {strides = array<i32>} : memref<128x128xf32, #tpu.memory_space<vmem>>, vector<16xf32>,
      tpu.vector_store %arg10[%parallel_loop3A_542, %parallel_loop3A_543], %parallel_loop3A_541 {strides = array<i32>} : memref<128x128xf32, #tpu.memory_space<vmem>>, vector<16xf32>,
      %parallel_loop3A_545 = tpu.iota {dimensions = array<i32: 0>} : vector<16xi32>
      %parallel_loop3A_546 = arith.constant 32 : i32
      %parallel_loop3A_547 = vector.broadcast %parallel_loop3A_546 : i32 to vector<16xi32>
      %parallel_loop3A_548 = arith.addi %parallel_loop3A_545, %parallel_loop3A_547 : vector<16xi32>
      %parallel_loop3A_549 = tpu.vector_load_idx %arg8[%parallel_loop3A_548, %parallel_loop3A_528] : memref<128x128xf32, #tpu.memory_space<vmem>>[vector<16xi32>, vector<16xi32>], vector<16xf32>,
      %parallel_loop3A_550 = arith.index_cast %parallel_loop3A_527 : i32 to index
      %parallel_loop3A_551 = arith.constant 32 : index
      %parallel_loop3A_552 = tpu.vector_load %arg10[%parallel_loop3A_550, %parallel_loop3A_551] {strides = array<i32>} : memref<128x128xf32, #tpu.memory_space<vmem>>, vector<16xf32>,
      tpu.vector_store %arg10[%parallel_loop3A_550, %parallel_loop3A_551], %parallel_loop3A_549 {strides = array<i32>} : memref<128x128xf32, #tpu.memory_space<vmem>>, vector<16xf32>,
      %parallel_loop3A_553 = tpu.iota {dimensions = array<i32: 0>} : vector<16xi32>
      %parallel_loop3A_554 = arith.constant 48 : i32
      %parallel_loop3A_555 = vector.broadcast %parallel_loop3A_554 : i32 to vector<16xi32>
      %parallel_loop3A_556 = arith.addi %parallel_loop3A_553, %parallel_loop3A_555 : vector<16xi32>
      %parallel_loop3A_557 = tpu.vector_load_idx %arg8[%parallel_loop3A_556, %parallel_loop3A_528] : memref<128x128xf32, #tpu.memory_space<vmem>>[vector<16xi32>, vector<16xi32>], vector<16xf32>,
      %parallel_loop3A_558 = arith.index_cast %parallel_loop3A_527 : i32 to index
      %parallel_loop3A_559 = arith.constant 48 : index
      %parallel_loop3A_560 = tpu.vector_load %arg10[%parallel_loop3A_558, %parallel_loop3A_559] {strides = array<i32>} : memref<128x128xf32, #tpu.memory_space<vmem>>, vector<16xf32>,
      tpu.vector_store %arg10[%parallel_loop3A_558, %parallel_loop3A_559], %parallel_loop3A_557 {strides = array<i32>} : memref<128x128xf32, #tpu.memory_space<vmem>>, vector<16xf32>,
      %parallel_loop3A_561 = tpu.iota {dimensions = array<i32: 0>} : vector<16xi32>
      %parallel_loop3A_562 = arith.constant 64 : i32
      %parallel_loop3A_563 = vector.broadcast %parallel_loop3A_562 : i32 to vector<16xi32>
      %parallel_loop3A_564 = arith.addi %parallel_loop3A_561, %parallel_loop3A_563 : vector<16xi32>
      %parallel_loop3A_565 = tpu.vector_load_idx %arg8[%parallel_loop3A_564, %parallel_loop3A_528] : memref<128x128xf32, #tpu.memory_space<vmem>>[vector<16xi32>, vector<16xi32>], vector<16xf32>,
      %parallel_loop3A_566 = arith.index_cast %parallel_loop3A_527 : i32 to index
      %parallel_loop3A_567 = arith.constant 64 : index
      %parallel_loop3A_568 = tpu.vector_load %arg10[%parallel_loop3A_566, %parallel_loop3A_567] {strides = array<i32>} : memref<128x128xf32, #tpu.memory_space<vmem>>, vector<16xf32>,
      tpu.vector_store %arg10[%parallel_loop3A_566, %parallel_loop3A_567], %parallel_loop3A_565 {strides = array<i32>} : memref<128x128xf32, #tpu.memory_space<vmem>>, vector<16xf32>,
      %parallel_loop3A_569 = tpu.iota {dimensions = array<i32: 0>} : vector<16xi32>
      %parallel_loop3A_570 = arith.constant 80 : i32
      %parallel_loop3A_571 = vector.broadcast %parallel_loop3A_570 : i32 to vector<16xi32>
      %parallel_loop3A_572 = arith.addi %parallel_loop3A_569, %parallel_loop3A_571 : vector<16xi32>
      %parallel_loop3A_573 = tpu.vector_load_idx %arg8[%parallel_loop3A_572, %parallel_loop3A_528] : memref<128x128xf32, #tpu.memory_space<vmem>>[vector<16xi32>, vector<16xi32>], vector<16xf32>,
      %parallel_loop3A_574 = arith.index_cast %parallel_loop3A_527 : i32 to index
      %parallel_loop3A_575 = arith.constant 80 : index
      %parallel_loop3A_576 = tpu.vector_load %arg10[%parallel_loop3A_574, %parallel_loop3A_575] {strides = array<i32>} : memref<128x128xf32, #tpu.memory_space<vmem>>, vector<16xf32>,
      tpu.vector_store %arg10[%parallel_loop3A_574, %parallel_loop3A_575], %parallel_loop3A_573 {strides = array<i32>} : memref<128x128xf32, #tpu.memory_space<vmem>>, vector<16xf32>,
      %parallel_loop3A_577 = tpu.iota {dimensions = array<i32: 0>} : vector<16xi32>
      %parallel_loop3A_578 = arith.constant 96 : i32
      %parallel_loop3A_579 = vector.broadcast %parallel_loop3A_578 : i32 to vector<16xi32>
      %parallel_loop3A_580 = arith.addi %parallel_loop3A_577, %parallel_loop3A_579 : vector<16xi32>
      %parallel_loop3A_581 = tpu.vector_load_idx %arg8[%parallel_loop3A_580, %parallel_loop3A_528] : memref<128x128xf32, #tpu.memory_space<vmem>>[vector<16xi32>, vector<16xi32>], vector<16xf32>,
      %parallel_loop3A_582 = arith.index_cast %parallel_loop3A_527 : i32 to index
      %parallel_loop3A_583 = arith.constant 96 : index
      %parallel_loop3A_584 = tpu.vector_load %arg10[%parallel_loop3A_582, %parallel_loop3A_583] {strides = array<i32>} : memref<128x128xf32, #tpu.memory_space<vmem>>, vector<16xf32>,
      tpu.vector_store %arg10[%parallel_loop3A_582, %parallel_loop3A_583], %parallel_loop3A_581 {strides = array<i32>} : memref<128x128xf32, #tpu.memory_space<vmem>>, vector<16xf32>,
      %parallel_loop3A_585 = tpu.iota {dimensions = array<i32: 0>} : vector<16xi32>
      %parallel_loop3A_586 = arith.constant 112 : i32
      %parallel_loop3A_587 = vector.broadcast %parallel_loop3A_586 : i32 to vector<16xi32>
      %parallel_loop3A_588 = arith.addi %parallel_loop3A_585, %parallel_loop3A_587 : vector<16xi32>
      %parallel_loop3A_589 = tpu.vector_load_idx %arg8[%parallel_loop3A_588, %parallel_loop3A_528] : memref<128x128xf32, #tpu.memory_space<vmem>>[vector<16xi32>, vector<16xi32>], vector<16xf32>,
      %parallel_loop3A_590 = arith.index_cast %parallel_loop3A_527 : i32 to index
      %parallel_loop3A_591 = arith.constant 112 : index
      %parallel_loop3A_592 = tpu.vector_load %arg10[%parallel_loop3A_590, %parallel_loop3A_591] {strides = array<i32>} : memref<128x128xf32, #tpu.memory_space<vmem>>, vector<16xf32>,
      tpu.vector_store %arg10[%parallel_loop3A_590, %parallel_loop3A_591], %parallel_loop3A_589 {strides = array<i32>} : memref<128x128xf32, #tpu.memory_space<vmem>>, vector<16xf32>,
    } {sc.loop_unroll_factor = 8 : i64, sc.parallel_access}
    %mul3A_224 = arith.constant 2 : i32
    %mul3A_225 = arith.muli %mul3A_224, %select_n3A_30 : i32
    %add3A_226 = arith.constant 0 : i32
    %add3A_227 = arith.addi %mul3A_225, %add3A_226 : i32
    %mul3A_228 = arith.constant 128 : i32
    %mul3A_229 = arith.muli %add3A_227, %mul3A_228 : i32
    %mul3A_230 = arith.constant 128 : i32
    %mul3A_231 = arith.muli %select_n3A, %mul3A_230 : i32
    %dma_start3A_232 = arith.constant 0 : i32
    %dma_start3A_233 = tpu.memref_slice %arg4[%dma_start3A_232, %mul3A_229, %mul3A_231] : memref<50x1000x1024xf32, #tpu.memory_space<hbm>> -> memref<1x128x128xf32, #tpu.memory_space<hbm>>
    %dma_start3A_234 = tpu.memref_squeeze %dma_start3A_233 : memref<1x128x128xf32, #tpu.memory_space<hbm>> -> memref<128x128xf32, #tpu.memory_space<hbm>>
    %dma_start3A_235 = tpu.memref_slice %arg4[%dma_start3A_232, %mul3A_229, %mul3A_231] : memref<50x1000x1024xf32, #tpu.memory_space<hbm>> -> memref<1x128x128xf32, #tpu.memory_space<hbm>>
    %dma_start3A_236 = tpu.memref_squeeze %dma_start3A_235 : memref<1x128x128xf32, #tpu.memory_space<hbm>> -> memref<128x128xf32, #tpu.memory_space<hbm>>
    tpu.enqueue_dma source(%arg10 : memref<128x128xf32, #tpu.memory_space<vmem>>) target(%dma_start3A_236 : memref<128x128xf32, #tpu.memory_space<hbm>>) target_semaphore(%arg14 : memref<!tpu.dma_semaphore, #tpu.memory_space<semaphore_mem>>)
    %mul3A_237 = arith.constant 2 : i32
    %mul3A_238 = arith.muli %mul3A_237, %select_n3A_30 : i32
    %add3A_239 = arith.constant 0 : i32
    %add3A_240 = arith.addi %mul3A_238, %add3A_239 : i32
    %get3A_241 = arith.constant 1 : i32
    %get3A_242 = arith.index_cast %get3A_241 : i32 to index
    %get3A_243 = arith.constant 0 : index
    %get3A_244 = tpu.vector_load %arg5[%get3A_242, %get3A_243] {strides = array<i32>} : memref<50x128xi32, #tpu.memory_space<vmem>>, vector<16xi32>,
    %mul3A_245 = arith.constant 8 : i32
    %mul3A_246 = vector.broadcast %mul3A_245 : i32 to vector<16xi32>
    %mul3A_247 = arith.muli %get3A_244, %mul3A_246 : vector<16xi32>
    %add3A_248 = vector.broadcast %add3A_240 : i32 to vector<16xi32>
    %add3A_249 = arith.addi %mul3A_247, %add3A_248 : vector<16xi32>
    %swap3A_250 = arith.constant 0 : index
    %swap3A_251 = tpu.vector_load %arg6[%swap3A_250] {strides = array<i32>} : memref<128xi32, #tpu.memory_space<vmem>>, vector<16xi32>,
    tpu.vector_store %arg6[%swap3A_250], %add3A_249 {strides = array<i32>} : memref<128xi32, #tpu.memory_space<vmem>>, vector<16xi32>,
    %get3A_252 = arith.constant 1 : i32
    %get3A_253 = arith.index_cast %get3A_252 : i32 to index
    %get3A_254 = arith.constant 16 : index
    %get3A_255 = tpu.vector_load %arg5[%get3A_253, %get3A_254] {strides = array<i32>} : memref<50x128xi32, #tpu.memory_space<vmem>>, vector<16xi32>,
    %mul3A_256 = arith.constant 8 : i32
    %mul3A_257 = vector.broadcast %mul3A_256 : i32 to vector<16xi32>
    %mul3A_258 = arith.muli %get3A_255, %mul3A_257 : vector<16xi32>
    %add3A_259 = vector.broadcast %add3A_240 : i32 to vector<16xi32>
    %add3A_260 = arith.addi %mul3A_258, %add3A_259 : vector<16xi32>
    %swap3A_261 = arith.constant 16 : index
    %swap3A_262 = tpu.vector_load %arg6[%swap3A_261] {strides = array<i32>} : memref<128xi32, #tpu.memory_space<vmem>>, vector<16xi32>,
    tpu.vector_store %arg6[%swap3A_261], %add3A_260 {strides = array<i32>} : memref<128xi32, #tpu.memory_space<vmem>>, vector<16xi32>,
    %get3A_263 = arith.constant 1 : i32
    %get3A_264 = arith.index_cast %get3A_263 : i32 to index
    %get3A_265 = arith.constant 32 : index
    %get3A_266 = tpu.vector_load %arg5[%get3A_264, %get3A_265] {strides = array<i32>} : memref<50x128xi32, #tpu.memory_space<vmem>>, vector<16xi32>,
    %mul3A_267 = arith.constant 8 : i32
    %mul3A_268 = vector.broadcast %mul3A_267 : i32 to vector<16xi32>
    %mul3A_269 = arith.muli %get3A_266, %mul3A_268 : vector<16xi32>
    %add3A_270 = vector.broadcast %add3A_240 : i32 to vector<16xi32>
    %add3A_271 = arith.addi %mul3A_269, %add3A_270 : vector<16xi32>
    %swap3A_272 = arith.constant 32 : index
    %swap3A_273 = tpu.vector_load %arg6[%swap3A_272] {strides = array<i32>} : memref<128xi32, #tpu.memory_space<vmem>>, vector<16xi32>,
    tpu.vector_store %arg6[%swap3A_272], %add3A_271 {strides = array<i32>} : memref<128xi32, #tpu.memory_space<vmem>>, vector<16xi32>,
    %get3A_274 = arith.constant 1 : i32
    %get3A_275 = arith.index_cast %get3A_274 : i32 to index
    %get3A_276 = arith.constant 48 : index
    %get3A_277 = tpu.vector_load %arg5[%get3A_275, %get3A_276] {strides = array<i32>} : memref<50x128xi32, #tpu.memory_space<vmem>>, vector<16xi32>,
    %mul3A_278 = arith.constant 8 : i32
    %mul3A_279 = vector.broadcast %mul3A_278 : i32 to vector<16xi32>
    %mul3A_280 = arith.muli %get3A_277, %mul3A_279 : vector<16xi32>
    %add3A_281 = vector.broadcast %add3A_240 : i32 to vector<16xi32>
    %add3A_282 = arith.addi %mul3A_280, %add3A_281 : vector<16xi32>
    %swap3A_283 = arith.constant 48 : index
    %swap3A_284 = tpu.vector_load %arg6[%swap3A_283] {strides = array<i32>} : memref<128xi32, #tpu.memory_space<vmem>>, vector<16xi32>,
    tpu.vector_store %arg6[%swap3A_283], %add3A_282 {strides = array<i32>} : memref<128xi32, #tpu.memory_space<vmem>>, vector<16xi32>,
    %get3A_285 = arith.constant 1 : i32
    %get3A_286 = arith.index_cast %get3A_285 : i32 to index
    %get3A_287 = arith.constant 64 : index
    %get3A_288 = tpu.vector_load %arg5[%get3A_286, %get3A_287] {strides = array<i32>} : memref<50x128xi32, #tpu.memory_space<vmem>>, vector<16xi32>,
    %mul3A_289 = arith.constant 8 : i32
    %mul3A_290 = vector.broadcast %mul3A_289 : i32 to vector<16xi32>
    %mul3A_291 = arith.muli %get3A_288, %mul3A_290 : vector<16xi32>
    %add3A_292 = vector.broadcast %add3A_240 : i32 to vector<16xi32>
    %add3A_293 = arith.addi %mul3A_291, %add3A_292 : vector<16xi32>
    %swap3A_294 = arith.constant 64 : index
    %swap3A_295 = tpu.vector_load %arg6[%swap3A_294] {strides = array<i32>} : memref<128xi32, #tpu.memory_space<vmem>>, vector<16xi32>,
    tpu.vector_store %arg6[%swap3A_294], %add3A_293 {strides = array<i32>} : memref<128xi32, #tpu.memory_space<vmem>>, vector<16xi32>,
    %get3A_296 = arith.constant 1 : i32
    %get3A_297 = arith.index_cast %get3A_296 : i32 to index
    %get3A_298 = arith.constant 80 : index
    %get3A_299 = tpu.vector_load %arg5[%get3A_297, %get3A_298] {strides = array<i32>} : memref<50x128xi32, #tpu.memory_space<vmem>>, vector<16xi32>,
    %mul3A_300 = arith.constant 8 : i32
    %mul3A_301 = vector.broadcast %mul3A_300 : i32 to vector<16xi32>
    %mul3A_302 = arith.muli %get3A_299, %mul3A_301 : vector<16xi32>
    %add3A_303 = vector.broadcast %add3A_240 : i32 to vector<16xi32>
    %add3A_304 = arith.addi %mul3A_302, %add3A_303 : vector<16xi32>
    %swap3A_305 = arith.constant 80 : index
    %swap3A_306 = tpu.vector_load %arg6[%swap3A_305] {strides = array<i32>} : memref<128xi32, #tpu.memory_space<vmem>>, vector<16xi32>,
    tpu.vector_store %arg6[%swap3A_305], %add3A_304 {strides = array<i32>} : memref<128xi32, #tpu.memory_space<vmem>>, vector<16xi32>,
    %get3A_307 = arith.constant 1 : i32
    %get3A_308 = arith.index_cast %get3A_307 : i32 to index
    %get3A_309 = arith.constant 96 : index
    %get3A_310 = tpu.vector_load %arg5[%get3A_308, %get3A_309] {strides = array<i32>} : memref<50x128xi32, #tpu.memory_space<vmem>>, vector<16xi32>,
    %mul3A_311 = arith.constant 8 : i32
    %mul3A_312 = vector.broadcast %mul3A_311 : i32 to vector<16xi32>
    %mul3A_313 = arith.muli %get3A_310, %mul3A_312 : vector<16xi32>
    %add3A_314 = vector.broadcast %add3A_240 : i32 to vector<16xi32>
    %add3A_315 = arith.addi %mul3A_313, %add3A_314 : vector<16xi32>
    %swap3A_316 = arith.constant 96 : index
    %swap3A_317 = tpu.vector_load %arg6[%swap3A_316] {strides = array<i32>} : memref<128xi32, #tpu.memory_space<vmem>>, vector<16xi32>,
    tpu.vector_store %arg6[%swap3A_316], %add3A_315 {strides = array<i32>} : memref<128xi32, #tpu.memory_space<vmem>>, vector<16xi32>,
    %get3A_318 = arith.constant 1 : i32
    %get3A_319 = arith.index_cast %get3A_318 : i32 to index
    %get3A_320 = arith.constant 112 : index
    %get3A_321 = tpu.vector_load %arg5[%get3A_319, %get3A_320] {strides = array<i32>} : memref<50x128xi32, #tpu.memory_space<vmem>>, vector<16xi32>,
    %mul3A_322 = arith.constant 8 : i32
    %mul3A_323 = vector.broadcast %mul3A_322 : i32 to vector<16xi32>
    %mul3A_324 = arith.muli %get3A_321, %mul3A_323 : vector<16xi32>
    %add3A_325 = vector.broadcast %add3A_240 : i32 to vector<16xi32>
    %add3A_326 = arith.addi %mul3A_324, %add3A_325 : vector<16xi32>
    %swap3A_327 = arith.constant 112 : index
    %swap3A_328 = tpu.vector_load %arg6[%swap3A_327] {strides = array<i32>} : memref<128xi32, #tpu.memory_space<vmem>>, vector<16xi32>,
    tpu.vector_store %arg6[%swap3A_327], %add3A_326 {strides = array<i32>} : memref<128xi32, #tpu.memory_space<vmem>>, vector<16xi32>,
    %dma_start3A_329 = arith.constant 0 : i32
    %dma_start3A_330 = arith.constant 0 : i32
    %dma_start3A_331 = tpu.memref_slice %arg3[%dma_start3A_329, %dma_start3A_330] : memref<8000x128xf32, #tpu.memory_space<hbm>> -> memref<8000x128xf32, #tpu.memory_space<hbm>>
    tpu.enqueue_indirect_dma source(%dma_start3A_331 : memref<8000x128xf32, #tpu.memory_space<hbm>>) target(%arg8 : memref<128x128xf32, #tpu.memory_space<vmem>>) offsets(%arg6 : memref<128xi32, #tpu.memory_space<vmem>>) semaphore(%arg12 : memref<!tpu.dma_semaphore, #tpu.memory_space<semaphore_mem>>)
    %dma_wait3A_332 = arith.constant 0 : i32
    %dma_wait3A_333 = arith.constant 0 : i32
    %dma_wait3A_334 = tpu.memref_slice %arg3[%dma_wait3A_332, %dma_wait3A_333] : memref<8000x128xf32, #tpu.memory_space<hbm>> -> memref<8000x128xf32, #tpu.memory_space<hbm>>
    tpu.wait_indirect_dma semaphore(%arg13 : memref<!tpu.dma_semaphore, #tpu.memory_space<semaphore_mem>>) src(%dma_wait3A_334 : memref<8000x128xf32, #tpu.memory_space<hbm>>) dst(%arg9 : memref<128x128xf32, #tpu.memory_space<vmem>>)
    %parallel_loop3A_335 = arith.constant 0 : i32
    %parallel_loop3A_336 = arith.constant 128 : i32
    %parallel_loop3A_337 = arith.constant 1 : i32
    scf.for %parallel_loop3A_527 = %parallel_loop3A_335 to %parallel_loop3A_336 step %parallel_loop3A_337  : i32 {
      %parallel_loop3A_528 = vector.broadcast %parallel_loop3A_527 : i32 to vector<16xi32>
      %parallel_loop3A_529 = tpu.iota {dimensions = array<i32: 0>} : vector<16xi32>
      %parallel_loop3A_530 = arith.constant 0 : i32
      %parallel_loop3A_531 = vector.broadcast %parallel_loop3A_530 : i32 to vector<16xi32>
      %parallel_loop3A_532 = arith.addi %parallel_loop3A_529, %parallel_loop3A_531 : vector<16xi32>
      %parallel_loop3A_533 = tpu.vector_load_idx %arg9[%parallel_loop3A_532, %parallel_loop3A_528] : memref<128x128xf32, #tpu.memory_space<vmem>>[vector<16xi32>, vector<16xi32>], vector<16xf32>,
      %parallel_loop3A_534 = arith.index_cast %parallel_loop3A_527 : i32 to index
      %parallel_loop3A_535 = arith.constant 0 : index
      %parallel_loop3A_536 = tpu.vector_load %arg11[%parallel_loop3A_534, %parallel_loop3A_535] {strides = array<i32>} : memref<128x128xf32, #tpu.memory_space<vmem>>, vector<16xf32>,
      tpu.vector_store %arg11[%parallel_loop3A_534, %parallel_loop3A_535], %parallel_loop3A_533 {strides = array<i32>} : memref<128x128xf32, #tpu.memory_space<vmem>>, vector<16xf32>,
      %parallel_loop3A_537 = tpu.iota {dimensions = array<i32: 0>} : vector<16xi32>
      %parallel_loop3A_538 = arith.constant 16 : i32
      %parallel_loop3A_539 = vector.broadcast %parallel_loop3A_538 : i32 to vector<16xi32>
      %parallel_loop3A_540 = arith.addi %parallel_loop3A_537, %parallel_loop3A_539 : vector<16xi32>
      %parallel_loop3A_541 = tpu.vector_load_idx %arg9[%parallel_loop3A_540, %parallel_loop3A_528] : memref<128x128xf32, #tpu.memory_space<vmem>>[vector<16xi32>, vector<16xi32>], vector<16xf32>,
      %parallel_loop3A_542 = arith.index_cast %parallel_loop3A_527 : i32 to index
      %parallel_loop3A_543 = arith.constant 16 : index
      %parallel_loop3A_544 = tpu.vector_load %arg11[%parallel_loop3A_542, %parallel_loop3A_543] {strides = array<i32>} : memref<128x128xf32, #tpu.memory_space<vmem>>, vector<16xf32>,
      tpu.vector_store %arg11[%parallel_loop3A_542, %parallel_loop3A_543], %parallel_loop3A_541 {strides = array<i32>} : memref<128x128xf32, #tpu.memory_space<vmem>>, vector<16xf32>,
      %parallel_loop3A_545 = tpu.iota {dimensions = array<i32: 0>} : vector<16xi32>
      %parallel_loop3A_546 = arith.constant 32 : i32
      %parallel_loop3A_547 = vector.broadcast %parallel_loop3A_546 : i32 to vector<16xi32>
      %parallel_loop3A_548 = arith.addi %parallel_loop3A_545, %parallel_loop3A_547 : vector<16xi32>
      %parallel_loop3A_549 = tpu.vector_load_idx %arg9[%parallel_loop3A_548, %parallel_loop3A_528] : memref<128x128xf32, #tpu.memory_space<vmem>>[vector<16xi32>, vector<16xi32>], vector<16xf32>,
      %parallel_loop3A_550 = arith.index_cast %parallel_loop3A_527 : i32 to index
      %parallel_loop3A_551 = arith.constant 32 : index
      %parallel_loop3A_552 = tpu.vector_load %arg11[%parallel_loop3A_550, %parallel_loop3A_551] {strides = array<i32>} : memref<128x128xf32, #tpu.memory_space<vmem>>, vector<16xf32>,
      tpu.vector_store %arg11[%parallel_loop3A_550, %parallel_loop3A_551], %parallel_loop3A_549 {strides = array<i32>} : memref<128x128xf32, #tpu.memory_space<vmem>>, vector<16xf32>,
      %parallel_loop3A_553 = tpu.iota {dimensions = array<i32: 0>} : vector<16xi32>
      %parallel_loop3A_554 = arith.constant 48 : i32
      %parallel_loop3A_555 = vector.broadcast %parallel_loop3A_554 : i32 to vector<16xi32>
      %parallel_loop3A_556 = arith.addi %parallel_loop3A_553, %parallel_loop3A_555 : vector<16xi32>
      %parallel_loop3A_557 = tpu.vector_load_idx %arg9[%parallel_loop3A_556, %parallel_loop3A_528] : memref<128x128xf32, #tpu.memory_space<vmem>>[vector<16xi32>, vector<16xi32>], vector<16xf32>,
      %parallel_loop3A_558 = arith.index_cast %parallel_loop3A_527 : i32 to index
      %parallel_loop3A_559 = arith.constant 48 : index
      %parallel_loop3A_560 = tpu.vector_load %arg11[%parallel_loop3A_558, %parallel_loop3A_559] {strides = array<i32>} : memref<128x128xf32, #tpu.memory_space<vmem>>, vector<16xf32>,
      tpu.vector_store %arg11[%parallel_loop3A_558, %parallel_loop3A_559], %parallel_loop3A_557 {strides = array<i32>} : memref<128x128xf32, #tpu.memory_space<vmem>>, vector<16xf32>,
      %parallel_loop3A_561 = tpu.iota {dimensions = array<i32: 0>} : vector<16xi32>
      %parallel_loop3A_562 = arith.constant 64 : i32
      %parallel_loop3A_563 = vector.broadcast %parallel_loop3A_562 : i32 to vector<16xi32>
      %parallel_loop3A_564 = arith.addi %parallel_loop3A_561, %parallel_loop3A_563 : vector<16xi32>
      %parallel_loop3A_565 = tpu.vector_load_idx %arg9[%parallel_loop3A_564, %parallel_loop3A_528] : memref<128x128xf32, #tpu.memory_space<vmem>>[vector<16xi32>, vector<16xi32>], vector<16xf32>,
      %parallel_loop3A_566 = arith.index_cast %parallel_loop3A_527 : i32 to index
      %parallel_loop3A_567 = arith.constant 64 : index
      %parallel_loop3A_568 = tpu.vector_load %arg11[%parallel_loop3A_566, %parallel_loop3A_567] {strides = array<i32>} : memref<128x128xf32, #tpu.memory_space<vmem>>, vector<16xf32>,
      tpu.vector_store %arg11[%parallel_loop3A_566, %parallel_loop3A_567], %parallel_loop3A_565 {strides = array<i32>} : memref<128x128xf32, #tpu.memory_space<vmem>>, vector<16xf32>,
      %parallel_loop3A_569 = tpu.iota {dimensions = array<i32: 0>} : vector<16xi32>
      %parallel_loop3A_570 = arith.constant 80 : i32
      %parallel_loop3A_571 = vector.broadcast %parallel_loop3A_570 : i32 to vector<16xi32>
      %parallel_loop3A_572 = arith.addi %parallel_loop3A_569, %parallel_loop3A_571 : vector<16xi32>
      %parallel_loop3A_573 = tpu.vector_load_idx %arg9[%parallel_loop3A_572, %parallel_loop3A_528] : memref<128x128xf32, #tpu.memory_space<vmem>>[vector<16xi32>, vector<16xi32>], vector<16xf32>,
      %parallel_loop3A_574 = arith.index_cast %parallel_loop3A_527 : i32 to index
      %parallel_loop3A_575 = arith.constant 80 : index
      %parallel_loop3A_576 = tpu.vector_load %arg11[%parallel_loop3A_574, %parallel_loop3A_575] {strides = array<i32>} : memref<128x128xf32, #tpu.memory_space<vmem>>, vector<16xf32>,
      tpu.vector_store %arg11[%parallel_loop3A_574, %parallel_loop3A_575], %parallel_loop3A_573 {strides = array<i32>} : memref<128x128xf32, #tpu.memory_space<vmem>>, vector<16xf32>,
      %parallel_loop3A_577 = tpu.iota {dimensions = array<i32: 0>} : vector<16xi32>
      %parallel_loop3A_578 = arith.constant 96 : i32
      %parallel_loop3A_579 = vector.broadcast %parallel_loop3A_578 : i32 to vector<16xi32>
      %parallel_loop3A_580 = arith.addi %parallel_loop3A_577, %parallel_loop3A_579 : vector<16xi32>
      %parallel_loop3A_581 = tpu.vector_load_idx %arg9[%parallel_loop3A_580, %parallel_loop3A_528] : memref<128x128xf32, #tpu.memory_space<vmem>>[vector<16xi32>, vector<16xi32>], vector<16xf32>,
      %parallel_loop3A_582 = arith.index_cast %parallel_loop3A_527 : i32 to index
      %parallel_loop3A_583 = arith.constant 96 : index
      %parallel_loop3A_584 = tpu.vector_load %arg11[%parallel_loop3A_582, %parallel_loop3A_583] {strides = array<i32>} : memref<128x128xf32, #tpu.memory_space<vmem>>, vector<16xf32>,
      tpu.vector_store %arg11[%parallel_loop3A_582, %parallel_loop3A_583], %parallel_loop3A_581 {strides = array<i32>} : memref<128x128xf32, #tpu.memory_space<vmem>>, vector<16xf32>,
      %parallel_loop3A_585 = tpu.iota {dimensions = array<i32: 0>} : vector<16xi32>
      %parallel_loop3A_586 = arith.constant 112 : i32
      %parallel_loop3A_587 = vector.broadcast %parallel_loop3A_586 : i32 to vector<16xi32>
      %parallel_loop3A_588 = arith.addi %parallel_loop3A_585, %parallel_loop3A_587 : vector<16xi32>
      %parallel_loop3A_589 = tpu.vector_load_idx %arg9[%parallel_loop3A_588, %parallel_loop3A_528] : memref<128x128xf32, #tpu.memory_space<vmem>>[vector<16xi32>, vector<16xi32>], vector<16xf32>,
      %parallel_loop3A_590 = arith.index_cast %parallel_loop3A_527 : i32 to index
      %parallel_loop3A_591 = arith.constant 112 : index
      %parallel_loop3A_592 = tpu.vector_load %arg11[%parallel_loop3A_590, %parallel_loop3A_591] {strides = array<i32>} : memref<128x128xf32, #tpu.memory_space<vmem>>, vector<16xf32>,
      tpu.vector_store %arg11[%parallel_loop3A_590, %parallel_loop3A_591], %parallel_loop3A_589 {strides = array<i32>} : memref<128x128xf32, #tpu.memory_space<vmem>>, vector<16xf32>,
    } {sc.loop_unroll_factor = 8 : i64, sc.parallel_access}
    %eq3A_338 = arith.constant 3 : i32
    %eq3A_339 = arith.cmpi eq, %select_n3A_30, %eq3A_338 : i32
    %convert_element_type3A = arith.extui %eq3A_339 : i1 to i32
    %cond3A = arith.constant 0 : i32
    %cond3A_340 = arith.cmpi ne, %convert_element_type3A, %cond3A : i32
    scf.if %cond3A_340 {
      %mul3A_527 = arith.constant 128 : i32
      %mul3A_528 = arith.muli %select_n3A, %mul3A_527 : i32
      %dma_start3A_529 = arith.constant 0 : i32
      %dma_start3A_530 = arith.constant 0 : i32
      %dma_start3A_531 = arith.constant 0 : i32
      %dma_start3A_532 = tpu.memref_slice %arg11[%dma_start3A_530, %dma_start3A_531] : memref<128x128xf32, #tpu.memory_space<vmem>> -> memref<104x128xf32, #tpu.memory_space<vmem>>
      %dma_start3A_533 = arith.constant 896 : i32
      %dma_start3A_534 = tpu.memref_slice %arg4[%dma_start3A_529, %dma_start3A_533, %mul3A_528] : memref<50x1000x1024xf32, #tpu.memory_space<hbm>> -> memref<1x104x128xf32, #tpu.memory_space<hbm>>
      %dma_start3A_535 = tpu.memref_squeeze %dma_start3A_534 : memref<1x104x128xf32, #tpu.memory_space<hbm>> -> memref<104x128xf32, #tpu.memory_space<hbm>>
      %dma_start3A_536 = arith.constant 896 : i32
      %dma_start3A_537 = tpu.memref_slice %arg4[%dma_start3A_529, %dma_start3A_536, %mul3A_528] : memref<50x1000x1024xf32, #tpu.memory_space<hbm>> -> memref<1x104x128xf32, #tpu.memory_space<hbm>>
      %dma_start3A_538 = tpu.memref_squeeze %dma_start3A_537 : memref<1x104x128xf32, #tpu.memory_space<hbm>> -> memref<104x128xf32, #tpu.memory_space<hbm>>
      %dma_start3A_539 = arith.constant 0 : i32
      %dma_start3A_540 = arith.constant 0 : i32
      %dma_start3A_541 = tpu.memref_slice %arg11[%dma_start3A_539, %dma_start3A_540] : memref<128x128xf32, #tpu.memory_space<vmem>> -> memref<104x128xf32, #tpu.memory_space<vmem>>
      tpu.enqueue_dma source(%dma_start3A_541 : memref<104x128xf32, #tpu.memory_space<vmem>>) target(%dma_start3A_538 : memref<104x128xf32, #tpu.memory_space<hbm>>) target_semaphore(%arg15 : memref<!tpu.dma_semaphore, #tpu.memory_space<semaphore_mem>>)
    } else {
    }
    %ne3A_341 = arith.constant 3 : i32
    %ne3A_342 = arith.cmpi ne, %select_n3A_30, %ne3A_341 : i32
    %convert_element_type3A_343 = arith.extui %ne3A_342 : i1 to i32
    %cond3A_344 = arith.constant 0 : i32
    %cond3A_345 = arith.cmpi ne, %convert_element_type3A_343, %cond3A_344 : i32
    scf.if %cond3A_345 {
      %mul3A_527 = arith.constant 2 : i32
      %mul3A_528 = arith.muli %mul3A_527, %select_n3A_30 : i32
      %add3A_529 = arith.constant 1 : i32
      %add3A_530 = arith.addi %mul3A_528, %add3A_529 : i32
      %mul3A_531 = arith.constant 128 : i32
      %mul3A_532 = arith.muli %add3A_530, %mul3A_531 : i32
      %mul3A_533 = arith.constant 128 : i32
      %mul3A_534 = arith.muli %select_n3A, %mul3A_533 : i32
      %dma_start3A_535 = arith.constant 0 : i32
      %dma_start3A_536 = tpu.memref_slice %arg4[%dma_start3A_535, %mul3A_532, %mul3A_534] : memref<50x1000x1024xf32, #tpu.memory_space<hbm>> -> memref<1x128x128xf32, #tpu.memory_space<hbm>>
      %dma_start3A_537 = tpu.memref_squeeze %dma_start3A_536 : memref<1x128x128xf32, #tpu.memory_space<hbm>> -> memref<128x128xf32, #tpu.memory_space<hbm>>
      %dma_start3A_538 = tpu.memref_slice %arg4[%dma_start3A_535, %mul3A_532, %mul3A_534] : memref<50x1000x1024xf32, #tpu.memory_space<hbm>> -> memref<1x128x128xf32, #tpu.memory_space<hbm>>
      %dma_start3A_539 = tpu.memref_squeeze %dma_start3A_538 : memref<1x128x128xf32, #tpu.memory_space<hbm>> -> memref<128x128xf32, #tpu.memory_space<hbm>>
      tpu.enqueue_dma source(%arg11 : memref<128x128xf32, #tpu.memory_space<vmem>>) target(%dma_start3A_539 : memref<128x128xf32, #tpu.memory_space<hbm>>) target_semaphore(%arg15 : memref<!tpu.dma_semaphore, #tpu.memory_space<semaphore_mem>>)
    } else {
    }
    %mul3A_346 = arith.constant 2 : i32
    %mul3A_347 = arith.muli %mul3A_346, %select_n3A_30 : i32
    %add3A_348 = arith.constant 1 : i32
    %add3A_349 = arith.addi %mul3A_347, %add3A_348 : i32
    %get3A_350 = arith.constant 1 : i32
    %get3A_351 = arith.index_cast %get3A_350 : i32 to index
    %get3A_352 = arith.constant 0 : index
    %get3A_353 = tpu.vector_load %arg5[%get3A_351, %get3A_352] {strides = array<i32>} : memref<50x128xi32, #tpu.memory_space<vmem>>, vector<16xi32>,
    %mul3A_354 = arith.constant 8 : i32
    %mul3A_355 = vector.broadcast %mul3A_354 : i32 to vector<16xi32>
    %mul3A_356 = arith.muli %get3A_353, %mul3A_355 : vector<16xi32>
    %add3A_357 = vector.broadcast %add3A_349 : i32 to vector<16xi32>
    %add3A_358 = arith.addi %mul3A_356, %add3A_357 : vector<16xi32>
    %swap3A_359 = arith.constant 0 : index
    %swap3A_360 = tpu.vector_load %arg7[%swap3A_359] {strides = array<i32>} : memref<128xi32, #tpu.memory_space<vmem>>, vector<16xi32>,
    tpu.vector_store %arg7[%swap3A_359], %add3A_358 {strides = array<i32>} : memref<128xi32, #tpu.memory_space<vmem>>, vector<16xi32>,
    %get3A_361 = arith.constant 1 : i32
    %get3A_362 = arith.index_cast %get3A_361 : i32 to index
    %get3A_363 = arith.constant 16 : index
    %get3A_364 = tpu.vector_load %arg5[%get3A_362, %get3A_363] {strides = array<i32>} : memref<50x128xi32, #tpu.memory_space<vmem>>, vector<16xi32>,
    %mul3A_365 = arith.constant 8 : i32
    %mul3A_366 = vector.broadcast %mul3A_365 : i32 to vector<16xi32>
    %mul3A_367 = arith.muli %get3A_364, %mul3A_366 : vector<16xi32>
    %add3A_368 = vector.broadcast %add3A_349 : i32 to vector<16xi32>
    %add3A_369 = arith.addi %mul3A_367, %add3A_368 : vector<16xi32>
    %swap3A_370 = arith.constant 16 : index
    %swap3A_371 = tpu.vector_load %arg7[%swap3A_370] {strides = array<i32>} : memref<128xi32, #tpu.memory_space<vmem>>, vector<16xi32>,
    tpu.vector_store %arg7[%swap3A_370], %add3A_369 {strides = array<i32>} : memref<128xi32, #tpu.memory_space<vmem>>, vector<16xi32>,
    %get3A_372 = arith.constant 1 : i32
    %get3A_373 = arith.index_cast %get3A_372 : i32 to index
    %get3A_374 = arith.constant 32 : index
    %get3A_375 = tpu.vector_load %arg5[%get3A_373, %get3A_374] {strides = array<i32>} : memref<50x128xi32, #tpu.memory_space<vmem>>, vector<16xi32>,
    %mul3A_376 = arith.constant 8 : i32
    %mul3A_377 = vector.broadcast %mul3A_376 : i32 to vector<16xi32>
    %mul3A_378 = arith.muli %get3A_375, %mul3A_377 : vector<16xi32>
    %add3A_379 = vector.broadcast %add3A_349 : i32 to vector<16xi32>
    %add3A_380 = arith.addi %mul3A_378, %add3A_379 : vector<16xi32>
    %swap3A_381 = arith.constant 32 : index
    %swap3A_382 = tpu.vector_load %arg7[%swap3A_381] {strides = array<i32>} : memref<128xi32, #tpu.memory_space<vmem>>, vector<16xi32>,
    tpu.vector_store %arg7[%swap3A_381], %add3A_380 {strides = array<i32>} : memref<128xi32, #tpu.memory_space<vmem>>, vector<16xi32>,
    %get3A_383 = arith.constant 1 : i32
    %get3A_384 = arith.index_cast %get3A_383 : i32 to index
    %get3A_385 = arith.constant 48 : index
    %get3A_386 = tpu.vector_load %arg5[%get3A_384, %get3A_385] {strides = array<i32>} : memref<50x128xi32, #tpu.memory_space<vmem>>, vector<16xi32>,
    %mul3A_387 = arith.constant 8 : i32
    %mul3A_388 = vector.broadcast %mul3A_387 : i32 to vector<16xi32>
    %mul3A_389 = arith.muli %get3A_386, %mul3A_388 : vector<16xi32>
    %add3A_390 = vector.broadcast %add3A_349 : i32 to vector<16xi32>
    %add3A_391 = arith.addi %mul3A_389, %add3A_390 : vector<16xi32>
    %swap3A_392 = arith.constant 48 : index
    %swap3A_393 = tpu.vector_load %arg7[%swap3A_392] {strides = array<i32>} : memref<128xi32, #tpu.memory_space<vmem>>, vector<16xi32>,
    tpu.vector_store %arg7[%swap3A_392], %add3A_391 {strides = array<i32>} : memref<128xi32, #tpu.memory_space<vmem>>, vector<16xi32>,
    %get3A_394 = arith.constant 1 : i32
    %get3A_395 = arith.index_cast %get3A_394 : i32 to index
    %get3A_396 = arith.constant 64 : index
    %get3A_397 = tpu.vector_load %arg5[%get3A_395, %get3A_396] {strides = array<i32>} : memref<50x128xi32, #tpu.memory_space<vmem>>, vector<16xi32>,
    %mul3A_398 = arith.constant 8 : i32
    %mul3A_399 = vector.broadcast %mul3A_398 : i32 to vector<16xi32>
    %mul3A_400 = arith.muli %get3A_397, %mul3A_399 : vector<16xi32>
    %add3A_401 = vector.broadcast %add3A_349 : i32 to vector<16xi32>
    %add3A_402 = arith.addi %mul3A_400, %add3A_401 : vector<16xi32>
    %swap3A_403 = arith.constant 64 : index
    %swap3A_404 = tpu.vector_load %arg7[%swap3A_403] {strides = array<i32>} : memref<128xi32, #tpu.memory_space<vmem>>, vector<16xi32>,
    tpu.vector_store %arg7[%swap3A_403], %add3A_402 {strides = array<i32>} : memref<128xi32, #tpu.memory_space<vmem>>, vector<16xi32>,
    %get3A_405 = arith.constant 1 : i32
    %get3A_406 = arith.index_cast %get3A_405 : i32 to index
    %get3A_407 = arith.constant 80 : index
    %get3A_408 = tpu.vector_load %arg5[%get3A_406, %get3A_407] {strides = array<i32>} : memref<50x128xi32, #tpu.memory_space<vmem>>, vector<16xi32>,
    %mul3A_409 = arith.constant 8 : i32
    %mul3A_410 = vector.broadcast %mul3A_409 : i32 to vector<16xi32>
    %mul3A_411 = arith.muli %get3A_408, %mul3A_410 : vector<16xi32>
    %add3A_412 = vector.broadcast %add3A_349 : i32 to vector<16xi32>
    %add3A_413 = arith.addi %mul3A_411, %add3A_412 : vector<16xi32>
    %swap3A_414 = arith.constant 80 : index
    %swap3A_415 = tpu.vector_load %arg7[%swap3A_414] {strides = array<i32>} : memref<128xi32, #tpu.memory_space<vmem>>, vector<16xi32>,
    tpu.vector_store %arg7[%swap3A_414], %add3A_413 {strides = array<i32>} : memref<128xi32, #tpu.memory_space<vmem>>, vector<16xi32>,
    %get3A_416 = arith.constant 1 : i32
    %get3A_417 = arith.index_cast %get3A_416 : i32 to index
    %get3A_418 = arith.constant 96 : index
    %get3A_419 = tpu.vector_load %arg5[%get3A_417, %get3A_418] {strides = array<i32>} : memref<50x128xi32, #tpu.memory_space<vmem>>, vector<16xi32>,
    %mul3A_420 = arith.constant 8 : i32
    %mul3A_421 = vector.broadcast %mul3A_420 : i32 to vector<16xi32>
    %mul3A_422 = arith.muli %get3A_419, %mul3A_421 : vector<16xi32>
    %add3A_423 = vector.broadcast %add3A_349 : i32 to vector<16xi32>
    %add3A_424 = arith.addi %mul3A_422, %add3A_423 : vector<16xi32>
    %swap3A_425 = arith.constant 96 : index
    %swap3A_426 = tpu.vector_load %arg7[%swap3A_425] {strides = array<i32>} : memref<128xi32, #tpu.memory_space<vmem>>, vector<16xi32>,
    tpu.vector_store %arg7[%swap3A_425], %add3A_424 {strides = array<i32>} : memref<128xi32, #tpu.memory_space<vmem>>, vector<16xi32>,
    %get3A_427 = arith.constant 1 : i32
    %get3A_428 = arith.index_cast %get3A_427 : i32 to index
    %get3A_429 = arith.constant 112 : index
    %get3A_430 = tpu.vector_load %arg5[%get3A_428, %get3A_429] {strides = array<i32>} : memref<50x128xi32, #tpu.memory_space<vmem>>, vector<16xi32>,
    %mul3A_431 = arith.constant 8 : i32
    %mul3A_432 = vector.broadcast %mul3A_431 : i32 to vector<16xi32>
    %mul3A_433 = arith.muli %get3A_430, %mul3A_432 : vector<16xi32>
    %add3A_434 = vector.broadcast %add3A_349 : i32 to vector<16xi32>
    %add3A_435 = arith.addi %mul3A_433, %add3A_434 : vector<16xi32>
    %swap3A_436 = arith.constant 112 : index
    %swap3A_437 = tpu.vector_load %arg7[%swap3A_436] {strides = array<i32>} : memref<128xi32, #tpu.memory_space<vmem>>, vector<16xi32>,
    tpu.vector_store %arg7[%swap3A_436], %add3A_435 {strides = array<i32>} : memref<128xi32, #tpu.memory_space<vmem>>, vector<16xi32>,
    %dma_start3A_438 = arith.constant 0 : i32
    %dma_start3A_439 = arith.constant 0 : i32
    %dma_start3A_440 = tpu.memref_slice %arg3[%dma_start3A_438, %dma_start3A_439] : memref<8000x128xf32, #tpu.memory_space<hbm>> -> memref<8000x128xf32, #tpu.memory_space<hbm>>
    tpu.enqueue_indirect_dma source(%dma_start3A_440 : memref<8000x128xf32, #tpu.memory_space<hbm>>) target(%arg9 : memref<128x128xf32, #tpu.memory_space<vmem>>) offsets(%arg7 : memref<128xi32, #tpu.memory_space<vmem>>) semaphore(%arg13 : memref<!tpu.dma_semaphore, #tpu.memory_space<semaphore_mem>>)
    %scan3A = arith.constant 0 : i32
    %scan3A_441 = arith.constant 1 : i32
    %scan3A_442 = arith.constant 48 : i32
    %scan3A_443 = arith.addi %scan3A_441, %scan3A_442 : i32
    %scan3A_444 = arith.constant 1 : i32
    scf.for %scan3A_527 = %scan3A_441 to %scan3A_443 step %scan3A_444  : i32 {
      %dma_wait3A_528 = arith.constant 0 : i32
      %dma_wait3A_529 = arith.constant 0 : i32
      %dma_wait3A_530 = tpu.memref_slice %arg3[%dma_wait3A_528, %dma_wait3A_529] : memref<8000x128xf32, #tpu.memory_space<hbm>> -> memref<8000x128xf32, #tpu.memory_space<hbm>>
      tpu.wait_indirect_dma semaphore(%arg12 : memref<!tpu.dma_semaphore, #tpu.memory_space<semaphore_mem>>) src(%dma_wait3A_530 : memref<8000x128xf32, #tpu.memory_space<hbm>>) dst(%arg8 : memref<128x128xf32, #tpu.memory_space<vmem>>)
      %sub3A_531 = arith.constant 1 : i32
      %sub3A_532 = arith.subi %scan3A_527, %sub3A_531 : i32
      %mul3A_533 = arith.constant 2 : i32
      %mul3A_534 = arith.muli %mul3A_533, %select_n3A_30 : i32
      %add3A_535 = arith.constant 0 : i32
      %add3A_536 = arith.addi %mul3A_534, %add3A_535 : i32
      %mul3A_537 = arith.constant 128 : i32
      %mul3A_538 = arith.muli %add3A_536, %mul3A_537 : i32
      %mul3A_539 = arith.constant 128 : i32
      %mul3A_540 = arith.muli %select_n3A, %mul3A_539 : i32
      %dma_wait3A_541 = tpu.memref_slice %arg4[%sub3A_532, %mul3A_538, %mul3A_540] : memref<50x1000x1024xf32, #tpu.memory_space<hbm>> -> memref<1x128x128xf32, #tpu.memory_space<hbm>>
      %dma_wait3A_542 = tpu.memref_squeeze %dma_wait3A_541 : memref<1x128x128xf32, #tpu.memory_space<hbm>> -> memref<128x128xf32, #tpu.memory_space<hbm>>
      %dma_wait3A_543 = tpu.memref_slice %arg4[%sub3A_532, %mul3A_538, %mul3A_540] : memref<50x1000x1024xf32, #tpu.memory_space<hbm>> -> memref<1x128x128xf32, #tpu.memory_space<hbm>>
      %dma_wait3A_544 = tpu.memref_squeeze %dma_wait3A_543 : memref<1x128x128xf32, #tpu.memory_space<hbm>> -> memref<128x128xf32, #tpu.memory_space<hbm>>
      tpu.wait_dma2 semaphore(%arg14 : memref<!tpu.dma_semaphore, #tpu.memory_space<semaphore_mem>>) src(%arg10 : memref<128x128xf32, #tpu.memory_space<vmem>>) dst(%dma_wait3A_544 : memref<128x128xf32, #tpu.memory_space<hbm>>)
      %parallel_loop3A_545 = arith.constant 0 : i32
      %parallel_loop3A_546 = arith.constant 128 : i32
      %parallel_loop3A_547 = arith.constant 1 : i32
      scf.for %parallel_loop3A_766 = %parallel_loop3A_545 to %parallel_loop3A_546 step %parallel_loop3A_547  : i32 {
        %parallel_loop3A_767 = vector.broadcast %parallel_loop3A_766 : i32 to vector<16xi32>
        %parallel_loop3A_768 = tpu.iota {dimensions = array<i32: 0>} : vector<16xi32>
        %parallel_loop3A_769 = arith.constant 0 : i32
        %parallel_loop3A_770 = vector.broadcast %parallel_loop3A_769 : i32 to vector<16xi32>
        %parallel_loop3A_771 = arith.addi %parallel_loop3A_768, %parallel_loop3A_770 : vector<16xi32>
        %parallel_loop3A_772 = tpu.vector_load_idx %arg8[%parallel_loop3A_771, %parallel_loop3A_767] : memref<128x128xf32, #tpu.memory_space<vmem>>[vector<16xi32>, vector<16xi32>], vector<16xf32>,
        %parallel_loop3A_773 = arith.index_cast %parallel_loop3A_766 : i32 to index
        %parallel_loop3A_774 = arith.constant 0 : index
        %parallel_loop3A_775 = tpu.vector_load %arg10[%parallel_loop3A_773, %parallel_loop3A_774] {strides = array<i32>} : memref<128x128xf32, #tpu.memory_space<vmem>>, vector<16xf32>,
        tpu.vector_store %arg10[%parallel_loop3A_773, %parallel_loop3A_774], %parallel_loop3A_772 {strides = array<i32>} : memref<128x128xf32, #tpu.memory_space<vmem>>, vector<16xf32>,
        %parallel_loop3A_776 = tpu.iota {dimensions = array<i32: 0>} : vector<16xi32>
        %parallel_loop3A_777 = arith.constant 16 : i32
        %parallel_loop3A_778 = vector.broadcast %parallel_loop3A_777 : i32 to vector<16xi32>
        %parallel_loop3A_779 = arith.addi %parallel_loop3A_776, %parallel_loop3A_778 : vector<16xi32>
        %parallel_loop3A_780 = tpu.vector_load_idx %arg8[%parallel_loop3A_779, %parallel_loop3A_767] : memref<128x128xf32, #tpu.memory_space<vmem>>[vector<16xi32>, vector<16xi32>], vector<16xf32>,
        %parallel_loop3A_781 = arith.index_cast %parallel_loop3A_766 : i32 to index
        %parallel_loop3A_782 = arith.constant 16 : index
        %parallel_loop3A_783 = tpu.vector_load %arg10[%parallel_loop3A_781, %parallel_loop3A_782] {strides = array<i32>} : memref<128x128xf32, #tpu.memory_space<vmem>>, vector<16xf32>,
        tpu.vector_store %arg10[%parallel_loop3A_781, %parallel_loop3A_782], %parallel_loop3A_780 {strides = array<i32>} : memref<128x128xf32, #tpu.memory_space<vmem>>, vector<16xf32>,
        %parallel_loop3A_784 = tpu.iota {dimensions = array<i32: 0>} : vector<16xi32>
        %parallel_loop3A_785 = arith.constant 32 : i32
        %parallel_loop3A_786 = vector.broadcast %parallel_loop3A_785 : i32 to vector<16xi32>
        %parallel_loop3A_787 = arith.addi %parallel_loop3A_784, %parallel_loop3A_786 : vector<16xi32>
        %parallel_loop3A_788 = tpu.vector_load_idx %arg8[%parallel_loop3A_787, %parallel_loop3A_767] : memref<128x128xf32, #tpu.memory_space<vmem>>[vector<16xi32>, vector<16xi32>], vector<16xf32>,
        %parallel_loop3A_789 = arith.index_cast %parallel_loop3A_766 : i32 to index
        %parallel_loop3A_790 = arith.constant 32 : index
        %parallel_loop3A_791 = tpu.vector_load %arg10[%parallel_loop3A_789, %parallel_loop3A_790] {strides = array<i32>} : memref<128x128xf32, #tpu.memory_space<vmem>>, vector<16xf32>,
        tpu.vector_store %arg10[%parallel_loop3A_789, %parallel_loop3A_790], %parallel_loop3A_788 {strides = array<i32>} : memref<128x128xf32, #tpu.memory_space<vmem>>, vector<16xf32>,
        %parallel_loop3A_792 = tpu.iota {dimensions = array<i32: 0>} : vector<16xi32>
        %parallel_loop3A_793 = arith.constant 48 : i32
        %parallel_loop3A_794 = vector.broadcast %parallel_loop3A_793 : i32 to vector<16xi32>
        %parallel_loop3A_795 = arith.addi %parallel_loop3A_792, %parallel_loop3A_794 : vector<16xi32>
        %parallel_loop3A_796 = tpu.vector_load_idx %arg8[%parallel_loop3A_795, %parallel_loop3A_767] : memref<128x128xf32, #tpu.memory_space<vmem>>[vector<16xi32>, vector<16xi32>], vector<16xf32>,
        %parallel_loop3A_797 = arith.index_cast %parallel_loop3A_766 : i32 to index
        %parallel_loop3A_798 = arith.constant 48 : index
        %parallel_loop3A_799 = tpu.vector_load %arg10[%parallel_loop3A_797, %parallel_loop3A_798] {strides = array<i32>} : memref<128x128xf32, #tpu.memory_space<vmem>>, vector<16xf32>,
        tpu.vector_store %arg10[%parallel_loop3A_797, %parallel_loop3A_798], %parallel_loop3A_796 {strides = array<i32>} : memref<128x128xf32, #tpu.memory_space<vmem>>, vector<16xf32>,
        %parallel_loop3A_800 = tpu.iota {dimensions = array<i32: 0>} : vector<16xi32>
        %parallel_loop3A_801 = arith.constant 64 : i32
        %parallel_loop3A_802 = vector.broadcast %parallel_loop3A_801 : i32 to vector<16xi32>
        %parallel_loop3A_803 = arith.addi %parallel_loop3A_800, %parallel_loop3A_802 : vector<16xi32>
        %parallel_loop3A_804 = tpu.vector_load_idx %arg8[%parallel_loop3A_803, %parallel_loop3A_767] : memref<128x128xf32, #tpu.memory_space<vmem>>[vector<16xi32>, vector<16xi32>], vector<16xf32>,
        %parallel_loop3A_805 = arith.index_cast %parallel_loop3A_766 : i32 to index
        %parallel_loop3A_806 = arith.constant 64 : index
        %parallel_loop3A_807 = tpu.vector_load %arg10[%parallel_loop3A_805, %parallel_loop3A_806] {strides = array<i32>} : memref<128x128xf32, #tpu.memory_space<vmem>>, vector<16xf32>,
        tpu.vector_store %arg10[%parallel_loop3A_805, %parallel_loop3A_806], %parallel_loop3A_804 {strides = array<i32>} : memref<128x128xf32, #tpu.memory_space<vmem>>, vector<16xf32>,
        %parallel_loop3A_808 = tpu.iota {dimensions = array<i32: 0>} : vector<16xi32>
        %parallel_loop3A_809 = arith.constant 80 : i32
        %parallel_loop3A_810 = vector.broadcast %parallel_loop3A_809 : i32 to vector<16xi32>
        %parallel_loop3A_811 = arith.addi %parallel_loop3A_808, %parallel_loop3A_810 : vector<16xi32>
        %parallel_loop3A_812 = tpu.vector_load_idx %arg8[%parallel_loop3A_811, %parallel_loop3A_767] : memref<128x128xf32, #tpu.memory_space<vmem>>[vector<16xi32>, vector<16xi32>], vector<16xf32>,
        %parallel_loop3A_813 = arith.index_cast %parallel_loop3A_766 : i32 to index
        %parallel_loop3A_814 = arith.constant 80 : index
        %parallel_loop3A_815 = tpu.vector_load %arg10[%parallel_loop3A_813, %parallel_loop3A_814] {strides = array<i32>} : memref<128x128xf32, #tpu.memory_space<vmem>>, vector<16xf32>,
        tpu.vector_store %arg10[%parallel_loop3A_813, %parallel_loop3A_814], %parallel_loop3A_812 {strides = array<i32>} : memref<128x128xf32, #tpu.memory_space<vmem>>, vector<16xf32>,
        %parallel_loop3A_816 = tpu.iota {dimensions = array<i32: 0>} : vector<16xi32>
        %parallel_loop3A_817 = arith.constant 96 : i32
        %parallel_loop3A_818 = vector.broadcast %parallel_loop3A_817 : i32 to vector<16xi32>
        %parallel_loop3A_819 = arith.addi %parallel_loop3A_816, %parallel_loop3A_818 : vector<16xi32>
        %parallel_loop3A_820 = tpu.vector_load_idx %arg8[%parallel_loop3A_819, %parallel_loop3A_767] : memref<128x128xf32, #tpu.memory_space<vmem>>[vector<16xi32>, vector<16xi32>], vector<16xf32>,
        %parallel_loop3A_821 = arith.index_cast %parallel_loop3A_766 : i32 to index
        %parallel_loop3A_822 = arith.constant 96 : index
        %parallel_loop3A_823 = tpu.vector_load %arg10[%parallel_loop3A_821, %parallel_loop3A_822] {strides = array<i32>} : memref<128x128xf32, #tpu.memory_space<vmem>>, vector<16xf32>,
        tpu.vector_store %arg10[%parallel_loop3A_821, %parallel_loop3A_822], %parallel_loop3A_820 {strides = array<i32>} : memref<128x128xf32, #tpu.memory_space<vmem>>, vector<16xf32>,
        %parallel_loop3A_824 = tpu.iota {dimensions = array<i32: 0>} : vector<16xi32>
        %parallel_loop3A_825 = arith.constant 112 : i32
        %parallel_loop3A_826 = vector.broadcast %parallel_loop3A_825 : i32 to vector<16xi32>
        %parallel_loop3A_827 = arith.addi %parallel_loop3A_824, %parallel_loop3A_826 : vector<16xi32>
        %parallel_loop3A_828 = tpu.vector_load_idx %arg8[%parallel_loop3A_827, %parallel_loop3A_767] : memref<128x128xf32, #tpu.memory_space<vmem>>[vector<16xi32>, vector<16xi32>], vector<16xf32>,
        %parallel_loop3A_829 = arith.index_cast %parallel_loop3A_766 : i32 to index
        %parallel_loop3A_830 = arith.constant 112 : index
        %parallel_loop3A_831 = tpu.vector_load %arg10[%parallel_loop3A_829, %parallel_loop3A_830] {strides = array<i32>} : memref<128x128xf32, #tpu.memory_space<vmem>>, vector<16xf32>,
        tpu.vector_store %arg10[%parallel_loop3A_829, %parallel_loop3A_830], %parallel_loop3A_828 {strides = array<i32>} : memref<128x128xf32, #tpu.memory_space<vmem>>, vector<16xf32>,
      } {sc.loop_unroll_factor = 8 : i64, sc.parallel_access}
      %mul3A_548 = arith.constant 2 : i32
      %mul3A_549 = arith.muli %mul3A_548, %select_n3A_30 : i32
      %add3A_550 = arith.constant 0 : i32
      %add3A_551 = arith.addi %mul3A_549, %add3A_550 : i32
      %mul3A_552 = arith.constant 128 : i32
      %mul3A_553 = arith.muli %add3A_551, %mul3A_552 : i32
      %mul3A_554 = arith.constant 128 : i32
      %mul3A_555 = arith.muli %select_n3A, %mul3A_554 : i32
      %dma_start3A_556 = tpu.memref_slice %arg4[%scan3A_527, %mul3A_553, %mul3A_555] : memref<50x1000x1024xf32, #tpu.memory_space<hbm>> -> memref<1x128x128xf32, #tpu.memory_space<hbm>>
      %dma_start3A_557 = tpu.memref_squeeze %dma_start3A_556 : memref<1x128x128xf32, #tpu.memory_space<hbm>> -> memref<128x128xf32, #tpu.memory_space<hbm>>
      %dma_start3A_558 = tpu.memref_slice %arg4[%scan3A_527, %mul3A_553, %mul3A_555] : memref<50x1000x1024xf32, #tpu.memory_space<hbm>> -> memref<1x128x128xf32, #tpu.memory_space<hbm>>
      %dma_start3A_559 = tpu.memref_squeeze %dma_start3A_558 : memref<1x128x128xf32, #tpu.memory_space<hbm>> -> memref<128x128xf32, #tpu.memory_space<hbm>>
      tpu.enqueue_dma source(%arg10 : memref<128x128xf32, #tpu.memory_space<vmem>>) target(%dma_start3A_559 : memref<128x128xf32, #tpu.memory_space<hbm>>) target_semaphore(%arg14 : memref<!tpu.dma_semaphore, #tpu.memory_space<semaphore_mem>>)
      %add3A_560 = arith.constant 1 : i32
      %add3A_561 = arith.addi %scan3A_527, %add3A_560 : i32
      %mul3A_562 = arith.constant 2 : i32
      %mul3A_563 = arith.muli %mul3A_562, %select_n3A_30 : i32
      %add3A_564 = arith.constant 0 : i32
      %add3A_565 = arith.addi %mul3A_563, %add3A_564 : i32
      %get3A_566 = arith.index_cast %add3A_561 : i32 to index
      %get3A_567 = arith.constant 0 : index
      %get3A_568 = tpu.vector_load %arg5[%get3A_566, %get3A_567] {strides = array<i32>} : memref<50x128xi32, #tpu.memory_space<vmem>>, vector<16xi32>,
      %mul3A_569 = arith.constant 8 : i32
      %mul3A_570 = vector.broadcast %mul3A_569 : i32 to vector<16xi32>
      %mul3A_571 = arith.muli %get3A_568, %mul3A_570 : vector<16xi32>
      %add3A_572 = vector.broadcast %add3A_565 : i32 to vector<16xi32>
      %add3A_573 = arith.addi %mul3A_571, %add3A_572 : vector<16xi32>
      %swap3A_574 = arith.constant 0 : index
      %swap3A_575 = tpu.vector_load %arg6[%swap3A_574] {strides = array<i32>} : memref<128xi32, #tpu.memory_space<vmem>>, vector<16xi32>,
      tpu.vector_store %arg6[%swap3A_574], %add3A_573 {strides = array<i32>} : memref<128xi32, #tpu.memory_space<vmem>>, vector<16xi32>,
      %get3A_576 = arith.index_cast %add3A_561 : i32 to index
      %get3A_577 = arith.constant 16 : index
      %get3A_578 = tpu.vector_load %arg5[%get3A_576, %get3A_577] {strides = array<i32>} : memref<50x128xi32, #tpu.memory_space<vmem>>, vector<16xi32>,
      %mul3A_579 = arith.constant 8 : i32
      %mul3A_580 = vector.broadcast %mul3A_579 : i32 to vector<16xi32>
      %mul3A_581 = arith.muli %get3A_578, %mul3A_580 : vector<16xi32>
      %add3A_582 = vector.broadcast %add3A_565 : i32 to vector<16xi32>
      %add3A_583 = arith.addi %mul3A_581, %add3A_582 : vector<16xi32>
      %swap3A_584 = arith.constant 16 : index
      %swap3A_585 = tpu.vector_load %arg6[%swap3A_584] {strides = array<i32>} : memref<128xi32, #tpu.memory_space<vmem>>, vector<16xi32>,
      tpu.vector_store %arg6[%swap3A_584], %add3A_583 {strides = array<i32>} : memref<128xi32, #tpu.memory_space<vmem>>, vector<16xi32>,
      %get3A_586 = arith.index_cast %add3A_561 : i32 to index
      %get3A_587 = arith.constant 32 : index
      %get3A_588 = tpu.vector_load %arg5[%get3A_586, %get3A_587] {strides = array<i32>} : memref<50x128xi32, #tpu.memory_space<vmem>>, vector<16xi32>,
      %mul3A_589 = arith.constant 8 : i32
      %mul3A_590 = vector.broadcast %mul3A_589 : i32 to vector<16xi32>
      %mul3A_591 = arith.muli %get3A_588, %mul3A_590 : vector<16xi32>
      %add3A_592 = vector.broadcast %add3A_565 : i32 to vector<16xi32>
      %add3A_593 = arith.addi %mul3A_591, %add3A_592 : vector<16xi32>
      %swap3A_594 = arith.constant 32 : index
      %swap3A_595 = tpu.vector_load %arg6[%swap3A_594] {strides = array<i32>} : memref<128xi32, #tpu.memory_space<vmem>>, vector<16xi32>,
      tpu.vector_store %arg6[%swap3A_594], %add3A_593 {strides = array<i32>} : memref<128xi32, #tpu.memory_space<vmem>>, vector<16xi32>,
      %get3A_596 = arith.index_cast %add3A_561 : i32 to index
      %get3A_597 = arith.constant 48 : index
      %get3A_598 = tpu.vector_load %arg5[%get3A_596, %get3A_597] {strides = array<i32>} : memref<50x128xi32, #tpu.memory_space<vmem>>, vector<16xi32>,
      %mul3A_599 = arith.constant 8 : i32
      %mul3A_600 = vector.broadcast %mul3A_599 : i32 to vector<16xi32>
      %mul3A_601 = arith.muli %get3A_598, %mul3A_600 : vector<16xi32>
      %add3A_602 = vector.broadcast %add3A_565 : i32 to vector<16xi32>
      %add3A_603 = arith.addi %mul3A_601, %add3A_602 : vector<16xi32>
      %swap3A_604 = arith.constant 48 : index
      %swap3A_605 = tpu.vector_load %arg6[%swap3A_604] {strides = array<i32>} : memref<128xi32, #tpu.memory_space<vmem>>, vector<16xi32>,
      tpu.vector_store %arg6[%swap3A_604], %add3A_603 {strides = array<i32>} : memref<128xi32, #tpu.memory_space<vmem>>, vector<16xi32>,
      %get3A_606 = arith.index_cast %add3A_561 : i32 to index
      %get3A_607 = arith.constant 64 : index
      %get3A_608 = tpu.vector_load %arg5[%get3A_606, %get3A_607] {strides = array<i32>} : memref<50x128xi32, #tpu.memory_space<vmem>>, vector<16xi32>,
      %mul3A_609 = arith.constant 8 : i32
      %mul3A_610 = vector.broadcast %mul3A_609 : i32 to vector<16xi32>
      %mul3A_611 = arith.muli %get3A_608, %mul3A_610 : vector<16xi32>
      %add3A_612 = vector.broadcast %add3A_565 : i32 to vector<16xi32>
      %add3A_613 = arith.addi %mul3A_611, %add3A_612 : vector<16xi32>
      %swap3A_614 = arith.constant 64 : index
      %swap3A_615 = tpu.vector_load %arg6[%swap3A_614] {strides = array<i32>} : memref<128xi32, #tpu.memory_space<vmem>>, vector<16xi32>,
      tpu.vector_store %arg6[%swap3A_614], %add3A_613 {strides = array<i32>} : memref<128xi32, #tpu.memory_space<vmem>>, vector<16xi32>,
      %get3A_616 = arith.index_cast %add3A_561 : i32 to index
      %get3A_617 = arith.constant 80 : index
      %get3A_618 = tpu.vector_load %arg5[%get3A_616, %get3A_617] {strides = array<i32>} : memref<50x128xi32, #tpu.memory_space<vmem>>, vector<16xi32>,
      %mul3A_619 = arith.constant 8 : i32
      %mul3A_620 = vector.broadcast %mul3A_619 : i32 to vector<16xi32>
      %mul3A_621 = arith.muli %get3A_618, %mul3A_620 : vector<16xi32>
      %add3A_622 = vector.broadcast %add3A_565 : i32 to vector<16xi32>
      %add3A_623 = arith.addi %mul3A_621, %add3A_622 : vector<16xi32>
      %swap3A_624 = arith.constant 80 : index
      %swap3A_625 = tpu.vector_load %arg6[%swap3A_624] {strides = array<i32>} : memref<128xi32, #tpu.memory_space<vmem>>, vector<16xi32>,
      tpu.vector_store %arg6[%swap3A_624], %add3A_623 {strides = array<i32>} : memref<128xi32, #tpu.memory_space<vmem>>, vector<16xi32>,
      %get3A_626 = arith.index_cast %add3A_561 : i32 to index
      %get3A_627 = arith.constant 96 : index
      %get3A_628 = tpu.vector_load %arg5[%get3A_626, %get3A_627] {strides = array<i32>} : memref<50x128xi32, #tpu.memory_space<vmem>>, vector<16xi32>,
      %mul3A_629 = arith.constant 8 : i32
      %mul3A_630 = vector.broadcast %mul3A_629 : i32 to vector<16xi32>
      %mul3A_631 = arith.muli %get3A_628, %mul3A_630 : vector<16xi32>
      %add3A_632 = vector.broadcast %add3A_565 : i32 to vector<16xi32>
      %add3A_633 = arith.addi %mul3A_631, %add3A_632 : vector<16xi32>
      %swap3A_634 = arith.constant 96 : index
      %swap3A_635 = tpu.vector_load %arg6[%swap3A_634] {strides = array<i32>} : memref<128xi32, #tpu.memory_space<vmem>>, vector<16xi32>,
      tpu.vector_store %arg6[%swap3A_634], %add3A_633 {strides = array<i32>} : memref<128xi32, #tpu.memory_space<vmem>>, vector<16xi32>,
      %get3A_636 = arith.index_cast %add3A_561 : i32 to index
      %get3A_637 = arith.constant 112 : index
      %get3A_638 = tpu.vector_load %arg5[%get3A_636, %get3A_637] {strides = array<i32>} : memref<50x128xi32, #tpu.memory_space<vmem>>, vector<16xi32>,
      %mul3A_639 = arith.constant 8 : i32
      %mul3A_640 = vector.broadcast %mul3A_639 : i32 to vector<16xi32>
      %mul3A_641 = arith.muli %get3A_638, %mul3A_640 : vector<16xi32>
      %add3A_642 = vector.broadcast %add3A_565 : i32 to vector<16xi32>
      %add3A_643 = arith.addi %mul3A_641, %add3A_642 : vector<16xi32>
      %swap3A_644 = arith.constant 112 : index
      %swap3A_645 = tpu.vector_load %arg6[%swap3A_644] {strides = array<i32>} : memref<128xi32, #tpu.memory_space<vmem>>, vector<16xi32>,
      tpu.vector_store %arg6[%swap3A_644], %add3A_643 {strides = array<i32>} : memref<128xi32, #tpu.memory_space<vmem>>, vector<16xi32>,
      %dma_start3A_646 = arith.constant 0 : i32
      %dma_start3A_647 = arith.constant 0 : i32
      %dma_start3A_648 = tpu.memref_slice %arg3[%dma_start3A_646, %dma_start3A_647] : memref<8000x128xf32, #tpu.memory_space<hbm>> -> memref<8000x128xf32, #tpu.memory_space<hbm>>
      tpu.enqueue_indirect_dma source(%dma_start3A_648 : memref<8000x128xf32, #tpu.memory_space<hbm>>) target(%arg8 : memref<128x128xf32, #tpu.memory_space<vmem>>) offsets(%arg6 : memref<128xi32, #tpu.memory_space<vmem>>) semaphore(%arg12 : memref<!tpu.dma_semaphore, #tpu.memory_space<semaphore_mem>>)
      %dma_wait3A_649 = arith.constant 0 : i32
      %dma_wait3A_650 = arith.constant 0 : i32
      %dma_wait3A_651 = tpu.memref_slice %arg3[%dma_wait3A_649, %dma_wait3A_650] : memref<8000x128xf32, #tpu.memory_space<hbm>> -> memref<8000x128xf32, #tpu.memory_space<hbm>>
      tpu.wait_indirect_dma semaphore(%arg13 : memref<!tpu.dma_semaphore, #tpu.memory_space<semaphore_mem>>) src(%dma_wait3A_651 : memref<8000x128xf32, #tpu.memory_space<hbm>>) dst(%arg9 : memref<128x128xf32, #tpu.memory_space<vmem>>)
      %sub3A_652 = arith.constant 1 : i32
      %sub3A_653 = arith.subi %scan3A_527, %sub3A_652 : i32
      %eq3A_654 = arith.constant 3 : i32
      %eq3A_655 = arith.cmpi eq, %select_n3A_30, %eq3A_654 : i32
      %convert_element_type3A_656 = arith.extui %eq3A_655 : i1 to i32
      %cond3A_657 = arith.constant 0 : i32
      %cond3A_658 = arith.cmpi ne, %convert_element_type3A_656, %cond3A_657 : i32
      scf.if %cond3A_658 {
        %mul3A_766 = arith.constant 128 : i32
        %mul3A_767 = arith.muli %select_n3A, %mul3A_766 : i32
        %dma_wait3A_768 = arith.constant 0 : i32
        %dma_wait3A_769 = arith.constant 0 : i32
        %dma_wait3A_770 = tpu.memref_slice %arg11[%dma_wait3A_768, %dma_wait3A_769] : memref<128x128xf32, #tpu.memory_space<vmem>> -> memref<104x128xf32, #tpu.memory_space<vmem>>
        %dma_wait3A_771 = arith.constant 896 : i32
        %dma_wait3A_772 = tpu.memref_slice %arg4[%sub3A_653, %dma_wait3A_771, %mul3A_767] : memref<50x1000x1024xf32, #tpu.memory_space<hbm>> -> memref<1x104x128xf32, #tpu.memory_space<hbm>>
        %dma_wait3A_773 = tpu.memref_squeeze %dma_wait3A_772 : memref<1x104x128xf32, #tpu.memory_space<hbm>> -> memref<104x128xf32, #tpu.memory_space<hbm>>
        %dma_wait3A_774 = arith.constant 896 : i32
        %dma_wait3A_775 = tpu.memref_slice %arg4[%sub3A_653, %dma_wait3A_774, %mul3A_767] : memref<50x1000x1024xf32, #tpu.memory_space<hbm>> -> memref<1x104x128xf32, #tpu.memory_space<hbm>>
        %dma_wait3A_776 = tpu.memref_squeeze %dma_wait3A_775 : memref<1x104x128xf32, #tpu.memory_space<hbm>> -> memref<104x128xf32, #tpu.memory_space<hbm>>
        %dma_wait3A_777 = arith.constant 0 : i32
        %dma_wait3A_778 = arith.constant 0 : i32
        %dma_wait3A_779 = tpu.memref_slice %arg11[%dma_wait3A_777, %dma_wait3A_778] : memref<128x128xf32, #tpu.memory_space<vmem>> -> memref<104x128xf32, #tpu.memory_space<vmem>>
        tpu.wait_dma2 semaphore(%arg15 : memref<!tpu.dma_semaphore, #tpu.memory_space<semaphore_mem>>) src(%dma_wait3A_779 : memref<104x128xf32, #tpu.memory_space<vmem>>) dst(%dma_wait3A_776 : memref<104x128xf32, #tpu.memory_space<hbm>>)
      } else {
      }
      %ne3A_659 = arith.constant 3 : i32
      %ne3A_660 = arith.cmpi ne, %select_n3A_30, %ne3A_659 : i32
      %convert_element_type3A_661 = arith.extui %ne3A_660 : i1 to i32
      %cond3A_662 = arith.constant 0 : i32
      %cond3A_663 = arith.cmpi ne, %convert_element_type3A_661, %cond3A_662 : i32
      scf.if %cond3A_663 {
        %mul3A_766 = arith.constant 2 : i32
        %mul3A_767 = arith.muli %mul3A_766, %select_n3A_30 : i32
        %add3A_768 = arith.constant 1 : i32
        %add3A_769 = arith.addi %mul3A_767, %add3A_768 : i32
        %mul3A_770 = arith.constant 128 : i32
        %mul3A_771 = arith.muli %add3A_769, %mul3A_770 : i32
        %mul3A_772 = arith.constant 128 : i32
        %mul3A_773 = arith.muli %select_n3A, %mul3A_772 : i32
        %dma_wait3A_774 = tpu.memref_slice %arg4[%sub3A_653, %mul3A_771, %mul3A_773] : memref<50x1000x1024xf32, #tpu.memory_space<hbm>> -> memref<1x128x128xf32, #tpu.memory_space<hbm>>
        %dma_wait3A_775 = tpu.memref_squeeze %dma_wait3A_774 : memref<1x128x128xf32, #tpu.memory_space<hbm>> -> memref<128x128xf32, #tpu.memory_space<hbm>>
        %dma_wait3A_776 = tpu.memref_slice %arg4[%sub3A_653, %mul3A_771, %mul3A_773] : memref<50x1000x1024xf32, #tpu.memory_space<hbm>> -> memref<1x128x128xf32, #tpu.memory_space<hbm>>
        %dma_wait3A_777 = tpu.memref_squeeze %dma_wait3A_776 : memref<1x128x128xf32, #tpu.memory_space<hbm>> -> memref<128x128xf32, #tpu.memory_space<hbm>>
        tpu.wait_dma2 semaphore(%arg15 : memref<!tpu.dma_semaphore, #tpu.memory_space<semaphore_mem>>) src(%arg11 : memref<128x128xf32, #tpu.memory_space<vmem>>) dst(%dma_wait3A_777 : memref<128x128xf32, #tpu.memory_space<hbm>>)
      } else {
      }
      %parallel_loop3A_664 = arith.constant 0 : i32
      %parallel_loop3A_665 = arith.constant 128 : i32
      %parallel_loop3A_666 = arith.constant 1 : i32
      scf.for %parallel_loop3A_766 = %parallel_loop3A_664 to %parallel_loop3A_665 step %parallel_loop3A_666  : i32 {
        %parallel_loop3A_767 = vector.broadcast %parallel_loop3A_766 : i32 to vector<16xi32>
        %parallel_loop3A_768 = tpu.iota {dimensions = array<i32: 0>} : vector<16xi32>
        %parallel_loop3A_769 = arith.constant 0 : i32
        %parallel_loop3A_770 = vector.broadcast %parallel_loop3A_769 : i32 to vector<16xi32>
        %parallel_loop3A_771 = arith.addi %parallel_loop3A_768, %parallel_loop3A_770 : vector<16xi32>
        %parallel_loop3A_772 = tpu.vector_load_idx %arg9[%parallel_loop3A_771, %parallel_loop3A_767] : memref<128x128xf32, #tpu.memory_space<vmem>>[vector<16xi32>, vector<16xi32>], vector<16xf32>,
        %parallel_loop3A_773 = arith.index_cast %parallel_loop3A_766 : i32 to index
        %parallel_loop3A_774 = arith.constant 0 : index
        %parallel_loop3A_775 = tpu.vector_load %arg11[%parallel_loop3A_773, %parallel_loop3A_774] {strides = array<i32>} : memref<128x128xf32, #tpu.memory_space<vmem>>, vector<16xf32>,
        tpu.vector_store %arg11[%parallel_loop3A_773, %parallel_loop3A_774], %parallel_loop3A_772 {strides = array<i32>} : memref<128x128xf32, #tpu.memory_space<vmem>>, vector<16xf32>,
        %parallel_loop3A_776 = tpu.iota {dimensions = array<i32: 0>} : vector<16xi32>
        %parallel_loop3A_777 = arith.constant 16 : i32
        %parallel_loop3A_778 = vector.broadcast %parallel_loop3A_777 : i32 to vector<16xi32>
        %parallel_loop3A_779 = arith.addi %parallel_loop3A_776, %parallel_loop3A_778 : vector<16xi32>
        %parallel_loop3A_780 = tpu.vector_load_idx %arg9[%parallel_loop3A_779, %parallel_loop3A_767] : memref<128x128xf32, #tpu.memory_space<vmem>>[vector<16xi32>, vector<16xi32>], vector<16xf32>,
        %parallel_loop3A_781 = arith.index_cast %parallel_loop3A_766 : i32 to index
        %parallel_loop3A_782 = arith.constant 16 : index
        %parallel_loop3A_783 = tpu.vector_load %arg11[%parallel_loop3A_781, %parallel_loop3A_782] {strides = array<i32>} : memref<128x128xf32, #tpu.memory_space<vmem>>, vector<16xf32>,
        tpu.vector_store %arg11[%parallel_loop3A_781, %parallel_loop3A_782], %parallel_loop3A_780 {strides = array<i32>} : memref<128x128xf32, #tpu.memory_space<vmem>>, vector<16xf32>,
        %parallel_loop3A_784 = tpu.iota {dimensions = array<i32: 0>} : vector<16xi32>
        %parallel_loop3A_785 = arith.constant 32 : i32
        %parallel_loop3A_786 = vector.broadcast %parallel_loop3A_785 : i32 to vector<16xi32>
        %parallel_loop3A_787 = arith.addi %parallel_loop3A_784, %parallel_loop3A_786 : vector<16xi32>
        %parallel_loop3A_788 = tpu.vector_load_idx %arg9[%parallel_loop3A_787, %parallel_loop3A_767] : memref<128x128xf32, #tpu.memory_space<vmem>>[vector<16xi32>, vector<16xi32>], vector<16xf32>,
        %parallel_loop3A_789 = arith.index_cast %parallel_loop3A_766 : i32 to index
        %parallel_loop3A_790 = arith.constant 32 : index
        %parallel_loop3A_791 = tpu.vector_load %arg11[%parallel_loop3A_789, %parallel_loop3A_790] {strides = array<i32>} : memref<128x128xf32, #tpu.memory_space<vmem>>, vector<16xf32>,
        tpu.vector_store %arg11[%parallel_loop3A_789, %parallel_loop3A_790], %parallel_loop3A_788 {strides = array<i32>} : memref<128x128xf32, #tpu.memory_space<vmem>>, vector<16xf32>,
        %parallel_loop3A_792 = tpu.iota {dimensions = array<i32: 0>} : vector<16xi32>
        %parallel_loop3A_793 = arith.constant 48 : i32
        %parallel_loop3A_794 = vector.broadcast %parallel_loop3A_793 : i32 to vector<16xi32>
        %parallel_loop3A_795 = arith.addi %parallel_loop3A_792, %parallel_loop3A_794 : vector<16xi32>
        %parallel_loop3A_796 = tpu.vector_load_idx %arg9[%parallel_loop3A_795, %parallel_loop3A_767] : memref<128x128xf32, #tpu.memory_space<vmem>>[vector<16xi32>, vector<16xi32>], vector<16xf32>,
        %parallel_loop3A_797 = arith.index_cast %parallel_loop3A_766 : i32 to index
        %parallel_loop3A_798 = arith.constant 48 : index
        %parallel_loop3A_799 = tpu.vector_load %arg11[%parallel_loop3A_797, %parallel_loop3A_798] {strides = array<i32>} : memref<128x128xf32, #tpu.memory_space<vmem>>, vector<16xf32>,
        tpu.vector_store %arg11[%parallel_loop3A_797, %parallel_loop3A_798], %parallel_loop3A_796 {strides = array<i32>} : memref<128x128xf32, #tpu.memory_space<vmem>>, vector<16xf32>,
        %parallel_loop3A_800 = tpu.iota {dimensions = array<i32: 0>} : vector<16xi32>
        %parallel_loop3A_801 = arith.constant 64 : i32
        %parallel_loop3A_802 = vector.broadcast %parallel_loop3A_801 : i32 to vector<16xi32>
        %parallel_loop3A_803 = arith.addi %parallel_loop3A_800, %parallel_loop3A_802 : vector<16xi32>
        %parallel_loop3A_804 = tpu.vector_load_idx %arg9[%parallel_loop3A_803, %parallel_loop3A_767] : memref<128x128xf32, #tpu.memory_space<vmem>>[vector<16xi32>, vector<16xi32>], vector<16xf32>,
        %parallel_loop3A_805 = arith.index_cast %parallel_loop3A_766 : i32 to index
        %parallel_loop3A_806 = arith.constant 64 : index
        %parallel_loop3A_807 = tpu.vector_load %arg11[%parallel_loop3A_805, %parallel_loop3A_806] {strides = array<i32>} : memref<128x128xf32, #tpu.memory_space<vmem>>, vector<16xf32>,
        tpu.vector_store %arg11[%parallel_loop3A_805, %parallel_loop3A_806], %parallel_loop3A_804 {strides = array<i32>} : memref<128x128xf32, #tpu.memory_space<vmem>>, vector<16xf32>,
        %parallel_loop3A_808 = tpu.iota {dimensions = array<i32: 0>} : vector<16xi32>
        %parallel_loop3A_809 = arith.constant 80 : i32
        %parallel_loop3A_810 = vector.broadcast %parallel_loop3A_809 : i32 to vector<16xi32>
        %parallel_loop3A_811 = arith.addi %parallel_loop3A_808, %parallel_loop3A_810 : vector<16xi32>
        %parallel_loop3A_812 = tpu.vector_load_idx %arg9[%parallel_loop3A_811, %parallel_loop3A_767] : memref<128x128xf32, #tpu.memory_space<vmem>>[vector<16xi32>, vector<16xi32>], vector<16xf32>,
        %parallel_loop3A_813 = arith.index_cast %parallel_loop3A_766 : i32 to index
        %parallel_loop3A_814 = arith.constant 80 : index
        %parallel_loop3A_815 = tpu.vector_load %arg11[%parallel_loop3A_813, %parallel_loop3A_814] {strides = array<i32>} : memref<128x128xf32, #tpu.memory_space<vmem>>, vector<16xf32>,
        tpu.vector_store %arg11[%parallel_loop3A_813, %parallel_loop3A_814], %parallel_loop3A_812 {strides = array<i32>} : memref<128x128xf32, #tpu.memory_space<vmem>>, vector<16xf32>,
        %parallel_loop3A_816 = tpu.iota {dimensions = array<i32: 0>} : vector<16xi32>
        %parallel_loop3A_817 = arith.constant 96 : i32
        %parallel_loop3A_818 = vector.broadcast %parallel_loop3A_817 : i32 to vector<16xi32>
        %parallel_loop3A_819 = arith.addi %parallel_loop3A_816, %parallel_loop3A_818 : vector<16xi32>
        %parallel_loop3A_820 = tpu.vector_load_idx %arg9[%parallel_loop3A_819, %parallel_loop3A_767] : memref<128x128xf32, #tpu.memory_space<vmem>>[vector<16xi32>, vector<16xi32>], vector<16xf32>,
        %parallel_loop3A_821 = arith.index_cast %parallel_loop3A_766 : i32 to index
        %parallel_loop3A_822 = arith.constant 96 : index
        %parallel_loop3A_823 = tpu.vector_load %arg11[%parallel_loop3A_821, %parallel_loop3A_822] {strides = array<i32>} : memref<128x128xf32, #tpu.memory_space<vmem>>, vector<16xf32>,
        tpu.vector_store %arg11[%parallel_loop3A_821, %parallel_loop3A_822], %parallel_loop3A_820 {strides = array<i32>} : memref<128x128xf32, #tpu.memory_space<vmem>>, vector<16xf32>,
        %parallel_loop3A_824 = tpu.iota {dimensions = array<i32: 0>} : vector<16xi32>
        %parallel_loop3A_825 = arith.constant 112 : i32
        %parallel_loop3A_826 = vector.broadcast %parallel_loop3A_825 : i32 to vector<16xi32>
        %parallel_loop3A_827 = arith.addi %parallel_loop3A_824, %parallel_loop3A_826 : vector<16xi32>
        %parallel_loop3A_828 = tpu.vector_load_idx %arg9[%parallel_loop3A_827, %parallel_loop3A_767] : memref<128x128xf32, #tpu.memory_space<vmem>>[vector<16xi32>, vector<16xi32>], vector<16xf32>,
        %parallel_loop3A_829 = arith.index_cast %parallel_loop3A_766 : i32 to index
        %parallel_loop3A_830 = arith.constant 112 : index
        %parallel_loop3A_831 = tpu.vector_load %arg11[%parallel_loop3A_829, %parallel_loop3A_830] {strides = array<i32>} : memref<128x128xf32, #tpu.memory_space<vmem>>, vector<16xf32>,
        tpu.vector_store %arg11[%parallel_loop3A_829, %parallel_loop3A_830], %parallel_loop3A_828 {strides = array<i32>} : memref<128x128xf32, #tpu.memory_space<vmem>>, vector<16xf32>,
      } {sc.loop_unroll_factor = 8 : i64, sc.parallel_access}
      %eq3A_667 = arith.constant 3 : i32
      %eq3A_668 = arith.cmpi eq, %select_n3A_30, %eq3A_667 : i32
      %convert_element_type3A_669 = arith.extui %eq3A_668 : i1 to i32
      %cond3A_670 = arith.constant 0 : i32
      %cond3A_671 = arith.cmpi ne, %convert_element_type3A_669, %cond3A_670 : i32
      scf.if %cond3A_671 {
        %mul3A_766 = arith.constant 128 : i32
        %mul3A_767 = arith.muli %select_n3A, %mul3A_766 : i32
        %dma_start3A_768 = arith.constant 0 : i32
        %dma_start3A_769 = arith.constant 0 : i32
        %dma_start3A_770 = tpu.memref_slice %arg11[%dma_start3A_768, %dma_start3A_769] : memref<128x128xf32, #tpu.memory_space<vmem>> -> memref<104x128xf32, #tpu.memory_space<vmem>>
        %dma_start3A_771 = arith.constant 896 : i32
        %dma_start3A_772 = tpu.memref_slice %arg4[%scan3A_527, %dma_start3A_771, %mul3A_767] : memref<50x1000x1024xf32, #tpu.memory_space<hbm>> -> memref<1x104x128xf32, #tpu.memory_space<hbm>>
        %dma_start3A_773 = tpu.memref_squeeze %dma_start3A_772 : memref<1x104x128xf32, #tpu.memory_space<hbm>> -> memref<104x128xf32, #tpu.memory_space<hbm>>
        %dma_start3A_774 = arith.constant 896 : i32
        %dma_start3A_775 = tpu.memref_slice %arg4[%scan3A_527, %dma_start3A_774, %mul3A_767] : memref<50x1000x1024xf32, #tpu.memory_space<hbm>> -> memref<1x104x128xf32, #tpu.memory_space<hbm>>
        %dma_start3A_776 = tpu.memref_squeeze %dma_start3A_775 : memref<1x104x128xf32, #tpu.memory_space<hbm>> -> memref<104x128xf32, #tpu.memory_space<hbm>>
        %dma_start3A_777 = arith.constant 0 : i32
        %dma_start3A_778 = arith.constant 0 : i32
        %dma_start3A_779 = tpu.memref_slice %arg11[%dma_start3A_777, %dma_start3A_778] : memref<128x128xf32, #tpu.memory_space<vmem>> -> memref<104x128xf32, #tpu.memory_space<vmem>>
        tpu.enqueue_dma source(%dma_start3A_779 : memref<104x128xf32, #tpu.memory_space<vmem>>) target(%dma_start3A_776 : memref<104x128xf32, #tpu.memory_space<hbm>>) target_semaphore(%arg15 : memref<!tpu.dma_semaphore, #tpu.memory_space<semaphore_mem>>)
      } else {
      }
      %ne3A_672 = arith.constant 3 : i32
      %ne3A_673 = arith.cmpi ne, %select_n3A_30, %ne3A_672 : i32
      %convert_element_type3A_674 = arith.extui %ne3A_673 : i1 to i32
      %cond3A_675 = arith.constant 0 : i32
      %cond3A_676 = arith.cmpi ne, %convert_element_type3A_674, %cond3A_675 : i32
      scf.if %cond3A_676 {
        %mul3A_766 = arith.constant 2 : i32
        %mul3A_767 = arith.muli %mul3A_766, %select_n3A_30 : i32
        %add3A_768 = arith.constant 1 : i32
        %add3A_769 = arith.addi %mul3A_767, %add3A_768 : i32
        %mul3A_770 = arith.constant 128 : i32
        %mul3A_771 = arith.muli %add3A_769, %mul3A_770 : i32
        %mul3A_772 = arith.constant 128 : i32
        %mul3A_773 = arith.muli %select_n3A, %mul3A_772 : i32
        %dma_start3A_774 = tpu.memref_slice %arg4[%scan3A_527, %mul3A_771, %mul3A_773] : memref<50x1000x1024xf32, #tpu.memory_space<hbm>> -> memref<1x128x128xf32, #tpu.memory_space<hbm>>
        %dma_start3A_775 = tpu.memref_squeeze %dma_start3A_774 : memref<1x128x128xf32, #tpu.memory_space<hbm>> -> memref<128x128xf32, #tpu.memory_space<hbm>>
        %dma_start3A_776 = tpu.memref_slice %arg4[%scan3A_527, %mul3A_771, %mul3A_773] : memref<50x1000x1024xf32, #tpu.memory_space<hbm>> -> memref<1x128x128xf32, #tpu.memory_space<hbm>>
        %dma_start3A_777 = tpu.memref_squeeze %dma_start3A_776 : memref<1x128x128xf32, #tpu.memory_space<hbm>> -> memref<128x128xf32, #tpu.memory_space<hbm>>
        tpu.enqueue_dma source(%arg11 : memref<128x128xf32, #tpu.memory_space<vmem>>) target(%dma_start3A_777 : memref<128x128xf32, #tpu.memory_space<hbm>>) target_semaphore(%arg15 : memref<!tpu.dma_semaphore, #tpu.memory_space<semaphore_mem>>)
      } else {
      }
      %add3A_677 = arith.constant 1 : i32
      %add3A_678 = arith.addi %scan3A_527, %add3A_677 : i32
      %mul3A_679 = arith.constant 2 : i32
      %mul3A_680 = arith.muli %mul3A_679, %select_n3A_30 : i32
      %add3A_681 = arith.constant 1 : i32
      %add3A_682 = arith.addi %mul3A_680, %add3A_681 : i32
      %get3A_683 = arith.index_cast %add3A_678 : i32 to index
      %get3A_684 = arith.constant 0 : index
      %get3A_685 = tpu.vector_load %arg5[%get3A_683, %get3A_684] {strides = array<i32>} : memref<50x128xi32, #tpu.memory_space<vmem>>, vector<16xi32>,
      %mul3A_686 = arith.constant 8 : i32
      %mul3A_687 = vector.broadcast %mul3A_686 : i32 to vector<16xi32>
      %mul3A_688 = arith.muli %get3A_685, %mul3A_687 : vector<16xi32>
      %add3A_689 = vector.broadcast %add3A_682 : i32 to vector<16xi32>
      %add3A_690 = arith.addi %mul3A_688, %add3A_689 : vector<16xi32>
      %swap3A_691 = arith.constant 0 : index
      %swap3A_692 = tpu.vector_load %arg7[%swap3A_691] {strides = array<i32>} : memref<128xi32, #tpu.memory_space<vmem>>, vector<16xi32>,
      tpu.vector_store %arg7[%swap3A_691], %add3A_690 {strides = array<i32>} : memref<128xi32, #tpu.memory_space<vmem>>, vector<16xi32>,
      %get3A_693 = arith.index_cast %add3A_678 : i32 to index
      %get3A_694 = arith.constant 16 : index
      %get3A_695 = tpu.vector_load %arg5[%get3A_693, %get3A_694] {strides = array<i32>} : memref<50x128xi32, #tpu.memory_space<vmem>>, vector<16xi32>,
      %mul3A_696 = arith.constant 8 : i32
      %mul3A_697 = vector.broadcast %mul3A_696 : i32 to vector<16xi32>
      %mul3A_698 = arith.muli %get3A_695, %mul3A_697 : vector<16xi32>
      %add3A_699 = vector.broadcast %add3A_682 : i32 to vector<16xi32>
      %add3A_700 = arith.addi %mul3A_698, %add3A_699 : vector<16xi32>
      %swap3A_701 = arith.constant 16 : index
      %swap3A_702 = tpu.vector_load %arg7[%swap3A_701] {strides = array<i32>} : memref<128xi32, #tpu.memory_space<vmem>>, vector<16xi32>,
      tpu.vector_store %arg7[%swap3A_701], %add3A_700 {strides = array<i32>} : memref<128xi32, #tpu.memory_space<vmem>>, vector<16xi32>,
      %get3A_703 = arith.index_cast %add3A_678 : i32 to index
      %get3A_704 = arith.constant 32 : index
      %get3A_705 = tpu.vector_load %arg5[%get3A_703, %get3A_704] {strides = array<i32>} : memref<50x128xi32, #tpu.memory_space<vmem>>, vector<16xi32>,
      %mul3A_706 = arith.constant 8 : i32
      %mul3A_707 = vector.broadcast %mul3A_706 : i32 to vector<16xi32>
      %mul3A_708 = arith.muli %get3A_705, %mul3A_707 : vector<16xi32>
      %add3A_709 = vector.broadcast %add3A_682 : i32 to vector<16xi32>
      %add3A_710 = arith.addi %mul3A_708, %add3A_709 : vector<16xi32>
      %swap3A_711 = arith.constant 32 : index
      %swap3A_712 = tpu.vector_load %arg7[%swap3A_711] {strides = array<i32>} : memref<128xi32, #tpu.memory_space<vmem>>, vector<16xi32>,
      tpu.vector_store %arg7[%swap3A_711], %add3A_710 {strides = array<i32>} : memref<128xi32, #tpu.memory_space<vmem>>, vector<16xi32>,
      %get3A_713 = arith.index_cast %add3A_678 : i32 to index
      %get3A_714 = arith.constant 48 : index
      %get3A_715 = tpu.vector_load %arg5[%get3A_713, %get3A_714] {strides = array<i32>} : memref<50x128xi32, #tpu.memory_space<vmem>>, vector<16xi32>,
      %mul3A_716 = arith.constant 8 : i32
      %mul3A_717 = vector.broadcast %mul3A_716 : i32 to vector<16xi32>
      %mul3A_718 = arith.muli %get3A_715, %mul3A_717 : vector<16xi32>
      %add3A_719 = vector.broadcast %add3A_682 : i32 to vector<16xi32>
      %add3A_720 = arith.addi %mul3A_718, %add3A_719 : vector<16xi32>
      %swap3A_721 = arith.constant 48 : index
      %swap3A_722 = tpu.vector_load %arg7[%swap3A_721] {strides = array<i32>} : memref<128xi32, #tpu.memory_space<vmem>>, vector<16xi32>,
      tpu.vector_store %arg7[%swap3A_721], %add3A_720 {strides = array<i32>} : memref<128xi32, #tpu.memory_space<vmem>>, vector<16xi32>,
      %get3A_723 = arith.index_cast %add3A_678 : i32 to index
      %get3A_724 = arith.constant 64 : index
      %get3A_725 = tpu.vector_load %arg5[%get3A_723, %get3A_724] {strides = array<i32>} : memref<50x128xi32, #tpu.memory_space<vmem>>, vector<16xi32>,
      %mul3A_726 = arith.constant 8 : i32
      %mul3A_727 = vector.broadcast %mul3A_726 : i32 to vector<16xi32>
      %mul3A_728 = arith.muli %get3A_725, %mul3A_727 : vector<16xi32>
      %add3A_729 = vector.broadcast %add3A_682 : i32 to vector<16xi32>
      %add3A_730 = arith.addi %mul3A_728, %add3A_729 : vector<16xi32>
      %swap3A_731 = arith.constant 64 : index
      %swap3A_732 = tpu.vector_load %arg7[%swap3A_731] {strides = array<i32>} : memref<128xi32, #tpu.memory_space<vmem>>, vector<16xi32>,
      tpu.vector_store %arg7[%swap3A_731], %add3A_730 {strides = array<i32>} : memref<128xi32, #tpu.memory_space<vmem>>, vector<16xi32>,
      %get3A_733 = arith.index_cast %add3A_678 : i32 to index
      %get3A_734 = arith.constant 80 : index
      %get3A_735 = tpu.vector_load %arg5[%get3A_733, %get3A_734] {strides = array<i32>} : memref<50x128xi32, #tpu.memory_space<vmem>>, vector<16xi32>,
      %mul3A_736 = arith.constant 8 : i32
      %mul3A_737 = vector.broadcast %mul3A_736 : i32 to vector<16xi32>
      %mul3A_738 = arith.muli %get3A_735, %mul3A_737 : vector<16xi32>
      %add3A_739 = vector.broadcast %add3A_682 : i32 to vector<16xi32>
      %add3A_740 = arith.addi %mul3A_738, %add3A_739 : vector<16xi32>
      %swap3A_741 = arith.constant 80 : index
      %swap3A_742 = tpu.vector_load %arg7[%swap3A_741] {strides = array<i32>} : memref<128xi32, #tpu.memory_space<vmem>>, vector<16xi32>,
      tpu.vector_store %arg7[%swap3A_741], %add3A_740 {strides = array<i32>} : memref<128xi32, #tpu.memory_space<vmem>>, vector<16xi32>,
      %get3A_743 = arith.index_cast %add3A_678 : i32 to index
      %get3A_744 = arith.constant 96 : index
      %get3A_745 = tpu.vector_load %arg5[%get3A_743, %get3A_744] {strides = array<i32>} : memref<50x128xi32, #tpu.memory_space<vmem>>, vector<16xi32>,
      %mul3A_746 = arith.constant 8 : i32
      %mul3A_747 = vector.broadcast %mul3A_746 : i32 to vector<16xi32>
      %mul3A_748 = arith.muli %get3A_745, %mul3A_747 : vector<16xi32>
      %add3A_749 = vector.broadcast %add3A_682 : i32 to vector<16xi32>
      %add3A_750 = arith.addi %mul3A_748, %add3A_749 : vector<16xi32>
      %swap3A_751 = arith.constant 96 : index
      %swap3A_752 = tpu.vector_load %arg7[%swap3A_751] {strides = array<i32>} : memref<128xi32, #tpu.memory_space<vmem>>, vector<16xi32>,
      tpu.vector_store %arg7[%swap3A_751], %add3A_750 {strides = array<i32>} : memref<128xi32, #tpu.memory_space<vmem>>, vector<16xi32>,
      %get3A_753 = arith.index_cast %add3A_678 : i32 to index
      %get3A_754 = arith.constant 112 : index
      %get3A_755 = tpu.vector_load %arg5[%get3A_753, %get3A_754] {strides = array<i32>} : memref<50x128xi32, #tpu.memory_space<vmem>>, vector<16xi32>,
      %mul3A_756 = arith.constant 8 : i32
      %mul3A_757 = vector.broadcast %mul3A_756 : i32 to vector<16xi32>
      %mul3A_758 = arith.muli %get3A_755, %mul3A_757 : vector<16xi32>
      %add3A_759 = vector.broadcast %add3A_682 : i32 to vector<16xi32>
      %add3A_760 = arith.addi %mul3A_758, %add3A_759 : vector<16xi32>
      %swap3A_761 = arith.constant 112 : index
      %swap3A_762 = tpu.vector_load %arg7[%swap3A_761] {strides = array<i32>} : memref<128xi32, #tpu.memory_space<vmem>>, vector<16xi32>,
      tpu.vector_store %arg7[%swap3A_761], %add3A_760 {strides = array<i32>} : memref<128xi32, #tpu.memory_space<vmem>>, vector<16xi32>,
      %dma_start3A_763 = arith.constant 0 : i32
      %dma_start3A_764 = arith.constant 0 : i32
      %dma_start3A_765 = tpu.memref_slice %arg3[%dma_start3A_763, %dma_start3A_764] : memref<8000x128xf32, #tpu.memory_space<hbm>> -> memref<8000x128xf32, #tpu.memory_space<hbm>>
      tpu.enqueue_indirect_dma source(%dma_start3A_765 : memref<8000x128xf32, #tpu.memory_space<hbm>>) target(%arg9 : memref<128x128xf32, #tpu.memory_space<vmem>>) offsets(%arg7 : memref<128xi32, #tpu.memory_space<vmem>>) semaphore(%arg13 : memref<!tpu.dma_semaphore, #tpu.memory_space<semaphore_mem>>)
    }
    %scan3A_445 = arith.constant 48 : i32
    %dma_wait3A_446 = arith.constant 0 : i32
    %dma_wait3A_447 = arith.constant 0 : i32
    %dma_wait3A_448 = tpu.memref_slice %arg3[%dma_wait3A_446, %dma_wait3A_447] : memref<8000x128xf32, #tpu.memory_space<hbm>> -> memref<8000x128xf32, #tpu.memory_space<hbm>>
    tpu.wait_indirect_dma semaphore(%arg12 : memref<!tpu.dma_semaphore, #tpu.memory_space<semaphore_mem>>) src(%dma_wait3A_448 : memref<8000x128xf32, #tpu.memory_space<hbm>>) dst(%arg8 : memref<128x128xf32, #tpu.memory_space<vmem>>)
    %mul3A_449 = arith.constant 2 : i32
    %mul3A_450 = arith.muli %mul3A_449, %select_n3A_30 : i32
    %add3A_451 = arith.constant 0 : i32
    %add3A_452 = arith.addi %mul3A_450, %add3A_451 : i32
    %mul3A_453 = arith.constant 128 : i32
    %mul3A_454 = arith.muli %add3A_452, %mul3A_453 : i32
    %mul3A_455 = arith.constant 128 : i32
    %mul3A_456 = arith.muli %select_n3A, %mul3A_455 : i32
    %dma_wait3A_457 = arith.constant 48 : i32
    %dma_wait3A_458 = tpu.memref_slice %arg4[%dma_wait3A_457, %mul3A_454, %mul3A_456] : memref<50x1000x1024xf32, #tpu.memory_space<hbm>> -> memref<1x128x128xf32, #tpu.memory_space<hbm>>
    %dma_wait3A_459 = tpu.memref_squeeze %dma_wait3A_458 : memref<1x128x128xf32, #tpu.memory_space<hbm>> -> memref<128x128xf32, #tpu.memory_space<hbm>>
    %dma_wait3A_460 = tpu.memref_slice %arg4[%dma_wait3A_457, %mul3A_454, %mul3A_456] : memref<50x1000x1024xf32, #tpu.memory_space<hbm>> -> memref<1x128x128xf32, #tpu.memory_space<hbm>>
    %dma_wait3A_461 = tpu.memref_squeeze %dma_wait3A_460 : memref<1x128x128xf32, #tpu.memory_space<hbm>> -> memref<128x128xf32, #tpu.memory_space<hbm>>
    tpu.wait_dma2 semaphore(%arg14 : memref<!tpu.dma_semaphore, #tpu.memory_space<semaphore_mem>>) src(%arg10 : memref<128x128xf32, #tpu.memory_space<vmem>>) dst(%dma_wait3A_461 : memref<128x128xf32, #tpu.memory_space<hbm>>)
    %parallel_loop3A_462 = arith.constant 0 : i32
    %parallel_loop3A_463 = arith.constant 128 : i32
    %parallel_loop3A_464 = arith.constant 1 : i32
    scf.for %parallel_loop3A_527 = %parallel_loop3A_462 to %parallel_loop3A_463 step %parallel_loop3A_464  : i32 {
      %parallel_loop3A_528 = vector.broadcast %parallel_loop3A_527 : i32 to vector<16xi32>
      %parallel_loop3A_529 = tpu.iota {dimensions = array<i32: 0>} : vector<16xi32>
      %parallel_loop3A_530 = arith.constant 0 : i32
      %parallel_loop3A_531 = vector.broadcast %parallel_loop3A_530 : i32 to vector<16xi32>
      %parallel_loop3A_532 = arith.addi %parallel_loop3A_529, %parallel_loop3A_531 : vector<16xi32>
      %parallel_loop3A_533 = tpu.vector_load_idx %arg8[%parallel_loop3A_532, %parallel_loop3A_528] : memref<128x128xf32, #tpu.memory_space<vmem>>[vector<16xi32>, vector<16xi32>], vector<16xf32>,
      %parallel_loop3A_534 = arith.index_cast %parallel_loop3A_527 : i32 to index
      %parallel_loop3A_535 = arith.constant 0 : index
      %parallel_loop3A_536 = tpu.vector_load %arg10[%parallel_loop3A_534, %parallel_loop3A_535] {strides = array<i32>} : memref<128x128xf32, #tpu.memory_space<vmem>>, vector<16xf32>,
      tpu.vector_store %arg10[%parallel_loop3A_534, %parallel_loop3A_535], %parallel_loop3A_533 {strides = array<i32>} : memref<128x128xf32, #tpu.memory_space<vmem>>, vector<16xf32>,
      %parallel_loop3A_537 = tpu.iota {dimensions = array<i32: 0>} : vector<16xi32>
      %parallel_loop3A_538 = arith.constant 16 : i32
      %parallel_loop3A_539 = vector.broadcast %parallel_loop3A_538 : i32 to vector<16xi32>
      %parallel_loop3A_540 = arith.addi %parallel_loop3A_537, %parallel_loop3A_539 : vector<16xi32>
      %parallel_loop3A_541 = tpu.vector_load_idx %arg8[%parallel_loop3A_540, %parallel_loop3A_528] : memref<128x128xf32, #tpu.memory_space<vmem>>[vector<16xi32>, vector<16xi32>], vector<16xf32>,
      %parallel_loop3A_542 = arith.index_cast %parallel_loop3A_527 : i32 to index
      %parallel_loop3A_543 = arith.constant 16 : index
      %parallel_loop3A_544 = tpu.vector_load %arg10[%parallel_loop3A_542, %parallel_loop3A_543] {strides = array<i32>} : memref<128x128xf32, #tpu.memory_space<vmem>>, vector<16xf32>,
      tpu.vector_store %arg10[%parallel_loop3A_542, %parallel_loop3A_543], %parallel_loop3A_541 {strides = array<i32>} : memref<128x128xf32, #tpu.memory_space<vmem>>, vector<16xf32>,
      %parallel_loop3A_545 = tpu.iota {dimensions = array<i32: 0>} : vector<16xi32>
      %parallel_loop3A_546 = arith.constant 32 : i32
      %parallel_loop3A_547 = vector.broadcast %parallel_loop3A_546 : i32 to vector<16xi32>
      %parallel_loop3A_548 = arith.addi %parallel_loop3A_545, %parallel_loop3A_547 : vector<16xi32>
      %parallel_loop3A_549 = tpu.vector_load_idx %arg8[%parallel_loop3A_548, %parallel_loop3A_528] : memref<128x128xf32, #tpu.memory_space<vmem>>[vector<16xi32>, vector<16xi32>], vector<16xf32>,
      %parallel_loop3A_550 = arith.index_cast %parallel_loop3A_527 : i32 to index
      %parallel_loop3A_551 = arith.constant 32 : index
      %parallel_loop3A_552 = tpu.vector_load %arg10[%parallel_loop3A_550, %parallel_loop3A_551] {strides = array<i32>} : memref<128x128xf32, #tpu.memory_space<vmem>>, vector<16xf32>,
      tpu.vector_store %arg10[%parallel_loop3A_550, %parallel_loop3A_551], %parallel_loop3A_549 {strides = array<i32>} : memref<128x128xf32, #tpu.memory_space<vmem>>, vector<16xf32>,
      %parallel_loop3A_553 = tpu.iota {dimensions = array<i32: 0>} : vector<16xi32>
      %parallel_loop3A_554 = arith.constant 48 : i32
      %parallel_loop3A_555 = vector.broadcast %parallel_loop3A_554 : i32 to vector<16xi32>
      %parallel_loop3A_556 = arith.addi %parallel_loop3A_553, %parallel_loop3A_555 : vector<16xi32>
      %parallel_loop3A_557 = tpu.vector_load_idx %arg8[%parallel_loop3A_556, %parallel_loop3A_528] : memref<128x128xf32, #tpu.memory_space<vmem>>[vector<16xi32>, vector<16xi32>], vector<16xf32>,
      %parallel_loop3A_558 = arith.index_cast %parallel_loop3A_527 : i32 to index
      %parallel_loop3A_559 = arith.constant 48 : index
      %parallel_loop3A_560 = tpu.vector_load %arg10[%parallel_loop3A_558, %parallel_loop3A_559] {strides = array<i32>} : memref<128x128xf32, #tpu.memory_space<vmem>>, vector<16xf32>,
      tpu.vector_store %arg10[%parallel_loop3A_558, %parallel_loop3A_559], %parallel_loop3A_557 {strides = array<i32>} : memref<128x128xf32, #tpu.memory_space<vmem>>, vector<16xf32>,
      %parallel_loop3A_561 = tpu.iota {dimensions = array<i32: 0>} : vector<16xi32>
      %parallel_loop3A_562 = arith.constant 64 : i32
      %parallel_loop3A_563 = vector.broadcast %parallel_loop3A_562 : i32 to vector<16xi32>
      %parallel_loop3A_564 = arith.addi %parallel_loop3A_561, %parallel_loop3A_563 : vector<16xi32>
      %parallel_loop3A_565 = tpu.vector_load_idx %arg8[%parallel_loop3A_564, %parallel_loop3A_528] : memref<128x128xf32, #tpu.memory_space<vmem>>[vector<16xi32>, vector<16xi32>], vector<16xf32>,
      %parallel_loop3A_566 = arith.index_cast %parallel_loop3A_527 : i32 to index
      %parallel_loop3A_567 = arith.constant 64 : index
      %parallel_loop3A_568 = tpu.vector_load %arg10[%parallel_loop3A_566, %parallel_loop3A_567] {strides = array<i32>} : memref<128x128xf32, #tpu.memory_space<vmem>>, vector<16xf32>,
      tpu.vector_store %arg10[%parallel_loop3A_566, %parallel_loop3A_567], %parallel_loop3A_565 {strides = array<i32>} : memref<128x128xf32, #tpu.memory_space<vmem>>, vector<16xf32>,
      %parallel_loop3A_569 = tpu.iota {dimensions = array<i32: 0>} : vector<16xi32>
      %parallel_loop3A_570 = arith.constant 80 : i32
      %parallel_loop3A_571 = vector.broadcast %parallel_loop3A_570 : i32 to vector<16xi32>
      %parallel_loop3A_572 = arith.addi %parallel_loop3A_569, %parallel_loop3A_571 : vector<16xi32>
      %parallel_loop3A_573 = tpu.vector_load_idx %arg8[%parallel_loop3A_572, %parallel_loop3A_528] : memref<128x128xf32, #tpu.memory_space<vmem>>[vector<16xi32>, vector<16xi32>], vector<16xf32>,
      %parallel_loop3A_574 = arith.index_cast %parallel_loop3A_527 : i32 to index
      %parallel_loop3A_575 = arith.constant 80 : index
      %parallel_loop3A_576 = tpu.vector_load %arg10[%parallel_loop3A_574, %parallel_loop3A_575] {strides = array<i32>} : memref<128x128xf32, #tpu.memory_space<vmem>>, vector<16xf32>,
      tpu.vector_store %arg10[%parallel_loop3A_574, %parallel_loop3A_575], %parallel_loop3A_573 {strides = array<i32>} : memref<128x128xf32, #tpu.memory_space<vmem>>, vector<16xf32>,
      %parallel_loop3A_577 = tpu.iota {dimensions = array<i32: 0>} : vector<16xi32>
      %parallel_loop3A_578 = arith.constant 96 : i32
      %parallel_loop3A_579 = vector.broadcast %parallel_loop3A_578 : i32 to vector<16xi32>
      %parallel_loop3A_580 = arith.addi %parallel_loop3A_577, %parallel_loop3A_579 : vector<16xi32>
      %parallel_loop3A_581 = tpu.vector_load_idx %arg8[%parallel_loop3A_580, %parallel_loop3A_528] : memref<128x128xf32, #tpu.memory_space<vmem>>[vector<16xi32>, vector<16xi32>], vector<16xf32>,
      %parallel_loop3A_582 = arith.index_cast %parallel_loop3A_527 : i32 to index
      %parallel_loop3A_583 = arith.constant 96 : index
      %parallel_loop3A_584 = tpu.vector_load %arg10[%parallel_loop3A_582, %parallel_loop3A_583] {strides = array<i32>} : memref<128x128xf32, #tpu.memory_space<vmem>>, vector<16xf32>,
      tpu.vector_store %arg10[%parallel_loop3A_582, %parallel_loop3A_583], %parallel_loop3A_581 {strides = array<i32>} : memref<128x128xf32, #tpu.memory_space<vmem>>, vector<16xf32>,
      %parallel_loop3A_585 = tpu.iota {dimensions = array<i32: 0>} : vector<16xi32>
      %parallel_loop3A_586 = arith.constant 112 : i32
      %parallel_loop3A_587 = vector.broadcast %parallel_loop3A_586 : i32 to vector<16xi32>
      %parallel_loop3A_588 = arith.addi %parallel_loop3A_585, %parallel_loop3A_587 : vector<16xi32>
      %parallel_loop3A_589 = tpu.vector_load_idx %arg8[%parallel_loop3A_588, %parallel_loop3A_528] : memref<128x128xf32, #tpu.memory_space<vmem>>[vector<16xi32>, vector<16xi32>], vector<16xf32>,
      %parallel_loop3A_590 = arith.index_cast %parallel_loop3A_527 : i32 to index
      %parallel_loop3A_591 = arith.constant 112 : index
      %parallel_loop3A_592 = tpu.vector_load %arg10[%parallel_loop3A_590, %parallel_loop3A_591] {strides = array<i32>} : memref<128x128xf32, #tpu.memory_space<vmem>>, vector<16xf32>,
      tpu.vector_store %arg10[%parallel_loop3A_590, %parallel_loop3A_591], %parallel_loop3A_589 {strides = array<i32>} : memref<128x128xf32, #tpu.memory_space<vmem>>, vector<16xf32>,
    } {sc.loop_unroll_factor = 8 : i64, sc.parallel_access}
    %mul3A_465 = arith.constant 2 : i32
    %mul3A_466 = arith.muli %mul3A_465, %select_n3A_30 : i32
    %add3A_467 = arith.constant 0 : i32
    %add3A_468 = arith.addi %mul3A_466, %add3A_467 : i32
    %mul3A_469 = arith.constant 128 : i32
    %mul3A_470 = arith.muli %add3A_468, %mul3A_469 : i32
    %mul3A_471 = arith.constant 128 : i32
    %mul3A_472 = arith.muli %select_n3A, %mul3A_471 : i32
    %dma_start3A_473 = arith.constant 49 : i32
    %dma_start3A_474 = tpu.memref_slice %arg4[%dma_start3A_473, %mul3A_470, %mul3A_472] : memref<50x1000x1024xf32, #tpu.memory_space<hbm>> -> memref<1x128x128xf32, #tpu.memory_space<hbm>>
    %dma_start3A_475 = tpu.memref_squeeze %dma_start3A_474 : memref<1x128x128xf32, #tpu.memory_space<hbm>> -> memref<128x128xf32, #tpu.memory_space<hbm>>
    %dma_start3A_476 = tpu.memref_slice %arg4[%dma_start3A_473, %mul3A_470, %mul3A_472] : memref<50x1000x1024xf32, #tpu.memory_space<hbm>> -> memref<1x128x128xf32, #tpu.memory_space<hbm>>
    %dma_start3A_477 = tpu.memref_squeeze %dma_start3A_476 : memref<1x128x128xf32, #tpu.memory_space<hbm>> -> memref<128x128xf32, #tpu.memory_space<hbm>>
    tpu.enqueue_dma source(%arg10 : memref<128x128xf32, #tpu.memory_space<vmem>>) target(%dma_start3A_477 : memref<128x128xf32, #tpu.memory_space<hbm>>) target_semaphore(%arg14 : memref<!tpu.dma_semaphore, #tpu.memory_space<semaphore_mem>>)
    %dma_wait3A_478 = arith.constant 0 : i32
    %dma_wait3A_479 = arith.constant 0 : i32
    %dma_wait3A_480 = tpu.memref_slice %arg3[%dma_wait3A_478, %dma_wait3A_479] : memref<8000x128xf32, #tpu.memory_space<hbm>> -> memref<8000x128xf32, #tpu.memory_space<hbm>>
    tpu.wait_indirect_dma semaphore(%arg13 : memref<!tpu.dma_semaphore, #tpu.memory_space<semaphore_mem>>) src(%dma_wait3A_480 : memref<8000x128xf32, #tpu.memory_space<hbm>>) dst(%arg9 : memref<128x128xf32, #tpu.memory_space<vmem>>)
    %eq3A_481 = arith.constant 3 : i32
    %eq3A_482 = arith.cmpi eq, %select_n3A_30, %eq3A_481 : i32
    %convert_element_type3A_483 = arith.extui %eq3A_482 : i1 to i32
    %cond3A_484 = arith.constant 0 : i32
    %cond3A_485 = arith.cmpi ne, %convert_element_type3A_483, %cond3A_484 : i32
    scf.if %cond3A_485 {
      %mul3A_527 = arith.constant 128 : i32
      %mul3A_528 = arith.muli %select_n3A, %mul3A_527 : i32
      %dma_wait3A_529 = arith.constant 48 : i32
      %dma_wait3A_530 = arith.constant 0 : i32
      %dma_wait3A_531 = arith.constant 0 : i32
      %dma_wait3A_532 = tpu.memref_slice %arg11[%dma_wait3A_530, %dma_wait3A_531] : memref<128x128xf32, #tpu.memory_space<vmem>> -> memref<104x128xf32, #tpu.memory_space<vmem>>
      %dma_wait3A_533 = arith.constant 896 : i32
      %dma_wait3A_534 = tpu.memref_slice %arg4[%dma_wait3A_529, %dma_wait3A_533, %mul3A_528] : memref<50x1000x1024xf32, #tpu.memory_space<hbm>> -> memref<1x104x128xf32, #tpu.memory_space<hbm>>
      %dma_wait3A_535 = tpu.memref_squeeze %dma_wait3A_534 : memref<1x104x128xf32, #tpu.memory_space<hbm>> -> memref<104x128xf32, #tpu.memory_space<hbm>>
      %dma_wait3A_536 = arith.constant 896 : i32
      %dma_wait3A_537 = tpu.memref_slice %arg4[%dma_wait3A_529, %dma_wait3A_536, %mul3A_528] : memref<50x1000x1024xf32, #tpu.memory_space<hbm>> -> memref<1x104x128xf32, #tpu.memory_space<hbm>>
      %dma_wait3A_538 = tpu.memref_squeeze %dma_wait3A_537 : memref<1x104x128xf32, #tpu.memory_space<hbm>> -> memref<104x128xf32, #tpu.memory_space<hbm>>
      %dma_wait3A_539 = arith.constant 0 : i32
      %dma_wait3A_540 = arith.constant 0 : i32
      %dma_wait3A_541 = tpu.memref_slice %arg11[%dma_wait3A_539, %dma_wait3A_540] : memref<128x128xf32, #tpu.memory_space<vmem>> -> memref<104x128xf32, #tpu.memory_space<vmem>>
      tpu.wait_dma2 semaphore(%arg15 : memref<!tpu.dma_semaphore, #tpu.memory_space<semaphore_mem>>) src(%dma_wait3A_541 : memref<104x128xf32, #tpu.memory_space<vmem>>) dst(%dma_wait3A_538 : memref<104x128xf32, #tpu.memory_space<hbm>>)
    } else {
    }
    %ne3A_486 = arith.constant 3 : i32
    %ne3A_487 = arith.cmpi ne, %select_n3A_30, %ne3A_486 : i32
    %convert_element_type3A_488 = arith.extui %ne3A_487 : i1 to i32
    %cond3A_489 = arith.constant 0 : i32
    %cond3A_490 = arith.cmpi ne, %convert_element_type3A_488, %cond3A_489 : i32
    scf.if %cond3A_490 {
      %mul3A_527 = arith.constant 2 : i32
      %mul3A_528 = arith.muli %mul3A_527, %select_n3A_30 : i32
      %add3A_529 = arith.constant 1 : i32
      %add3A_530 = arith.addi %mul3A_528, %add3A_529 : i32
      %mul3A_531 = arith.constant 128 : i32
      %mul3A_532 = arith.muli %add3A_530, %mul3A_531 : i32
      %mul3A_533 = arith.constant 128 : i32
      %mul3A_534 = arith.muli %select_n3A, %mul3A_533 : i32
      %dma_wait3A_535 = arith.constant 48 : i32
      %dma_wait3A_536 = tpu.memref_slice %arg4[%dma_wait3A_535, %mul3A_532, %mul3A_534] : memref<50x1000x1024xf32, #tpu.memory_space<hbm>> -> memref<1x128x128xf32, #tpu.memory_space<hbm>>
      %dma_wait3A_537 = tpu.memref_squeeze %dma_wait3A_536 : memref<1x128x128xf32, #tpu.memory_space<hbm>> -> memref<128x128xf32, #tpu.memory_space<hbm>>
      %dma_wait3A_538 = tpu.memref_slice %arg4[%dma_wait3A_535, %mul3A_532, %mul3A_534] : memref<50x1000x1024xf32, #tpu.memory_space<hbm>> -> memref<1x128x128xf32, #tpu.memory_space<hbm>>
      %dma_wait3A_539 = tpu.memref_squeeze %dma_wait3A_538 : memref<1x128x128xf32, #tpu.memory_space<hbm>> -> memref<128x128xf32, #tpu.memory_space<hbm>>
      tpu.wait_dma2 semaphore(%arg15 : memref<!tpu.dma_semaphore, #tpu.memory_space<semaphore_mem>>) src(%arg11 : memref<128x128xf32, #tpu.memory_space<vmem>>) dst(%dma_wait3A_539 : memref<128x128xf32, #tpu.memory_space<hbm>>)
    } else {
    }
    %parallel_loop3A_491 = arith.constant 0 : i32
    %parallel_loop3A_492 = arith.constant 128 : i32
    %parallel_loop3A_493 = arith.constant 1 : i32
    scf.for %parallel_loop3A_527 = %parallel_loop3A_491 to %parallel_loop3A_492 step %parallel_loop3A_493  : i32 {
      %parallel_loop3A_528 = vector.broadcast %parallel_loop3A_527 : i32 to vector<16xi32>
      %parallel_loop3A_529 = tpu.iota {dimensions = array<i32: 0>} : vector<16xi32>
      %parallel_loop3A_530 = arith.constant 0 : i32
      %parallel_loop3A_531 = vector.broadcast %parallel_loop3A_530 : i32 to vector<16xi32>
      %parallel_loop3A_532 = arith.addi %parallel_loop3A_529, %parallel_loop3A_531 : vector<16xi32>
      %parallel_loop3A_533 = tpu.vector_load_idx %arg9[%parallel_loop3A_532, %parallel_loop3A_528] : memref<128x128xf32, #tpu.memory_space<vmem>>[vector<16xi32>, vector<16xi32>], vector<16xf32>,
      %parallel_loop3A_534 = arith.index_cast %parallel_loop3A_527 : i32 to index
      %parallel_loop3A_535 = arith.constant 0 : index
      %parallel_loop3A_536 = tpu.vector_load %arg11[%parallel_loop3A_534, %parallel_loop3A_535] {strides = array<i32>} : memref<128x128xf32, #tpu.memory_space<vmem>>, vector<16xf32>,
      tpu.vector_store %arg11[%parallel_loop3A_534, %parallel_loop3A_535], %parallel_loop3A_533 {strides = array<i32>} : memref<128x128xf32, #tpu.memory_space<vmem>>, vector<16xf32>,
      %parallel_loop3A_537 = tpu.iota {dimensions = array<i32: 0>} : vector<16xi32>
      %parallel_loop3A_538 = arith.constant 16 : i32
      %parallel_loop3A_539 = vector.broadcast %parallel_loop3A_538 : i32 to vector<16xi32>
      %parallel_loop3A_540 = arith.addi %parallel_loop3A_537, %parallel_loop3A_539 : vector<16xi32>
      %parallel_loop3A_541 = tpu.vector_load_idx %arg9[%parallel_loop3A_540, %parallel_loop3A_528] : memref<128x128xf32, #tpu.memory_space<vmem>>[vector<16xi32>, vector<16xi32>], vector<16xf32>,
      %parallel_loop3A_542 = arith.index_cast %parallel_loop3A_527 : i32 to index
      %parallel_loop3A_543 = arith.constant 16 : index
      %parallel_loop3A_544 = tpu.vector_load %arg11[%parallel_loop3A_542, %parallel_loop3A_543] {strides = array<i32>} : memref<128x128xf32, #tpu.memory_space<vmem>>, vector<16xf32>,
      tpu.vector_store %arg11[%parallel_loop3A_542, %parallel_loop3A_543], %parallel_loop3A_541 {strides = array<i32>} : memref<128x128xf32, #tpu.memory_space<vmem>>, vector<16xf32>,
      %parallel_loop3A_545 = tpu.iota {dimensions = array<i32: 0>} : vector<16xi32>
      %parallel_loop3A_546 = arith.constant 32 : i32
      %parallel_loop3A_547 = vector.broadcast %parallel_loop3A_546 : i32 to vector<16xi32>
      %parallel_loop3A_548 = arith.addi %parallel_loop3A_545, %parallel_loop3A_547 : vector<16xi32>
      %parallel_loop3A_549 = tpu.vector_load_idx %arg9[%parallel_loop3A_548, %parallel_loop3A_528] : memref<128x128xf32, #tpu.memory_space<vmem>>[vector<16xi32>, vector<16xi32>], vector<16xf32>,
      %parallel_loop3A_550 = arith.index_cast %parallel_loop3A_527 : i32 to index
      %parallel_loop3A_551 = arith.constant 32 : index
      %parallel_loop3A_552 = tpu.vector_load %arg11[%parallel_loop3A_550, %parallel_loop3A_551] {strides = array<i32>} : memref<128x128xf32, #tpu.memory_space<vmem>>, vector<16xf32>,
      tpu.vector_store %arg11[%parallel_loop3A_550, %parallel_loop3A_551], %parallel_loop3A_549 {strides = array<i32>} : memref<128x128xf32, #tpu.memory_space<vmem>>, vector<16xf32>,
      %parallel_loop3A_553 = tpu.iota {dimensions = array<i32: 0>} : vector<16xi32>
      %parallel_loop3A_554 = arith.constant 48 : i32
      %parallel_loop3A_555 = vector.broadcast %parallel_loop3A_554 : i32 to vector<16xi32>
      %parallel_loop3A_556 = arith.addi %parallel_loop3A_553, %parallel_loop3A_555 : vector<16xi32>
      %parallel_loop3A_557 = tpu.vector_load_idx %arg9[%parallel_loop3A_556, %parallel_loop3A_528] : memref<128x128xf32, #tpu.memory_space<vmem>>[vector<16xi32>, vector<16xi32>], vector<16xf32>,
      %parallel_loop3A_558 = arith.index_cast %parallel_loop3A_527 : i32 to index
      %parallel_loop3A_559 = arith.constant 48 : index
      %parallel_loop3A_560 = tpu.vector_load %arg11[%parallel_loop3A_558, %parallel_loop3A_559] {strides = array<i32>} : memref<128x128xf32, #tpu.memory_space<vmem>>, vector<16xf32>,
      tpu.vector_store %arg11[%parallel_loop3A_558, %parallel_loop3A_559], %parallel_loop3A_557 {strides = array<i32>} : memref<128x128xf32, #tpu.memory_space<vmem>>, vector<16xf32>,
      %parallel_loop3A_561 = tpu.iota {dimensions = array<i32: 0>} : vector<16xi32>
      %parallel_loop3A_562 = arith.constant 64 : i32
      %parallel_loop3A_563 = vector.broadcast %parallel_loop3A_562 : i32 to vector<16xi32>
      %parallel_loop3A_564 = arith.addi %parallel_loop3A_561, %parallel_loop3A_563 : vector<16xi32>
      %parallel_loop3A_565 = tpu.vector_load_idx %arg9[%parallel_loop3A_564, %parallel_loop3A_528] : memref<128x128xf32, #tpu.memory_space<vmem>>[vector<16xi32>, vector<16xi32>], vector<16xf32>,
      %parallel_loop3A_566 = arith.index_cast %parallel_loop3A_527 : i32 to index
      %parallel_loop3A_567 = arith.constant 64 : index
      %parallel_loop3A_568 = tpu.vector_load %arg11[%parallel_loop3A_566, %parallel_loop3A_567] {strides = array<i32>} : memref<128x128xf32, #tpu.memory_space<vmem>>, vector<16xf32>,
      tpu.vector_store %arg11[%parallel_loop3A_566, %parallel_loop3A_567], %parallel_loop3A_565 {strides = array<i32>} : memref<128x128xf32, #tpu.memory_space<vmem>>, vector<16xf32>,
      %parallel_loop3A_569 = tpu.iota {dimensions = array<i32: 0>} : vector<16xi32>
      %parallel_loop3A_570 = arith.constant 80 : i32
      %parallel_loop3A_571 = vector.broadcast %parallel_loop3A_570 : i32 to vector<16xi32>
      %parallel_loop3A_572 = arith.addi %parallel_loop3A_569, %parallel_loop3A_571 : vector<16xi32>
      %parallel_loop3A_573 = tpu.vector_load_idx %arg9[%parallel_loop3A_572, %parallel_loop3A_528] : memref<128x128xf32, #tpu.memory_space<vmem>>[vector<16xi32>, vector<16xi32>], vector<16xf32>,
      %parallel_loop3A_574 = arith.index_cast %parallel_loop3A_527 : i32 to index
      %parallel_loop3A_575 = arith.constant 80 : index
      %parallel_loop3A_576 = tpu.vector_load %arg11[%parallel_loop3A_574, %parallel_loop3A_575] {strides = array<i32>} : memref<128x128xf32, #tpu.memory_space<vmem>>, vector<16xf32>,
      tpu.vector_store %arg11[%parallel_loop3A_574, %parallel_loop3A_575], %parallel_loop3A_573 {strides = array<i32>} : memref<128x128xf32, #tpu.memory_space<vmem>>, vector<16xf32>,
      %parallel_loop3A_577 = tpu.iota {dimensions = array<i32: 0>} : vector<16xi32>
      %parallel_loop3A_578 = arith.constant 96 : i32
      %parallel_loop3A_579 = vector.broadcast %parallel_loop3A_578 : i32 to vector<16xi32>
      %parallel_loop3A_580 = arith.addi %parallel_loop3A_577, %parallel_loop3A_579 : vector<16xi32>
      %parallel_loop3A_581 = tpu.vector_load_idx %arg9[%parallel_loop3A_580, %parallel_loop3A_528] : memref<128x128xf32, #tpu.memory_space<vmem>>[vector<16xi32>, vector<16xi32>], vector<16xf32>,
      %parallel_loop3A_582 = arith.index_cast %parallel_loop3A_527 : i32 to index
      %parallel_loop3A_583 = arith.constant 96 : index
      %parallel_loop3A_584 = tpu.vector_load %arg11[%parallel_loop3A_582, %parallel_loop3A_583] {strides = array<i32>} : memref<128x128xf32, #tpu.memory_space<vmem>>, vector<16xf32>,
      tpu.vector_store %arg11[%parallel_loop3A_582, %parallel_loop3A_583], %parallel_loop3A_581 {strides = array<i32>} : memref<128x128xf32, #tpu.memory_space<vmem>>, vector<16xf32>,
      %parallel_loop3A_585 = tpu.iota {dimensions = array<i32: 0>} : vector<16xi32>
      %parallel_loop3A_586 = arith.constant 112 : i32
      %parallel_loop3A_587 = vector.broadcast %parallel_loop3A_586 : i32 to vector<16xi32>
      %parallel_loop3A_588 = arith.addi %parallel_loop3A_585, %parallel_loop3A_587 : vector<16xi32>
      %parallel_loop3A_589 = tpu.vector_load_idx %arg9[%parallel_loop3A_588, %parallel_loop3A_528] : memref<128x128xf32, #tpu.memory_space<vmem>>[vector<16xi32>, vector<16xi32>], vector<16xf32>,
      %parallel_loop3A_590 = arith.index_cast %parallel_loop3A_527 : i32 to index
      %parallel_loop3A_591 = arith.constant 112 : index
      %parallel_loop3A_592 = tpu.vector_load %arg11[%parallel_loop3A_590, %parallel_loop3A_591] {strides = array<i32>} : memref<128x128xf32, #tpu.memory_space<vmem>>, vector<16xf32>,
      tpu.vector_store %arg11[%parallel_loop3A_590, %parallel_loop3A_591], %parallel_loop3A_589 {strides = array<i32>} : memref<128x128xf32, #tpu.memory_space<vmem>>, vector<16xf32>,
    } {sc.loop_unroll_factor = 8 : i64, sc.parallel_access}
    %eq3A_494 = arith.constant 3 : i32
    %eq3A_495 = arith.cmpi eq, %select_n3A_30, %eq3A_494 : i32
    %convert_element_type3A_496 = arith.extui %eq3A_495 : i1 to i32
    %cond3A_497 = arith.constant 0 : i32
    %cond3A_498 = arith.cmpi ne, %convert_element_type3A_496, %cond3A_497 : i32
    scf.if %cond3A_498 {
      %mul3A_527 = arith.constant 128 : i32
      %mul3A_528 = arith.muli %select_n3A, %mul3A_527 : i32
      %dma_start3A_529 = arith.constant 49 : i32
      %dma_start3A_530 = arith.constant 0 : i32
      %dma_start3A_531 = arith.constant 0 : i32
      %dma_start3A_532 = tpu.memref_slice %arg11[%dma_start3A_530, %dma_start3A_531] : memref<128x128xf32, #tpu.memory_space<vmem>> -> memref<104x128xf32, #tpu.memory_space<vmem>>
      %dma_start3A_533 = arith.constant 896 : i32
      %dma_start3A_534 = tpu.memref_slice %arg4[%dma_start3A_529, %dma_start3A_533, %mul3A_528] : memref<50x1000x1024xf32, #tpu.memory_space<hbm>> -> memref<1x104x128xf32, #tpu.memory_space<hbm>>
      %dma_start3A_535 = tpu.memref_squeeze %dma_start3A_534 : memref<1x104x128xf32, #tpu.memory_space<hbm>> -> memref<104x128xf32, #tpu.memory_space<hbm>>
      %dma_start3A_536 = arith.constant 896 : i32
      %dma_start3A_537 = tpu.memref_slice %arg4[%dma_start3A_529, %dma_start3A_536, %mul3A_528] : memref<50x1000x1024xf32, #tpu.memory_space<hbm>> -> memref<1x104x128xf32, #tpu.memory_space<hbm>>
      %dma_start3A_538 = tpu.memref_squeeze %dma_start3A_537 : memref<1x104x128xf32, #tpu.memory_space<hbm>> -> memref<104x128xf32, #tpu.memory_space<hbm>>
      %dma_start3A_539 = arith.constant 0 : i32
      %dma_start3A_540 = arith.constant 0 : i32
      %dma_start3A_541 = tpu.memref_slice %arg11[%dma_start3A_539, %dma_start3A_540] : memref<128x128xf32, #tpu.memory_space<vmem>> -> memref<104x128xf32, #tpu.memory_space<vmem>>
      tpu.enqueue_dma source(%dma_start3A_541 : memref<104x128xf32, #tpu.memory_space<vmem>>) target(%dma_start3A_538 : memref<104x128xf32, #tpu.memory_space<hbm>>) target_semaphore(%arg15 : memref<!tpu.dma_semaphore, #tpu.memory_space<semaphore_mem>>)
    } else {
    }
    %ne3A_499 = arith.constant 3 : i32
    %ne3A_500 = arith.cmpi ne, %select_n3A_30, %ne3A_499 : i32
    %convert_element_type3A_501 = arith.extui %ne3A_500 : i1 to i32
    %cond3A_502 = arith.constant 0 : i32
    %cond3A_503 = arith.cmpi ne, %convert_element_type3A_501, %cond3A_502 : i32
    scf.if %cond3A_503 {
      %mul3A_527 = arith.constant 2 : i32
      %mul3A_528 = arith.muli %mul3A_527, %select_n3A_30 : i32
      %add3A_529 = arith.constant 1 : i32
      %add3A_530 = arith.addi %mul3A_528, %add3A_529 : i32
      %mul3A_531 = arith.constant 128 : i32
      %mul3A_532 = arith.muli %add3A_530, %mul3A_531 : i32
      %mul3A_533 = arith.constant 128 : i32
      %mul3A_534 = arith.muli %select_n3A, %mul3A_533 : i32
      %dma_start3A_535 = arith.constant 49 : i32
      %dma_start3A_536 = tpu.memref_slice %arg4[%dma_start3A_535, %mul3A_532, %mul3A_534] : memref<50x1000x1024xf32, #tpu.memory_space<hbm>> -> memref<1x128x128xf32, #tpu.memory_space<hbm>>
      %dma_start3A_537 = tpu.memref_squeeze %dma_start3A_536 : memref<1x128x128xf32, #tpu.memory_space<hbm>> -> memref<128x128xf32, #tpu.memory_space<hbm>>
      %dma_start3A_538 = tpu.memref_slice %arg4[%dma_start3A_535, %mul3A_532, %mul3A_534] : memref<50x1000x1024xf32, #tpu.memory_space<hbm>> -> memref<1x128x128xf32, #tpu.memory_space<hbm>>
      %dma_start3A_539 = tpu.memref_squeeze %dma_start3A_538 : memref<1x128x128xf32, #tpu.memory_space<hbm>> -> memref<128x128xf32, #tpu.memory_space<hbm>>
      tpu.enqueue_dma source(%arg11 : memref<128x128xf32, #tpu.memory_space<vmem>>) target(%dma_start3A_539 : memref<128x128xf32, #tpu.memory_space<hbm>>) target_semaphore(%arg15 : memref<!tpu.dma_semaphore, #tpu.memory_space<semaphore_mem>>)
    } else {
    }
    %mul3A_504 = arith.constant 2 : i32
    %mul3A_505 = arith.muli %mul3A_504, %select_n3A_30 : i32
    %add3A_506 = arith.constant 0 : i32
    %add3A_507 = arith.addi %mul3A_505, %add3A_506 : i32
    %mul3A_508 = arith.constant 128 : i32
    %mul3A_509 = arith.muli %add3A_507, %mul3A_508 : i32
    %mul3A_510 = arith.constant 128 : i32
    %mul3A_511 = arith.muli %select_n3A, %mul3A_510 : i32
    %dma_wait3A_512 = arith.constant 49 : i32
    %dma_wait3A_513 = tpu.memref_slice %arg4[%dma_wait3A_512, %mul3A_509, %mul3A_511] : memref<50x1000x1024xf32, #tpu.memory_space<hbm>> -> memref<1x128x128xf32, #tpu.memory_space<hbm>>
    %dma_wait3A_514 = tpu.memref_squeeze %dma_wait3A_513 : memref<1x128x128xf32, #tpu.memory_space<hbm>> -> memref<128x128xf32, #tpu.memory_space<hbm>>
    %dma_wait3A_515 = tpu.memref_slice %arg4[%dma_wait3A_512, %mul3A_509, %mul3A_511] : memref<50x1000x1024xf32, #tpu.memory_space<hbm>> -> memref<1x128x128xf32, #tpu.memory_space<hbm>>
    %dma_wait3A_516 = tpu.memref_squeeze %dma_wait3A_515 : memref<1x128x128xf32, #tpu.memory_space<hbm>> -> memref<128x128xf32, #tpu.memory_space<hbm>>
    tpu.wait_dma2 semaphore(%arg14 : memref<!tpu.dma_semaphore, #tpu.memory_space<semaphore_mem>>) src(%arg10 : memref<128x128xf32, #tpu.memory_space<vmem>>) dst(%dma_wait3A_516 : memref<128x128xf32, #tpu.memory_space<hbm>>)
    %eq3A_517 = arith.constant 3 : i32
    %eq3A_518 = arith.cmpi eq, %select_n3A_30, %eq3A_517 : i32
    %convert_element_type3A_519 = arith.extui %eq3A_518 : i1 to i32
    %cond3A_520 = arith.constant 0 : i32
    %cond3A_521 = arith.cmpi ne, %convert_element_type3A_519, %cond3A_520 : i32
    scf.if %cond3A_521 {
      %mul3A_527 = arith.constant 128 : i32
      %mul3A_528 = arith.muli %select_n3A, %mul3A_527 : i32
      %dma_wait3A_529 = arith.constant 49 : i32
      %dma_wait3A_530 = arith.constant 0 : i32
      %dma_wait3A_531 = arith.constant 0 : i32
      %dma_wait3A_532 = tpu.memref_slice %arg11[%dma_wait3A_530, %dma_wait3A_531] : memref<128x128xf32, #tpu.memory_space<vmem>> -> memref<104x128xf32, #tpu.memory_space<vmem>>
      %dma_wait3A_533 = arith.constant 896 : i32
      %dma_wait3A_534 = tpu.memref_slice %arg4[%dma_wait3A_529, %dma_wait3A_533, %mul3A_528] : memref<50x1000x1024xf32, #tpu.memory_space<hbm>> -> memref<1x104x128xf32, #tpu.memory_space<hbm>>
      %dma_wait3A_535 = tpu.memref_squeeze %dma_wait3A_534 : memref<1x104x128xf32, #tpu.memory_space<hbm>> -> memref<104x128xf32, #tpu.memory_space<hbm>>
      %dma_wait3A_536 = arith.constant 896 : i32
      %dma_wait3A_537 = tpu.memref_slice %arg4[%dma_wait3A_529, %dma_wait3A_536, %mul3A_528] : memref<50x1000x1024xf32, #tpu.memory_space<hbm>> -> memref<1x104x128xf32, #tpu.memory_space<hbm>>
      %dma_wait3A_538 = tpu.memref_squeeze %dma_wait3A_537 : memref<1x104x128xf32, #tpu.memory_space<hbm>> -> memref<104x128xf32, #tpu.memory_space<hbm>>
      %dma_wait3A_539 = arith.constant 0 : i32
      %dma_wait3A_540 = arith.constant 0 : i32
      %dma_wait3A_541 = tpu.memref_slice %arg11[%dma_wait3A_539, %dma_wait3A_540] : memref<128x128xf32, #tpu.memory_space<vmem>> -> memref<104x128xf32, #tpu.memory_space<vmem>>
      tpu.wait_dma2 semaphore(%arg15 : memref<!tpu.dma_semaphore, #tpu.memory_space<semaphore_mem>>) src(%dma_wait3A_541 : memref<104x128xf32, #tpu.memory_space<vmem>>) dst(%dma_wait3A_538 : memref<104x128xf32, #tpu.memory_space<hbm>>)
    } else {
    }
    %ne3A_522 = arith.constant 3 : i32
    %ne3A_523 = arith.cmpi ne, %select_n3A_30, %ne3A_522 : i32
    %convert_element_type3A_524 = arith.extui %ne3A_523 : i1 to i32
    %cond3A_525 = arith.constant 0 : i32
    %cond3A_526 = arith.cmpi ne, %convert_element_type3A_524, %cond3A_525 : i32
    scf.if %cond3A_526 {
      %mul3A_527 = arith.constant 2 : i32
      %mul3A_528 = arith.muli %mul3A_527, %select_n3A_30 : i32
      %add3A_529 = arith.constant 1 : i32
      %add3A_530 = arith.addi %mul3A_528, %add3A_529 : i32
      %mul3A_531 = arith.constant 128 : i32
      %mul3A_532 = arith.muli %add3A_530, %mul3A_531 : i32
      %mul3A_533 = arith.constant 128 : i32
      %mul3A_534 = arith.muli %select_n3A, %mul3A_533 : i32
      %dma_wait3A_535 = arith.constant 49 : i32
      %dma_wait3A_536 = tpu.memref_slice %arg4[%dma_wait3A_535, %mul3A_532, %mul3A_534] : memref<50x1000x1024xf32, #tpu.memory_space<hbm>> -> memref<1x128x128xf32, #tpu.memory_space<hbm>>
      %dma_wait3A_537 = tpu.memref_squeeze %dma_wait3A_536 : memref<1x128x128xf32, #tpu.memory_space<hbm>> -> memref<128x128xf32, #tpu.memory_space<hbm>>
      %dma_wait3A_538 = tpu.memref_slice %arg4[%dma_wait3A_535, %mul3A_532, %mul3A_534] : memref<50x1000x1024xf32, #tpu.memory_space<hbm>> -> memref<1x128x128xf32, #tpu.memory_space<hbm>>
      %dma_wait3A_539 = tpu.memref_squeeze %dma_wait3A_538 : memref<1x128x128xf32, #tpu.memory_space<hbm>> -> memref<128x128xf32, #tpu.memory_space<hbm>>
      tpu.wait_dma2 semaphore(%arg15 : memref<!tpu.dma_semaphore, #tpu.memory_space<semaphore_mem>>) src(%arg11 : memref<128x128xf32, #tpu.memory_space<vmem>>) dst(%dma_wait3A_539 : memref<128x128xf32, #tpu.memory_space<hbm>>)
    } else {
    }
    return
  }
}

</mosaic_0001>

<sc_bundles>
// kernel: kernel.3.cloned.1.call-start
scs
__scs_entry_jumppad:
0x0: {  	(pc) =	sbr.rel $0x88, $3  }
0x1: {  	(tag) =	ssettag $0x0;
	lr =	simm.s32 $0x1  }
0x2: {  	[smem:$0x3F9F] =	sst lr;
	_ =	strace $0xD0000000  }
0x3: {  	_ = 	snop  }
0x4: {  	_ = 	snop  }
0x5: {  	_ = 	snop  }
0x6: {  	_ = 	snop  }
0x7: {  	_ = 	snop  }
__scs_overlays_trampoline_lowered:
0x8: {  	[smem:$0x3FAE] =	sst s0  }
0x9: {  	[smem:$0x3FAF] =	sst s1  }
0xa: {  	[smem:$0x3FB0] =	sst s2  }
0xb: {  	[smem:$0x3FB1] =	sst s3  }
0xc: {  	[smem:$0x3FB2] =	sst s4  }
0xd: {  	[smem:$0x3FB3] =	sst s5  }
0xe: {  	[smem:$0x3FB4] =	sst s6  }
0xf: {  	[smem:$0x3FB5] =	sst s7  }
0x10: {  	[smem:$0x3FB6] =	sst s8  }
0x11: {  	[smem:$0x3FB7] =	sst s9;
	s0 =	simm.s32 @!p0 $0x0  }
0x12: {  	s1 =	sld [smem:$0x3F9D];
	s0 =	simm.s32 @p0 $0x1  }
0x13: {  	[smem:$0x3FB8] =	sst s0;
	s0 =	simm.s32 @!p1 $0x0  }
0x14: {  	s2 =	sld [smem:$0x3F9C];
	s0 =	simm.s32 @p1 $0x1  }
0x15: {  	[smem:$0x3FB9] =	sst s0;
	s0 =	simm.s32 @!p2 $0x0  }
0x16: {  	s3 =	sld [smem:$0x3FDB];
	s0 =	simm.s32 @p2 $0x1  }
0x17: {  	s4 =	simm.s32 $0x1BF5;
	[smem:$0x3FBB] =	sst s0  }
0x18: {  	s0 =	sld [smem:$0x3F9E];
	_ =	swait.ge [sflag:s4], $0x0  }
0x19: {  	s7 =	sld [smem:$0x3F9F]  }
0x1a: {  	s8 =	sadd.s32 $0xFFFFE003, lr  }
0x1b: {  	s9 =	sadd.s32 $0xFFFFFEF7, lr;
	s5 =	simm.s32 $0xFFFFFFFF;
	p2 =	slt.u32 s8, $0xFFFFF086  }
0x1c: {  	p1 =	slt.u32 s9, $0xF7A;
	s5 =	simm.s32 @!p2 $0x0  }
0x1d: {  	s5 =	simm.s32 @p1 $0x1;
	p0 =	seq.s32 s7, s2  }
0x1e: {  	s7 =	smul.u32 @!p0 $0xF7A, s2;
	p2 =	seq.s32 @!p0 s5, $0x0  }
0x1f: {  	s9 =	smul.u32 $0xF7A, s1;
	s8 =	simm.s32 @!p0 $0x1BF5;
	p2 =	por !p2, p0  }
0x20: {  	[sflag:s8] =	ssyncset.s32 @!p0 $0xFFFFF086;
	s6 =	sadd.s32 @!p0 s3, s7;
	s7 =	simm.s32 @!p0 $0x108  }
0x21: {  	s3 =	sadd.s32 s3, s9;
	s6 =	sadd.s32 @!p0 $0x88, s6;
	s7 =	simm.s32 @p2 $0x1082  }
0x22: {  	[simem:s7], [sflag:s8] =	dma.local @!p0 [hbm:s6], $0xF7A  }
0x23: {  	s9 =	sor.u32 $0xD0000000, s2;
	s6 =	simm.s32 $0x108;
	_ =	swait.ge @!p0 [sflag:s8], $0x0  }
0x24: {  	s3 =	sadd.s32 $0x88, s3;
	s6 =	simm.s32 @!p1 $0x1082;
	[sflag:s4] =	ssyncset.s32 $0xFFFFF086  }
0x25: {  	[simem:s6], [sflag:s4] =	dma.local [hbm:s3], $0xF7A  }
0x26: {  	[smem:$0x3F9F] =	sst s1;
	(tag) =	ssettag s2;
	_ =	strace s9  }
0x27: {  	s1 =	sld [smem:$0x3FAF]  }
0x28: {  	s2 =	sld [smem:$0x3FB0]  }
0x29: {  	s4 =	sld [smem:$0x3FB2]  }
0x2a: {  	p0 =	seq.s32 s5, $0x0;
	s5 =	sld [smem:$0x3FB3]  }
0x2b: {  	s6 =	sld [smem:$0x3FB4]  }
0x2c: {  	s7 =	sld [smem:$0x3FB5]  }
0x2d: {  	s3 =	simm.s32 $0x108;
	s8 =	sld [smem:$0x3FB6]  }
0x2e: {  	s3 =	simm.s32 @!p0 $0x1082;
	s9 =	sld [smem:$0x3FB7]  }
0x2f: {  	lr =	sadd.s32 s0, s3;
	s0 =	sld [smem:$0x3FAE]  }
0x30: {  	s3 =	sld [smem:$0x3FB1]  }
0x31: {  	[smem:$0x3FBA] =	sst s10  }
0x32: {  	s10 =	sld [smem:$0x3FB8];
	_ =	sdelay $0x3  }
0x33: {  	p0 =	seq.s32 s10, $0x1;
	s10 =	sld [smem:$0x3FBA];
	_ =	sdelay $0x3  }
0x34: {  	[smem:$0x3FBA] =	sst s10  }
0x35: {  	s10 =	sld [smem:$0x3FB9];
	_ =	sdelay $0x3  }
0x36: {  	p1 =	seq.s32 s10, $0x1;
	s10 =	sld [smem:$0x3FBA];
	_ =	sdelay $0x3  }
0x37: {  	[smem:$0x3FBA] =	sst s10  }
0x38: {  	s10 =	sld [smem:$0x3FBB]  }
0x39: {  	_ = 	snop;
	(pc) =	sbr.ind lr, $3  }
0x3a: {  	_ = 	snop  }
0x3b: {  	_ = 	snop  }
0x3c: {  	p2 =	seq.s32 s10, $0x1;
	s10 =	sld [smem:$0x3FBA]  }
0x3d: {  	_ =	shalt  }
0x3e: {  	_ =	shalt  }
0x3f: {  	_ =	shalt  }
0x40: {  	_ =	shalt  }
0x41: {  	_ =	shalt  }
0x42: {  	_ =	shalt  }
0x43: {  	_ =	shalt  }
0x44: {  	_ =	shalt  }
0x45: {  	_ =	shalt  }
0x46: {  	_ =	shalt  }
0x47: {  	_ =	shalt  }
0x48: {  	_ =	shalt  }
0x49: {  	_ =	shalt  }
0x4a: {  	_ =	shalt  }
0x4b: {  	_ =	shalt  }
0x4c: {  	_ =	shalt  }
0x4d: {  	_ =	shalt  }
0x4e: {  	_ =	shalt  }
0x4f: {  	_ =	shalt  }
0x50: {  	_ =	shalt  }
0x51: {  	_ =	shalt  }
0x52: {  	_ =	shalt  }
0x53: {  	_ =	shalt  }
0x54: {  	_ =	shalt  }
0x55: {  	_ =	shalt  }
0x56: {  	_ =	shalt  }
0x57: {  	_ =	shalt  }
0x58: {  	_ =	shalt  }
0x59: {  	_ =	shalt  }
0x5a: {  	_ =	shalt  }
0x5b: {  	_ =	shalt  }
0x5c: {  	_ =	shalt  }
0x5d: {  	_ =	shalt  }
0x5e: {  	_ =	shalt  }
0x5f: {  	_ =	shalt  }
0x60: {  	_ =	shalt  }
0x61: {  	_ =	shalt  }
0x62: {  	_ =	shalt  }
0x63: {  	_ =	shalt  }
0x64: {  	_ =	shalt  }
0x65: {  	_ =	shalt  }
0x66: {  	_ =	shalt  }
0x67: {  	_ =	shalt  }
0x68: {  	_ =	shalt  }
0x69: {  	_ =	shalt  }
0x6a: {  	_ =	shalt  }
0x6b: {  	_ =	shalt  }
0x6c: {  	_ =	shalt  }
0x6d: {  	_ =	shalt  }
0x6e: {  	_ =	shalt  }
0x6f: {  	_ =	shalt  }
0x70: {  	_ =	shalt  }
0x71: {  	_ =	shalt  }
0x72: {  	_ =	shalt  }
0x73: {  	_ =	shalt  }
0x74: {  	_ =	shalt  }
0x75: {  	_ =	shalt  }
0x76: {  	_ =	shalt  }
0x77: {  	_ =	shalt  }
0x78: {  	_ =	shalt  }
0x79: {  	_ =	shalt  }
0x7a: {  	_ =	shalt  }
0x7b: {  	_ =	shalt  }
0x7c: {  	_ =	shalt  }
0x7d: {  	_ =	shalt  }
0x7e: {  	_ =	shalt  }
0x7f: {  	_ =	shalt  }
0x80: {  	_ =	shalt  }
0x81: {  	_ =	shalt  }
0x82: {  	_ =	shalt  }
0x83: {  	_ =	shalt  }
0x84: {  	_ =	shalt  }
0x85: {  	_ =	shalt  }
0x86: {  	_ =	shalt  }
0x87: {  	_ =	shalt  }
.Lfunc_end0:
.L_simem_size_0:
called_computation_lowered:
.L_overlay_start_0:
0x88: {  	s2 =	sld [smem:$0x3FD9]  }
0x89: {  	s3 =	sld [smem:$0x3FFE];
	_ =	sdelay $0x1  }
0x8a: {  	s1 =	srdreg.scid  }
0x8b: {  	s0 =	sand.u32 $0x1, s1  }
0x8c: {  	s17 =	sshll.u32 s0, $0xA;
	s2 =	sadd.s32 s3, s2  }
0x8d: {  	s2 =	sadd.s32 s2, s17  }
0x8e: {  	[smem:$0x3FC6] =	sst s2  }
0x8f: {  	_ = 	snop  }
0x90: {  	s2 =	sld [smem:$0x3FC9]  }
0x91: {  	s18 =	sld [smem:$0x3FD0];
	(tm) =	ssettm $0x1  }
0x92: {  	s4 =	sld [smem:$0x3FFB];
	_ =	sdelay $0x3  }
0x93: {  	_ =	strace s4  }
0x94: {  	s4 =	sld [smem:$0x3FFC];
	_ =	sdelay $0x3  }
0x95: {  	_ =	strace s4  }
0x96: {  	s4 =	sld [smem:$0x3FFD];
	_ =	sdelay $0x3  }
0x97: {  	_ =	strace s4  }
0x98: {  	_ =	strace $0x8FFFFFFF  }
0x99: {  	s19 =	sld [smem:$0x3FDB];
	_ =	sdelay $0x1  }
0x9a: {  	s5 =	simm.s32 $_scs_section_size  }
0x9b: {  	s6 =	simm.s32 $_size__tile_overlayer_lowered;
	s7 =	simm.s32 $_tile_overlayer_lowered  }
0x9c: {  	s22 =	simm.s32 $0x1BFF;
	s21 =	sshll.u32 s7, $0x1;
	s4 =	sadd.s32 s5, s19  }
0x9d: {  	s8 =	simm.s32 $0x0;
	s20 =	sshll.u32 s6, $0x1;
	s6 =	sadd.s32 s21, s4  }
0x9e: {  	[timem:s8], [sflag:s22] =	dma.local [hbm:s6], s20  }
0x9f: {  	_ =	swait.ge [sflag:s22], s20  }
0xa0: {  	s5 =	ssub.s32 $0x0, s20;
	[sflag:s22] =	ssyncset.done $0x0  }
0xa1: {  	[sflag:s22] =	ssyncadd.s32 s5;
	_ =	sdelay $0x1  }
0xa2: {  	s23 =	simm.s32 $0x1B8B  }
0xa3: {  	_ =	swait.ge [sflag:s23], $0x1  }
0xa4: {  	[sflag:s23] =	ssyncset.done $0x0  }
0xa5: {  	s25 =	simm.s32 $0x1B8E;
	s24 =	sld [smem:$0x3FFE];
	[sflag:s23] =	ssyncadd.s32 $0xFFFFFFFF  }
0xa6: {  	s26 =	simm.s32 $execute0_lowered;
	[smem:$0x3FD2] =	sst s25  }
0xa7: {  	s6 =	sshll.u32 s26, $0x1;
	_ =	strace $0x80000046;
	[dreg:$0x1] =	wrdreg $0xFFFFFFFF  }
0xa8: {  	s28 =	simm.s32 $_size_execute0_lowered;
	s4 =	sadd.s32 s4, s6;
	[dreg:$0x0] =	wrdreg $0x0  }
0xa9: {  	s6 =	sshll.u32 s28, $0x1;
	[dreg:$0x2] =	wrdreg s4  }
0xaa: {  	[dreg:$0x3] =	wrdreg s6  }
0xab: {  	[dreg:$0x4] =	wrdreg $0xC0  }
0xac: {  	_ =	task [dreg:s8], $0x5FFFF  }
0xad: {  	[dreg:$0x1] =	wrdreg $0xFFFFFFFF  }
0xae: {  	[dreg:$0x0] =	wrdreg $0x60  }
0xaf: {  	[dreg:$0x2] =	wrdreg s2  }
0xb0: {  	[dreg:$0x3] =	wrdreg s24  }
0xb1: {  	[dreg:$0x4] =	wrdreg s18  }
0xb2: {  	[dreg:$0x5] =	wrdreg $0x9  }
0xb3: {  	_ =	task.clear_ibuf [dreg:s8], $0x6FFFF;
	_ =	strace $0x90000046  }
0xb4: {  	s29 =	simm.s32 $0x9;
	_ =	strace $0x80000048  }
0xb5: {  	_ =	swait.ge [sflag:s29], $0x1  }
0xb6: {  	[sflag:s29] =	ssyncadd.s32 $0xFFFFFFFF  }
0xb7: {  	_ =	strace $0x90000048  }
0xb8: {  	_ =	sfence  }
0xb9: {  	s30 =	sld [smem:$0x0];
	_ =	sdelay $0x2  }
0xba: {  	s31 =	sshll.u32 s1, $0xD;
	s1 =	sshrl.u32 s1, $0x2  }
0xbb: {  	s3 =	sand.u32 $0x4000, s31;
	s1 =	sadd.s32 s1, s30  }
0xbc: {  	s0 =	sor.u32 s3, s0;
	s1 =	sshll.u32 s1, $0x11  }
0xbd: {  	s0 =	sor.u32 s1, s0  }
0xbe: {  	s0 =	sadd.s32 $0x8F2B, s0  }
0xbf: {  	[sflag:s0] =	ssyncadd.remote.s32 $0x1  }
0xc0: {  	_ =	sfence.sel $0xFFFF  }
0xc1: {  	[dreg:$0x0] =	wrdreg $0xFFFFFFFF;
	(pc) =	sbr.abs _section_cstart, $3  }
0xc2: {  	[dreg:$0x1] =	wrdreg $0xFFFFFFFF  }
0xc3: {  	_ =	task.clear_ibuf [dreg:s8], $0x2FFFF;
	_ =	strace $0x9FFFFFFF  }
0xc4: {  	(tm) =	ssettm $0x7FFFFFFF  }
0xc5: {  	_ =	shalt  }
tec
execute0_lowered:
.L_overlay_start_1:
0x0: {  	(tag) =	ssettag $0x1  }
0x1: {  	s0 =	rddreg [dreg:$0x0]  }
0x2: {  	s3 =	rddreg [dreg:$0x1]  }
0x3: {  	s1 =	rddreg [dreg:$0x2];
	s2 =	simm.s32 $0x0;
	s5 =	srdreg.scid  }
0x4: {  	s7 =	stileid.u32;
	s20 =	simm.s32 $0x5;
	s28 =	simm.s32 $0x9D00  }
0x5: {  	s29 =	simm.s32 $0x2;
	s30 =	simm.s32 $0x3;
	s31 =	simm.s32 $0x0  }
0x6: {  	[smem:$0x7FF] =	sst s2;
	s4 =	sadd.s32 $0x400, s3;
	s17 =	sand.u32 $0x1, s5  }
0x7: {  	s6 =	sshll.u32 s7, $0x1;
	s7 =	sshll.u32 s7, $0x9;
	_ =	strace $0x80000047  }
0x8: {  	s5 =	ssub.s32 $0x2, s17;
	s6 =	sand.u32 $0x2, s6;
	s10 =	sand.u32 $0x1C00, s7  }
0x9: {  	s8 =	sshrl.u32 s5, $0x1;
	s3 =	sor.u32 s17, s6;
	s18 =	sshrl.u32 s10, $0x3  }
0xa: {  	s17 =	simm.s32 $0x400;
	s11 =	ssub.s32 s5, s8;
	s5 =	sadd.s32 s0, s18  }
0xb: {  	s19 =	sshllo.u32 s3, $0x1;
	s21 =	sshll.u32 s3, $0x12;
	s13 =	sshll.u32 s3, $0x1  }
0xc: {  	s6 =	sadd.s32 s18, s1;
	s18 =	simm.s32 $0x2000;
	p0 =	sne.s32 s3, $0x3  }
0xd: {  	s22 =	sadd.s32 $0x1800, s5;
	s7 =	sor.u32 s10, s21;
	s23 =	sshll.u32 s19, $0x11  }
0xe: {  	s24 =	sadd.s32 $0x1C000, s6;
	s15 =	sadd.s32 $0x617400, s6;
	s16 =	smax.u32 s11, $0x1  }
0xf: {  	s21 =	simm.s32 $0x80;
	[dreg:$0x4] =	wrdreg s22;
	s9 =	sshrl.u32 s7, $0x3  }
0x10: {  	v0 =	vlaneseq.u32;
	s8 =	sor.u32 s10, s23;
	[dreg:$0x6] =	wrdreg s24;
	s22 =	simm.s32 $0x1C00  }
0x11: {  	v0 =	vmul.u32 $0x80, v0;
	s23 =	simm.s32 $0x1D00;
	s24 =	simm.s32 $0x1C80;
	s12 =	sshrl.u32 s8, $0x3  }
0x12: {  	s9 =	sadd.s32 s1, s9;
	s14 =	sadd.s32 $0x2FDA000, s8;
	s12 =	sadd.s32 s1, s12  }
0x13: {  	v3 =	vor.u32 $0x800, v0;
	v4 =	vor.u32 $0x1000, v0;
	v5 =	vor.u32 $0x1800, v0;
	s25 =	sadd.s32 $0x5FB400, s9;
	s26 =	sshrl.u32 s14, $0x3;
	[dreg:$0x5] =	wrdreg s12  }
0x14: {  	v6 =	vor.u32 $0x2000, v0;
	v7 =	vor.u32 $0x2800, v0;
	v8 =	vor.u32 $0x3000, v0;
	s12 =	sor.u32 $0xE0000, s10;
	[dreg:$0x7] =	wrdreg s25;
	s10 =	sadd.s32 s1, s26  }
0x15: {  	v9 =	vor.u32 $0x3800, v0;
	v1 =	vmov s13;
	v2 =	vmov s19;
	s25 =	simm.s32 $0x5D00;
	s26 =	simm.s32 $0x1;
	[dreg:$0x8] =	wrdreg s10  }
.LBB2_1:
0x16: {  	[tilespmem:s2], [sflag:$0x5] =	stream.strided.gather [hbm4b:s5+s17], $0x1800, s18, s17, $0x38;
	[tilespmem:$0x11D00] =	vst v63  }
0x17: {  	s0 =	rddreg [dreg:$0x4];
	s3 =	simm.s32 $0x1800  }
0x18: {  	[tilespmem:s3], [sflag:$0x5] =	stream.linear.gather [hbm4b:s0+s2], $0x100, $0x38;
	[tilespmem:$0x11D00] =	vst v63  }
0x19: {  	_ =	swait.ge [sflag:s20], $0x1900  }
0x1a: {  	[sflag:s20] =	ssyncset.done $0x0  }
0x1b: {  	[sflag:s20] =	ssyncadd.s32 $0xFFFFE700  }
0x1c: {  	v10 =	vld [tilespmem:$0x0]  }
0x1d: {  	v11 =	vld [tilespmem:$0x10]  }
0x1e: {  	v12 =	vld [tilespmem:$0x20]  }
0x1f: {  	v13 =	vld [tilespmem:$0x30]  }
0x20: {  	v14 =	vld [tilespmem:$0x40]  }
0x21: {  	v15 =	vld [tilespmem:$0x50];
	v10 =	vshll.u32 v10, $0x3  }
0x22: {  	v16 =	vld [tilespmem:$0x60];
	v11 =	vshll.u32 v11, $0x3;
	v10 =	vor.u32 v1, v10  }
0x23: {  	[tilespmem:$0x1C00] =	vst v10;
	v10 =	vor.u32 v1, v11;
	v11 =	vshll.u32 v12, $0x3;
	v12 =	vld [tilespmem:$0x70]  }
0x24: {  	[tilespmem:$0x1C10] =	vst v10;
	v10 =	vor.u32 v1, v11;
	v11 =	vshll.u32 v13, $0x3  }
0x25: {  	[tilespmem:$0x1C20] =	vst v10;
	v10 =	vor.u32 v1, v11;
	v11 =	vshll.u32 v14, $0x3  }
0x26: {  	[tilespmem:$0x1C30] =	vst v10;
	v10 =	vor.u32 v1, v11;
	v11 =	vshll.u32 v15, $0x3  }
0x27: {  	[tilespmem:$0x1C40] =	vst v10;
	v10 =	vor.u32 v1, v11;
	v11 =	vshll.u32 v16, $0x3  }
0x28: {  	[tilespmem:$0x1C50] =	vst v10;
	v10 =	vor.u32 v1, v11;
	v11 =	vshll.u32 v12, $0x3  }
0x29: {  	[tilespmem:$0x1C60] =	vst v10;
	v10 =	vor.u32 v1, v11  }
0x2a: {  	[tilespmem:$0x1C70] =	vst v10  }
0x2b: {  	[tilespmem:s23], [sflag:$0x1] =	stream.indirect.gather [hbm4b:s4+s21], $0x80, s22, s21, $0xb8;
	[tilespmem:$0x11D00] =	vst v63  }
0x2c: {  	v10 =	vld [tilespmem:$0x0]  }
0x2d: {  	v11 =	vld [tilespmem:$0x10]  }
0x2e: {  	v12 =	vld [tilespmem:$0x20]  }
0x2f: {  	v13 =	vld [tilespmem:$0x30]  }
0x30: {  	v15 =	vld [tilespmem:$0x50]  }
0x31: {  	s19 =	simm.s32 $0x4;
	v14 =	vld [tilespmem:$0x40]  }
0x32: {  	v18 =	vmov s2;
	s10 =	simm.s32 $0x5;
	v19 =	vmov s19;
	v17 =	vld [tilespmem:$0x70]  }
0x33: {  	v20 =	vmov s10;
	v16 =	vld [tilespmem:$0x60];
	v10 =	vshll.u32 v10, $0x3;
	v11 =	vshll.u32 v11, $0x3  }
0x34: {  	v12 =	vshll.u32 v12, $0x3;
	v13 =	vshll.u32 v13, $0x3;
	v10 =	vor.u32 v2, v10  }
0x35: {  	v15 =	vshll.u32 v15, $0x3;
	v11 =	vor.u32 v2, v11;
	v12 =	vor.u32 v2, v12;
	[tilespmem:$0x1C80] =	vst v10  }
0x36: {  	v13 =	vor.u32 v2, v13;
	v10 =	vshll.u32 v14, $0x3;
	v14 =	vand.u32 $0x78, v18;
	[tilespmem:$0x1C90] =	vst v11  }
0x37: {  	[tilespmem:$0x1CA0] =	vst v12;
	v12 =	vor.u32 v2, v15;
	v15 =	vshll.u32 v17, $0x3;
	v11 =	vor.u32 v2, v10  }
0x38: {  	s13 =	simm.s32 $0x2;
	s6 =	simm.s32 $0x7;
	[tilespmem:$0x1CB0] =	vst v13;
	v10 =	vbroadcast v14, $0x0;
	v14 =	vshll.u32 v16, $0x3;
	v15 =	vor.u32 v2, v15  }
0x39: {  	s11 =	simm.s32 $0x1;
	s14 =	simm.s32 $0x3;
	v16 =	vmov s13;
	[tilespmem:$0x1CD0] =	vst v12;
	v13 =	vor.u32 v2, v14;
	v14 =	vmov s6  }
0x3a: {  	v12 =	vmov s14;
	[tilespmem:$0x1CC0] =	vst v11;
	v11 =	vmov s11;
	v14 =	vand.u32 $0x7F, v14  }
0x3b: {  	s11 =	simm.s32 $0x6;
	[tilespmem:$0x1CF0] =	vst v15;
	v18 =	vor.u32 v0, v10;
	v11 =	vand.u32 $0x79, v11;
	v14 =	vbroadcast v14, $0x0  }
0x3c: {  	[tilespmem:$0x1CE0] =	vst v13;
	v21 =	vmov s11;
	v17 =	vbroadcast v11, $0x0;
	v11 =	vand.u32 $0x7A, v16  }
0x3d: {  	[tilespmem:s25], [sflag:$0x2] =	stream.indirect.gather [hbm4b:s4+s21], $0x80, s24, s21, $0xb8;
	v16 =	vbroadcast v11, $0x0;
	v11 =	vand.u32 $0x7B, v12;
	v22 =	vor.u32 v0, v14;
	[tilespmem:$0x11D00] =	vst v63  }
0x3e: {  	_ =	swait.ge [sflag:s26], $0x4000;
	v23 =	vor.u32 v0, v17;
	v15 =	vbroadcast v11, $0x0;
	v11 =	vand.u32 $0x7C, v19  }
0x3f: {  	[sflag:s26] =	ssyncset.done $0x0;
	v19 =	vor.u32 v0, v16;
	v13 =	vbroadcast v11, $0x0;
	v11 =	vand.u32 $0x7D, v20  }
0x40: {  	[sflag:s26] =	ssyncadd.s32 $0xFFFFC000;
	v20 =	vor.u32 v0, v15;
	v12 =	vbroadcast v11, $0x0;
	v11 =	vand.u32 $0x7E, v21  }
0x41: {  	v18 =	vld.idx.msk [tilespmem:v18+s23+$0x0], $0xffff;
	v21 =	vor.u32 v0, v13;
	v11 =	vbroadcast v11, $0x0  }
0x42: {  	v24 =	vor.u32 v0, v12;
	v22 =	vld.idx.msk [tilespmem:v22+s23+$0x0], $0xffff  }
0x43: {  	v23 =	vld.idx.msk [tilespmem:v23+s23+$0x0], $0xffff;
	v25 =	vor.u32 v0, v11  }
0x44: {  	v26 =	vor.u32 v3, v14;
	v19 =	vld.idx.msk [tilespmem:v19+s23+$0x0], $0xffff  }
0x45: {  	v27 =	vor.u32 v3, v17;
	v20 =	vld.idx.msk [tilespmem:v20+s23+$0x0], $0xffff  }
0x46: {  	s0 =	simm.s32 $0x9F00;
	v28 =	vor.u32 v3, v16;
	v21 =	vld.idx.msk [tilespmem:v21+s23+$0x0], $0xffff  }
0x47: {  	v29 =	vor.u32 v3, v15;
	[tilespmem:s0+$0xFFFFFE00] =	vst v18;
	v24 =	vld.idx.msk [tilespmem:v24+s23+$0x0], $0xffff  }
0x48: {  	v30 =	vor.u32 v3, v13;
	v25 =	vld.idx.msk [tilespmem:v25+s23+$0x0], $0xffff;
	[tilespmem:s0+$0x180] =	vst v22  }
0x49: {  	[tilespmem:s0+$0xFFFFFE80] =	vst v23;
	v22 =	vor.u32 v3, v12;
	v23 =	vld.idx.msk [tilespmem:v26+s23+$0x0], $0xffff  }
0x4a: {  	v26 =	vld.idx.msk [tilespmem:v27+s23+$0x0], $0xffff;
	[tilespmem:s0+$0xFFFFFF00] =	vst v19;
	v19 =	vor.u32 v3, v11  }
0x4b: {  	v27 =	vld.idx.msk [tilespmem:v28+s23+$0x0], $0xffff;
	[tilespmem:s0+$0xFFFFFF80] =	vst v20;
	v20 =	vor.u32 v4, v14  }
0x4c: {  	v28 =	vor.u32 v3, v10;
	v29 =	vld.idx.msk [tilespmem:v29+s23+$0x0], $0xffff;
	[tilespmem:s0+$0x0] =	vst v21  }
0x4d: {  	v21 =	vor.u32 v4, v17;
	v30 =	vld.idx.msk [tilespmem:v30+s23+$0x0], $0xffff;
	[tilespmem:s0+$0x80] =	vst v24  }
0x4e: {  	v24 =	vor.u32 v4, v16;
	v22 =	vld.idx.msk [tilespmem:v22+s23+$0x0], $0xffff;
	[tilespmem:s0+$0x100] =	vst v25  }
0x4f: {  	v25 =	vor.u32 v4, v15;
	v19 =	vld.idx.msk [tilespmem:v19+s23+$0x0], $0xffff;
	[tilespmem:s0+$0x190] =	vst v23  }
0x50: {  	v18 =	vor.u32 v4, v13;
	[tilespmem:s0+$0xFFFFFE90] =	vst v26;
	v20 =	vld.idx.msk [tilespmem:v20+s23+$0x0], $0xffff  }
0x51: {  	v26 =	vor.u32 v4, v12;
	v23 =	vld.idx.msk [tilespmem:v28+s23+$0x0], $0xffff;
	[tilespmem:s0+$0xFFFFFF10] =	vst v27  }
0x52: {  	v27 =	vor.u32 v5, v14;
	v21 =	vld.idx.msk [tilespmem:v21+s23+$0x0], $0xffff;
	[tilespmem:s0+$0xFFFFFF90] =	vst v29  }
0x53: {  	v28 =	vor.u32 v4, v11;
	v24 =	vld.idx.msk [tilespmem:v24+s23+$0x0], $0xffff;
	[tilespmem:s0+$0x10] =	vst v30  }
0x54: {  	v29 =	vor.u32 v4, v10;
	v25 =	vld.idx.msk [tilespmem:v25+s23+$0x0], $0xffff;
	[tilespmem:s0+$0x90] =	vst v22  }
0x55: {  	v30 =	vor.u32 v5, v17;
	v18 =	vld.idx.msk [tilespmem:v18+s23+$0x0], $0xffff;
	[tilespmem:s0+$0x110] =	vst v19  }
0x56: {  	v22 =	vor.u32 v5, v16;
	v26 =	vld.idx.msk [tilespmem:v26+s23+$0x0], $0xffff;
	[tilespmem:s0+$0x1A0] =	vst v20  }
0x57: {  	v20 =	vor.u32 v5, v15;
	[tilespmem:s0+$0xFFFFFE10] =	vst v23;
	v19 =	vld.idx.msk [tilespmem:v27+s23+$0x0], $0xffff  }
0x58: {  	v23 =	vor.u32 v5, v13;
	v27 =	vld.idx.msk [tilespmem:v28+s23+$0x0], $0xffff;
	[tilespmem:s0+$0xFFFFFEA0] =	vst v21  }
0x59: {  	v28 =	vld.idx.msk [tilespmem:v29+s23+$0x0], $0xffff;
	v21 =	vor.u32 v6, v14;
	[tilespmem:s0+$0xFFFFFF20] =	vst v24  }
0x5a: {  	v29 =	vld.idx.msk [tilespmem:v30+s23+$0x0], $0xffff;
	v24 =	vor.u32 v5, v12;
	[tilespmem:s0+$0xFFFFFFA0] =	vst v25  }
0x5b: {  	v30 =	vor.u32 v5, v10;
	v22 =	vld.idx.msk [tilespmem:v22+s23+$0x0], $0xffff;
	[tilespmem:s0+$0x20] =	vst v18  }
0x5c: {  	v25 =	vor.u32 v5, v11;
	[tilespmem:s0+$0xA0] =	vst v26;
	v20 =	vld.idx.msk [tilespmem:v20+s23+$0x0], $0xffff  }
0x5d: {  	v18 =	vor.u32 v6, v17;
	v23 =	vld.idx.msk [tilespmem:v23+s23+$0x0], $0xffff;
	[tilespmem:s0+$0x1B0] =	vst v19  }
0x5e: {  	v19 =	vor.u32 v6, v16;
	[tilespmem:s0+$0x120] =	vst v27;
	v21 =	vld.idx.msk [tilespmem:v21+s23+$0x0], $0xffff  }
0x5f: {  	v26 =	vor.u32 v6, v15;
	[tilespmem:s0+$0xFFFFFE20] =	vst v28;
	v24 =	vld.idx.msk [tilespmem:v24+s23+$0x0], $0xffff  }
0x60: {  	v28 =	vld.idx.msk [tilespmem:v30+s23+$0x0], $0xffff;
	[tilespmem:s0+$0xFFFFFEB0] =	vst v29;
	v29 =	vor.u32 v6, v13  }
0x61: {  	v27 =	vor.u32 v7, v14;
	v25 =	vld.idx.msk [tilespmem:v25+s23+$0x0], $0xffff;
	[tilespmem:s0+$0xFFFFFF30] =	vst v22  }
0x62: {  	v18 =	vld.idx.msk [tilespmem:v18+s23+$0x0], $0xffff;
	v22 =	vor.u32 v6, v12;
	[tilespmem:s0+$0xFFFFFFB0] =	vst v20  }
0x63: {  	v30 =	vor.u32 v6, v10;
	[tilespmem:s0+$0x30] =	vst v23;
	v19 =	vld.idx.msk [tilespmem:v19+s23+$0x0], $0xffff  }
0x64: {  	v20 =	vor.u32 v6, v11;
	v26 =	vld.idx.msk [tilespmem:v26+s23+$0x0], $0xffff;
	[tilespmem:s0+$0x1C0] =	vst v21  }
0x65: {  	v21 =	vor.u32 v7, v17;
	v29 =	vld.idx.msk [tilespmem:v29+s23+$0x0], $0xffff;
	[tilespmem:s0+$0xB0] =	vst v24  }
0x66: {  	[tilespmem:s0+$0xFFFFFE30] =	vst v28;
	v23 =	vld.idx.msk [tilespmem:v27+s23+$0x0], $0xffff;
	v27 =	vor.u32 v7, v16  }
0x67: {  	v22 =	vld.idx.msk [tilespmem:v22+s23+$0x0], $0xffff;
	[tilespmem:s0+$0x130] =	vst v25;
	v25 =	vor.u32 v7, v15  }
0x68: {  	v24 =	vor.u32 v8, v14;
	v28 =	vld.idx.msk [tilespmem:v30+s23+$0x0], $0xffff  }
0x69: {  	[tilespmem:s0+$0xFFFFFEC0] =	vst v18;
	v18 =	vor.u32 v7, v13;
	v20 =	vld.idx.msk [tilespmem:v20+s23+$0x0], $0xffff  }
0x6a: {  	[tilespmem:s0+$0xFFFFFF40] =	vst v19;
	v19 =	vor.u32 v7, v12;
	v21 =	vld.idx.msk [tilespmem:v21+s23+$0x0], $0xffff  }
0x6b: {  	v30 =	vor.u32 v7, v11;
	[tilespmem:s0+$0xFFFFFFC0] =	vst v26;
	v27 =	vld.idx.msk [tilespmem:v27+s23+$0x0], $0xffff  }
0x6c: {  	[tilespmem:s0+$0x1D0] =	vst v23;
	v23 =	vor.u32 v7, v10;
	v25 =	vld.idx.msk [tilespmem:v25+s23+$0x0], $0xffff  }
0x6d: {  	v26 =	vor.u32 v8, v17;
	[tilespmem:s0+$0x40] =	vst v29;
	v24 =	vld.idx.msk [tilespmem:v24+s23+$0x0], $0xffff  }
0x6e: {  	v14 =	vor.u32 v9, v14;
	v18 =	vld.idx.msk [tilespmem:v18+s23+$0x0], $0xffff;
	[tilespmem:s0+$0xC0] =	vst v22  }
0x6f: {  	v22 =	vor.u32 v8, v16;
	[tilespmem:s0+$0x140] =	vst v20;
	v31 =	vld.idx.msk [tilespmem:v19+s23+$0x0], $0xffff  }
0x70: {  	s3 =	simm.s32 $0x8;
	[tilespmem:s0+$0xFFFFFE40] =	vst v28;
	v20 =	vor.u32 v8, v15;
	v28 =	vld.idx.msk [tilespmem:v30+s23+$0x0], $0xffff  }
0x71: {  	[tilespmem:s0+$0xFFFFFED0] =	vst v21;
	v21 =	vor.u32 v8, v13;
	v32 =	vld.idx.msk [tilespmem:v23+s23+$0x0], $0xffff;
	v23 =	vmov s3  }
0x72: {  	v33 =	vor.u32 v8, v12;
	v19 =	vld.idx.msk [tilespmem:v26+s23+$0x0], $0xffff;
	[tilespmem:s0+$0x1E0] =	vst v24;
	v23 =	vand.u32 $0x78, v23  }
0x73: {  	v34 =	vor.u32 v8, v11;
	[tilespmem:s0+$0xFFFFFF50] =	vst v27;
	v29 =	vld.idx.msk [tilespmem:v14+s23+$0x0], $0xffff;
	v14 =	vbroadcast v23, $0x0  }
0x74: {  	v30 =	vor.u32 v8, v10;
	[tilespmem:s0+$0xFFFFFFD0] =	vst v25;
	v23 =	vld.idx.msk [tilespmem:v22+s23+$0x0], $0xffff  }
0x75: {  	[tilespmem:s0+$0x50] =	vst v18;
	v20 =	vld.idx.msk [tilespmem:v20+s23+$0x0], $0xffff;
	v18 =	vor.u32 v0, v14  }
0x76: {  	s10 =	simm.s32 $0xA;
	s13 =	simm.s32 $0x9;
	v26 =	vor.u32 v9, v17;
	[tilespmem:s0+$0xD0] =	vst v31;
	v21 =	vld.idx.msk [tilespmem:v21+s23+$0x0], $0xffff  }
0x77: {  	s19 =	simm.s32 $0xC;
	s14 =	simm.s32 $0xB;
	v16 =	vor.u32 v9, v16;
	v17 =	vmov s13;
	v27 =	vmov s10;
	[tilespmem:s0+$0x150] =	vst v28;
	v22 =	vld.idx.msk [tilespmem:v33+s23+$0x0], $0xffff  }
0x78: {  	s6 =	simm.s32 $0x10;
	s11 =	simm.s32 $0xD;
	v15 =	vor.u32 v9, v15;
	s10 =	simm.s32 $0xF;
	v24 =	vmov s19;
	v28 =	vmov s14;
	v25 =	vld.idx.msk [tilespmem:v34+s23+$0x0], $0xffff;
	[tilespmem:s0+$0xFFFFFE50] =	vst v32  }
.LBB2_2:
0x79: {  	p1 =	slt.u32 s6, $0x78;
	v31 =	vmov s11;
	s11 =	sadd.s32 $0x6, s3;
	v32 =	vmov s10;
	v30 =	vld.idx.msk [tilespmem:v30+s23+$0x0], $0xffff;
	v13 =	vor.u32 v9, v13;
	[tilespmem:s0+$0x1F0] =	vst v29;
	s3 =	smov.u32 s6  }
0x7a: {  	v12 =	vor.u32 v9, v12;
	v29 =	vld.idx.msk [tilespmem:v18+s23+$0x0], $0xffff;
	v33 =	vmov s11;
	v18 =	vand.u32 $0x7F, v32;
	[tilespmem:s0+$0xFFFFFEE0] =	vst v19  }
0x7b: {  	v17 =	vand.u32 $0x79, v17;
	v11 =	vor.u32 v9, v11;
	v18 =	vbroadcast v18, $0x0;
	v19 =	vld.idx.msk [tilespmem:v26+s23+$0x0], $0xffff;
	[tilespmem:s0+$0xFFFFFF60] =	vst v23  }
0x7c: {  	v17 =	vbroadcast v17, $0x0;
	v23 =	vand.u32 $0x7A, v27;
	v26 =	vor.u32 v9, v10;
	v10 =	vmovc v14;
	v27 =	vld.idx.msk [tilespmem:v16+s23+$0x0], $0xffff;
	[tilespmem:s0+$0xFFFFFFE0] =	vst v20  }
0x7d: {  	v14 =	vand.u32 $0x7B, v28;
	v16 =	vbroadcast v23, $0x0;
	v20 =	vor.u32 v0, v18;
	v23 =	vld.idx.msk [tilespmem:v15+s23+$0x0], $0xffff;
	[tilespmem:s0+$0x60] =	vst v21  }
0x7e: {  	v21 =	vor.u32 v0, v17;
	v15 =	vbroadcast v14, $0x0;
	v14 =	vand.u32 $0x7C, v24;
	v24 =	vld.idx.msk [tilespmem:v13+s23+$0x0], $0xffff;
	[tilespmem:s0+$0xE0] =	vst v22  }
0x7f: {  	v22 =	vor.u32 v0, v16;
	v13 =	vbroadcast v14, $0x0;
	v14 =	vand.u32 $0x7D, v31;
	v28 =	vld.idx.msk [tilespmem:v12+s23+$0x0], $0xffff;
	[tilespmem:s0+$0x160] =	vst v25  }
0x80: {  	v25 =	vor.u32 v0, v15;
	v12 =	vbroadcast v14, $0x0;
	v14 =	vand.u32 $0x7E, v33;
	[tilespmem:s0+$0xFFFFFE60] =	vst v30;
	v30 =	vld.idx.msk [tilespmem:v11+s23+$0x0], $0xffff  }
0x81: {  	v31 =	vor.u32 v0, v13;
	v11 =	vbroadcast v14, $0x0;
	v14 =	vld.idx.msk [tilespmem:v26+s23+$0x0], $0xffff;
	[tilespmem:s0+$0xFFFFFEF0] =	vst v19  }
0x82: {  	v19 =	vor.u32 v0, v12;
	v20 =	vld.idx.msk [tilespmem:v20+s23+$0x0], $0xffff;
	[tilespmem:s0+$0xFFFFFF70] =	vst v27  }
0x83: {  	v26 =	vor.u32 v0, v11;
	v21 =	vld.idx.msk [tilespmem:v21+s23+$0x0], $0xffff;
	[tilespmem:s0+$0xFFFFFFF0] =	vst v23  }
0x84: {  	v23 =	vor.u32 v3, v18;
	v22 =	vld.idx.msk [tilespmem:v22+s23+$0x0], $0xffff;
	[tilespmem:s0+$0x70] =	vst v24  }
0x85: {  	v24 =	vor.u32 v3, v17;
	v25 =	vld.idx.msk [tilespmem:v25+s23+$0x0], $0xffff;
	[tilespmem:s0+$0xF0] =	vst v28  }
0x86: {  	v27 =	vor.u32 v3, v16;
	v28 =	vld.idx.msk [tilespmem:v31+s23+$0x0], $0xffff;
	[tilespmem:s0+$0x170] =	vst v30  }
0x87: {  	v30 =	vor.u32 v3, v15;
	v19 =	vld.idx.msk [tilespmem:v19+s23+$0x0], $0xffff;
	[tilespmem:s0+$0xFFFFFE70] =	vst v14;
	s0 =	sadd.s32 $0x400, s0  }
0x88: {  	v14 =	vor.u32 v3, v13;
	v26 =	vld.idx.msk [tilespmem:v26+s23+$0x0], $0xffff;
	[tilespmem:s0+$0x180] =	vst v20  }
0x89: {  	v20 =	vor.u32 v3, v12;
	[tilespmem:s0+$0xFFFFFE80] =	vst v21;
	v21 =	vld.idx.msk [tilespmem:v23+s23+$0x0], $0xffff  }
0x8a: {  	v23 =	vld.idx.msk [tilespmem:v24+s23+$0x0], $0xffff;
	[tilespmem:s0+$0xFFFFFF00] =	vst v22;
	v22 =	vor.u32 v3, v11  }
0x8b: {  	v24 =	vld.idx.msk [tilespmem:v27+s23+$0x0], $0xffff;
	[tilespmem:s0+$0xFFFFFF80] =	vst v25;
	v25 =	vor.u32 v4, v18  }
0x8c: {  	v27 =	vor.u32 v3, v10;
	v30 =	vld.idx.msk [tilespmem:v30+s23+$0x0], $0xffff;
	[tilespmem:s0+$0x0] =	vst v28  }
0x8d: {  	v28 =	vor.u32 v4, v17;
	v14 =	vld.idx.msk [tilespmem:v14+s23+$0x0], $0xffff;
	[tilespmem:s0+$0x80] =	vst v19  }
0x8e: {  	v19 =	vor.u32 v4, v16;
	v20 =	vld.idx.msk [tilespmem:v20+s23+$0x0], $0xffff;
	[tilespmem:s0+$0x100] =	vst v26  }
0x8f: {  	v26 =	vor.u32 v4, v15;
	v22 =	vld.idx.msk [tilespmem:v22+s23+$0x0], $0xffff;
	[tilespmem:s0+$0x190] =	vst v21  }
0x90: {  	v21 =	vor.u32 v4, v13;
	[tilespmem:s0+$0xFFFFFE00] =	vst v29;
	v25 =	vld.idx.msk [tilespmem:v25+s23+$0x0], $0xffff  }
0x91: {  	v27 =	vld.idx.msk [tilespmem:v27+s23+$0x0], $0xffff;
	[tilespmem:s0+$0xFFFFFE90] =	vst v23;
	v23 =	vor.u32 v4, v12  }
0x92: {  	v28 =	vld.idx.msk [tilespmem:v28+s23+$0x0], $0xffff;
	[tilespmem:s0+$0xFFFFFF10] =	vst v24;
	v24 =	vor.u32 v5, v18  }
0x93: {  	v29 =	vor.u32 v4, v11;
	v19 =	vld.idx.msk [tilespmem:v19+s23+$0x0], $0xffff;
	[tilespmem:s0+$0xFFFFFF90] =	vst v30  }
0x94: {  	v30 =	vor.u32 v4, v10;
	v26 =	vld.idx.msk [tilespmem:v26+s23+$0x0], $0xffff;
	[tilespmem:s0+$0x10] =	vst v14  }
0x95: {  	v14 =	vor.u32 v5, v17;
	v21 =	vld.idx.msk [tilespmem:v21+s23+$0x0], $0xffff;
	[tilespmem:s0+$0x90] =	vst v20  }
0x96: {  	v20 =	vor.u32 v5, v16;
	v23 =	vld.idx.msk [tilespmem:v23+s23+$0x0], $0xffff;
	[tilespmem:s0+$0x1A0] =	vst v25  }
0x97: {  	v25 =	vor.u32 v5, v15;
	[tilespmem:s0+$0x110] =	vst v22;
	v22 =	vld.idx.msk [tilespmem:v24+s23+$0x0], $0xffff  }
0x98: {  	v24 =	vor.u32 v5, v13;
	[tilespmem:s0+$0xFFFFFE10] =	vst v27;
	v27 =	vld.idx.msk [tilespmem:v29+s23+$0x0], $0xffff  }
0x99: {  	v29 =	vld.idx.msk [tilespmem:v30+s23+$0x0], $0xffff;
	[tilespmem:s0+$0xFFFFFEA0] =	vst v28;
	v28 =	vor.u32 v6, v18  }
0x9a: {  	v14 =	vld.idx.msk [tilespmem:v14+s23+$0x0], $0xffff;
	[tilespmem:s0+$0xFFFFFF20] =	vst v19;
	v19 =	vor.u32 v5, v12  }
0x9b: {  	v20 =	vld.idx.msk [tilespmem:v20+s23+$0x0], $0xffff;
	[tilespmem:s0+$0xFFFFFFA0] =	vst v26;
	v26 =	vor.u32 v5, v11  }
0x9c: {  	v30 =	vor.u32 v5, v10;
	v25 =	vld.idx.msk [tilespmem:v25+s23+$0x0], $0xffff;
	[tilespmem:s0+$0x20] =	vst v21  }
0x9d: {  	v21 =	vor.u32 v6, v17;
	v24 =	vld.idx.msk [tilespmem:v24+s23+$0x0], $0xffff;
	[tilespmem:s0+$0x1B0] =	vst v22  }
0x9e: {  	v22 =	vor.u32 v6, v16;
	[tilespmem:s0+$0xA0] =	vst v23;
	v23 =	vld.idx.msk [tilespmem:v28+s23+$0x0], $0xffff  }
0x9f: {  	v28 =	vor.u32 v6, v15;
	v19 =	vld.idx.msk [tilespmem:v19+s23+$0x0], $0xffff;
	[tilespmem:s0+$0x120] =	vst v27  }
0xa0: {  	v27 =	vor.u32 v7, v18;
	[tilespmem:s0+$0xFFFFFE20] =	vst v29;
	v26 =	vld.idx.msk [tilespmem:v26+s23+$0x0], $0xffff  }
0xa1: {  	v29 =	vld.idx.msk [tilespmem:v30+s23+$0x0], $0xffff;
	[tilespmem:s0+$0xFFFFFEB0] =	vst v14;
	v14 =	vor.u32 v6, v13  }
0xa2: {  	v21 =	vld.idx.msk [tilespmem:v21+s23+$0x0], $0xffff;
	[tilespmem:s0+$0xFFFFFF30] =	vst v20;
	v20 =	vor.u32 v6, v12  }
0xa3: {  	v22 =	vld.idx.msk [tilespmem:v22+s23+$0x0], $0xffff;
	[tilespmem:s0+$0xFFFFFFB0] =	vst v25;
	v25 =	vor.u32 v6, v11  }
0xa4: {  	v30 =	vor.u32 v6, v10;
	v28 =	vld.idx.msk [tilespmem:v28+s23+$0x0], $0xffff;
	[tilespmem:s0+$0x1C0] =	vst v23  }
0xa5: {  	v23 =	vor.u32 v7, v17;
	[tilespmem:s0+$0x30] =	vst v24;
	v24 =	vld.idx.msk [tilespmem:v27+s23+$0x0], $0xffff  }
0xa6: {  	v27 =	vor.u32 v7, v16;
	v14 =	vld.idx.msk [tilespmem:v14+s23+$0x0], $0xffff;
	[tilespmem:s0+$0xB0] =	vst v19  }
0xa7: {  	v19 =	vld.idx.msk [tilespmem:v20+s23+$0x0], $0xffff;
	[tilespmem:s0+$0x130] =	vst v26;
	v20 =	vor.u32 v8, v18  }
0xa8: {  	v26 =	vor.u32 v7, v15;
	[tilespmem:s0+$0xFFFFFE30] =	vst v29;
	v25 =	vld.idx.msk [tilespmem:v25+s23+$0x0], $0xffff  }
0xa9: {  	v29 =	vld.idx.msk [tilespmem:v30+s23+$0x0], $0xffff;
	[tilespmem:s0+$0xFFFFFEC0] =	vst v21;
	v21 =	vor.u32 v7, v13  }
0xaa: {  	v23 =	vld.idx.msk [tilespmem:v23+s23+$0x0], $0xffff;
	[tilespmem:s0+$0xFFFFFF40] =	vst v22;
	v22 =	vor.u32 v7, v12  }
0xab: {  	v30 =	vor.u32 v7, v11;
	v27 =	vld.idx.msk [tilespmem:v27+s23+$0x0], $0xffff;
	[tilespmem:s0+$0x1D0] =	vst v24  }
0xac: {  	v24 =	vor.u32 v7, v10;
	[tilespmem:s0+$0xFFFFFFC0] =	vst v28;
	v20 =	vld.idx.msk [tilespmem:v20+s23+$0x0], $0xffff  }
0xad: {  	v28 =	vor.u32 v8, v17;
	v26 =	vld.idx.msk [tilespmem:v26+s23+$0x0], $0xffff;
	[tilespmem:s0+$0x40] =	vst v14  }
0xae: {  	v18 =	vor.u32 v9, v18;
	v21 =	vld.idx.msk [tilespmem:v21+s23+$0x0], $0xffff;
	[tilespmem:s0+$0xC0] =	vst v19  }
0xaf: {  	v31 =	vor.u32 v8, v16;
	v22 =	vld.idx.msk [tilespmem:v22+s23+$0x0], $0xffff;
	[tilespmem:s0+$0x140] =	vst v25  }
0xb0: {  	v25 =	vor.u32 v8, v15;
	[tilespmem:s0+$0xFFFFFE40] =	vst v29;
	v32 =	vld.idx.msk [tilespmem:v30+s23+$0x0], $0xffff  }
0xb1: {  	v14 =	vmov s6;
	v33 =	vld.idx.msk [tilespmem:v24+s23+$0x0], $0xffff;
	[tilespmem:s0+$0xFFFFFED0] =	vst v23;
	v24 =	vor.u32 v8, v13  }
0xb2: {  	v14 =	vand.u32 $0x78, v14;
	v19 =	vld.idx.msk [tilespmem:v28+s23+$0x0], $0xffff;
	v28 =	vor.u32 v8, v12;
	[tilespmem:s0+$0x1E0] =	vst v20  }
0xb3: {  	v34 =	vor.u32 v8, v11;
	v14 =	vbroadcast v14, $0x0;
	[tilespmem:s0+$0xFFFFFF50] =	vst v27;
	v29 =	vld.idx.msk [tilespmem:v18+s23+$0x0], $0xffff  }
.Ltmp0:
0xb4: {  	v30 =	vor.u32 v8, v10;
	v23 =	vld.idx.msk [tilespmem:v31+s23+$0x0], $0xffff;
	[tilespmem:s0+$0xFFFFFFD0] =	vst v26;
	(pc) =	sbr.rel @p1 .LBB2_2-.Ltmp0, $4  }
0xb5: {  	v18 =	vor.u32 v0, v14;
	v20 =	vld.idx.msk [tilespmem:v25+s23+$0x0], $0xffff;
	[tilespmem:s0+$0x50] =	vst v21  }
0xb6: {  	s10 =	sadd.s32 $0x1, s6;
	s11 =	sadd.s32 $0x2, s6;
	v26 =	vor.u32 v9, v17;
	v21 =	vld.idx.msk [tilespmem:v24+s23+$0x0], $0xffff;
	[tilespmem:s0+$0xD0] =	vst v22  }
0xb7: {  	v16 =	vor.u32 v9, v16;
	v27 =	vmov s11;
	s11 =	sadd.s32 $0x4, s6;
	v17 =	vmov s10;
	s10 =	sadd.s32 $0x3, s6;
	v22 =	vld.idx.msk [tilespmem:v28+s23+$0x0], $0xffff;
	[tilespmem:s0+$0x150] =	vst v32  }
0xb8: {  	v15 =	vor.u32 v9, v15;
	s6 =	sadd.s32 $0x8, s6;
	v24 =	vmov s11;
	s11 =	sadd.s32 $0x5, s3;
	v28 =	vmov s10;
	s10 =	sadd.s32 $0x7, s3;
	[tilespmem:s0+$0xFFFFFE50] =	vst v33;
	v25 =	vld.idx.msk [tilespmem:v34+s23+$0x0], $0xffff  }
0xb9: {  	_ =	sdelay $0x2  }
0xba: {  	[tilespmem:s0+$0x1F0] =	vst v29;
	v29 =	vmov s11  }
0xbb: {  	s3 =	sadd.s32 $0x6, s3;
	v31 =	vmov s10;
	v13 =	vor.u32 v9, v13;
	[tilespmem:s0+$0xFFFFFEE0] =	vst v19;
	v19 =	vld.idx.msk [tilespmem:v30+s23+$0x0], $0xffff;
	v32 =	vor.u32 v9, v12  }
0xbc: {  	[tilespmem:s0+$0xFFFFFF60] =	vst v23;
	v12 =	vand.u32 $0x79, v17;
	v18 =	vld.idx.msk [tilespmem:v18+s23+$0x0], $0xffff;
	v30 =	vmov s3;
	v31 =	vand.u32 $0x7F, v31  }
0xbd: {  	v23 =	vld.idx.msk [tilespmem:v26+s23+$0x0], $0xffff;
	v26 =	vor.u32 v9, v11;
	[tilespmem:s0+$0xFFFFFFE0] =	vst v20;
	v11 =	vbroadcast v12, $0x0;
	v12 =	vand.u32 $0x7A, v27  }
0xbe: {  	v20 =	vor.u32 v9, v10;
	v27 =	vld.idx.msk [tilespmem:v16+s23+$0x0], $0xffff;
	v17 =	vbroadcast v31, $0x0;
	[tilespmem:s0+$0x60] =	vst v21;
	v10 =	vbroadcast v12, $0x0  }
0xbf: {  	v12 =	vand.u32 $0x7B, v28;
	v28 =	vld.idx.msk [tilespmem:v15+s23+$0x0], $0xffff;
	v15 =	vand.u32 $0x7C, v24;
	[tilespmem:s0+$0xE0] =	vst v22;
	v22 =	vor.u32 v0, v11  }
0xc0: {  	v16 =	vand.u32 $0x7E, v30;
	v12 =	vbroadcast v12, $0x0;
	v21 =	vor.u32 v0, v17;
	[tilespmem:s0+$0x160] =	vst v25;
	v24 =	vld.idx.msk [tilespmem:v13+s23+$0x0], $0xffff  }
0xc1: {  	s6 =	sadd.s32 $0x400, s0;
	v25 =	vor.u32 v0, v10;
	v13 =	vbroadcast v15, $0x0;
	v15 =	vand.u32 $0x7D, v29;
	v29 =	vld.idx.msk [tilespmem:v32+s23+$0x0], $0xffff;
	[tilespmem:s0+$0xFFFFFE60] =	vst v19  }
0xc2: {  	v16 =	vbroadcast v16, $0x0;
	v19 =	vor.u32 v0, v12;
	[tilespmem:s6+$0xFFFFFE00] =	vst v18;
	v26 =	vld.idx.msk [tilespmem:v26+s23+$0x0], $0xffff  }
0xc3: {  	v15 =	vbroadcast v15, $0x0;
	[tilespmem:s0+$0xFFFFFEF0] =	vst v23;
	v20 =	vld.idx.msk [tilespmem:v20+s23+$0x0], $0xffff;
	v23 =	vor.u32 v0, v13  }
0xc4: {  	[tilespmem:s0+$0xFFFFFFF0] =	vst v28;
	v28 =	vor.u32 v0, v16;
	v22 =	vld.idx.msk [tilespmem:v22+s23+$0x0], $0xffff  }
0xc5: {  	[tilespmem:s0+$0xFFFFFF70] =	vst v27;
	v27 =	vor.u32 v0, v15;
	v21 =	vld.idx.msk [tilespmem:v21+s23+$0x0], $0xffff  }
0xc6: {  	[tilespmem:s0+$0x70] =	vst v24;
	v24 =	vld.idx.msk [tilespmem:v25+s23+$0x0], $0xffff;
	v25 =	vor.u32 v3, v17  }
0xc7: {  	v19 =	vld.idx.msk [tilespmem:v19+s23+$0x0], $0xffff;
	[tilespmem:s0+$0x170] =	vst v26;
	v26 =	vor.u32 v3, v11  }
0xc8: {  	[tilespmem:s0+$0xFFFFFE70] =	vst v20;
	v20 =	vor.u32 v3, v10;
	v23 =	vld.idx.msk [tilespmem:v23+s23+$0x0], $0xffff  }
0xc9: {  	v28 =	vld.idx.msk [tilespmem:v28+s23+$0x0], $0xffff;
	[tilespmem:s6+$0xFFFFFE80] =	vst v22;
	v22 =	vor.u32 v3, v13  }
0xca: {  	v27 =	vld.idx.msk [tilespmem:v27+s23+$0x0], $0xffff;
	[tilespmem:s6+$0x180] =	vst v21;
	v21 =	vor.u32 v3, v12  }
0xcb: {  	v25 =	vld.idx.msk [tilespmem:v25+s23+$0x0], $0xffff;
	[tilespmem:s6+$0xFFFFFF00] =	vst v24;
	v24 =	vor.u32 v3, v15  }
0xcc: {  	[tilespmem:s6+$0xFFFFFF80] =	vst v19;
	v19 =	vld.idx.msk [tilespmem:v26+s23+$0x0], $0xffff;
	v26 =	vor.u32 v4, v17  }
0xcd: {  	v20 =	vld.idx.msk [tilespmem:v20+s23+$0x0], $0xffff;
	[tilespmem:s6+$0x0] =	vst v23;
	v23 =	vor.u32 v3, v16  }
0xce: {  	[tilespmem:s6+$0x100] =	vst v28;
	v28 =	vor.u32 v4, v11;
	v22 =	vld.idx.msk [tilespmem:v22+s23+$0x0], $0xffff  }
0xcf: {  	[tilespmem:s6+$0x80] =	vst v27;
	v27 =	vor.u32 v3, v14;
	v21 =	vld.idx.msk [tilespmem:v21+s23+$0x0], $0xffff  }
0xd0: {  	[tilespmem:s6+$0x190] =	vst v25;
	v24 =	vld.idx.msk [tilespmem:v24+s23+$0x0], $0xffff  }
0xd1: {  	[tilespmem:s0+$0xF0] =	vst v29;
	v25 =	vor.u32 v4, v10;
	v26 =	vld.idx.msk [tilespmem:v26+s23+$0x0], $0xffff  }
0xd2: {  	v18 =	vor.u32 v4, v12;
	[tilespmem:s6+$0xFFFFFE90] =	vst v19;
	v19 =	vld.idx.msk [tilespmem:v23+s23+$0x0], $0xffff  }
0xd3: {  	[tilespmem:s6+$0xFFFFFF10] =	vst v20;
	v23 =	vor.u32 v4, v13;
	v28 =	vld.idx.msk [tilespmem:v28+s23+$0x0], $0xffff  }
0xd4: {  	v20 =	vld.idx.msk [tilespmem:v27+s23+$0x0], $0xffff;
	v27 =	vor.u32 v5, v17;
	[tilespmem:s6+$0x10] =	vst v22  }
0xd5: {  	[tilespmem:s6+$0xFFFFFF90] =	vst v21;
	v21 =	vor.u32 v4, v15  }
0xd6: {  	v22 =	vld.idx.msk [tilespmem:v25+s23+$0x0], $0xffff;
	v25 =	vor.u32 v4, v16;
	[tilespmem:s6+$0x90] =	vst v24  }
0xd7: {  	v24 =	vor.u32 v4, v14;
	v18 =	vld.idx.msk [tilespmem:v18+s23+$0x0], $0xffff;
	[tilespmem:s6+$0x1A0] =	vst v26  }
0xd8: {  	v26 =	vor.u32 v5, v11;
	v23 =	vld.idx.msk [tilespmem:v23+s23+$0x0], $0xffff;
	[tilespmem:s6+$0x110] =	vst v19  }
0xd9: {  	v19 =	vor.u32 v5, v10;
	[tilespmem:s6+$0xFFFFFEA0] =	vst v28;
	v27 =	vld.idx.msk [tilespmem:v27+s23+$0x0], $0xffff  }
0xda: {  	[tilespmem:s6+$0xFFFFFE10] =	vst v20;
	v20 =	vld.idx.msk [tilespmem:v21+s23+$0x0], $0xffff;
	v21 =	vor.u32 v5, v12  }
0xdb: {  	v28 =	vor.u32 v6, v17;
	v25 =	vld.idx.msk [tilespmem:v25+s23+$0x0], $0xffff;
	[tilespmem:s6+$0xFFFFFF20] =	vst v22  }
0xdc: {  	v22 =	vor.u32 v5, v13;
	v24 =	vld.idx.msk [tilespmem:v24+s23+$0x0], $0xffff;
	[tilespmem:s6+$0xFFFFFFA0] =	vst v18  }
0xdd: {  	v18 =	vld.idx.msk [tilespmem:v26+s23+$0x0], $0xffff;
	v26 =	vor.u32 v5, v15;
	[tilespmem:s6+$0x20] =	vst v23  }
0xde: {  	v19 =	vld.idx.msk [tilespmem:v19+s23+$0x0], $0xffff;
	v23 =	vor.u32 v5, v16;
	[tilespmem:s6+$0x1B0] =	vst v27  }
0xdf: {  	v27 =	vor.u32 v5, v14;
	v21 =	vld.idx.msk [tilespmem:v21+s23+$0x0], $0xffff;
	[tilespmem:s6+$0xA0] =	vst v20  }
0xe0: {  	v20 =	vor.u32 v6, v11;
	v28 =	vld.idx.msk [tilespmem:v28+s23+$0x0], $0xffff;
	[tilespmem:s6+$0x120] =	vst v25  }
0xe1: {  	v22 =	vld.idx.msk [tilespmem:v22+s23+$0x0], $0xffff;
	v25 =	vor.u32 v6, v10;
	[tilespmem:s6+$0xFFFFFE20] =	vst v24  }
0xe2: {  	v24 =	vld.idx.msk [tilespmem:v26+s23+$0x0], $0xffff;
	v26 =	vor.u32 v7, v17;
	[tilespmem:s6+$0xFFFFFEB0] =	vst v18  }
0xe3: {  	v18 =	vor.u32 v6, v12;
	v23 =	vld.idx.msk [tilespmem:v23+s23+$0x0], $0xffff;
	[tilespmem:s6+$0xFFFFFF30] =	vst v19  }
0xe4: {  	v19 =	vld.idx.msk [tilespmem:v27+s23+$0x0], $0xffff;
	v27 =	vor.u32 v6, v13;
	[tilespmem:s6+$0xFFFFFFB0] =	vst v21  }
0xe5: {  	v20 =	vld.idx.msk [tilespmem:v20+s23+$0x0], $0xffff;
	v21 =	vor.u32 v6, v15;
	[tilespmem:s6+$0x1C0] =	vst v28  }
0xe6: {  	v28 =	vor.u32 v6, v16;
	v25 =	vld.idx.msk [tilespmem:v25+s23+$0x0], $0xffff;
	[tilespmem:s6+$0x30] =	vst v22  }
0xe7: {  	v22 =	vor.u32 v6, v14;
	v26 =	vld.idx.msk [tilespmem:v26+s23+$0x0], $0xffff;
	[tilespmem:s6+$0xB0] =	vst v24  }
0xe8: {  	v18 =	vld.idx.msk [tilespmem:v18+s23+$0x0], $0xffff;
	v24 =	vor.u32 v7, v11;
	[tilespmem:s6+$0x130] =	vst v23  }
0xe9: {  	v23 =	vld.idx.msk [tilespmem:v27+s23+$0x0], $0xffff;
	v27 =	vor.u32 v8, v17;
	[tilespmem:s6+$0xFFFFFE30] =	vst v19  }
0xea: {  	v19 =	vor.u32 v7, v10;
	v21 =	vld.idx.msk [tilespmem:v21+s23+$0x0], $0xffff;
	[tilespmem:s6+$0xFFFFFEC0] =	vst v20  }
0xeb: {  	v20 =	vor.u32 v7, v12;
	v28 =	vld.idx.msk [tilespmem:v28+s23+$0x0], $0xffff;
	[tilespmem:s6+$0xFFFFFF40] =	vst v25  }
0xec: {  	v22 =	vld.idx.msk [tilespmem:v22+s23+$0x0], $0xffff;
	v25 =	vor.u32 v7, v13;
	[tilespmem:s6+$0x1D0] =	vst v26  }
0xed: {  	v24 =	vld.idx.msk [tilespmem:v24+s23+$0x0], $0xffff;
	v26 =	vor.u32 v7, v15;
	[tilespmem:s6+$0xFFFFFFC0] =	vst v18  }
0xee: {  	v18 =	vor.u32 v7, v16;
	v27 =	vld.idx.msk [tilespmem:v27+s23+$0x0], $0xffff;
	[tilespmem:s6+$0x40] =	vst v23  }
0xef: {  	v19 =	vld.idx.msk [tilespmem:v19+s23+$0x0], $0xffff;
	v23 =	vor.u32 v7, v14;
	[tilespmem:s6+$0xC0] =	vst v21  }
0xf0: {  	v17 =	vor.u32 v9, v17;
	v20 =	vld.idx.msk [tilespmem:v20+s23+$0x0], $0xffff;
	[tilespmem:s6+$0x140] =	vst v28  }
0xf1: {  	v21 =	vor.u32 v8, v11;
	v25 =	vld.idx.msk [tilespmem:v25+s23+$0x0], $0xffff;
	[tilespmem:s6+$0xFFFFFE40] =	vst v22  }
0xf2: {  	v22 =	vor.u32 v8, v10;
	v26 =	vld.idx.msk [tilespmem:v26+s23+$0x0], $0xffff;
	[tilespmem:s6+$0xFFFFFED0] =	vst v24  }
0xf3: {  	v24 =	vor.u32 v8, v12;
	v18 =	vld.idx.msk [tilespmem:v18+s23+$0x0], $0xffff;
	[tilespmem:s6+$0x1E0] =	vst v27  }
0xf4: {  	v23 =	vld.idx.msk [tilespmem:v23+s23+$0x0], $0xffff;
	v27 =	vor.u32 v8, v13;
	[tilespmem:s6+$0xFFFFFF50] =	vst v19  }
0xf5: {  	v19 =	vor.u32 v8, v15;
	v17 =	vld.idx.msk [tilespmem:v17+s23+$0x0], $0xffff;
	[tilespmem:s6+$0xFFFFFFD0] =	vst v20  }
0xf6: {  	v20 =	vld.idx.msk [tilespmem:v21+s23+$0x0], $0xffff;
	v21 =	vor.u32 v8, v16;
	[tilespmem:s6+$0x50] =	vst v25  }
0xf7: {  	v25 =	vor.u32 v8, v14;
	v22 =	vld.idx.msk [tilespmem:v22+s23+$0x0], $0xffff;
	[tilespmem:s6+$0xD0] =	vst v26  }
0xf8: {  	v11 =	vor.u32 v9, v11;
	v24 =	vld.idx.msk [tilespmem:v24+s23+$0x0], $0xffff;
	[tilespmem:s6+$0x150] =	vst v18  }
0xf9: {  	v10 =	vor.u32 v9, v10;
	v18 =	vld.idx.msk [tilespmem:v27+s23+$0x0], $0xffff;
	[tilespmem:s6+$0xFFFFFE50] =	vst v23  }
0xfa: {  	v12 =	vor.u32 v9, v12;
	v19 =	vld.idx.msk [tilespmem:v19+s23+$0x0], $0xffff;
	[tilespmem:s6+$0x1F0] =	vst v17  }
0xfb: {  	v13 =	vor.u32 v9, v13;
	v17 =	vld.idx.msk [tilespmem:v21+s23+$0x0], $0xffff;
	[tilespmem:s6+$0xFFFFFEE0] =	vst v20  }
0xfc: {  	v15 =	vor.u32 v9, v15;
	v20 =	vld.idx.msk [tilespmem:v25+s23+$0x0], $0xffff;
	[tilespmem:s6+$0xFFFFFF60] =	vst v22  }
0xfd: {  	v16 =	vor.u32 v9, v16;
	v11 =	vld.idx.msk [tilespmem:v11+s23+$0x0], $0xffff;
	[tilespmem:s6+$0xFFFFFFE0] =	vst v24  }
0xfe: {  	v14 =	vor.u32 v9, v14;
	v10 =	vld.idx.msk [tilespmem:v10+s23+$0x0], $0xffff;
	[tilespmem:s6+$0x60] =	vst v18  }
0xff: {  	v12 =	vld.idx.msk [tilespmem:v12+s23+$0x0], $0xffff;
	[tilespmem:s6+$0xE0] =	vst v19  }
0x100: {  	v13 =	vld.idx.msk [tilespmem:v13+s23+$0x0], $0xffff;
	[tilespmem:s6+$0x160] =	vst v17  }
0x101: {  	v15 =	vld.idx.msk [tilespmem:v15+s23+$0x0], $0xffff;
	[tilespmem:s6+$0xFFFFFE60] =	vst v20  }
0x102: {  	v16 =	vld.idx.msk [tilespmem:v16+s23+$0x0], $0xffff;
	[tilespmem:s6+$0xFFFFFEF0] =	vst v11  }
0x103: {  	v11 =	vld.idx.msk [tilespmem:v14+s23+$0x0], $0xffff;
	[tilespmem:s6+$0xFFFFFF70] =	vst v10  }
0x104: {  	[tilespmem:s6+$0xFFFFFFF0] =	vst v12  }
0x105: {  	[tilespmem:s6+$0x70] =	vst v13  }
0x106: {  	[tilespmem:s6+$0xF0] =	vst v15  }
0x107: {  	[tilespmem:s6+$0x170] =	vst v16  }
0x108: {  	[tilespmem:s6+$0xFFFFFE70] =	vst v11  }
0x109: {  	[hbm4b:s9+s17] =	stream.strided.scatter [tilespmem:s28], [sflag:$0x3], $0x4000, s18, s17, $0x38;
	[tilespmem:$0x11D00] =	vst v63  }
0x10a: {  	v10 =	vld [tilespmem:$0x80]  }
0x10b: {  	v11 =	vld [tilespmem:$0x90]  }
0x10c: {  	v12 =	vld [tilespmem:$0xA0]  }
0x10d: {  	v13 =	vld [tilespmem:$0xB0]  }
0x10e: {  	v15 =	vld [tilespmem:$0xD0]  }
0x10f: {  	s10 =	simm.s32 $0x0;
	s19 =	simm.s32 $0x4;
	v14 =	vld [tilespmem:$0xC0]  }
0x110: {  	v18 =	vmov s10;
	v19 =	vmov s19;
	s10 =	simm.s32 $0x6;
	v17 =	vld [tilespmem:$0xF0]  }
0x111: {  	v21 =	vmov s10;
	v16 =	vld [tilespmem:$0xE0];
	v10 =	vshll.u32 v10, $0x3;
	v11 =	vshll.u32 v11, $0x3  }
0x112: {  	v12 =	vshll.u32 v12, $0x3;
	v13 =	vshll.u32 v13, $0x3;
	v10 =	vor.u32 v1, v10  }
0x113: {  	v15 =	vshll.u32 v15, $0x3;
	v11 =	vor.u32 v1, v11;
	v12 =	vor.u32 v1, v12;
	[tilespmem:$0x1C00] =	vst v10  }
0x114: {  	v13 =	vor.u32 v1, v13;
	v10 =	vshll.u32 v14, $0x3;
	v14 =	vand.u32 $0x78, v18;
	[tilespmem:$0x1C10] =	vst v11  }
0x115: {  	[tilespmem:$0x1C20] =	vst v12;
	v12 =	vor.u32 v1, v15;
	v15 =	vshll.u32 v17, $0x3;
	v11 =	vor.u32 v1, v10  }
0x116: {  	s13 =	simm.s32 $0x2;
	s6 =	simm.s32 $0x7;
	[tilespmem:$0x1C30] =	vst v13;
	v10 =	vbroadcast v14, $0x0;
	v14 =	vshll.u32 v16, $0x3;
	v15 =	vor.u32 v1, v15  }
0x117: {  	s11 =	simm.s32 $0x1;
	s14 =	simm.s32 $0x3;
	v16 =	vmov s13;
	[tilespmem:$0x1C50] =	vst v12;
	v13 =	vor.u32 v1, v14;
	v14 =	vmov s6  }
0x118: {  	v12 =	vmov s14;
	[tilespmem:$0x1C40] =	vst v11;
	v11 =	vmov s11;
	v14 =	vand.u32 $0x7F, v14  }
0x119: {  	s6 =	simm.s32 $0x5;
	[tilespmem:$0x1C70] =	vst v15;
	v18 =	vor.u32 v0, v10;
	v11 =	vand.u32 $0x79, v11;
	v14 =	vbroadcast v14, $0x0  }
0x11a: {  	[tilespmem:$0x1C60] =	vst v13;
	v20 =	vmov s6;
	v17 =	vbroadcast v11, $0x0;
	v11 =	vand.u32 $0x7A, v16  }
0x11b: {  	[tilespmem:s23], [sflag:$0x1] =	stream.indirect.gather [hbm4b:s4+s21], $0x80, s22, s21, $0xb8;
	v16 =	vbroadcast v11, $0x0;
	v11 =	vand.u32 $0x7B, v12;
	v22 =	vor.u32 v0, v14;
	[tilespmem:$0x11D00] =	vst v63  }
0x11c: {  	_ =	swait.ge [sflag:s29], $0x4000;
	v23 =	vor.u32 v0, v17;
	v15 =	vbroadcast v11, $0x0;
	v11 =	vand.u32 $0x7C, v19  }
0x11d: {  	[sflag:s29] =	ssyncset.done $0x0;
	v19 =	vor.u32 v0, v16;
	v13 =	vbroadcast v11, $0x0;
	v11 =	vand.u32 $0x7D, v20  }
0x11e: {  	[sflag:s29] =	ssyncadd.s32 $0xFFFFC000;
	v20 =	vor.u32 v0, v15;
	v12 =	vbroadcast v11, $0x0;
	v11 =	vand.u32 $0x7E, v21  }
0x11f: {  	v18 =	vld.idx.msk [tilespmem:v18+s25+$0x0], $0xffff;
	v21 =	vor.u32 v0, v13;
	v11 =	vbroadcast v11, $0x0  }
0x120: {  	v24 =	vor.u32 v0, v12;
	v22 =	vld.idx.msk [tilespmem:v22+s25+$0x0], $0xffff  }
0x121: {  	v23 =	vld.idx.msk [tilespmem:v23+s25+$0x0], $0xffff;
	v25 =	vor.u32 v0, v11  }
0x122: {  	v26 =	vor.u32 v3, v14;
	v19 =	vld.idx.msk [tilespmem:v19+s25+$0x0], $0xffff  }
0x123: {  	v27 =	vor.u32 v3, v17;
	v20 =	vld.idx.msk [tilespmem:v20+s25+$0x0], $0xffff  }
0x124: {  	s0 =	simm.s32 $0xDF00;
	v28 =	vor.u32 v3, v16;
	v21 =	vld.idx.msk [tilespmem:v21+s25+$0x0], $0xffff  }
0x125: {  	v29 =	vor.u32 v3, v15;
	[tilespmem:s0+$0xFFFFFE00] =	vst v18;
	v24 =	vld.idx.msk [tilespmem:v24+s25+$0x0], $0xffff  }
0x126: {  	v30 =	vor.u32 v3, v13;
	v25 =	vld.idx.msk [tilespmem:v25+s25+$0x0], $0xffff;
	[tilespmem:s0+$0x180] =	vst v22  }
0x127: {  	[tilespmem:s0+$0xFFFFFE80] =	vst v23;
	v22 =	vor.u32 v3, v12;
	v23 =	vld.idx.msk [tilespmem:v26+s25+$0x0], $0xffff  }
0x128: {  	v26 =	vld.idx.msk [tilespmem:v27+s25+$0x0], $0xffff;
	[tilespmem:s0+$0xFFFFFF00] =	vst v19;
	v19 =	vor.u32 v3, v11  }
0x129: {  	v27 =	vld.idx.msk [tilespmem:v28+s25+$0x0], $0xffff;
	[tilespmem:s0+$0xFFFFFF80] =	vst v20;
	v20 =	vor.u32 v4, v14  }
0x12a: {  	v28 =	vor.u32 v3, v10;
	v29 =	vld.idx.msk [tilespmem:v29+s25+$0x0], $0xffff;
	[tilespmem:s0+$0x0] =	vst v21  }
0x12b: {  	v21 =	vor.u32 v4, v17;
	v30 =	vld.idx.msk [tilespmem:v30+s25+$0x0], $0xffff;
	[tilespmem:s0+$0x80] =	vst v24  }
0x12c: {  	v24 =	vor.u32 v4, v16;
	v22 =	vld.idx.msk [tilespmem:v22+s25+$0x0], $0xffff;
	[tilespmem:s0+$0x100] =	vst v25  }
0x12d: {  	v25 =	vor.u32 v4, v15;
	v19 =	vld.idx.msk [tilespmem:v19+s25+$0x0], $0xffff;
	[tilespmem:s0+$0x190] =	vst v23  }
0x12e: {  	v18 =	vor.u32 v4, v13;
	[tilespmem:s0+$0xFFFFFE90] =	vst v26;
	v20 =	vld.idx.msk [tilespmem:v20+s25+$0x0], $0xffff  }
0x12f: {  	v26 =	vor.u32 v4, v12;
	v23 =	vld.idx.msk [tilespmem:v28+s25+$0x0], $0xffff;
	[tilespmem:s0+$0xFFFFFF10] =	vst v27  }
0x130: {  	v27 =	vor.u32 v5, v14;
	v21 =	vld.idx.msk [tilespmem:v21+s25+$0x0], $0xffff;
	[tilespmem:s0+$0xFFFFFF90] =	vst v29  }
0x131: {  	v28 =	vor.u32 v4, v11;
	v24 =	vld.idx.msk [tilespmem:v24+s25+$0x0], $0xffff;
	[tilespmem:s0+$0x10] =	vst v30  }
0x132: {  	v29 =	vor.u32 v4, v10;
	v25 =	vld.idx.msk [tilespmem:v25+s25+$0x0], $0xffff;
	[tilespmem:s0+$0x90] =	vst v22  }
0x133: {  	v30 =	vor.u32 v5, v17;
	v18 =	vld.idx.msk [tilespmem:v18+s25+$0x0], $0xffff;
	[tilespmem:s0+$0x110] =	vst v19  }
0x134: {  	v22 =	vor.u32 v5, v16;
	v26 =	vld.idx.msk [tilespmem:v26+s25+$0x0], $0xffff;
	[tilespmem:s0+$0x1A0] =	vst v20  }
0x135: {  	v20 =	vor.u32 v5, v15;
	[tilespmem:s0+$0xFFFFFE10] =	vst v23;
	v19 =	vld.idx.msk [tilespmem:v27+s25+$0x0], $0xffff  }
0x136: {  	v23 =	vor.u32 v5, v13;
	v27 =	vld.idx.msk [tilespmem:v28+s25+$0x0], $0xffff;
	[tilespmem:s0+$0xFFFFFEA0] =	vst v21  }
0x137: {  	v28 =	vld.idx.msk [tilespmem:v29+s25+$0x0], $0xffff;
	v21 =	vor.u32 v6, v14;
	[tilespmem:s0+$0xFFFFFF20] =	vst v24  }
0x138: {  	v29 =	vld.idx.msk [tilespmem:v30+s25+$0x0], $0xffff;
	v24 =	vor.u32 v5, v12;
	[tilespmem:s0+$0xFFFFFFA0] =	vst v25  }
0x139: {  	v30 =	vor.u32 v5, v10;
	v22 =	vld.idx.msk [tilespmem:v22+s25+$0x0], $0xffff;
	[tilespmem:s0+$0x20] =	vst v18  }
0x13a: {  	v25 =	vor.u32 v5, v11;
	[tilespmem:s0+$0xA0] =	vst v26;
	v20 =	vld.idx.msk [tilespmem:v20+s25+$0x0], $0xffff  }
0x13b: {  	v18 =	vor.u32 v6, v17;
	v23 =	vld.idx.msk [tilespmem:v23+s25+$0x0], $0xffff;
	[tilespmem:s0+$0x1B0] =	vst v19  }
0x13c: {  	v19 =	vor.u32 v6, v16;
	[tilespmem:s0+$0x120] =	vst v27;
	v21 =	vld.idx.msk [tilespmem:v21+s25+$0x0], $0xffff  }
0x13d: {  	v26 =	vor.u32 v6, v15;
	[tilespmem:s0+$0xFFFFFE20] =	vst v28;
	v24 =	vld.idx.msk [tilespmem:v24+s25+$0x0], $0xffff  }
0x13e: {  	v28 =	vld.idx.msk [tilespmem:v30+s25+$0x0], $0xffff;
	[tilespmem:s0+$0xFFFFFEB0] =	vst v29;
	v29 =	vor.u32 v6, v13  }
0x13f: {  	v27 =	vor.u32 v7, v14;
	v25 =	vld.idx.msk [tilespmem:v25+s25+$0x0], $0xffff;
	[tilespmem:s0+$0xFFFFFF30] =	vst v22  }
0x140: {  	v18 =	vld.idx.msk [tilespmem:v18+s25+$0x0], $0xffff;
	v22 =	vor.u32 v6, v12;
	[tilespmem:s0+$0xFFFFFFB0] =	vst v20  }
0x141: {  	v30 =	vor.u32 v6, v10;
	[tilespmem:s0+$0x30] =	vst v23;
	v19 =	vld.idx.msk [tilespmem:v19+s25+$0x0], $0xffff  }
0x142: {  	v20 =	vor.u32 v6, v11;
	v26 =	vld.idx.msk [tilespmem:v26+s25+$0x0], $0xffff;
	[tilespmem:s0+$0x1C0] =	vst v21  }
0x143: {  	v21 =	vor.u32 v7, v17;
	v29 =	vld.idx.msk [tilespmem:v29+s25+$0x0], $0xffff;
	[tilespmem:s0+$0xB0] =	vst v24  }
0x144: {  	[tilespmem:s0+$0xFFFFFE30] =	vst v28;
	v23 =	vld.idx.msk [tilespmem:v27+s25+$0x0], $0xffff;
	v27 =	vor.u32 v7, v16  }
0x145: {  	v22 =	vld.idx.msk [tilespmem:v22+s25+$0x0], $0xffff;
	[tilespmem:s0+$0x130] =	vst v25;
	v25 =	vor.u32 v7, v15  }
0x146: {  	v24 =	vor.u32 v8, v14;
	v28 =	vld.idx.msk [tilespmem:v30+s25+$0x0], $0xffff  }
0x147: {  	[tilespmem:s0+$0xFFFFFEC0] =	vst v18;
	v18 =	vor.u32 v7, v13;
	v20 =	vld.idx.msk [tilespmem:v20+s25+$0x0], $0xffff  }
0x148: {  	[tilespmem:s0+$0xFFFFFF40] =	vst v19;
	v19 =	vor.u32 v7, v12;
	v21 =	vld.idx.msk [tilespmem:v21+s25+$0x0], $0xffff  }
0x149: {  	v30 =	vor.u32 v7, v11;
	[tilespmem:s0+$0xFFFFFFC0] =	vst v26;
	v27 =	vld.idx.msk [tilespmem:v27+s25+$0x0], $0xffff  }
0x14a: {  	[tilespmem:s0+$0x1D0] =	vst v23;
	v23 =	vor.u32 v7, v10;
	v25 =	vld.idx.msk [tilespmem:v25+s25+$0x0], $0xffff  }
0x14b: {  	v26 =	vor.u32 v8, v17;
	[tilespmem:s0+$0x40] =	vst v29;
	v24 =	vld.idx.msk [tilespmem:v24+s25+$0x0], $0xffff  }
0x14c: {  	v14 =	vor.u32 v9, v14;
	v18 =	vld.idx.msk [tilespmem:v18+s25+$0x0], $0xffff;
	[tilespmem:s0+$0xC0] =	vst v22  }
0x14d: {  	v22 =	vor.u32 v8, v16;
	[tilespmem:s0+$0x140] =	vst v20;
	v31 =	vld.idx.msk [tilespmem:v19+s25+$0x0], $0xffff  }
0x14e: {  	s3 =	simm.s32 $0x8;
	[tilespmem:s0+$0xFFFFFE40] =	vst v28;
	v20 =	vor.u32 v8, v15;
	v28 =	vld.idx.msk [tilespmem:v30+s25+$0x0], $0xffff  }
0x14f: {  	[tilespmem:s0+$0xFFFFFED0] =	vst v21;
	v21 =	vor.u32 v8, v13;
	v63 =	vld.idx.msk [tilespmem:v23+s25+$0x0], $0xffff;
	v23 =	vmov s3  }
0x150: {  	v33 =	vor.u32 v8, v12;
	v19 =	vld.idx.msk [tilespmem:v26+s25+$0x0], $0xffff;
	[tilespmem:s0+$0x1E0] =	vst v24;
	v23 =	vand.u32 $0x78, v23  }
0x151: {  	v34 =	vor.u32 v8, v11;
	[tilespmem:s0+$0xFFFFFF50] =	vst v27;
	v29 =	vld.idx.msk [tilespmem:v14+s25+$0x0], $0xffff;
	v14 =	vbroadcast v23, $0x0  }
0x152: {  	v30 =	vor.u32 v8, v10;
	[tilespmem:s0+$0xFFFFFFD0] =	vst v25;
	v23 =	vld.idx.msk [tilespmem:v22+s25+$0x0], $0xffff  }
0x153: {  	[tilespmem:s0+$0x50] =	vst v18;
	v20 =	vld.idx.msk [tilespmem:v20+s25+$0x0], $0xffff;
	v18 =	vor.u32 v0, v14  }
0x154: {  	s13 =	simm.s32 $0xA;
	s11 =	simm.s32 $0x9;
	v26 =	vor.u32 v9, v17;
	[tilespmem:s0+$0xD0] =	vst v31;
	v21 =	vld.idx.msk [tilespmem:v21+s25+$0x0], $0xffff  }
0x155: {  	s19 =	simm.s32 $0xC;
	s14 =	simm.s32 $0xB;
	v16 =	vor.u32 v9, v16;
	v17 =	vmov s11;
	v27 =	vmov s13;
	[tilespmem:s0+$0x150] =	vst v28;
	v22 =	vld.idx.msk [tilespmem:v33+s25+$0x0], $0xffff  }
0x156: {  	s10 =	simm.s32 $0xF;
	s6 =	simm.s32 $0x10;
	v15 =	vor.u32 v9, v15;
	s11 =	simm.s32 $0xD;
	v24 =	vmov s19;
	v28 =	vmov s14;
	v25 =	vld.idx.msk [tilespmem:v34+s25+$0x0], $0xffff;
	[tilespmem:s0+$0xFFFFFE50] =	vst v63  }
.LBB2_4:
0x157: {  	p1 =	slt.u32 s6, $0x78;
	v31 =	vmov s11;
	s11 =	sadd.s32 $0x6, s3;
	v32 =	vmov s10;
	v30 =	vld.idx.msk [tilespmem:v30+s25+$0x0], $0xffff;
	v13 =	vor.u32 v9, v13;
	[tilespmem:s0+$0x1F0] =	vst v29;
	s3 =	smov.u32 s6  }
0x158: {  	v12 =	vor.u32 v9, v12;
	v29 =	vld.idx.msk [tilespmem:v18+s25+$0x0], $0xffff;
	v33 =	vmov s11;
	v18 =	vand.u32 $0x7F, v32;
	[tilespmem:s0+$0xFFFFFEE0] =	vst v19  }
0x159: {  	v17 =	vand.u32 $0x79, v17;
	v11 =	vor.u32 v9, v11;
	v18 =	vbroadcast v18, $0x0;
	v19 =	vld.idx.msk [tilespmem:v26+s25+$0x0], $0xffff;
	[tilespmem:s0+$0xFFFFFF60] =	vst v23  }
0x15a: {  	v17 =	vbroadcast v17, $0x0;
	v23 =	vand.u32 $0x7A, v27;
	v26 =	vor.u32 v9, v10;
	v10 =	vmovc v14;
	v27 =	vld.idx.msk [tilespmem:v16+s25+$0x0], $0xffff;
	[tilespmem:s0+$0xFFFFFFE0] =	vst v20  }
0x15b: {  	v14 =	vand.u32 $0x7B, v28;
	v16 =	vbroadcast v23, $0x0;
	v20 =	vor.u32 v0, v18;
	v23 =	vld.idx.msk [tilespmem:v15+s25+$0x0], $0xffff;
	[tilespmem:s0+$0x60] =	vst v21  }
0x15c: {  	v21 =	vor.u32 v0, v17;
	v15 =	vbroadcast v14, $0x0;
	v14 =	vand.u32 $0x7C, v24;
	v24 =	vld.idx.msk [tilespmem:v13+s25+$0x0], $0xffff;
	[tilespmem:s0+$0xE0] =	vst v22  }
0x15d: {  	v22 =	vor.u32 v0, v16;
	v13 =	vbroadcast v14, $0x0;
	v14 =	vand.u32 $0x7D, v31;
	v28 =	vld.idx.msk [tilespmem:v12+s25+$0x0], $0xffff;
	[tilespmem:s0+$0x160] =	vst v25  }
0x15e: {  	v25 =	vor.u32 v0, v15;
	v12 =	vbroadcast v14, $0x0;
	v14 =	vand.u32 $0x7E, v33;
	[tilespmem:s0+$0xFFFFFE60] =	vst v30;
	v30 =	vld.idx.msk [tilespmem:v11+s25+$0x0], $0xffff  }
0x15f: {  	v31 =	vor.u32 v0, v13;
	v11 =	vbroadcast v14, $0x0;
	v14 =	vld.idx.msk [tilespmem:v26+s25+$0x0], $0xffff;
	[tilespmem:s0+$0xFFFFFEF0] =	vst v19  }
0x160: {  	v19 =	vor.u32 v0, v12;
	v20 =	vld.idx.msk [tilespmem:v20+s25+$0x0], $0xffff;
	[tilespmem:s0+$0xFFFFFF70] =	vst v27  }
0x161: {  	v26 =	vor.u32 v0, v11;
	v21 =	vld.idx.msk [tilespmem:v21+s25+$0x0], $0xffff;
	[tilespmem:s0+$0xFFFFFFF0] =	vst v23  }
0x162: {  	v23 =	vor.u32 v3, v18;
	v22 =	vld.idx.msk [tilespmem:v22+s25+$0x0], $0xffff;
	[tilespmem:s0+$0x70] =	vst v24  }
0x163: {  	v24 =	vor.u32 v3, v17;
	v25 =	vld.idx.msk [tilespmem:v25+s25+$0x0], $0xffff;
	[tilespmem:s0+$0xF0] =	vst v28  }
0x164: {  	v27 =	vor.u32 v3, v16;
	v28 =	vld.idx.msk [tilespmem:v31+s25+$0x0], $0xffff;
	[tilespmem:s0+$0x170] =	vst v30  }
0x165: {  	v30 =	vor.u32 v3, v15;
	v19 =	vld.idx.msk [tilespmem:v19+s25+$0x0], $0xffff;
	[tilespmem:s0+$0xFFFFFE70] =	vst v14;
	s0 =	sadd.s32 $0x400, s0  }
0x166: {  	v14 =	vor.u32 v3, v13;
	v26 =	vld.idx.msk [tilespmem:v26+s25+$0x0], $0xffff;
	[tilespmem:s0+$0x180] =	vst v20  }
0x167: {  	v20 =	vor.u32 v3, v12;
	[tilespmem:s0+$0xFFFFFE80] =	vst v21;
	v21 =	vld.idx.msk [tilespmem:v23+s25+$0x0], $0xffff  }
0x168: {  	v23 =	vld.idx.msk [tilespmem:v24+s25+$0x0], $0xffff;
	[tilespmem:s0+$0xFFFFFF00] =	vst v22;
	v22 =	vor.u32 v3, v11  }
0x169: {  	v24 =	vld.idx.msk [tilespmem:v27+s25+$0x0], $0xffff;
	[tilespmem:s0+$0xFFFFFF80] =	vst v25;
	v25 =	vor.u32 v4, v18  }
0x16a: {  	v27 =	vor.u32 v3, v10;
	v30 =	vld.idx.msk [tilespmem:v30+s25+$0x0], $0xffff;
	[tilespmem:s0+$0x0] =	vst v28  }
0x16b: {  	v28 =	vor.u32 v4, v17;
	v14 =	vld.idx.msk [tilespmem:v14+s25+$0x0], $0xffff;
	[tilespmem:s0+$0x80] =	vst v19  }
0x16c: {  	v19 =	vor.u32 v4, v16;
	v20 =	vld.idx.msk [tilespmem:v20+s25+$0x0], $0xffff;
	[tilespmem:s0+$0x100] =	vst v26  }
0x16d: {  	v26 =	vor.u32 v4, v15;
	v22 =	vld.idx.msk [tilespmem:v22+s25+$0x0], $0xffff;
	[tilespmem:s0+$0x190] =	vst v21  }
0x16e: {  	v21 =	vor.u32 v4, v13;
	[tilespmem:s0+$0xFFFFFE00] =	vst v29;
	v25 =	vld.idx.msk [tilespmem:v25+s25+$0x0], $0xffff  }
0x16f: {  	v27 =	vld.idx.msk [tilespmem:v27+s25+$0x0], $0xffff;
	[tilespmem:s0+$0xFFFFFE90] =	vst v23;
	v23 =	vor.u32 v4, v12  }
0x170: {  	v28 =	vld.idx.msk [tilespmem:v28+s25+$0x0], $0xffff;
	[tilespmem:s0+$0xFFFFFF10] =	vst v24;
	v24 =	vor.u32 v5, v18  }
0x171: {  	v29 =	vor.u32 v4, v11;
	v19 =	vld.idx.msk [tilespmem:v19+s25+$0x0], $0xffff;
	[tilespmem:s0+$0xFFFFFF90] =	vst v30  }
0x172: {  	v30 =	vor.u32 v4, v10;
	v26 =	vld.idx.msk [tilespmem:v26+s25+$0x0], $0xffff;
	[tilespmem:s0+$0x10] =	vst v14  }
0x173: {  	v14 =	vor.u32 v5, v17;
	v21 =	vld.idx.msk [tilespmem:v21+s25+$0x0], $0xffff;
	[tilespmem:s0+$0x90] =	vst v20  }
0x174: {  	v20 =	vor.u32 v5, v16;
	v23 =	vld.idx.msk [tilespmem:v23+s25+$0x0], $0xffff;
	[tilespmem:s0+$0x1A0] =	vst v25  }
0x175: {  	v25 =	vor.u32 v5, v15;
	[tilespmem:s0+$0x110] =	vst v22;
	v22 =	vld.idx.msk [tilespmem:v24+s25+$0x0], $0xffff  }
0x176: {  	v24 =	vor.u32 v5, v13;
	[tilespmem:s0+$0xFFFFFE10] =	vst v27;
	v27 =	vld.idx.msk [tilespmem:v29+s25+$0x0], $0xffff  }
0x177: {  	v29 =	vld.idx.msk [tilespmem:v30+s25+$0x0], $0xffff;
	[tilespmem:s0+$0xFFFFFEA0] =	vst v28;
	v28 =	vor.u32 v6, v18  }
0x178: {  	v14 =	vld.idx.msk [tilespmem:v14+s25+$0x0], $0xffff;
	[tilespmem:s0+$0xFFFFFF20] =	vst v19;
	v19 =	vor.u32 v5, v12  }
0x179: {  	v20 =	vld.idx.msk [tilespmem:v20+s25+$0x0], $0xffff;
	[tilespmem:s0+$0xFFFFFFA0] =	vst v26;
	v26 =	vor.u32 v5, v11  }
0x17a: {  	v30 =	vor.u32 v5, v10;
	v25 =	vld.idx.msk [tilespmem:v25+s25+$0x0], $0xffff;
	[tilespmem:s0+$0x20] =	vst v21  }
0x17b: {  	v21 =	vor.u32 v6, v17;
	v24 =	vld.idx.msk [tilespmem:v24+s25+$0x0], $0xffff;
	[tilespmem:s0+$0x1B0] =	vst v22  }
0x17c: {  	v22 =	vor.u32 v6, v16;
	[tilespmem:s0+$0xA0] =	vst v23;
	v23 =	vld.idx.msk [tilespmem:v28+s25+$0x0], $0xffff  }
0x17d: {  	v28 =	vor.u32 v6, v15;
	v19 =	vld.idx.msk [tilespmem:v19+s25+$0x0], $0xffff;
	[tilespmem:s0+$0x120] =	vst v27  }
0x17e: {  	v27 =	vor.u32 v7, v18;
	[tilespmem:s0+$0xFFFFFE20] =	vst v29;
	v26 =	vld.idx.msk [tilespmem:v26+s25+$0x0], $0xffff  }
0x17f: {  	v29 =	vld.idx.msk [tilespmem:v30+s25+$0x0], $0xffff;
	[tilespmem:s0+$0xFFFFFEB0] =	vst v14;
	v14 =	vor.u32 v6, v13  }
0x180: {  	v21 =	vld.idx.msk [tilespmem:v21+s25+$0x0], $0xffff;
	[tilespmem:s0+$0xFFFFFF30] =	vst v20;
	v20 =	vor.u32 v6, v12  }
0x181: {  	v22 =	vld.idx.msk [tilespmem:v22+s25+$0x0], $0xffff;
	[tilespmem:s0+$0xFFFFFFB0] =	vst v25;
	v25 =	vor.u32 v6, v11  }
0x182: {  	v30 =	vor.u32 v6, v10;
	v28 =	vld.idx.msk [tilespmem:v28+s25+$0x0], $0xffff;
	[tilespmem:s0+$0x1C0] =	vst v23  }
0x183: {  	v23 =	vor.u32 v7, v17;
	[tilespmem:s0+$0x30] =	vst v24;
	v24 =	vld.idx.msk [tilespmem:v27+s25+$0x0], $0xffff  }
0x184: {  	v27 =	vor.u32 v7, v16;
	v14 =	vld.idx.msk [tilespmem:v14+s25+$0x0], $0xffff;
	[tilespmem:s0+$0xB0] =	vst v19  }
0x185: {  	v19 =	vld.idx.msk [tilespmem:v20+s25+$0x0], $0xffff;
	[tilespmem:s0+$0x130] =	vst v26;
	v20 =	vor.u32 v8, v18  }
0x186: {  	v26 =	vor.u32 v7, v15;
	[tilespmem:s0+$0xFFFFFE30] =	vst v29;
	v25 =	vld.idx.msk [tilespmem:v25+s25+$0x0], $0xffff  }
0x187: {  	v29 =	vld.idx.msk [tilespmem:v30+s25+$0x0], $0xffff;
	[tilespmem:s0+$0xFFFFFEC0] =	vst v21;
	v21 =	vor.u32 v7, v13  }
0x188: {  	v23 =	vld.idx.msk [tilespmem:v23+s25+$0x0], $0xffff;
	[tilespmem:s0+$0xFFFFFF40] =	vst v22;
	v22 =	vor.u32 v7, v12  }
0x189: {  	v30 =	vor.u32 v7, v11;
	v27 =	vld.idx.msk [tilespmem:v27+s25+$0x0], $0xffff;
	[tilespmem:s0+$0x1D0] =	vst v24  }
0x18a: {  	v24 =	vor.u32 v7, v10;
	[tilespmem:s0+$0xFFFFFFC0] =	vst v28;
	v20 =	vld.idx.msk [tilespmem:v20+s25+$0x0], $0xffff  }
0x18b: {  	v28 =	vor.u32 v8, v17;
	v26 =	vld.idx.msk [tilespmem:v26+s25+$0x0], $0xffff;
	[tilespmem:s0+$0x40] =	vst v14  }
0x18c: {  	v18 =	vor.u32 v9, v18;
	v21 =	vld.idx.msk [tilespmem:v21+s25+$0x0], $0xffff;
	[tilespmem:s0+$0xC0] =	vst v19  }
0x18d: {  	v31 =	vor.u32 v8, v16;
	v22 =	vld.idx.msk [tilespmem:v22+s25+$0x0], $0xffff;
	[tilespmem:s0+$0x140] =	vst v25  }
0x18e: {  	v25 =	vor.u32 v8, v15;
	[tilespmem:s0+$0xFFFFFE40] =	vst v29;
	v32 =	vld.idx.msk [tilespmem:v30+s25+$0x0], $0xffff  }
0x18f: {  	v14 =	vmov s6;
	v33 =	vld.idx.msk [tilespmem:v24+s25+$0x0], $0xffff;
	[tilespmem:s0+$0xFFFFFED0] =	vst v23;
	v24 =	vor.u32 v8, v13  }
0x190: {  	v14 =	vand.u32 $0x78, v14;
	v19 =	vld.idx.msk [tilespmem:v28+s25+$0x0], $0xffff;
	v28 =	vor.u32 v8, v12;
	[tilespmem:s0+$0x1E0] =	vst v20  }
0x191: {  	v34 =	vor.u32 v8, v11;
	v14 =	vbroadcast v14, $0x0;
	[tilespmem:s0+$0xFFFFFF50] =	vst v27;
	v29 =	vld.idx.msk [tilespmem:v18+s25+$0x0], $0xffff  }
.Ltmp1:
0x192: {  	v30 =	vor.u32 v8, v10;
	v23 =	vld.idx.msk [tilespmem:v31+s25+$0x0], $0xffff;
	[tilespmem:s0+$0xFFFFFFD0] =	vst v26;
	(pc) =	sbr.rel @p1 .LBB2_4-.Ltmp1, $4  }
0x193: {  	v18 =	vor.u32 v0, v14;
	v20 =	vld.idx.msk [tilespmem:v25+s25+$0x0], $0xffff;
	[tilespmem:s0+$0x50] =	vst v21  }
0x194: {  	s10 =	sadd.s32 $0x1, s6;
	s11 =	sadd.s32 $0x2, s6;
	v26 =	vor.u32 v9, v17;
	v21 =	vld.idx.msk [tilespmem:v24+s25+$0x0], $0xffff;
	[tilespmem:s0+$0xD0] =	vst v22  }
0x195: {  	v16 =	vor.u32 v9, v16;
	v27 =	vmov s11;
	s11 =	sadd.s32 $0x4, s6;
	v17 =	vmov s10;
	s10 =	sadd.s32 $0x3, s6;
	v22 =	vld.idx.msk [tilespmem:v28+s25+$0x0], $0xffff;
	[tilespmem:s0+$0x150] =	vst v32  }
0x196: {  	v15 =	vor.u32 v9, v15;
	s6 =	sadd.s32 $0x8, s6;
	v24 =	vmov s11;
	s11 =	sadd.s32 $0x5, s3;
	v28 =	vmov s10;
	s10 =	sadd.s32 $0x7, s3;
	[tilespmem:s0+$0xFFFFFE50] =	vst v33;
	v25 =	vld.idx.msk [tilespmem:v34+s25+$0x0], $0xffff  }
0x197: {  	_ =	sdelay $0x1  }
0x198: {  	[tilespmem:s0+$0x1F0] =	vst v29  }
0x199: {  	[tilespmem:s0+$0xFFFFFEE0] =	vst v19  }
0x19a: {  	v40 =	vmov s11;
	v31 =	vmov s10;
	v13 =	vor.u32 v9, v13;
	v41 =	vld.idx.msk [tilespmem:v30+s25+$0x0], $0xffff;
	[tilespmem:s0+$0xFFFFFF60] =	vst v23  }
0x19b: {  	v32 =	vor.u32 v9, v12;
	v43 =	vand.u32 $0x79, v17;
	v45 =	vor.u32 v9, v11;
	v18 =	vld.idx.msk [tilespmem:v18+s25+$0x0], $0xffff;
	[tilespmem:s0+$0xFFFFFFE0] =	vst v20  }
0x19c: {  	s3 =	sadd.s32 $0x6, s3;
	v46 =	vand.u32 $0x7A, v27;
	v47 =	vor.u32 v9, v10;
	v44 =	vld.idx.msk [tilespmem:v26+s25+$0x0], $0xffff;
	v11 =	vbroadcast v43, $0x0;
	[tilespmem:s0+$0x60] =	vst v21  }
0x19d: {  	v49 =	vand.u32 $0x7B, v28;
	v42 =	vmov s3;
	v48 =	vld.idx.msk [tilespmem:v16+s25+$0x0], $0xffff;
	v10 =	vbroadcast v46, $0x0;
	[tilespmem:s0+$0xE0] =	vst v22  }
0x19e: {  	v31 =	vand.u32 $0x7F, v31;
	v12 =	vbroadcast v49, $0x0;
	v51 =	vld.idx.msk [tilespmem:v15+s25+$0x0], $0xffff;
	v52 =	vor.u32 v0, v11;
	[tilespmem:s0+$0x160] =	vst v25  }
0x19f: {  	s19 =	sadd.s32 $0x400, s0;
	v56 =	vand.u32 $0x7D, v40;
	v17 =	vbroadcast v31, $0x0;
	v55 =	vor.u32 v0, v10;
	v54 =	vld.idx.msk [tilespmem:v13+s25+$0x0], $0xffff;
	[tilespmem:s0+$0xFFFFFE60] =	vst v41  }
0x1a0: {  	v15 =	vbroadcast v56, $0x0;
	v59 =	vand.u32 $0x7E, v42;
	v58 =	vor.u32 v0, v12;
	v57 =	vld.idx.msk [tilespmem:v32+s25+$0x0], $0xffff;
	[tilespmem:s19+$0xFFFFFE00] =	vst v18  }
0x1a1: {  	v16 =	vbroadcast v59, $0x0;
	v50 =	vor.u32 v0, v17;
	v26 =	vld.idx.msk [tilespmem:v45+s25+$0x0], $0xffff;
	[tilespmem:s0+$0xFFFFFEF0] =	vst v44  }
0x1a2: {  	v53 =	vand.u32 $0x7C, v24;
	v61 =	vor.u32 v0, v15;
	v20 =	vld.idx.msk [tilespmem:v47+s25+$0x0], $0xffff;
	[tilespmem:s0+$0xFFFFFF70] =	vst v48  }
0x1a3: {  	v13 =	vbroadcast v53, $0x0;
	v62 =	vor.u32 v0, v16;
	[tilespmem:s0+$0xFFFFFFF0] =	vst v51;
	v22 =	vld.idx.msk [tilespmem:v52+s25+$0x0], $0xffff  }
0x1a4: {  	v41 =	vor.u32 v3, v14;
	v63 =	vld.idx.msk [tilespmem:v55+s25+$0x0], $0xffff;
	[tilespmem:s0+$0x70] =	vst v54  }
0x1a5: {  	v60 =	vor.u32 v0, v13;
	v19 =	vld.idx.msk [tilespmem:v58+s25+$0x0], $0xffff;
	[tilespmem:s0+$0xF0] =	vst v57  }
0x1a6: {  	v33 =	vor.u32 v3, v11;
	v21 =	vld.idx.msk [tilespmem:v50+s25+$0x0], $0xffff;
	[tilespmem:s0+$0x170] =	vst v26  }
0x1a7: {  	v34 =	vor.u32 v3, v10;
	v27 =	vld.idx.msk [tilespmem:v61+s25+$0x0], $0xffff;
	[tilespmem:s0+$0xFFFFFE70] =	vst v20  }
0x1a8: {  	v35 =	vor.u32 v3, v12;
	v28 =	vld.idx.msk [tilespmem:v62+s25+$0x0], $0xffff;
	[tilespmem:s19+$0xFFFFFE80] =	vst v22  }
0x1a9: {  	v32 =	vor.u32 v3, v17;
	v47 =	vld.idx.msk [tilespmem:v41+s25+$0x0], $0xffff;
	[tilespmem:s19+$0xFFFFFF00] =	vst v63  }
0x1aa: {  	v37 =	vor.u32 v3, v15;
	v23 =	vld.idx.msk [tilespmem:v60+s25+$0x0], $0xffff;
	[tilespmem:s19+$0xFFFFFF80] =	vst v19  }
0x1ab: {  	v40 =	vor.u32 v3, v16;
	[tilespmem:s19+$0x180] =	vst v21;
	v38 =	vld.idx.msk [tilespmem:v33+s25+$0x0], $0xffff  }
0x1ac: {  	v36 =	vor.u32 v3, v13;
	v20 =	vld.idx.msk [tilespmem:v34+s25+$0x0], $0xffff;
	[tilespmem:s19+$0x80] =	vst v27  }
0x1ad: {  	v42 =	vor.u32 v4, v11;
	v21 =	vld.idx.msk [tilespmem:v35+s25+$0x0], $0xffff;
	[tilespmem:s19+$0x100] =	vst v28  }
0x1ae: {  	v43 =	vor.u32 v4, v10;
	v25 =	vld.idx.msk [tilespmem:v32+s25+$0x0], $0xffff;
	[tilespmem:s19+$0xFFFFFE10] =	vst v47  }
0x1af: {  	v44 =	vor.u32 v4, v12;
	v24 =	vld.idx.msk [tilespmem:v37+s25+$0x0], $0xffff;
	[tilespmem:s19+$0x0] =	vst v23  }
0x1b0: {  	v52 =	vor.u32 v4, v14;
	v45 =	vld.idx.msk [tilespmem:v40+s25+$0x0], $0xffff;
	[tilespmem:s19+$0xFFFFFE90] =	vst v38  }
0x1b1: {  	v39 =	vor.u32 v4, v17;
	v22 =	vld.idx.msk [tilespmem:v36+s25+$0x0], $0xffff;
	[tilespmem:s19+$0xFFFFFF10] =	vst v20  }
0x1b2: {  	v49 =	vor.u32 v4, v15;
	[tilespmem:s19+$0xFFFFFF90] =	vst v21;
	v28 =	vld.idx.msk [tilespmem:v42+s25+$0x0], $0xffff  }
0x1b3: {  	v51 =	vor.u32 v4, v16;
	[tilespmem:s19+$0x190] =	vst v25;
	v50 =	vld.idx.msk [tilespmem:v43+s25+$0x0], $0xffff  }
0x1b4: {  	v46 =	vor.u32 v4, v13;
	[tilespmem:s19+$0x90] =	vst v24;
	v18 =	vld.idx.msk [tilespmem:v44+s25+$0x0], $0xffff  }
0x1b5: {  	v53 =	vor.u32 v5, v11;
	v24 =	vld.idx.msk [tilespmem:v52+s25+$0x0], $0xffff;
	[tilespmem:s19+$0x110] =	vst v45  }
0x1b6: {  	v54 =	vor.u32 v5, v10;
	v26 =	vld.idx.msk [tilespmem:v39+s25+$0x0], $0xffff;
	[tilespmem:s19+$0x10] =	vst v22  }
0x1b7: {  	v56 =	vor.u32 v5, v12;
	v55 =	vld.idx.msk [tilespmem:v49+s25+$0x0], $0xffff;
	[tilespmem:s19+$0xFFFFFEA0] =	vst v28  }
0x1b8: {  	v62 =	vor.u32 v5, v14;
	v25 =	vld.idx.msk [tilespmem:v51+s25+$0x0], $0xffff;
	[tilespmem:s19+$0xFFFFFF20] =	vst v50  }
0x1b9: {  	v48 =	vor.u32 v5, v17;
	v23 =	vld.idx.msk [tilespmem:v46+s25+$0x0], $0xffff;
	[tilespmem:s19+$0xFFFFFFA0] =	vst v18  }
0x1ba: {  	v60 =	vor.u32 v5, v15;
	[tilespmem:s19+$0xFFFFFE20] =	vst v24;
	v59 =	vld.idx.msk [tilespmem:v53+s25+$0x0], $0xffff  }
0x1bb: {  	v61 =	vor.u32 v5, v16;
	[tilespmem:s19+$0x1A0] =	vst v26;
	v19 =	vld.idx.msk [tilespmem:v54+s25+$0x0], $0xffff  }
0x1bc: {  	v58 =	vor.u32 v5, v13;
	v21 =	vld.idx.msk [tilespmem:v56+s25+$0x0], $0xffff;
	[tilespmem:s19+$0xA0] =	vst v55  }
0x1bd: {  	v63 =	vor.u32 v6, v11;
	v36 =	vld.idx.msk [tilespmem:v62+s25+$0x0], $0xffff;
	[tilespmem:s19+$0x120] =	vst v25  }
0x1be: {  	v32 =	vor.u32 v6, v10;
	v27 =	vld.idx.msk [tilespmem:v48+s25+$0x0], $0xffff;
	[tilespmem:s19+$0x20] =	vst v23  }
0x1bf: {  	v57 =	vor.u32 v6, v17;
	v33 =	vld.idx.msk [tilespmem:v60+s25+$0x0], $0xffff;
	[tilespmem:s19+$0xFFFFFEB0] =	vst v59  }
0x1c0: {  	v35 =	vor.u32 v6, v12;
	v23 =	vld.idx.msk [tilespmem:v61+s25+$0x0], $0xffff;
	[tilespmem:s19+$0xFFFFFF30] =	vst v19  }
0x1c1: {  	v38 =	vor.u32 v6, v15;
	v22 =	vld.idx.msk [tilespmem:v58+s25+$0x0], $0xffff;
	[tilespmem:s19+$0xFFFFFFB0] =	vst v21  }
0x1c2: {  	v40 =	vor.u32 v6, v14;
	[tilespmem:s19+$0xFFFFFE30] =	vst v36;
	v20 =	vld.idx.msk [tilespmem:v63+s25+$0x0], $0xffff  }
0x1c3: {  	v37 =	vor.u32 v6, v13;
	[tilespmem:s19+$0x1B0] =	vst v27;
	v25 =	vld.idx.msk [tilespmem:v32+s25+$0x0], $0xffff  }
0x1c4: {  	v39 =	vor.u32 v6, v16;
	[tilespmem:s19+$0xB0] =	vst v33;
	v28 =	vld.idx.msk [tilespmem:v57+s25+$0x0], $0xffff  }
0x1c5: {  	v41 =	vor.u32 v7, v11;
	v18 =	vld.idx.msk [tilespmem:v35+s25+$0x0], $0xffff;
	[tilespmem:s19+$0x130] =	vst v23  }
0x1c6: {  	v34 =	vor.u32 v7, v17;
	v21 =	vld.idx.msk [tilespmem:v38+s25+$0x0], $0xffff;
	[tilespmem:s19+$0x30] =	vst v22  }
0x1c7: {  	v44 =	vor.u32 v7, v10;
	v22 =	vld.idx.msk [tilespmem:v40+s25+$0x0], $0xffff;
	[tilespmem:s19+$0xFFFFFEC0] =	vst v20  }
0x1c8: {  	v45 =	vor.u32 v7, v12;
	v42 =	vld.idx.msk [tilespmem:v37+s25+$0x0], $0xffff;
	[tilespmem:s19+$0xFFFFFF40] =	vst v25  }
0x1c9: {  	v49 =	vor.u32 v7, v14;
	[tilespmem:s19+$0x1C0] =	vst v28;
	v28 =	vld.idx.msk [tilespmem:v39+s25+$0x0], $0xffff  }
0x1ca: {  	v46 =	vor.u32 v7, v13;
	[tilespmem:s19+$0xFFFFFFC0] =	vst v18;
	v24 =	vld.idx.msk [tilespmem:v41+s25+$0x0], $0xffff  }
0x1cb: {  	v47 =	vor.u32 v7, v15;
	[tilespmem:s19+$0xC0] =	vst v21;
	v26 =	vld.idx.msk [tilespmem:v34+s25+$0x0], $0xffff  }
0x1cc: {  	v48 =	vor.u32 v7, v16;
	v19 =	vld.idx.msk [tilespmem:v44+s25+$0x0], $0xffff;
	[tilespmem:s19+$0xFFFFFE40] =	vst v22  }
0x1cd: {  	v50 =	vor.u32 v8, v11;
	v20 =	vld.idx.msk [tilespmem:v45+s25+$0x0], $0xffff;
	[tilespmem:s19+$0x40] =	vst v42  }
0x1ce: {  	v51 =	vor.u32 v8, v10;
	v23 =	vld.idx.msk [tilespmem:v49+s25+$0x0], $0xffff;
	[tilespmem:s19+$0x140] =	vst v28  }
0x1cf: {  	v52 =	vor.u32 v8, v12;
	v25 =	vld.idx.msk [tilespmem:v46+s25+$0x0], $0xffff;
	[tilespmem:s19+$0xFFFFFED0] =	vst v24  }
0x1d0: {  	v43 =	vor.u32 v8, v17;
	[tilespmem:s19+$0x1D0] =	vst v26;
	v26 =	vld.idx.msk [tilespmem:v47+s25+$0x0], $0xffff  }
0x1d1: {  	v57 =	vor.u32 v8, v14;
	[tilespmem:s19+$0xFFFFFF50] =	vst v19;
	v18 =	vld.idx.msk [tilespmem:v48+s25+$0x0], $0xffff  }
0x1d2: {  	v53 =	vor.u32 v8, v13;
	[tilespmem:s19+$0xFFFFFFD0] =	vst v20;
	v55 =	vld.idx.msk [tilespmem:v50+s25+$0x0], $0xffff  }
0x1d3: {  	v54 =	vor.u32 v8, v15;
	v22 =	vld.idx.msk [tilespmem:v51+s25+$0x0], $0xffff;
	[tilespmem:s19+$0xFFFFFE50] =	vst v23  }
0x1d4: {  	v56 =	vor.u32 v8, v16;
	v24 =	vld.idx.msk [tilespmem:v52+s25+$0x0], $0xffff;
	[tilespmem:s19+$0x50] =	vst v25  }
0x1d5: {  	v11 =	vor.u32 v9, v11;
	v27 =	vld.idx.msk [tilespmem:v43+s25+$0x0], $0xffff;
	[tilespmem:s19+$0xD0] =	vst v26  }
0x1d6: {  	v10 =	vor.u32 v9, v10;
	v60 =	vld.idx.msk [tilespmem:v57+s25+$0x0], $0xffff;
	[tilespmem:s19+$0x150] =	vst v18  }
0x1d7: {  	v12 =	vor.u32 v9, v12;
	v58 =	vld.idx.msk [tilespmem:v53+s25+$0x0], $0xffff;
	[tilespmem:s19+$0xFFFFFEE0] =	vst v55  }
0x1d8: {  	v17 =	vor.u32 v9, v17;
	[tilespmem:s19+$0xFFFFFF60] =	vst v22;
	v19 =	vld.idx.msk [tilespmem:v54+s25+$0x0], $0xffff  }
0x1d9: {  	v13 =	vor.u32 v9, v13;
	[tilespmem:s19+$0xFFFFFFE0] =	vst v24;
	v59 =	vld.idx.msk [tilespmem:v56+s25+$0x0], $0xffff  }
0x1da: {  	v61 =	vor.u32 v9, v14;
	[tilespmem:s19+$0x1E0] =	vst v27;
	v11 =	vld.idx.msk [tilespmem:v11+s25+$0x0], $0xffff  }
0x1db: {  	v15 =	vor.u32 v9, v15;
	v10 =	vld.idx.msk [tilespmem:v10+s25+$0x0], $0xffff;
	[tilespmem:s19+$0xFFFFFE60] =	vst v60  }
0x1dc: {  	v16 =	vor.u32 v9, v16;
	v12 =	vld.idx.msk [tilespmem:v12+s25+$0x0], $0xffff;
	[tilespmem:s19+$0x60] =	vst v58  }
0x1dd: {  	v17 =	vld.idx.msk [tilespmem:v17+s25+$0x0], $0xffff;
	[tilespmem:s19+$0xE0] =	vst v19  }
0x1de: {  	v13 =	vld.idx.msk [tilespmem:v13+s25+$0x0], $0xffff;
	[tilespmem:s19+$0x160] =	vst v59  }
0x1df: {  	[tilespmem:s19+$0xFFFFFEF0] =	vst v11;
	v11 =	vld.idx.msk [tilespmem:v61+s25+$0x0], $0xffff  }
0x1e0: {  	[tilespmem:s19+$0xFFFFFF70] =	vst v10;
	v15 =	vld.idx.msk [tilespmem:v15+s25+$0x0], $0xffff  }
0x1e1: {  	[tilespmem:s19+$0xFFFFFFF0] =	vst v12;
	v16 =	vld.idx.msk [tilespmem:v16+s25+$0x0], $0xffff  }
0x1e2: {  	[tilespmem:s19+$0x1F0] =	vst v17  }
0x1e3: {  	[tilespmem:s19+$0x70] =	vst v13  }
0x1e4: {  	[tilespmem:s19+$0xFFFFFE70] =	vst v11  }
0x1e5: {  	[tilespmem:s19+$0xF0] =	vst v15  }
0x1e6: {  	s6 =	simm.s32 @p0 $0xDD00;
	[tilespmem:s19+$0x170] =	vst v16  }
0x1e7: {  	s3 =	simm.s32 @p0 $0x2000;
	s0 =	simm.s32 @p0 $0x400;
	s10 =	rddreg [dreg:$0x5]  }
0x1e8: {  	[hbm4b:s10+s0] =	stream.strided.scatter @p0 [tilespmem:s6], [sflag:$0x4], $0x4000, s3, s0, $0x38;
	[tilespmem:$0x11D00] =	vst v63  }
0x1e9: {  	s0 =	simm.s32 @!p0 $0x400  }
0x1ea: {  	s3 =	simm.s32 @!p0 $0x2000;
	s6 =	simm.s32 @!p0 $0xDD00;
	s10 =	rddreg [dreg:$0x6]  }
0x1eb: {  	[hbm4b:s10+s0] =	stream.strided.scatter @!p0 [tilespmem:s6], [sflag:$0x4], $0x3400, s3, s0, $0x38;
	[tilespmem:$0x11D00] =	vst v63  }
0x1ec: {  	v10 =	vld [tilespmem:$0x80]  }
0x1ed: {  	v11 =	vld [tilespmem:$0x90]  }
0x1ee: {  	v12 =	vld [tilespmem:$0xA0]  }
0x1ef: {  	v13 =	vld [tilespmem:$0xB0]  }
0x1f0: {  	v62 =	vld [tilespmem:$0xC0]  }
0x1f1: {  	v15 =	vld [tilespmem:$0xD0];
	v10 =	vshll.u32 v10, $0x3  }
0x1f2: {  	v16 =	vld [tilespmem:$0xE0];
	v11 =	vshll.u32 v11, $0x3;
	v10 =	vor.u32 v2, v10  }
0x1f3: {  	v63 =	vld [tilespmem:$0xF0];
	[tilespmem:$0x1C80] =	vst v10;
	v10 =	vor.u32 v2, v11;
	v11 =	vshll.u32 v12, $0x3  }
0x1f4: {  	[tilespmem:$0x1C90] =	vst v10;
	v10 =	vor.u32 v2, v11;
	v11 =	vshll.u32 v13, $0x3  }
0x1f5: {  	[tilespmem:$0x1CA0] =	vst v10;
	v10 =	vor.u32 v2, v11;
	v11 =	vshll.u32 v62, $0x3  }
0x1f6: {  	[tilespmem:$0x1CB0] =	vst v10;
	v10 =	vor.u32 v2, v11;
	v11 =	vshll.u32 v15, $0x3  }
0x1f7: {  	[tilespmem:$0x1CC0] =	vst v10;
	v10 =	vor.u32 v2, v11;
	v11 =	vshll.u32 v16, $0x3  }
0x1f8: {  	[tilespmem:$0x1CD0] =	vst v10;
	v10 =	vor.u32 v2, v11;
	v11 =	vshll.u32 v63, $0x3  }
0x1f9: {  	[tilespmem:$0x1CE0] =	vst v10;
	v10 =	vor.u32 v2, v11  }
0x1fa: {  	s0 =	simm.s32 $0x1;
	[tilespmem:$0x1CF0] =	vst v10  }
0x1fb: {  	[tilespmem:s25], [sflag:$0x2] =	stream.indirect.gather [hbm4b:s4+s21], $0x80, s24, s21, $0xb8;
	[tilespmem:$0x11D00] =	vst v63  }
.LBB2_6:
0x1fc: {  	s3 =	simm.s32 $0x0;
	s13 =	simm.s32 $0x1;
	s6 =	simm.s32 $0x2  }
0x1fd: {  	s10 =	simm.s32 $0x7;
	s14 =	simm.s32 $0x3;
	v10 =	vmov s3;
	v12 =	vmov s13;
	v13 =	vmov s6  }
0x1fe: {  	s19 =	simm.s32 $0x4;
	v14 =	vmov s10;
	v15 =	vmov s14;
	v10 =	vand.u32 $0x78, v10  }
0x1ff: {  	v18 =	vmov s19;
	s10 =	simm.s32 $0x5;
	v14 =	vand.u32 $0x7F, v14;
	v10 =	vbroadcast v10, $0x0  }
0x200: {  	_ =	swait.ge [sflag:s26], $0x4000;
	v19 =	vmov s10;
	v12 =	vand.u32 $0x79, v12;
	v14 =	vbroadcast v14, $0x0  }
0x201: {  	[sflag:s26] =	ssyncset.done $0x0;
	v17 =	vbroadcast v12, $0x0;
	v12 =	vand.u32 $0x7A, v13;
	v11 =	vor.u32 v0, v10  }
0x202: {  	[sflag:s26] =	ssyncadd.s32 $0xFFFFC000;
	v16 =	vbroadcast v12, $0x0;
	v12 =	vand.u32 $0x7B, v15;
	v21 =	vor.u32 v0, v14  }
0x203: {  	_ =	swait.ge [sflag:s30], $0x4000;
	v22 =	vor.u32 v0, v17;
	v15 =	vbroadcast v12, $0x0;
	v12 =	vand.u32 $0x7C, v18  }
0x204: {  	s11 =	simm.s32 $0x6;
	[sflag:s30] =	ssyncset.done $0x0;
	v18 =	vor.u32 v0, v16;
	v13 =	vbroadcast v12, $0x0;
	v12 =	vand.u32 $0x7D, v19  }
0x205: {  	v20 =	vmov s11;
	[sflag:s30] =	ssyncadd.s32 $0xFFFFC000;
	v19 =	vor.u32 v0, v15;
	v12 =	vbroadcast v12, $0x0  }
0x206: {  	v20 =	vand.u32 $0x7E, v20;
	v24 =	vor.u32 v0, v13;
	v23 =	vld.idx.msk [tilespmem:v11+s23+$0x0], $0xffff  }
0x207: {  	v11 =	vbroadcast v20, $0x0;
	v20 =	vor.u32 v0, v12;
	v21 =	vld.idx.msk [tilespmem:v21+s23+$0x0], $0xffff  }
0x208: {  	v26 =	vor.u32 v3, v14;
	v22 =	vld.idx.msk [tilespmem:v22+s23+$0x0], $0xffff  }
0x209: {  	v27 =	vor.u32 v3, v17;
	v18 =	vld.idx.msk [tilespmem:v18+s23+$0x0], $0xffff  }
0x20a: {  	v25 =	vor.u32 v0, v11;
	v19 =	vld.idx.msk [tilespmem:v19+s23+$0x0], $0xffff  }
0x20b: {  	s3 =	simm.s32 $0x9F00;
	v28 =	vor.u32 v3, v16;
	v24 =	vld.idx.msk [tilespmem:v24+s23+$0x0], $0xffff  }
0x20c: {  	v29 =	vor.u32 v3, v15;
	v20 =	vld.idx.msk [tilespmem:v20+s23+$0x0], $0xffff;
	[tilespmem:s3+$0x180] =	vst v21  }
0x20d: {  	v30 =	vor.u32 v3, v13;
	[tilespmem:s3+$0xFFFFFE80] =	vst v22;
	v22 =	vld.idx.msk [tilespmem:v26+s23+$0x0], $0xffff  }
0x20e: {  	v21 =	vor.u32 v3, v12;
	v26 =	vld.idx.msk [tilespmem:v27+s23+$0x0], $0xffff;
	[tilespmem:s3+$0xFFFFFF00] =	vst v18  }
0x20f: {  	v25 =	vld.idx.msk [tilespmem:v25+s23+$0x0], $0xffff;
	[tilespmem:s3+$0xFFFFFF80] =	vst v19;
	v19 =	vor.u32 v4, v14  }
0x210: {  	[tilespmem:s3+$0xFFFFFE00] =	vst v23;
	v27 =	vld.idx.msk [tilespmem:v28+s23+$0x0], $0xffff;
	v28 =	vor.u32 v3, v10  }
0x211: {  	v18 =	vor.u32 v3, v11;
	v29 =	vld.idx.msk [tilespmem:v29+s23+$0x0], $0xffff;
	[tilespmem:s3+$0x0] =	vst v24  }
0x212: {  	v24 =	vor.u32 v4, v17;
	v30 =	vld.idx.msk [tilespmem:v30+s23+$0x0], $0xffff;
	[tilespmem:s3+$0x80] =	vst v20  }
0x213: {  	v20 =	vor.u32 v4, v16;
	v21 =	vld.idx.msk [tilespmem:v21+s23+$0x0], $0xffff;
	[tilespmem:s3+$0x190] =	vst v22  }
0x214: {  	v22 =	vor.u32 v4, v13;
	[tilespmem:s3+$0xFFFFFE90] =	vst v26;
	v19 =	vld.idx.msk [tilespmem:v19+s23+$0x0], $0xffff  }
0x215: {  	[tilespmem:s3+$0x100] =	vst v25;
	v25 =	vor.u32 v4, v15;
	v23 =	vld.idx.msk [tilespmem:v28+s23+$0x0], $0xffff  }
0x216: {  	v26 =	vor.u32 v4, v12;
	[tilespmem:s3+$0xFFFFFF10] =	vst v27;
	v18 =	vld.idx.msk [tilespmem:v18+s23+$0x0], $0xffff  }
0x217: {  	v27 =	vor.u32 v5, v14;
	v24 =	vld.idx.msk [tilespmem:v24+s23+$0x0], $0xffff;
	[tilespmem:s3+$0xFFFFFF90] =	vst v29  }
0x218: {  	v28 =	vor.u32 v4, v11;
	[tilespmem:s3+$0x10] =	vst v30;
	v20 =	vld.idx.msk [tilespmem:v20+s23+$0x0], $0xffff  }
0x219: {  	v29 =	vor.u32 v4, v10;
	v22 =	vld.idx.msk [tilespmem:v22+s23+$0x0], $0xffff;
	[tilespmem:s3+$0x90] =	vst v21  }
0x21a: {  	v30 =	vor.u32 v5, v17;
	v25 =	vld.idx.msk [tilespmem:v25+s23+$0x0], $0xffff;
	[tilespmem:s3+$0x1A0] =	vst v19  }
0x21b: {  	v21 =	vor.u32 v5, v16;
	v26 =	vld.idx.msk [tilespmem:v26+s23+$0x0], $0xffff;
	[tilespmem:s3+$0xFFFFFE10] =	vst v23  }
0x21c: {  	v23 =	vor.u32 v5, v13;
	[tilespmem:s3+$0x110] =	vst v18;
	v18 =	vld.idx.msk [tilespmem:v27+s23+$0x0], $0xffff  }
0x21d: {  	v19 =	vor.u32 v5, v15;
	[tilespmem:s3+$0xFFFFFEA0] =	vst v24;
	v27 =	vld.idx.msk [tilespmem:v28+s23+$0x0], $0xffff  }
0x21e: {  	v24 =	vor.u32 v6, v14;
	v28 =	vld.idx.msk [tilespmem:v29+s23+$0x0], $0xffff;
	[tilespmem:s3+$0xFFFFFF20] =	vst v20  }
0x21f: {  	v29 =	vld.idx.msk [tilespmem:v30+s23+$0x0], $0xffff;
	v20 =	vor.u32 v5, v12;
	[tilespmem:s3+$0x20] =	vst v22  }
0x220: {  	v30 =	vor.u32 v5, v10;
	v21 =	vld.idx.msk [tilespmem:v21+s23+$0x0], $0xffff;
	[tilespmem:s3+$0xFFFFFFA0] =	vst v25  }
0x221: {  	v22 =	vor.u32 v6, v17;
	v23 =	vld.idx.msk [tilespmem:v23+s23+$0x0], $0xffff;
	[tilespmem:s3+$0xA0] =	vst v26  }
0x222: {  	v25 =	vor.u32 v5, v11;
	v19 =	vld.idx.msk [tilespmem:v19+s23+$0x0], $0xffff;
	[tilespmem:s3+$0x1B0] =	vst v18  }
0x223: {  	v18 =	vor.u32 v6, v16;
	v24 =	vld.idx.msk [tilespmem:v24+s23+$0x0], $0xffff;
	[tilespmem:s3+$0x120] =	vst v27  }
0x224: {  	v26 =	vor.u32 v6, v15;
	[tilespmem:s3+$0xFFFFFE20] =	vst v28;
	v20 =	vld.idx.msk [tilespmem:v20+s23+$0x0], $0xffff  }
0x225: {  	[tilespmem:s3+$0xFFFFFEB0] =	vst v29;
	v29 =	vor.u32 v6, v13;
	v28 =	vld.idx.msk [tilespmem:v30+s23+$0x0], $0xffff  }
0x226: {  	v27 =	vor.u32 v7, v14;
	v22 =	vld.idx.msk [tilespmem:v22+s23+$0x0], $0xffff;
	[tilespmem:s3+$0xFFFFFF30] =	vst v21  }
0x227: {  	v21 =	vor.u32 v6, v12;
	v25 =	vld.idx.msk [tilespmem:v25+s23+$0x0], $0xffff;
	[tilespmem:s3+$0x30] =	vst v23  }
0x228: {  	v30 =	vor.u32 v6, v10;
	v18 =	vld.idx.msk [tilespmem:v18+s23+$0x0], $0xffff;
	[tilespmem:s3+$0xFFFFFFB0] =	vst v19  }
0x229: {  	v19 =	vor.u32 v6, v11;
	v26 =	vld.idx.msk [tilespmem:v26+s23+$0x0], $0xffff;
	[tilespmem:s3+$0x1C0] =	vst v24  }
0x22a: {  	v24 =	vor.u32 v7, v17;
	v29 =	vld.idx.msk [tilespmem:v29+s23+$0x0], $0xffff;
	[tilespmem:s3+$0xB0] =	vst v20  }
0x22b: {  	v23 =	vld.idx.msk [tilespmem:v27+s23+$0x0], $0xffff;
	v27 =	vor.u32 v7, v16;
	[tilespmem:s3+$0xFFFFFE30] =	vst v28  }
0x22c: {  	v20 =	vld.idx.msk [tilespmem:v21+s23+$0x0], $0xffff;
	v21 =	vor.u32 v8, v14;
	[tilespmem:s3+$0xFFFFFEC0] =	vst v22  }
0x22d: {  	v28 =	vld.idx.msk [tilespmem:v30+s23+$0x0], $0xffff;
	v22 =	vor.u32 v7, v13;
	[tilespmem:s3+$0x130] =	vst v25  }
0x22e: {  	v25 =	vor.u32 v7, v15;
	v19 =	vld.idx.msk [tilespmem:v19+s23+$0x0], $0xffff  }
0x22f: {  	[tilespmem:s3+$0xFFFFFF40] =	vst v18;
	v18 =	vor.u32 v7, v12;
	v24 =	vld.idx.msk [tilespmem:v24+s23+$0x0], $0xffff  }
0x230: {  	v30 =	vor.u32 v7, v11;
	v27 =	vld.idx.msk [tilespmem:v27+s23+$0x0], $0xffff;
	[tilespmem:s3+$0x1D0] =	vst v23  }
0x231: {  	[tilespmem:s3+$0x40] =	vst v29;
	v23 =	vor.u32 v7, v10;
	v21 =	vld.idx.msk [tilespmem:v21+s23+$0x0], $0xffff  }
0x232: {  	[tilespmem:s3+$0xFFFFFFC0] =	vst v26;
	v26 =	vor.u32 v8, v17;
	v22 =	vld.idx.msk [tilespmem:v22+s23+$0x0], $0xffff  }
0x233: {  	v14 =	vor.u32 v9, v14;
	[tilespmem:s3+$0xC0] =	vst v20;
	v25 =	vld.idx.msk [tilespmem:v25+s23+$0x0], $0xffff  }
0x234: {  	v20 =	vor.u32 v8, v16;
	v31 =	vld.idx.msk [tilespmem:v18+s23+$0x0], $0xffff;
	[tilespmem:s3+$0x140] =	vst v19  }
0x235: {  	s6 =	simm.s32 $0x8;
	[tilespmem:s3+$0xFFFFFE40] =	vst v28;
	v18 =	vor.u32 v8, v15;
	v28 =	vld.idx.msk [tilespmem:v30+s23+$0x0], $0xffff  }
0x236: {  	[tilespmem:s3+$0xFFFFFED0] =	vst v24;
	v24 =	vor.u32 v8, v13;
	v32 =	vld.idx.msk [tilespmem:v23+s23+$0x0], $0xffff;
	v23 =	vmov s6  }
0x237: {  	v33 =	vor.u32 v8, v12;
	v19 =	vld.idx.msk [tilespmem:v26+s23+$0x0], $0xffff;
	[tilespmem:s3+$0x1E0] =	vst v21;
	v21 =	vand.u32 $0x78, v23  }
0x238: {  	v34 =	vor.u32 v8, v11;
	[tilespmem:s3+$0xFFFFFF50] =	vst v27;
	v29 =	vld.idx.msk [tilespmem:v14+s23+$0x0], $0xffff;
	v14 =	vbroadcast v21, $0x0  }
0x239: {  	v30 =	vor.u32 v8, v10;
	v23 =	vld.idx.msk [tilespmem:v20+s23+$0x0], $0xffff;
	[tilespmem:s3+$0xFFFFFFD0] =	vst v25  }
0x23a: {  	[tilespmem:s3+$0x50] =	vst v22;
	v20 =	vld.idx.msk [tilespmem:v18+s23+$0x0], $0xffff;
	v18 =	vor.u32 v0, v14  }
0x23b: {  	s13 =	simm.s32 $0x9;
	s11 =	simm.s32 $0xA;
	v26 =	vor.u32 v9, v17;
	[tilespmem:s3+$0xD0] =	vst v31;
	v21 =	vld.idx.msk [tilespmem:v24+s23+$0x0], $0xffff  }
0x23c: {  	s14 =	simm.s32 $0xB;
	s19 =	simm.s32 $0xC;
	v16 =	vor.u32 v9, v16;
	v17 =	vmov s13;
	v27 =	vmov s11;
	v22 =	vld.idx.msk [tilespmem:v33+s23+$0x0], $0xffff;
	[tilespmem:s3+$0x150] =	vst v28  }
0x23d: {  	s10 =	simm.s32 $0x10;
	v15 =	vor.u32 v9, v15;
	s13 =	simm.s32 $0xD;
	s11 =	simm.s32 $0xF;
	v28 =	vmov s14;
	v24 =	vmov s19;
	[tilespmem:s3+$0xFFFFFE50] =	vst v32;
	v25 =	vld.idx.msk [tilespmem:v34+s23+$0x0], $0xffff  }
.LBB2_7:
0x23e: {  	p1 =	slt.u32 s10, $0x78;
	v31 =	vmov s13;
	s13 =	sadd.s32 $0x6, s6;
	v32 =	vmov s11;
	v30 =	vld.idx.msk [tilespmem:v30+s23+$0x0], $0xffff;
	v13 =	vor.u32 v9, v13;
	[tilespmem:s3+$0x1F0] =	vst v29;
	s6 =	smov.u32 s10  }
0x23f: {  	v12 =	vor.u32 v9, v12;
	v29 =	vld.idx.msk [tilespmem:v18+s23+$0x0], $0xffff;
	v33 =	vmov s13;
	v18 =	vand.u32 $0x7F, v32;
	[tilespmem:s3+$0xFFFFFEE0] =	vst v19  }
0x240: {  	v17 =	vand.u32 $0x79, v17;
	v11 =	vor.u32 v9, v11;
	v18 =	vbroadcast v18, $0x0;
	v19 =	vld.idx.msk [tilespmem:v26+s23+$0x0], $0xffff;
	[tilespmem:s3+$0xFFFFFF60] =	vst v23  }
0x241: {  	v17 =	vbroadcast v17, $0x0;
	v23 =	vand.u32 $0x7A, v27;
	v26 =	vor.u32 v9, v10;
	v10 =	vmovc v14;
	v27 =	vld.idx.msk [tilespmem:v16+s23+$0x0], $0xffff;
	[tilespmem:s3+$0xFFFFFFE0] =	vst v20  }
0x242: {  	v14 =	vand.u32 $0x7B, v28;
	v16 =	vbroadcast v23, $0x0;
	v20 =	vor.u32 v0, v18;
	v23 =	vld.idx.msk [tilespmem:v15+s23+$0x0], $0xffff;
	[tilespmem:s3+$0x60] =	vst v21  }
0x243: {  	v21 =	vor.u32 v0, v17;
	v15 =	vbroadcast v14, $0x0;
	v14 =	vand.u32 $0x7C, v24;
	v24 =	vld.idx.msk [tilespmem:v13+s23+$0x0], $0xffff;
	[tilespmem:s3+$0xE0] =	vst v22  }
0x244: {  	v22 =	vor.u32 v0, v16;
	v13 =	vbroadcast v14, $0x0;
	v14 =	vand.u32 $0x7D, v31;
	v28 =	vld.idx.msk [tilespmem:v12+s23+$0x0], $0xffff;
	[tilespmem:s3+$0x160] =	vst v25  }
0x245: {  	v25 =	vor.u32 v0, v15;
	v12 =	vbroadcast v14, $0x0;
	v14 =	vand.u32 $0x7E, v33;
	[tilespmem:s3+$0xFFFFFE60] =	vst v30;
	v30 =	vld.idx.msk [tilespmem:v11+s23+$0x0], $0xffff  }
0x246: {  	v31 =	vor.u32 v0, v13;
	v11 =	vbroadcast v14, $0x0;
	v14 =	vld.idx.msk [tilespmem:v26+s23+$0x0], $0xffff;
	[tilespmem:s3+$0xFFFFFEF0] =	vst v19  }
0x247: {  	v19 =	vor.u32 v0, v12;
	v20 =	vld.idx.msk [tilespmem:v20+s23+$0x0], $0xffff;
	[tilespmem:s3+$0xFFFFFF70] =	vst v27  }
0x248: {  	v26 =	vor.u32 v0, v11;
	v21 =	vld.idx.msk [tilespmem:v21+s23+$0x0], $0xffff;
	[tilespmem:s3+$0xFFFFFFF0] =	vst v23  }
0x249: {  	v23 =	vor.u32 v3, v18;
	v22 =	vld.idx.msk [tilespmem:v22+s23+$0x0], $0xffff;
	[tilespmem:s3+$0x70] =	vst v24  }
0x24a: {  	v24 =	vor.u32 v3, v17;
	v25 =	vld.idx.msk [tilespmem:v25+s23+$0x0], $0xffff;
	[tilespmem:s3+$0xF0] =	vst v28  }
0x24b: {  	v27 =	vor.u32 v3, v16;
	v28 =	vld.idx.msk [tilespmem:v31+s23+$0x0], $0xffff;
	[tilespmem:s3+$0x170] =	vst v30  }
0x24c: {  	v30 =	vor.u32 v3, v15;
	v19 =	vld.idx.msk [tilespmem:v19+s23+$0x0], $0xffff;
	[tilespmem:s3+$0xFFFFFE70] =	vst v14;
	s3 =	sadd.s32 $0x400, s3  }
0x24d: {  	v14 =	vor.u32 v3, v13;
	v26 =	vld.idx.msk [tilespmem:v26+s23+$0x0], $0xffff;
	[tilespmem:s3+$0x180] =	vst v20  }
0x24e: {  	v20 =	vor.u32 v3, v12;
	[tilespmem:s3+$0xFFFFFE80] =	vst v21;
	v21 =	vld.idx.msk [tilespmem:v23+s23+$0x0], $0xffff  }
0x24f: {  	v23 =	vld.idx.msk [tilespmem:v24+s23+$0x0], $0xffff;
	[tilespmem:s3+$0xFFFFFF00] =	vst v22;
	v22 =	vor.u32 v3, v11  }
0x250: {  	v24 =	vld.idx.msk [tilespmem:v27+s23+$0x0], $0xffff;
	[tilespmem:s3+$0xFFFFFF80] =	vst v25;
	v25 =	vor.u32 v4, v18  }
0x251: {  	v27 =	vor.u32 v3, v10;
	v30 =	vld.idx.msk [tilespmem:v30+s23+$0x0], $0xffff;
	[tilespmem:s3+$0x0] =	vst v28  }
0x252: {  	v28 =	vor.u32 v4, v17;
	v14 =	vld.idx.msk [tilespmem:v14+s23+$0x0], $0xffff;
	[tilespmem:s3+$0x80] =	vst v19  }
0x253: {  	v19 =	vor.u32 v4, v16;
	v20 =	vld.idx.msk [tilespmem:v20+s23+$0x0], $0xffff;
	[tilespmem:s3+$0x100] =	vst v26  }
0x254: {  	v26 =	vor.u32 v4, v15;
	v22 =	vld.idx.msk [tilespmem:v22+s23+$0x0], $0xffff;
	[tilespmem:s3+$0x190] =	vst v21  }
0x255: {  	v21 =	vor.u32 v4, v13;
	[tilespmem:s3+$0xFFFFFE00] =	vst v29;
	v25 =	vld.idx.msk [tilespmem:v25+s23+$0x0], $0xffff  }
0x256: {  	v27 =	vld.idx.msk [tilespmem:v27+s23+$0x0], $0xffff;
	[tilespmem:s3+$0xFFFFFE90] =	vst v23;
	v23 =	vor.u32 v4, v12  }
0x257: {  	v28 =	vld.idx.msk [tilespmem:v28+s23+$0x0], $0xffff;
	[tilespmem:s3+$0xFFFFFF10] =	vst v24;
	v24 =	vor.u32 v5, v18  }
0x258: {  	v29 =	vor.u32 v4, v11;
	v19 =	vld.idx.msk [tilespmem:v19+s23+$0x0], $0xffff;
	[tilespmem:s3+$0xFFFFFF90] =	vst v30  }
0x259: {  	v30 =	vor.u32 v4, v10;
	v26 =	vld.idx.msk [tilespmem:v26+s23+$0x0], $0xffff;
	[tilespmem:s3+$0x10] =	vst v14  }
0x25a: {  	v14 =	vor.u32 v5, v17;
	v21 =	vld.idx.msk [tilespmem:v21+s23+$0x0], $0xffff;
	[tilespmem:s3+$0x90] =	vst v20  }
0x25b: {  	v20 =	vor.u32 v5, v16;
	v23 =	vld.idx.msk [tilespmem:v23+s23+$0x0], $0xffff;
	[tilespmem:s3+$0x1A0] =	vst v25  }
0x25c: {  	v25 =	vor.u32 v5, v15;
	[tilespmem:s3+$0x110] =	vst v22;
	v22 =	vld.idx.msk [tilespmem:v24+s23+$0x0], $0xffff  }
0x25d: {  	v24 =	vor.u32 v5, v13;
	[tilespmem:s3+$0xFFFFFE10] =	vst v27;
	v27 =	vld.idx.msk [tilespmem:v29+s23+$0x0], $0xffff  }
0x25e: {  	v29 =	vld.idx.msk [tilespmem:v30+s23+$0x0], $0xffff;
	[tilespmem:s3+$0xFFFFFEA0] =	vst v28;
	v28 =	vor.u32 v6, v18  }
0x25f: {  	v14 =	vld.idx.msk [tilespmem:v14+s23+$0x0], $0xffff;
	[tilespmem:s3+$0xFFFFFF20] =	vst v19;
	v19 =	vor.u32 v5, v12  }
0x260: {  	v20 =	vld.idx.msk [tilespmem:v20+s23+$0x0], $0xffff;
	[tilespmem:s3+$0xFFFFFFA0] =	vst v26;
	v26 =	vor.u32 v5, v11  }
0x261: {  	v30 =	vor.u32 v5, v10;
	v25 =	vld.idx.msk [tilespmem:v25+s23+$0x0], $0xffff;
	[tilespmem:s3+$0x20] =	vst v21  }
0x262: {  	v21 =	vor.u32 v6, v17;
	v24 =	vld.idx.msk [tilespmem:v24+s23+$0x0], $0xffff;
	[tilespmem:s3+$0x1B0] =	vst v22  }
0x263: {  	v22 =	vor.u32 v6, v16;
	[tilespmem:s3+$0xA0] =	vst v23;
	v23 =	vld.idx.msk [tilespmem:v28+s23+$0x0], $0xffff  }
0x264: {  	v28 =	vor.u32 v6, v15;
	v19 =	vld.idx.msk [tilespmem:v19+s23+$0x0], $0xffff;
	[tilespmem:s3+$0x120] =	vst v27  }
0x265: {  	v27 =	vor.u32 v7, v18;
	[tilespmem:s3+$0xFFFFFE20] =	vst v29;
	v26 =	vld.idx.msk [tilespmem:v26+s23+$0x0], $0xffff  }
0x266: {  	v29 =	vld.idx.msk [tilespmem:v30+s23+$0x0], $0xffff;
	[tilespmem:s3+$0xFFFFFEB0] =	vst v14;
	v14 =	vor.u32 v6, v13  }
0x267: {  	v21 =	vld.idx.msk [tilespmem:v21+s23+$0x0], $0xffff;
	[tilespmem:s3+$0xFFFFFF30] =	vst v20;
	v20 =	vor.u32 v6, v12  }
0x268: {  	v22 =	vld.idx.msk [tilespmem:v22+s23+$0x0], $0xffff;
	[tilespmem:s3+$0xFFFFFFB0] =	vst v25;
	v25 =	vor.u32 v6, v11  }
0x269: {  	v30 =	vor.u32 v6, v10;
	v28 =	vld.idx.msk [tilespmem:v28+s23+$0x0], $0xffff;
	[tilespmem:s3+$0x1C0] =	vst v23  }
0x26a: {  	v23 =	vor.u32 v7, v17;
	[tilespmem:s3+$0x30] =	vst v24;
	v24 =	vld.idx.msk [tilespmem:v27+s23+$0x0], $0xffff  }
0x26b: {  	v27 =	vor.u32 v7, v16;
	v14 =	vld.idx.msk [tilespmem:v14+s23+$0x0], $0xffff;
	[tilespmem:s3+$0xB0] =	vst v19  }
0x26c: {  	v19 =	vld.idx.msk [tilespmem:v20+s23+$0x0], $0xffff;
	[tilespmem:s3+$0x130] =	vst v26;
	v20 =	vor.u32 v8, v18  }
0x26d: {  	v26 =	vor.u32 v7, v15;
	[tilespmem:s3+$0xFFFFFE30] =	vst v29;
	v25 =	vld.idx.msk [tilespmem:v25+s23+$0x0], $0xffff  }
0x26e: {  	v29 =	vld.idx.msk [tilespmem:v30+s23+$0x0], $0xffff;
	[tilespmem:s3+$0xFFFFFEC0] =	vst v21;
	v21 =	vor.u32 v7, v13  }
0x26f: {  	v23 =	vld.idx.msk [tilespmem:v23+s23+$0x0], $0xffff;
	[tilespmem:s3+$0xFFFFFF40] =	vst v22;
	v22 =	vor.u32 v7, v12  }
0x270: {  	v30 =	vor.u32 v7, v11;
	v27 =	vld.idx.msk [tilespmem:v27+s23+$0x0], $0xffff;
	[tilespmem:s3+$0x1D0] =	vst v24  }
0x271: {  	v24 =	vor.u32 v7, v10;
	[tilespmem:s3+$0xFFFFFFC0] =	vst v28;
	v20 =	vld.idx.msk [tilespmem:v20+s23+$0x0], $0xffff  }
0x272: {  	v28 =	vor.u32 v8, v17;
	v26 =	vld.idx.msk [tilespmem:v26+s23+$0x0], $0xffff;
	[tilespmem:s3+$0x40] =	vst v14  }
0x273: {  	v18 =	vor.u32 v9, v18;
	v21 =	vld.idx.msk [tilespmem:v21+s23+$0x0], $0xffff;
	[tilespmem:s3+$0xC0] =	vst v19  }
0x274: {  	v31 =	vor.u32 v8, v16;
	v22 =	vld.idx.msk [tilespmem:v22+s23+$0x0], $0xffff;
	[tilespmem:s3+$0x140] =	vst v25  }
0x275: {  	v25 =	vor.u32 v8, v15;
	[tilespmem:s3+$0xFFFFFE40] =	vst v29;
	v32 =	vld.idx.msk [tilespmem:v30+s23+$0x0], $0xffff  }
0x276: {  	v14 =	vmov s10;
	v33 =	vld.idx.msk [tilespmem:v24+s23+$0x0], $0xffff;
	[tilespmem:s3+$0xFFFFFED0] =	vst v23;
	v24 =	vor.u32 v8, v13  }
0x277: {  	v14 =	vand.u32 $0x78, v14;
	v19 =	vld.idx.msk [tilespmem:v28+s23+$0x0], $0xffff;
	v28 =	vor.u32 v8, v12;
	[tilespmem:s3+$0x1E0] =	vst v20  }
0x278: {  	v34 =	vor.u32 v8, v11;
	v14 =	vbroadcast v14, $0x0;
	[tilespmem:s3+$0xFFFFFF50] =	vst v27;
	v29 =	vld.idx.msk [tilespmem:v18+s23+$0x0], $0xffff  }
.Ltmp2:
0x279: {  	v30 =	vor.u32 v8, v10;
	v23 =	vld.idx.msk [tilespmem:v31+s23+$0x0], $0xffff;
	[tilespmem:s3+$0xFFFFFFD0] =	vst v26;
	(pc) =	sbr.rel @p1 .LBB2_7-.Ltmp2, $4  }
0x27a: {  	v18 =	vor.u32 v0, v14;
	v20 =	vld.idx.msk [tilespmem:v25+s23+$0x0], $0xffff;
	[tilespmem:s3+$0x50] =	vst v21  }
0x27b: {  	s11 =	sadd.s32 $0x1, s10;
	s13 =	sadd.s32 $0x2, s10;
	v26 =	vor.u32 v9, v17;
	v21 =	vld.idx.msk [tilespmem:v24+s23+$0x0], $0xffff;
	[tilespmem:s3+$0xD0] =	vst v22  }
0x27c: {  	v16 =	vor.u32 v9, v16;
	v27 =	vmov s13;
	s13 =	sadd.s32 $0x4, s10;
	v17 =	vmov s11;
	s11 =	sadd.s32 $0x3, s10;
	v22 =	vld.idx.msk [tilespmem:v28+s23+$0x0], $0xffff;
	[tilespmem:s3+$0x150] =	vst v32  }
0x27d: {  	v15 =	vor.u32 v9, v15;
	s10 =	sadd.s32 $0x8, s10;
	v24 =	vmov s13;
	s13 =	sadd.s32 $0x5, s6;
	v28 =	vmov s11;
	s11 =	sadd.s32 $0x7, s6;
	[tilespmem:s3+$0xFFFFFE50] =	vst v33;
	v25 =	vld.idx.msk [tilespmem:v34+s23+$0x0], $0xffff  }
0x27e: {  	_ =	sdelay $0x2  }
0x27f: {  	[tilespmem:s3+$0x1F0] =	vst v29;
	v29 =	vmov s13  }
0x280: {  	s6 =	sadd.s32 $0x6, s6;
	v31 =	vmov s11;
	v13 =	vor.u32 v9, v13;
	[tilespmem:s3+$0xFFFFFEE0] =	vst v19;
	v19 =	vld.idx.msk [tilespmem:v30+s23+$0x0], $0xffff;
	v32 =	vor.u32 v9, v12  }
0x281: {  	[tilespmem:s3+$0xFFFFFF60] =	vst v23;
	v12 =	vand.u32 $0x79, v17;
	v18 =	vld.idx.msk [tilespmem:v18+s23+$0x0], $0xffff;
	v30 =	vmov s6;
	v31 =	vand.u32 $0x7F, v31  }
0x282: {  	v23 =	vld.idx.msk [tilespmem:v26+s23+$0x0], $0xffff;
	v26 =	vor.u32 v9, v11;
	[tilespmem:s3+$0xFFFFFFE0] =	vst v20;
	v11 =	vbroadcast v12, $0x0;
	v12 =	vand.u32 $0x7A, v27  }
0x283: {  	v20 =	vor.u32 v9, v10;
	v27 =	vld.idx.msk [tilespmem:v16+s23+$0x0], $0xffff;
	v17 =	vbroadcast v31, $0x0;
	[tilespmem:s3+$0x60] =	vst v21;
	v10 =	vbroadcast v12, $0x0  }
0x284: {  	v12 =	vand.u32 $0x7B, v28;
	v28 =	vld.idx.msk [tilespmem:v15+s23+$0x0], $0xffff;
	v15 =	vand.u32 $0x7C, v24;
	[tilespmem:s3+$0xE0] =	vst v22;
	v22 =	vor.u32 v0, v11  }
0x285: {  	v16 =	vand.u32 $0x7E, v30;
	v12 =	vbroadcast v12, $0x0;
	v21 =	vor.u32 v0, v17;
	[tilespmem:s3+$0x160] =	vst v25;
	v24 =	vld.idx.msk [tilespmem:v13+s23+$0x0], $0xffff  }
0x286: {  	s13 =	sadd.s32 $0x400, s3;
	v25 =	vor.u32 v0, v10;
	v13 =	vbroadcast v15, $0x0;
	v15 =	vand.u32 $0x7D, v29;
	v29 =	vld.idx.msk [tilespmem:v32+s23+$0x0], $0xffff;
	[tilespmem:s3+$0xFFFFFE60] =	vst v19  }
0x287: {  	v16 =	vbroadcast v16, $0x0;
	v19 =	vor.u32 v0, v12;
	[tilespmem:s13+$0xFFFFFE00] =	vst v18;
	v26 =	vld.idx.msk [tilespmem:v26+s23+$0x0], $0xffff  }
0x288: {  	v15 =	vbroadcast v15, $0x0;
	[tilespmem:s3+$0xFFFFFEF0] =	vst v23;
	v20 =	vld.idx.msk [tilespmem:v20+s23+$0x0], $0xffff;
	v23 =	vor.u32 v0, v13  }
0x289: {  	[tilespmem:s3+$0xFFFFFFF0] =	vst v28;
	v28 =	vor.u32 v0, v16;
	v22 =	vld.idx.msk [tilespmem:v22+s23+$0x0], $0xffff  }
0x28a: {  	[tilespmem:s3+$0xFFFFFF70] =	vst v27;
	v27 =	vor.u32 v0, v15;
	v21 =	vld.idx.msk [tilespmem:v21+s23+$0x0], $0xffff  }
0x28b: {  	[tilespmem:s3+$0x70] =	vst v24;
	v24 =	vld.idx.msk [tilespmem:v25+s23+$0x0], $0xffff;
	v25 =	vor.u32 v3, v17  }
0x28c: {  	v19 =	vld.idx.msk [tilespmem:v19+s23+$0x0], $0xffff;
	[tilespmem:s3+$0x170] =	vst v26;
	v26 =	vor.u32 v3, v11  }
0x28d: {  	[tilespmem:s3+$0xFFFFFE70] =	vst v20;
	v20 =	vor.u32 v3, v10;
	v23 =	vld.idx.msk [tilespmem:v23+s23+$0x0], $0xffff  }
0x28e: {  	v28 =	vld.idx.msk [tilespmem:v28+s23+$0x0], $0xffff;
	[tilespmem:s13+$0xFFFFFE80] =	vst v22;
	v22 =	vor.u32 v3, v13  }
0x28f: {  	v27 =	vld.idx.msk [tilespmem:v27+s23+$0x0], $0xffff;
	[tilespmem:s13+$0x180] =	vst v21;
	v21 =	vor.u32 v3, v12  }
0x290: {  	v25 =	vld.idx.msk [tilespmem:v25+s23+$0x0], $0xffff;
	[tilespmem:s13+$0xFFFFFF00] =	vst v24;
	v24 =	vor.u32 v3, v15  }
0x291: {  	[tilespmem:s13+$0xFFFFFF80] =	vst v19;
	v19 =	vld.idx.msk [tilespmem:v26+s23+$0x0], $0xffff;
	v26 =	vor.u32 v4, v17  }
0x292: {  	v20 =	vld.idx.msk [tilespmem:v20+s23+$0x0], $0xffff;
	[tilespmem:s13+$0x0] =	vst v23;
	v23 =	vor.u32 v3, v16  }
0x293: {  	[tilespmem:s13+$0x100] =	vst v28;
	v28 =	vor.u32 v4, v11;
	v22 =	vld.idx.msk [tilespmem:v22+s23+$0x0], $0xffff  }
0x294: {  	[tilespmem:s13+$0x80] =	vst v27;
	v27 =	vor.u32 v3, v14;
	v21 =	vld.idx.msk [tilespmem:v21+s23+$0x0], $0xffff  }
0x295: {  	[tilespmem:s13+$0x190] =	vst v25;
	v24 =	vld.idx.msk [tilespmem:v24+s23+$0x0], $0xffff  }
0x296: {  	[tilespmem:s3+$0xF0] =	vst v29;
	v25 =	vor.u32 v4, v10;
	v26 =	vld.idx.msk [tilespmem:v26+s23+$0x0], $0xffff  }
0x297: {  	v18 =	vor.u32 v4, v12;
	[tilespmem:s13+$0xFFFFFE90] =	vst v19;
	v19 =	vld.idx.msk [tilespmem:v23+s23+$0x0], $0xffff  }
0x298: {  	[tilespmem:s13+$0xFFFFFF10] =	vst v20;
	v23 =	vor.u32 v4, v13;
	v28 =	vld.idx.msk [tilespmem:v28+s23+$0x0], $0xffff  }
0x299: {  	v20 =	vld.idx.msk [tilespmem:v27+s23+$0x0], $0xffff;
	v27 =	vor.u32 v5, v17;
	[tilespmem:s13+$0x10] =	vst v22  }
0x29a: {  	[tilespmem:s13+$0xFFFFFF90] =	vst v21;
	v21 =	vor.u32 v4, v15  }
0x29b: {  	v22 =	vld.idx.msk [tilespmem:v25+s23+$0x0], $0xffff;
	v25 =	vor.u32 v4, v16;
	[tilespmem:s13+$0x90] =	vst v24  }
0x29c: {  	v24 =	vor.u32 v4, v14;
	v18 =	vld.idx.msk [tilespmem:v18+s23+$0x0], $0xffff;
	[tilespmem:s13+$0x1A0] =	vst v26  }
0x29d: {  	v26 =	vor.u32 v5, v11;
	v23 =	vld.idx.msk [tilespmem:v23+s23+$0x0], $0xffff;
	[tilespmem:s13+$0x110] =	vst v19  }
0x29e: {  	v19 =	vor.u32 v5, v10;
	[tilespmem:s13+$0xFFFFFEA0] =	vst v28;
	v27 =	vld.idx.msk [tilespmem:v27+s23+$0x0], $0xffff  }
0x29f: {  	[tilespmem:s13+$0xFFFFFE10] =	vst v20;
	v20 =	vld.idx.msk [tilespmem:v21+s23+$0x0], $0xffff;
	v21 =	vor.u32 v5, v12  }
0x2a0: {  	v28 =	vor.u32 v6, v17;
	v25 =	vld.idx.msk [tilespmem:v25+s23+$0x0], $0xffff;
	[tilespmem:s13+$0xFFFFFF20] =	vst v22  }
0x2a1: {  	v22 =	vor.u32 v5, v13;
	v24 =	vld.idx.msk [tilespmem:v24+s23+$0x0], $0xffff;
	[tilespmem:s13+$0xFFFFFFA0] =	vst v18  }
0x2a2: {  	v18 =	vld.idx.msk [tilespmem:v26+s23+$0x0], $0xffff;
	v26 =	vor.u32 v5, v15;
	[tilespmem:s13+$0x20] =	vst v23  }
0x2a3: {  	v19 =	vld.idx.msk [tilespmem:v19+s23+$0x0], $0xffff;
	v23 =	vor.u32 v5, v16;
	[tilespmem:s13+$0x1B0] =	vst v27  }
0x2a4: {  	v27 =	vor.u32 v5, v14;
	v21 =	vld.idx.msk [tilespmem:v21+s23+$0x0], $0xffff;
	[tilespmem:s13+$0xA0] =	vst v20  }
0x2a5: {  	v20 =	vor.u32 v6, v11;
	v28 =	vld.idx.msk [tilespmem:v28+s23+$0x0], $0xffff;
	[tilespmem:s13+$0x120] =	vst v25  }
0x2a6: {  	v22 =	vld.idx.msk [tilespmem:v22+s23+$0x0], $0xffff;
	v25 =	vor.u32 v6, v10;
	[tilespmem:s13+$0xFFFFFE20] =	vst v24  }
0x2a7: {  	v24 =	vld.idx.msk [tilespmem:v26+s23+$0x0], $0xffff;
	v26 =	vor.u32 v7, v17;
	[tilespmem:s13+$0xFFFFFEB0] =	vst v18  }
0x2a8: {  	v18 =	vor.u32 v6, v12;
	v23 =	vld.idx.msk [tilespmem:v23+s23+$0x0], $0xffff;
	[tilespmem:s13+$0xFFFFFF30] =	vst v19  }
0x2a9: {  	v19 =	vld.idx.msk [tilespmem:v27+s23+$0x0], $0xffff;
	v27 =	vor.u32 v6, v13;
	[tilespmem:s13+$0xFFFFFFB0] =	vst v21  }
0x2aa: {  	v20 =	vld.idx.msk [tilespmem:v20+s23+$0x0], $0xffff;
	v21 =	vor.u32 v6, v15;
	[tilespmem:s13+$0x1C0] =	vst v28  }
0x2ab: {  	v28 =	vor.u32 v6, v16;
	v25 =	vld.idx.msk [tilespmem:v25+s23+$0x0], $0xffff;
	[tilespmem:s13+$0x30] =	vst v22  }
0x2ac: {  	v22 =	vor.u32 v6, v14;
	v26 =	vld.idx.msk [tilespmem:v26+s23+$0x0], $0xffff;
	[tilespmem:s13+$0xB0] =	vst v24  }
0x2ad: {  	v18 =	vld.idx.msk [tilespmem:v18+s23+$0x0], $0xffff;
	v24 =	vor.u32 v7, v11;
	[tilespmem:s13+$0x130] =	vst v23  }
0x2ae: {  	v23 =	vld.idx.msk [tilespmem:v27+s23+$0x0], $0xffff;
	v27 =	vor.u32 v8, v17;
	[tilespmem:s13+$0xFFFFFE30] =	vst v19  }
0x2af: {  	v19 =	vor.u32 v7, v10;
	v21 =	vld.idx.msk [tilespmem:v21+s23+$0x0], $0xffff;
	[tilespmem:s13+$0xFFFFFEC0] =	vst v20  }
0x2b0: {  	v20 =	vor.u32 v7, v12;
	v28 =	vld.idx.msk [tilespmem:v28+s23+$0x0], $0xffff;
	[tilespmem:s13+$0xFFFFFF40] =	vst v25  }
0x2b1: {  	v22 =	vld.idx.msk [tilespmem:v22+s23+$0x0], $0xffff;
	v25 =	vor.u32 v7, v13;
	[tilespmem:s13+$0x1D0] =	vst v26  }
0x2b2: {  	v24 =	vld.idx.msk [tilespmem:v24+s23+$0x0], $0xffff;
	v26 =	vor.u32 v7, v15;
	[tilespmem:s13+$0xFFFFFFC0] =	vst v18  }
0x2b3: {  	v18 =	vor.u32 v7, v16;
	v27 =	vld.idx.msk [tilespmem:v27+s23+$0x0], $0xffff;
	[tilespmem:s13+$0x40] =	vst v23  }
0x2b4: {  	v19 =	vld.idx.msk [tilespmem:v19+s23+$0x0], $0xffff;
	v23 =	vor.u32 v7, v14;
	[tilespmem:s13+$0xC0] =	vst v21  }
0x2b5: {  	v17 =	vor.u32 v9, v17;
	v20 =	vld.idx.msk [tilespmem:v20+s23+$0x0], $0xffff;
	[tilespmem:s13+$0x140] =	vst v28  }
0x2b6: {  	v21 =	vor.u32 v8, v11;
	v25 =	vld.idx.msk [tilespmem:v25+s23+$0x0], $0xffff;
	[tilespmem:s13+$0xFFFFFE40] =	vst v22  }
0x2b7: {  	v22 =	vor.u32 v8, v10;
	v26 =	vld.idx.msk [tilespmem:v26+s23+$0x0], $0xffff;
	[tilespmem:s13+$0xFFFFFED0] =	vst v24  }
0x2b8: {  	v24 =	vor.u32 v8, v12;
	v18 =	vld.idx.msk [tilespmem:v18+s23+$0x0], $0xffff;
	[tilespmem:s13+$0x1E0] =	vst v27  }
0x2b9: {  	v23 =	vld.idx.msk [tilespmem:v23+s23+$0x0], $0xffff;
	v27 =	vor.u32 v8, v13;
	[tilespmem:s13+$0xFFFFFF50] =	vst v19  }
0x2ba: {  	v19 =	vor.u32 v8, v15;
	v17 =	vld.idx.msk [tilespmem:v17+s23+$0x0], $0xffff;
	[tilespmem:s13+$0xFFFFFFD0] =	vst v20  }
0x2bb: {  	v20 =	vld.idx.msk [tilespmem:v21+s23+$0x0], $0xffff;
	v21 =	vor.u32 v8, v16;
	[tilespmem:s13+$0x50] =	vst v25  }
0x2bc: {  	v25 =	vor.u32 v8, v14;
	v22 =	vld.idx.msk [tilespmem:v22+s23+$0x0], $0xffff;
	[tilespmem:s13+$0xD0] =	vst v26  }
0x2bd: {  	v11 =	vor.u32 v9, v11;
	v24 =	vld.idx.msk [tilespmem:v24+s23+$0x0], $0xffff;
	[tilespmem:s13+$0x150] =	vst v18  }
0x2be: {  	v10 =	vor.u32 v9, v10;
	v18 =	vld.idx.msk [tilespmem:v27+s23+$0x0], $0xffff;
	[tilespmem:s13+$0xFFFFFE50] =	vst v23  }
0x2bf: {  	v12 =	vor.u32 v9, v12;
	v19 =	vld.idx.msk [tilespmem:v19+s23+$0x0], $0xffff;
	[tilespmem:s13+$0x1F0] =	vst v17  }
0x2c0: {  	v13 =	vor.u32 v9, v13;
	v17 =	vld.idx.msk [tilespmem:v21+s23+$0x0], $0xffff;
	[tilespmem:s13+$0xFFFFFEE0] =	vst v20  }
0x2c1: {  	v15 =	vor.u32 v9, v15;
	v20 =	vld.idx.msk [tilespmem:v25+s23+$0x0], $0xffff;
	[tilespmem:s13+$0xFFFFFF60] =	vst v22  }
0x2c2: {  	v16 =	vor.u32 v9, v16;
	v11 =	vld.idx.msk [tilespmem:v11+s23+$0x0], $0xffff;
	[tilespmem:s13+$0xFFFFFFE0] =	vst v24  }
0x2c3: {  	v14 =	vor.u32 v9, v14;
	v10 =	vld.idx.msk [tilespmem:v10+s23+$0x0], $0xffff;
	[tilespmem:s13+$0x60] =	vst v18  }
0x2c4: {  	v12 =	vld.idx.msk [tilespmem:v12+s23+$0x0], $0xffff;
	[tilespmem:s13+$0xE0] =	vst v19  }
0x2c5: {  	v13 =	vld.idx.msk [tilespmem:v13+s23+$0x0], $0xffff;
	[tilespmem:s13+$0x160] =	vst v17  }
0x2c6: {  	v15 =	vld.idx.msk [tilespmem:v15+s23+$0x0], $0xffff;
	[tilespmem:s13+$0xFFFFFE60] =	vst v20  }
0x2c7: {  	v16 =	vld.idx.msk [tilespmem:v16+s23+$0x0], $0xffff;
	[tilespmem:s13+$0xFFFFFEF0] =	vst v11  }
0x2c8: {  	v11 =	vld.idx.msk [tilespmem:v14+s23+$0x0], $0xffff;
	[tilespmem:s13+$0xFFFFFF70] =	vst v10  }
0x2c9: {  	s19 =	smul.u32 $0xFA000, s0;
	[tilespmem:s13+$0xFFFFFFF0] =	vst v12  }
0x2ca: {  	[tilespmem:s13+$0x70] =	vst v13  }
0x2cb: {  	s0 =	sadd.s32 $0x1, s0;
	s14 =	sadd.s32 s7, s19;
	[tilespmem:s13+$0xF0] =	vst v15  }
0x2cc: {  	s10 =	sshll.u32 s0, $0x7;
	s6 =	sshrl.u32 s14, $0x3;
	[tilespmem:s13+$0x170] =	vst v16  }
0x2cd: {  	s6 =	sadd.s32 s1, s6;
	s3 =	sand.u32 $0x3FFFFF80, s10;
	[tilespmem:s13+$0xFFFFFE70] =	vst v11  }
0x2ce: {  	[hbm4b:s6+s17] =	stream.strided.scatter [tilespmem:s28], [sflag:$0x3], $0x4000, s18, s17, $0x38;
	[tilespmem:$0x11D00] =	vst v63  }
0x2cf: {  	v10 =	vld [tilespmem:s3+$0x0];
	_ =	sdelay $0x4  }
0x2d0: {  	v10 =	vshll.u32 v10, $0x3  }
0x2d1: {  	v10 =	vor.u32 v1, v10  }
0x2d2: {  	[tilespmem:$0x1C00] =	vst v10  }
0x2d3: {  	v10 =	vld [tilespmem:s3+$0x10];
	_ =	sdelay $0x4  }
0x2d4: {  	v10 =	vshll.u32 v10, $0x3  }
0x2d5: {  	v10 =	vor.u32 v1, v10  }
0x2d6: {  	[tilespmem:$0x1C10] =	vst v10  }
0x2d7: {  	v10 =	vld [tilespmem:s3+$0x20];
	_ =	sdelay $0x4  }
0x2d8: {  	v10 =	vshll.u32 v10, $0x3  }
0x2d9: {  	v10 =	vor.u32 v1, v10  }
0x2da: {  	[tilespmem:$0x1C20] =	vst v10  }
0x2db: {  	v10 =	vld [tilespmem:s3+$0x30];
	_ =	sdelay $0x4  }
0x2dc: {  	v10 =	vshll.u32 v10, $0x3  }
0x2dd: {  	v10 =	vor.u32 v1, v10  }
0x2de: {  	[tilespmem:$0x1C30] =	vst v10  }
0x2df: {  	v10 =	vld [tilespmem:s3+$0x40];
	_ =	sdelay $0x4  }
0x2e0: {  	v10 =	vshll.u32 v10, $0x3  }
0x2e1: {  	v10 =	vor.u32 v1, v10  }
0x2e2: {  	[tilespmem:$0x1C40] =	vst v10  }
0x2e3: {  	v10 =	vld [tilespmem:s3+$0x50];
	_ =	sdelay $0x4  }
0x2e4: {  	v10 =	vshll.u32 v10, $0x3  }
0x2e5: {  	v10 =	vor.u32 v1, v10  }
0x2e6: {  	[tilespmem:$0x1C50] =	vst v10  }
0x2e7: {  	v10 =	vld [tilespmem:s3+$0x60];
	_ =	sdelay $0x4  }
0x2e8: {  	v10 =	vshll.u32 v10, $0x3  }
0x2e9: {  	v10 =	vor.u32 v1, v10  }
0x2ea: {  	[tilespmem:$0x1C60] =	vst v10  }
0x2eb: {  	v10 =	vld [tilespmem:s3+$0x70];
	_ =	sdelay $0x4  }
0x2ec: {  	v10 =	vshll.u32 v10, $0x3  }
0x2ed: {  	v10 =	vor.u32 v1, v10  }
0x2ee: {  	s11 =	simm.s32 $0x0;
	s14 =	simm.s32 $0x7;
	[tilespmem:$0x1C70] =	vst v10  }
0x2ef: {  	v14 =	vmov s14;
	[tilespmem:s23], [sflag:$0x1] =	stream.indirect.gather [hbm4b:s4+s21], $0x80, s22, s21, $0xb8;
	[tilespmem:$0x11D00] =	vst v63  }
0x2f0: {  	s14 =	simm.s32 $0x5;
	v14 =	vand.u32 $0x7F, v14;
	v11 =	vmov s11;
	_ =	swait.ge [sflag:s29], $0x4000  }
0x2f1: {  	s10 =	simm.s32 $0x2;
	v19 =	vmov s14;
	v14 =	vbroadcast v14, $0x0;
	s13 =	simm.s32 $0x1;
	v10 =	vand.u32 $0x78, v11;
	[sflag:s29] =	ssyncset.done $0x0  }
0x2f2: {  	v13 =	vmov s10;
	s10 =	simm.s32 $0x3;
	s11 =	simm.s32 @p0 $0x4;
	v12 =	vmov s13;
	v10 =	vbroadcast v10, $0x0;
	[sflag:s29] =	ssyncadd.s32 $0xFFFFC000  }
0x2f3: {  	v15 =	vmov s10;
	v21 =	vor.u32 v0, v14;
	v12 =	vand.u32 $0x79, v12;
	_ =	swait.ge @p0 [sflag:s11], $0x4000  }
0x2f4: {  	s13 =	simm.s32 $0x4;
	v17 =	vbroadcast v12, $0x0;
	v12 =	vand.u32 $0x7A, v13;
	v11 =	vor.u32 v0, v10;
	[sflag:s11] =	ssyncset.done @p0 $0x0  }
0x2f5: {  	s6 =	simm.s32 @!p0 $0x4;
	v18 =	vmov s13;
	v16 =	vbroadcast v12, $0x0;
	v12 =	vand.u32 $0x7B, v15;
	[sflag:s11] =	ssyncadd.s32 @p0 $0xFFFFC000  }
0x2f6: {  	v22 =	vor.u32 v0, v17;
	v15 =	vbroadcast v12, $0x0;
	v12 =	vand.u32 $0x7C, v18;
	_ =	swait.ge @!p0 [sflag:s6], $0x3400  }
0x2f7: {  	s10 =	simm.s32 $0x6;
	v18 =	vor.u32 v0, v16;
	v13 =	vbroadcast v12, $0x0;
	v12 =	vand.u32 $0x7D, v19;
	[sflag:s6] =	ssyncset.done @!p0 $0x0  }
0x2f8: {  	v20 =	vmov s10;
	v19 =	vor.u32 v0, v15;
	v12 =	vbroadcast v12, $0x0;
	[sflag:s6] =	ssyncadd.s32 @!p0 $0xFFFFCC00  }
0x2f9: {  	v20 =	vand.u32 $0x7E, v20;
	v24 =	vor.u32 v0, v13;
	v23 =	vld.idx.msk [tilespmem:v11+s25+$0x0], $0xffff  }
0x2fa: {  	v11 =	vbroadcast v20, $0x0;
	v20 =	vor.u32 v0, v12;
	v21 =	vld.idx.msk [tilespmem:v21+s25+$0x0], $0xffff  }
0x2fb: {  	v26 =	vor.u32 v3, v14;
	v22 =	vld.idx.msk [tilespmem:v22+s25+$0x0], $0xffff  }
0x2fc: {  	v27 =	vor.u32 v3, v17;
	v18 =	vld.idx.msk [tilespmem:v18+s25+$0x0], $0xffff  }
0x2fd: {  	v28 =	vor.u32 v3, v16;
	v19 =	vld.idx.msk [tilespmem:v19+s25+$0x0], $0xffff  }
0x2fe: {  	s6 =	simm.s32 $0xDF00;
	v24 =	vld.idx.msk [tilespmem:v24+s25+$0x0], $0xffff;
	v25 =	vor.u32 v0, v11  }
0x2ff: {  	v29 =	vor.u32 v3, v15;
	v20 =	vld.idx.msk [tilespmem:v20+s25+$0x0], $0xffff;
	[tilespmem:s6+$0x180] =	vst v21  }
0x300: {  	v30 =	vor.u32 v3, v13;
	[tilespmem:s6+$0xFFFFFE80] =	vst v22;
	v22 =	vld.idx.msk [tilespmem:v26+s25+$0x0], $0xffff  }
0x301: {  	v21 =	vor.u32 v3, v12;
	[tilespmem:s6+$0xFFFFFF00] =	vst v18;
	v26 =	vld.idx.msk [tilespmem:v27+s25+$0x0], $0xffff  }
0x302: {  	[tilespmem:s6+$0xFFFFFF80] =	vst v19;
	v27 =	vld.idx.msk [tilespmem:v28+s25+$0x0], $0xffff;
	v28 =	vor.u32 v3, v10  }
0x303: {  	v19 =	vor.u32 v4, v14;
	[tilespmem:s6+$0x0] =	vst v24;
	v25 =	vld.idx.msk [tilespmem:v25+s25+$0x0], $0xffff  }
0x304: {  	v24 =	vor.u32 v4, v17;
	[tilespmem:s6+$0xFFFFFE00] =	vst v23;
	v29 =	vld.idx.msk [tilespmem:v29+s25+$0x0], $0xffff  }
0x305: {  	v18 =	vor.u32 v3, v11;
	v30 =	vld.idx.msk [tilespmem:v30+s25+$0x0], $0xffff;
	[tilespmem:s6+$0x80] =	vst v20  }
0x306: {  	v20 =	vor.u32 v4, v16;
	v21 =	vld.idx.msk [tilespmem:v21+s25+$0x0], $0xffff;
	[tilespmem:s6+$0x190] =	vst v22  }
0x307: {  	v22 =	vor.u32 v4, v13;
	v23 =	vld.idx.msk [tilespmem:v28+s25+$0x0], $0xffff;
	[tilespmem:s6+$0xFFFFFE90] =	vst v26  }
0x308: {  	[tilespmem:s6+$0x100] =	vst v25;
	v25 =	vor.u32 v4, v15;
	v19 =	vld.idx.msk [tilespmem:v19+s25+$0x0], $0xffff  }
0x309: {  	v26 =	vor.u32 v4, v12;
	[tilespmem:s6+$0xFFFFFF10] =	vst v27;
	v24 =	vld.idx.msk [tilespmem:v24+s25+$0x0], $0xffff  }
0x30a: {  	v27 =	vor.u32 v5, v14;
	[tilespmem:s6+$0xFFFFFF90] =	vst v29;
	v18 =	vld.idx.msk [tilespmem:v18+s25+$0x0], $0xffff  }
0x30b: {  	v28 =	vor.u32 v4, v11;
	[tilespmem:s6+$0x10] =	vst v30;
	v20 =	vld.idx.msk [tilespmem:v20+s25+$0x0], $0xffff  }
0x30c: {  	v29 =	vor.u32 v4, v10;
	v22 =	vld.idx.msk [tilespmem:v22+s25+$0x0], $0xffff;
	[tilespmem:s6+$0x90] =	vst v21  }
0x30d: {  	v30 =	vor.u32 v5, v17;
	[tilespmem:s6+$0xFFFFFE10] =	vst v23;
	v25 =	vld.idx.msk [tilespmem:v25+s25+$0x0], $0xffff  }
0x30e: {  	v21 =	vor.u32 v5, v16;
	v26 =	vld.idx.msk [tilespmem:v26+s25+$0x0], $0xffff;
	[tilespmem:s6+$0x1A0] =	vst v19  }
0x30f: {  	v23 =	vor.u32 v5, v13;
	[tilespmem:s6+$0x110] =	vst v18;
	v18 =	vld.idx.msk [tilespmem:v27+s25+$0x0], $0xffff  }
0x310: {  	v19 =	vor.u32 v5, v15;
	[tilespmem:s6+$0xFFFFFEA0] =	vst v24;
	v27 =	vld.idx.msk [tilespmem:v28+s25+$0x0], $0xffff  }
0x311: {  	v24 =	vor.u32 v6, v14;
	v28 =	vld.idx.msk [tilespmem:v29+s25+$0x0], $0xffff;
	[tilespmem:s6+$0xFFFFFF20] =	vst v20  }
0x312: {  	v29 =	vld.idx.msk [tilespmem:v30+s25+$0x0], $0xffff;
	v20 =	vor.u32 v5, v12;
	[tilespmem:s6+$0x20] =	vst v22  }
0x313: {  	v30 =	vor.u32 v5, v10;
	v21 =	vld.idx.msk [tilespmem:v21+s25+$0x0], $0xffff;
	[tilespmem:s6+$0xFFFFFFA0] =	vst v25  }
0x314: {  	v22 =	vor.u32 v6, v17;
	v23 =	vld.idx.msk [tilespmem:v23+s25+$0x0], $0xffff;
	[tilespmem:s6+$0xA0] =	vst v26  }
0x315: {  	v25 =	vor.u32 v5, v11;
	v19 =	vld.idx.msk [tilespmem:v19+s25+$0x0], $0xffff;
	[tilespmem:s6+$0x1B0] =	vst v18  }
0x316: {  	v18 =	vor.u32 v6, v16;
	v24 =	vld.idx.msk [tilespmem:v24+s25+$0x0], $0xffff;
	[tilespmem:s6+$0x120] =	vst v27  }
0x317: {  	v26 =	vor.u32 v6, v15;
	[tilespmem:s6+$0xFFFFFE20] =	vst v28;
	v20 =	vld.idx.msk [tilespmem:v20+s25+$0x0], $0xffff  }
0x318: {  	[tilespmem:s6+$0xFFFFFEB0] =	vst v29;
	v29 =	vor.u32 v6, v13;
	v28 =	vld.idx.msk [tilespmem:v30+s25+$0x0], $0xffff  }
0x319: {  	v27 =	vor.u32 v7, v14;
	v22 =	vld.idx.msk [tilespmem:v22+s25+$0x0], $0xffff;
	[tilespmem:s6+$0xFFFFFF30] =	vst v21  }
0x31a: {  	v21 =	vor.u32 v6, v12;
	v25 =	vld.idx.msk [tilespmem:v25+s25+$0x0], $0xffff;
	[tilespmem:s6+$0x30] =	vst v23  }
0x31b: {  	v30 =	vor.u32 v6, v10;
	v18 =	vld.idx.msk [tilespmem:v18+s25+$0x0], $0xffff;
	[tilespmem:s6+$0xFFFFFFB0] =	vst v19  }
0x31c: {  	v19 =	vor.u32 v6, v11;
	v26 =	vld.idx.msk [tilespmem:v26+s25+$0x0], $0xffff;
	[tilespmem:s6+$0x1C0] =	vst v24  }
0x31d: {  	v24 =	vor.u32 v7, v17;
	v29 =	vld.idx.msk [tilespmem:v29+s25+$0x0], $0xffff;
	[tilespmem:s6+$0xB0] =	vst v20  }
0x31e: {  	v23 =	vld.idx.msk [tilespmem:v27+s25+$0x0], $0xffff;
	v27 =	vor.u32 v7, v16;
	[tilespmem:s6+$0xFFFFFE30] =	vst v28  }
0x31f: {  	v20 =	vld.idx.msk [tilespmem:v21+s25+$0x0], $0xffff;
	v21 =	vor.u32 v8, v14;
	[tilespmem:s6+$0xFFFFFEC0] =	vst v22  }
0x320: {  	v28 =	vld.idx.msk [tilespmem:v30+s25+$0x0], $0xffff;
	v22 =	vor.u32 v7, v13;
	[tilespmem:s6+$0x130] =	vst v25  }
0x321: {  	v25 =	vor.u32 v7, v15;
	v19 =	vld.idx.msk [tilespmem:v19+s25+$0x0], $0xffff  }
0x322: {  	[tilespmem:s6+$0xFFFFFF40] =	vst v18;
	v18 =	vor.u32 v7, v12;
	v24 =	vld.idx.msk [tilespmem:v24+s25+$0x0], $0xffff  }
0x323: {  	v30 =	vor.u32 v7, v11;
	v27 =	vld.idx.msk [tilespmem:v27+s25+$0x0], $0xffff;
	[tilespmem:s6+$0x1D0] =	vst v23  }
0x324: {  	[tilespmem:s6+$0x40] =	vst v29;
	v23 =	vor.u32 v7, v10;
	v21 =	vld.idx.msk [tilespmem:v21+s25+$0x0], $0xffff  }
0x325: {  	[tilespmem:s6+$0xFFFFFFC0] =	vst v26;
	v26 =	vor.u32 v8, v17;
	v22 =	vld.idx.msk [tilespmem:v22+s25+$0x0], $0xffff  }
0x326: {  	v14 =	vor.u32 v9, v14;
	[tilespmem:s6+$0xC0] =	vst v20;
	v25 =	vld.idx.msk [tilespmem:v25+s25+$0x0], $0xffff  }
0x327: {  	v20 =	vor.u32 v8, v16;
	v31 =	vld.idx.msk [tilespmem:v18+s25+$0x0], $0xffff;
	[tilespmem:s6+$0x140] =	vst v19  }
0x328: {  	s10 =	simm.s32 $0x8;
	[tilespmem:s6+$0xFFFFFE40] =	vst v28;
	v18 =	vor.u32 v8, v15;
	v28 =	vld.idx.msk [tilespmem:v30+s25+$0x0], $0xffff  }
0x329: {  	[tilespmem:s6+$0xFFFFFED0] =	vst v24;
	v24 =	vor.u32 v8, v13;
	v63 =	vld.idx.msk [tilespmem:v23+s25+$0x0], $0xffff;
	v23 =	vmov s10  }
0x32a: {  	v33 =	vor.u32 v8, v12;
	v19 =	vld.idx.msk [tilespmem:v26+s25+$0x0], $0xffff;
	[tilespmem:s6+$0x1E0] =	vst v21;
	v21 =	vand.u32 $0x78, v23  }
0x32b: {  	v34 =	vor.u32 v8, v11;
	[tilespmem:s6+$0xFFFFFF50] =	vst v27;
	v29 =	vld.idx.msk [tilespmem:v14+s25+$0x0], $0xffff;
	v14 =	vbroadcast v21, $0x0  }
0x32c: {  	v30 =	vor.u32 v8, v10;
	v23 =	vld.idx.msk [tilespmem:v20+s25+$0x0], $0xffff;
	[tilespmem:s6+$0xFFFFFFD0] =	vst v25  }
0x32d: {  	[tilespmem:s6+$0x50] =	vst v22;
	v20 =	vld.idx.msk [tilespmem:v18+s25+$0x0], $0xffff;
	v18 =	vor.u32 v0, v14  }
0x32e: {  	s14 =	simm.s32 $0xA;
	s13 =	simm.s32 $0x9;
	v26 =	vor.u32 v9, v17;
	[tilespmem:s6+$0xD0] =	vst v31;
	v21 =	vld.idx.msk [tilespmem:v24+s25+$0x0], $0xffff  }
0x32f: {  	v16 =	vor.u32 v9, v16;
	v17 =	vmov s13;
	v27 =	vmov s14;
	s13 =	simm.s32 $0xB;
	s14 =	simm.s32 $0xC;
	v22 =	vld.idx.msk [tilespmem:v33+s25+$0x0], $0xffff;
	[tilespmem:s6+$0x150] =	vst v28  }
0x330: {  	s11 =	simm.s32 $0x10;
	v15 =	vor.u32 v9, v15;
	v28 =	vmov s13;
	v24 =	vmov s14;
	s14 =	simm.s32 $0xD;
	s13 =	simm.s32 $0xF;
	[tilespmem:s6+$0xFFFFFE50] =	vst v63;
	v25 =	vld.idx.msk [tilespmem:v34+s25+$0x0], $0xffff  }
.LBB2_9:
0x331: {  	p1 =	slt.u32 s11, $0x78;
	v31 =	vmov s14;
	s14 =	sadd.s32 $0x6, s10;
	v32 =	vmov s13;
	v30 =	vld.idx.msk [tilespmem:v30+s25+$0x0], $0xffff;
	v13 =	vor.u32 v9, v13;
	[tilespmem:s6+$0x1F0] =	vst v29;
	s10 =	smov.u32 s11  }
0x332: {  	v12 =	vor.u32 v9, v12;
	v29 =	vld.idx.msk [tilespmem:v18+s25+$0x0], $0xffff;
	v33 =	vmov s14;
	v18 =	vand.u32 $0x7F, v32;
	[tilespmem:s6+$0xFFFFFEE0] =	vst v19  }
0x333: {  	v17 =	vand.u32 $0x79, v17;
	v11 =	vor.u32 v9, v11;
	v18 =	vbroadcast v18, $0x0;
	v19 =	vld.idx.msk [tilespmem:v26+s25+$0x0], $0xffff;
	[tilespmem:s6+$0xFFFFFF60] =	vst v23  }
0x334: {  	v17 =	vbroadcast v17, $0x0;
	v23 =	vand.u32 $0x7A, v27;
	v26 =	vor.u32 v9, v10;
	v10 =	vmovc v14;
	v27 =	vld.idx.msk [tilespmem:v16+s25+$0x0], $0xffff;
	[tilespmem:s6+$0xFFFFFFE0] =	vst v20  }
0x335: {  	v14 =	vand.u32 $0x7B, v28;
	v16 =	vbroadcast v23, $0x0;
	v20 =	vor.u32 v0, v18;
	v23 =	vld.idx.msk [tilespmem:v15+s25+$0x0], $0xffff;
	[tilespmem:s6+$0x60] =	vst v21  }
0x336: {  	v21 =	vor.u32 v0, v17;
	v15 =	vbroadcast v14, $0x0;
	v14 =	vand.u32 $0x7C, v24;
	v24 =	vld.idx.msk [tilespmem:v13+s25+$0x0], $0xffff;
	[tilespmem:s6+$0xE0] =	vst v22  }
0x337: {  	v22 =	vor.u32 v0, v16;
	v13 =	vbroadcast v14, $0x0;
	v14 =	vand.u32 $0x7D, v31;
	v28 =	vld.idx.msk [tilespmem:v12+s25+$0x0], $0xffff;
	[tilespmem:s6+$0x160] =	vst v25  }
0x338: {  	v25 =	vor.u32 v0, v15;
	v12 =	vbroadcast v14, $0x0;
	v14 =	vand.u32 $0x7E, v33;
	[tilespmem:s6+$0xFFFFFE60] =	vst v30;
	v30 =	vld.idx.msk [tilespmem:v11+s25+$0x0], $0xffff  }
0x339: {  	v31 =	vor.u32 v0, v13;
	v11 =	vbroadcast v14, $0x0;
	v14 =	vld.idx.msk [tilespmem:v26+s25+$0x0], $0xffff;
	[tilespmem:s6+$0xFFFFFEF0] =	vst v19  }
0x33a: {  	v19 =	vor.u32 v0, v12;
	v20 =	vld.idx.msk [tilespmem:v20+s25+$0x0], $0xffff;
	[tilespmem:s6+$0xFFFFFF70] =	vst v27  }
0x33b: {  	v26 =	vor.u32 v0, v11;
	v21 =	vld.idx.msk [tilespmem:v21+s25+$0x0], $0xffff;
	[tilespmem:s6+$0xFFFFFFF0] =	vst v23  }
0x33c: {  	v23 =	vor.u32 v3, v18;
	v22 =	vld.idx.msk [tilespmem:v22+s25+$0x0], $0xffff;
	[tilespmem:s6+$0x70] =	vst v24  }
0x33d: {  	v24 =	vor.u32 v3, v17;
	v25 =	vld.idx.msk [tilespmem:v25+s25+$0x0], $0xffff;
	[tilespmem:s6+$0xF0] =	vst v28  }
0x33e: {  	v27 =	vor.u32 v3, v16;
	v28 =	vld.idx.msk [tilespmem:v31+s25+$0x0], $0xffff;
	[tilespmem:s6+$0x170] =	vst v30  }
0x33f: {  	v30 =	vor.u32 v3, v15;
	v19 =	vld.idx.msk [tilespmem:v19+s25+$0x0], $0xffff;
	[tilespmem:s6+$0xFFFFFE70] =	vst v14;
	s6 =	sadd.s32 $0x400, s6  }
0x340: {  	v14 =	vor.u32 v3, v13;
	v26 =	vld.idx.msk [tilespmem:v26+s25+$0x0], $0xffff;
	[tilespmem:s6+$0x180] =	vst v20  }
0x341: {  	v20 =	vor.u32 v3, v12;
	[tilespmem:s6+$0xFFFFFE80] =	vst v21;
	v21 =	vld.idx.msk [tilespmem:v23+s25+$0x0], $0xffff  }
0x342: {  	v23 =	vld.idx.msk [tilespmem:v24+s25+$0x0], $0xffff;
	[tilespmem:s6+$0xFFFFFF00] =	vst v22;
	v22 =	vor.u32 v3, v11  }
0x343: {  	v24 =	vld.idx.msk [tilespmem:v27+s25+$0x0], $0xffff;
	[tilespmem:s6+$0xFFFFFF80] =	vst v25;
	v25 =	vor.u32 v4, v18  }
0x344: {  	v27 =	vor.u32 v3, v10;
	v30 =	vld.idx.msk [tilespmem:v30+s25+$0x0], $0xffff;
	[tilespmem:s6+$0x0] =	vst v28  }
0x345: {  	v28 =	vor.u32 v4, v17;
	v14 =	vld.idx.msk [tilespmem:v14+s25+$0x0], $0xffff;
	[tilespmem:s6+$0x80] =	vst v19  }
0x346: {  	v19 =	vor.u32 v4, v16;
	v20 =	vld.idx.msk [tilespmem:v20+s25+$0x0], $0xffff;
	[tilespmem:s6+$0x100] =	vst v26  }
0x347: {  	v26 =	vor.u32 v4, v15;
	v22 =	vld.idx.msk [tilespmem:v22+s25+$0x0], $0xffff;
	[tilespmem:s6+$0x190] =	vst v21  }
0x348: {  	v21 =	vor.u32 v4, v13;
	[tilespmem:s6+$0xFFFFFE00] =	vst v29;
	v25 =	vld.idx.msk [tilespmem:v25+s25+$0x0], $0xffff  }
0x349: {  	v27 =	vld.idx.msk [tilespmem:v27+s25+$0x0], $0xffff;
	[tilespmem:s6+$0xFFFFFE90] =	vst v23;
	v23 =	vor.u32 v4, v12  }
0x34a: {  	v28 =	vld.idx.msk [tilespmem:v28+s25+$0x0], $0xffff;
	[tilespmem:s6+$0xFFFFFF10] =	vst v24;
	v24 =	vor.u32 v5, v18  }
0x34b: {  	v29 =	vor.u32 v4, v11;
	v19 =	vld.idx.msk [tilespmem:v19+s25+$0x0], $0xffff;
	[tilespmem:s6+$0xFFFFFF90] =	vst v30  }
0x34c: {  	v30 =	vor.u32 v4, v10;
	v26 =	vld.idx.msk [tilespmem:v26+s25+$0x0], $0xffff;
	[tilespmem:s6+$0x10] =	vst v14  }
0x34d: {  	v14 =	vor.u32 v5, v17;
	v21 =	vld.idx.msk [tilespmem:v21+s25+$0x0], $0xffff;
	[tilespmem:s6+$0x90] =	vst v20  }
0x34e: {  	v20 =	vor.u32 v5, v16;
	v23 =	vld.idx.msk [tilespmem:v23+s25+$0x0], $0xffff;
	[tilespmem:s6+$0x1A0] =	vst v25  }
0x34f: {  	v25 =	vor.u32 v5, v15;
	[tilespmem:s6+$0x110] =	vst v22;
	v22 =	vld.idx.msk [tilespmem:v24+s25+$0x0], $0xffff  }
0x350: {  	v24 =	vor.u32 v5, v13;
	[tilespmem:s6+$0xFFFFFE10] =	vst v27;
	v27 =	vld.idx.msk [tilespmem:v29+s25+$0x0], $0xffff  }
0x351: {  	v29 =	vld.idx.msk [tilespmem:v30+s25+$0x0], $0xffff;
	[tilespmem:s6+$0xFFFFFEA0] =	vst v28;
	v28 =	vor.u32 v6, v18  }
0x352: {  	v14 =	vld.idx.msk [tilespmem:v14+s25+$0x0], $0xffff;
	[tilespmem:s6+$0xFFFFFF20] =	vst v19;
	v19 =	vor.u32 v5, v12  }
0x353: {  	v20 =	vld.idx.msk [tilespmem:v20+s25+$0x0], $0xffff;
	[tilespmem:s6+$0xFFFFFFA0] =	vst v26;
	v26 =	vor.u32 v5, v11  }
0x354: {  	v30 =	vor.u32 v5, v10;
	v25 =	vld.idx.msk [tilespmem:v25+s25+$0x0], $0xffff;
	[tilespmem:s6+$0x20] =	vst v21  }
0x355: {  	v21 =	vor.u32 v6, v17;
	v24 =	vld.idx.msk [tilespmem:v24+s25+$0x0], $0xffff;
	[tilespmem:s6+$0x1B0] =	vst v22  }
0x356: {  	v22 =	vor.u32 v6, v16;
	[tilespmem:s6+$0xA0] =	vst v23;
	v23 =	vld.idx.msk [tilespmem:v28+s25+$0x0], $0xffff  }
0x357: {  	v28 =	vor.u32 v6, v15;
	v19 =	vld.idx.msk [tilespmem:v19+s25+$0x0], $0xffff;
	[tilespmem:s6+$0x120] =	vst v27  }
0x358: {  	v27 =	vor.u32 v7, v18;
	[tilespmem:s6+$0xFFFFFE20] =	vst v29;
	v26 =	vld.idx.msk [tilespmem:v26+s25+$0x0], $0xffff  }
0x359: {  	v29 =	vld.idx.msk [tilespmem:v30+s25+$0x0], $0xffff;
	[tilespmem:s6+$0xFFFFFEB0] =	vst v14;
	v14 =	vor.u32 v6, v13  }
0x35a: {  	v21 =	vld.idx.msk [tilespmem:v21+s25+$0x0], $0xffff;
	[tilespmem:s6+$0xFFFFFF30] =	vst v20;
	v20 =	vor.u32 v6, v12  }
0x35b: {  	v22 =	vld.idx.msk [tilespmem:v22+s25+$0x0], $0xffff;
	[tilespmem:s6+$0xFFFFFFB0] =	vst v25;
	v25 =	vor.u32 v6, v11  }
0x35c: {  	v30 =	vor.u32 v6, v10;
	v28 =	vld.idx.msk [tilespmem:v28+s25+$0x0], $0xffff;
	[tilespmem:s6+$0x1C0] =	vst v23  }
0x35d: {  	v23 =	vor.u32 v7, v17;
	[tilespmem:s6+$0x30] =	vst v24;
	v24 =	vld.idx.msk [tilespmem:v27+s25+$0x0], $0xffff  }
0x35e: {  	v27 =	vor.u32 v7, v16;
	v14 =	vld.idx.msk [tilespmem:v14+s25+$0x0], $0xffff;
	[tilespmem:s6+$0xB0] =	vst v19  }
0x35f: {  	v19 =	vld.idx.msk [tilespmem:v20+s25+$0x0], $0xffff;
	[tilespmem:s6+$0x130] =	vst v26;
	v20 =	vor.u32 v8, v18  }
0x360: {  	v26 =	vor.u32 v7, v15;
	[tilespmem:s6+$0xFFFFFE30] =	vst v29;
	v25 =	vld.idx.msk [tilespmem:v25+s25+$0x0], $0xffff  }
0x361: {  	v29 =	vld.idx.msk [tilespmem:v30+s25+$0x0], $0xffff;
	[tilespmem:s6+$0xFFFFFEC0] =	vst v21;
	v21 =	vor.u32 v7, v13  }
0x362: {  	v23 =	vld.idx.msk [tilespmem:v23+s25+$0x0], $0xffff;
	[tilespmem:s6+$0xFFFFFF40] =	vst v22;
	v22 =	vor.u32 v7, v12  }
0x363: {  	v30 =	vor.u32 v7, v11;
	v27 =	vld.idx.msk [tilespmem:v27+s25+$0x0], $0xffff;
	[tilespmem:s6+$0x1D0] =	vst v24  }
0x364: {  	v24 =	vor.u32 v7, v10;
	[tilespmem:s6+$0xFFFFFFC0] =	vst v28;
	v20 =	vld.idx.msk [tilespmem:v20+s25+$0x0], $0xffff  }
0x365: {  	v28 =	vor.u32 v8, v17;
	v26 =	vld.idx.msk [tilespmem:v26+s25+$0x0], $0xffff;
	[tilespmem:s6+$0x40] =	vst v14  }
0x366: {  	v18 =	vor.u32 v9, v18;
	v21 =	vld.idx.msk [tilespmem:v21+s25+$0x0], $0xffff;
	[tilespmem:s6+$0xC0] =	vst v19  }
0x367: {  	v31 =	vor.u32 v8, v16;
	v22 =	vld.idx.msk [tilespmem:v22+s25+$0x0], $0xffff;
	[tilespmem:s6+$0x140] =	vst v25  }
0x368: {  	v25 =	vor.u32 v8, v15;
	[tilespmem:s6+$0xFFFFFE40] =	vst v29;
	v32 =	vld.idx.msk [tilespmem:v30+s25+$0x0], $0xffff  }
0x369: {  	v14 =	vmov s11;
	v33 =	vld.idx.msk [tilespmem:v24+s25+$0x0], $0xffff;
	[tilespmem:s6+$0xFFFFFED0] =	vst v23;
	v24 =	vor.u32 v8, v13  }
0x36a: {  	v14 =	vand.u32 $0x78, v14;
	v19 =	vld.idx.msk [tilespmem:v28+s25+$0x0], $0xffff;
	v28 =	vor.u32 v8, v12;
	[tilespmem:s6+$0x1E0] =	vst v20  }
0x36b: {  	v34 =	vor.u32 v8, v11;
	v14 =	vbroadcast v14, $0x0;
	[tilespmem:s6+$0xFFFFFF50] =	vst v27;
	v29 =	vld.idx.msk [tilespmem:v18+s25+$0x0], $0xffff  }
.Ltmp3:
0x36c: {  	v30 =	vor.u32 v8, v10;
	v23 =	vld.idx.msk [tilespmem:v31+s25+$0x0], $0xffff;
	[tilespmem:s6+$0xFFFFFFD0] =	vst v26;
	(pc) =	sbr.rel @p1 .LBB2_9-.Ltmp3, $4  }
0x36d: {  	v18 =	vor.u32 v0, v14;
	v20 =	vld.idx.msk [tilespmem:v25+s25+$0x0], $0xffff;
	[tilespmem:s6+$0x50] =	vst v21  }
0x36e: {  	s13 =	sadd.s32 $0x1, s11;
	s14 =	sadd.s32 $0x2, s11;
	v26 =	vor.u32 v9, v17;
	v21 =	vld.idx.msk [tilespmem:v24+s25+$0x0], $0xffff;
	[tilespmem:s6+$0xD0] =	vst v22  }
0x36f: {  	v16 =	vor.u32 v9, v16;
	v27 =	vmov s14;
	s14 =	sadd.s32 $0x4, s11;
	v17 =	vmov s13;
	s13 =	sadd.s32 $0x3, s11;
	v22 =	vld.idx.msk [tilespmem:v28+s25+$0x0], $0xffff;
	[tilespmem:s6+$0x150] =	vst v32  }
0x370: {  	v15 =	vor.u32 v9, v15;
	s11 =	sadd.s32 $0x8, s11;
	v24 =	vmov s14;
	s14 =	sadd.s32 $0x5, s10;
	v28 =	vmov s13;
	s13 =	sadd.s32 $0x7, s10;
	[tilespmem:s6+$0xFFFFFE50] =	vst v33;
	v25 =	vld.idx.msk [tilespmem:v34+s25+$0x0], $0xffff  }
0x371: {  	_ =	sdelay $0x1  }
0x372: {  	[tilespmem:s6+$0x1F0] =	vst v29  }
0x373: {  	[tilespmem:s6+$0xFFFFFEE0] =	vst v19  }
0x374: {  	v42 =	vmov s14;
	v31 =	vmov s13;
	v13 =	vor.u32 v9, v13;
	v43 =	vld.idx.msk [tilespmem:v30+s25+$0x0], $0xffff;
	[tilespmem:s6+$0xFFFFFF60] =	vst v23  }
0x375: {  	v32 =	vor.u32 v9, v12;
	v45 =	vand.u32 $0x79, v17;
	v47 =	vor.u32 v9, v11;
	v18 =	vld.idx.msk [tilespmem:v18+s25+$0x0], $0xffff;
	[tilespmem:s6+$0xFFFFFFE0] =	vst v20  }
0x376: {  	s10 =	sadd.s32 $0x6, s10;
	v48 =	vand.u32 $0x7A, v27;
	v49 =	vor.u32 v9, v10;
	v46 =	vld.idx.msk [tilespmem:v26+s25+$0x0], $0xffff;
	v11 =	vbroadcast v45, $0x0;
	[tilespmem:s6+$0x60] =	vst v21  }
0x377: {  	v51 =	vand.u32 $0x7B, v28;
	v44 =	vmov s10;
	v50 =	vld.idx.msk [tilespmem:v16+s25+$0x0], $0xffff;
	v10 =	vbroadcast v48, $0x0;
	[tilespmem:s6+$0xE0] =	vst v22  }
0x378: {  	v31 =	vand.u32 $0x7F, v31;
	v12 =	vbroadcast v51, $0x0;
	v53 =	vld.idx.msk [tilespmem:v15+s25+$0x0], $0xffff;
	v54 =	vor.u32 v0, v11;
	[tilespmem:s6+$0x160] =	vst v25  }
0x379: {  	s14 =	sadd.s32 $0x400, s6;
	v58 =	vand.u32 $0x7D, v42;
	v17 =	vbroadcast v31, $0x0;
	v57 =	vor.u32 v0, v10;
	v56 =	vld.idx.msk [tilespmem:v13+s25+$0x0], $0xffff;
	[tilespmem:s6+$0xFFFFFE60] =	vst v43  }
0x37a: {  	v15 =	vbroadcast v58, $0x0;
	v61 =	vand.u32 $0x7E, v44;
	v60 =	vor.u32 v0, v12;
	v59 =	vld.idx.msk [tilespmem:v32+s25+$0x0], $0xffff;
	[tilespmem:s14+$0xFFFFFE00] =	vst v18  }
0x37b: {  	v16 =	vbroadcast v61, $0x0;
	v52 =	vor.u32 v0, v17;
	v26 =	vld.idx.msk [tilespmem:v47+s25+$0x0], $0xffff;
	[tilespmem:s6+$0xFFFFFEF0] =	vst v46  }
0x37c: {  	v55 =	vand.u32 $0x7C, v24;
	v63 =	vor.u32 v0, v15;
	v20 =	vld.idx.msk [tilespmem:v49+s25+$0x0], $0xffff;
	[tilespmem:s6+$0xFFFFFF70] =	vst v50  }
0x37d: {  	v13 =	vbroadcast v55, $0x0;
	v32 =	vor.u32 v0, v16;
	[tilespmem:s6+$0xFFFFFFF0] =	vst v53;
	v22 =	vld.idx.msk [tilespmem:v54+s25+$0x0], $0xffff  }
0x37e: {  	v43 =	vor.u32 v3, v14;
	v33 =	vld.idx.msk [tilespmem:v57+s25+$0x0], $0xffff;
	[tilespmem:s6+$0x70] =	vst v56  }
0x37f: {  	v62 =	vor.u32 v0, v13;
	v19 =	vld.idx.msk [tilespmem:v60+s25+$0x0], $0xffff;
	[tilespmem:s6+$0xF0] =	vst v59  }
0x380: {  	v35 =	vor.u32 v3, v11;
	v21 =	vld.idx.msk [tilespmem:v52+s25+$0x0], $0xffff;
	[tilespmem:s6+$0x170] =	vst v26  }
0x381: {  	v36 =	vor.u32 v3, v10;
	v27 =	vld.idx.msk [tilespmem:v63+s25+$0x0], $0xffff;
	[tilespmem:s6+$0xFFFFFE70] =	vst v20  }
0x382: {  	v37 =	vor.u32 v3, v12;
	v28 =	vld.idx.msk [tilespmem:v32+s25+$0x0], $0xffff;
	[tilespmem:s14+$0xFFFFFE80] =	vst v22  }
0x383: {  	v34 =	vor.u32 v3, v17;
	v49 =	vld.idx.msk [tilespmem:v43+s25+$0x0], $0xffff;
	[tilespmem:s14+$0xFFFFFF00] =	vst v33  }
0x384: {  	v39 =	vor.u32 v3, v15;
	v23 =	vld.idx.msk [tilespmem:v62+s25+$0x0], $0xffff;
	[tilespmem:s14+$0xFFFFFF80] =	vst v19  }
0x385: {  	v42 =	vor.u32 v3, v16;
	[tilespmem:s14+$0x180] =	vst v21;
	v40 =	vld.idx.msk [tilespmem:v35+s25+$0x0], $0xffff  }
0x386: {  	v38 =	vor.u32 v3, v13;
	v20 =	vld.idx.msk [tilespmem:v36+s25+$0x0], $0xffff;
	[tilespmem:s14+$0x80] =	vst v27  }
0x387: {  	v44 =	vor.u32 v4, v11;
	v21 =	vld.idx.msk [tilespmem:v37+s25+$0x0], $0xffff;
	[tilespmem:s14+$0x100] =	vst v28  }
0x388: {  	v45 =	vor.u32 v4, v10;
	v25 =	vld.idx.msk [tilespmem:v34+s25+$0x0], $0xffff;
	[tilespmem:s14+$0xFFFFFE10] =	vst v49  }
0x389: {  	v46 =	vor.u32 v4, v12;
	v24 =	vld.idx.msk [tilespmem:v39+s25+$0x0], $0xffff;
	[tilespmem:s14+$0x0] =	vst v23  }
0x38a: {  	v54 =	vor.u32 v4, v14;
	v47 =	vld.idx.msk [tilespmem:v42+s25+$0x0], $0xffff;
	[tilespmem:s14+$0xFFFFFE90] =	vst v40  }
0x38b: {  	v41 =	vor.u32 v4, v17;
	v22 =	vld.idx.msk [tilespmem:v38+s25+$0x0], $0xffff;
	[tilespmem:s14+$0xFFFFFF10] =	vst v20  }
0x38c: {  	v51 =	vor.u32 v4, v15;
	[tilespmem:s14+$0xFFFFFF90] =	vst v21;
	v28 =	vld.idx.msk [tilespmem:v44+s25+$0x0], $0xffff  }
0x38d: {  	v53 =	vor.u32 v4, v16;
	[tilespmem:s14+$0x190] =	vst v25;
	v52 =	vld.idx.msk [tilespmem:v45+s25+$0x0], $0xffff  }
0x38e: {  	v48 =	vor.u32 v4, v13;
	[tilespmem:s14+$0x90] =	vst v24;
	v18 =	vld.idx.msk [tilespmem:v46+s25+$0x0], $0xffff  }
0x38f: {  	v55 =	vor.u32 v5, v11;
	v24 =	vld.idx.msk [tilespmem:v54+s25+$0x0], $0xffff;
	[tilespmem:s14+$0x110] =	vst v47  }
0x390: {  	v56 =	vor.u32 v5, v10;
	v26 =	vld.idx.msk [tilespmem:v41+s25+$0x0], $0xffff;
	[tilespmem:s14+$0x10] =	vst v22  }
0x391: {  	v58 =	vor.u32 v5, v12;
	v57 =	vld.idx.msk [tilespmem:v51+s25+$0x0], $0xffff;
	[tilespmem:s14+$0xFFFFFEA0] =	vst v28  }
0x392: {  	v32 =	vor.u32 v5, v14;
	v25 =	vld.idx.msk [tilespmem:v53+s25+$0x0], $0xffff;
	[tilespmem:s14+$0xFFFFFF20] =	vst v52  }
0x393: {  	v50 =	vor.u32 v5, v17;
	v23 =	vld.idx.msk [tilespmem:v48+s25+$0x0], $0xffff;
	[tilespmem:s14+$0xFFFFFFA0] =	vst v18  }
0x394: {  	v62 =	vor.u32 v5, v15;
	[tilespmem:s14+$0xFFFFFE20] =	vst v24;
	v61 =	vld.idx.msk [tilespmem:v55+s25+$0x0], $0xffff  }
0x395: {  	v63 =	vor.u32 v5, v16;
	[tilespmem:s14+$0x1A0] =	vst v26;
	v19 =	vld.idx.msk [tilespmem:v56+s25+$0x0], $0xffff  }
0x396: {  	v60 =	vor.u32 v5, v13;
	v21 =	vld.idx.msk [tilespmem:v58+s25+$0x0], $0xffff;
	[tilespmem:s14+$0xA0] =	vst v57  }
0x397: {  	v33 =	vor.u32 v6, v11;
	v38 =	vld.idx.msk [tilespmem:v32+s25+$0x0], $0xffff;
	[tilespmem:s14+$0x120] =	vst v25  }
0x398: {  	v34 =	vor.u32 v6, v10;
	v27 =	vld.idx.msk [tilespmem:v50+s25+$0x0], $0xffff;
	[tilespmem:s14+$0x20] =	vst v23  }
0x399: {  	v59 =	vor.u32 v6, v17;
	v35 =	vld.idx.msk [tilespmem:v62+s25+$0x0], $0xffff;
	[tilespmem:s14+$0xFFFFFEB0] =	vst v61  }
0x39a: {  	v37 =	vor.u32 v6, v12;
	v23 =	vld.idx.msk [tilespmem:v63+s25+$0x0], $0xffff;
	[tilespmem:s14+$0xFFFFFF30] =	vst v19  }
0x39b: {  	v40 =	vor.u32 v6, v15;
	v22 =	vld.idx.msk [tilespmem:v60+s25+$0x0], $0xffff;
	[tilespmem:s14+$0xFFFFFFB0] =	vst v21  }
0x39c: {  	v42 =	vor.u32 v6, v14;
	[tilespmem:s14+$0xFFFFFE30] =	vst v38;
	v20 =	vld.idx.msk [tilespmem:v33+s25+$0x0], $0xffff  }
0x39d: {  	v39 =	vor.u32 v6, v13;
	[tilespmem:s14+$0x1B0] =	vst v27;
	v25 =	vld.idx.msk [tilespmem:v34+s25+$0x0], $0xffff  }
0x39e: {  	v41 =	vor.u32 v6, v16;
	[tilespmem:s14+$0xB0] =	vst v35;
	v28 =	vld.idx.msk [tilespmem:v59+s25+$0x0], $0xffff  }
0x39f: {  	v43 =	vor.u32 v7, v11;
	v18 =	vld.idx.msk [tilespmem:v37+s25+$0x0], $0xffff;
	[tilespmem:s14+$0x130] =	vst v23  }
0x3a0: {  	v36 =	vor.u32 v7, v17;
	v21 =	vld.idx.msk [tilespmem:v40+s25+$0x0], $0xffff;
	[tilespmem:s14+$0x30] =	vst v22  }
0x3a1: {  	v46 =	vor.u32 v7, v10;
	v22 =	vld.idx.msk [tilespmem:v42+s25+$0x0], $0xffff;
	[tilespmem:s14+$0xFFFFFEC0] =	vst v20  }
0x3a2: {  	v47 =	vor.u32 v7, v12;
	v44 =	vld.idx.msk [tilespmem:v39+s25+$0x0], $0xffff;
	[tilespmem:s14+$0xFFFFFF40] =	vst v25  }
0x3a3: {  	v51 =	vor.u32 v7, v14;
	[tilespmem:s14+$0x1C0] =	vst v28;
	v28 =	vld.idx.msk [tilespmem:v41+s25+$0x0], $0xffff  }
0x3a4: {  	v48 =	vor.u32 v7, v13;
	[tilespmem:s14+$0xFFFFFFC0] =	vst v18;
	v24 =	vld.idx.msk [tilespmem:v43+s25+$0x0], $0xffff  }
0x3a5: {  	v49 =	vor.u32 v7, v15;
	[tilespmem:s14+$0xC0] =	vst v21;
	v26 =	vld.idx.msk [tilespmem:v36+s25+$0x0], $0xffff  }
0x3a6: {  	v50 =	vor.u32 v7, v16;
	v19 =	vld.idx.msk [tilespmem:v46+s25+$0x0], $0xffff;
	[tilespmem:s14+$0xFFFFFE40] =	vst v22  }
0x3a7: {  	v52 =	vor.u32 v8, v11;
	v20 =	vld.idx.msk [tilespmem:v47+s25+$0x0], $0xffff;
	[tilespmem:s14+$0x40] =	vst v44  }
0x3a8: {  	v53 =	vor.u32 v8, v10;
	v23 =	vld.idx.msk [tilespmem:v51+s25+$0x0], $0xffff;
	[tilespmem:s14+$0x140] =	vst v28  }
0x3a9: {  	v54 =	vor.u32 v8, v12;
	v25 =	vld.idx.msk [tilespmem:v48+s25+$0x0], $0xffff;
	[tilespmem:s14+$0xFFFFFED0] =	vst v24  }
0x3aa: {  	v45 =	vor.u32 v8, v17;
	[tilespmem:s14+$0x1D0] =	vst v26;
	v26 =	vld.idx.msk [tilespmem:v49+s25+$0x0], $0xffff  }
0x3ab: {  	v59 =	vor.u32 v8, v14;
	[tilespmem:s14+$0xFFFFFF50] =	vst v19;
	v18 =	vld.idx.msk [tilespmem:v50+s25+$0x0], $0xffff  }
0x3ac: {  	v55 =	vor.u32 v8, v13;
	[tilespmem:s14+$0xFFFFFFD0] =	vst v20;
	v57 =	vld.idx.msk [tilespmem:v52+s25+$0x0], $0xffff  }
0x3ad: {  	v56 =	vor.u32 v8, v15;
	v22 =	vld.idx.msk [tilespmem:v53+s25+$0x0], $0xffff;
	[tilespmem:s14+$0xFFFFFE50] =	vst v23  }
0x3ae: {  	v58 =	vor.u32 v8, v16;
	v24 =	vld.idx.msk [tilespmem:v54+s25+$0x0], $0xffff;
	[tilespmem:s14+$0x50] =	vst v25  }
0x3af: {  	v11 =	vor.u32 v9, v11;
	v27 =	vld.idx.msk [tilespmem:v45+s25+$0x0], $0xffff;
	[tilespmem:s14+$0xD0] =	vst v26  }
0x3b0: {  	v10 =	vor.u32 v9, v10;
	v62 =	vld.idx.msk [tilespmem:v59+s25+$0x0], $0xffff;
	[tilespmem:s14+$0x150] =	vst v18  }
0x3b1: {  	v12 =	vor.u32 v9, v12;
	v60 =	vld.idx.msk [tilespmem:v55+s25+$0x0], $0xffff;
	[tilespmem:s14+$0xFFFFFEE0] =	vst v57  }
0x3b2: {  	v17 =	vor.u32 v9, v17;
	[tilespmem:s14+$0xFFFFFF60] =	vst v22;
	v19 =	vld.idx.msk [tilespmem:v56+s25+$0x0], $0xffff  }
0x3b3: {  	v13 =	vor.u32 v9, v13;
	[tilespmem:s14+$0xFFFFFFE0] =	vst v24;
	v61 =	vld.idx.msk [tilespmem:v58+s25+$0x0], $0xffff  }
0x3b4: {  	v63 =	vor.u32 v9, v14;
	[tilespmem:s14+$0x1E0] =	vst v27;
	v11 =	vld.idx.msk [tilespmem:v11+s25+$0x0], $0xffff  }
0x3b5: {  	v15 =	vor.u32 v9, v15;
	v10 =	vld.idx.msk [tilespmem:v10+s25+$0x0], $0xffff;
	[tilespmem:s14+$0xFFFFFE60] =	vst v62  }
0x3b6: {  	v16 =	vor.u32 v9, v16;
	v12 =	vld.idx.msk [tilespmem:v12+s25+$0x0], $0xffff;
	[tilespmem:s14+$0x60] =	vst v60  }
0x3b7: {  	v17 =	vld.idx.msk [tilespmem:v17+s25+$0x0], $0xffff;
	[tilespmem:s14+$0xE0] =	vst v19  }
0x3b8: {  	v13 =	vld.idx.msk [tilespmem:v13+s25+$0x0], $0xffff;
	[tilespmem:s14+$0x160] =	vst v61  }
0x3b9: {  	[tilespmem:s14+$0xFFFFFEF0] =	vst v11;
	v11 =	vld.idx.msk [tilespmem:v63+s25+$0x0], $0xffff  }
0x3ba: {  	[tilespmem:s14+$0xFFFFFF70] =	vst v10;
	v15 =	vld.idx.msk [tilespmem:v15+s25+$0x0], $0xffff  }
0x3bb: {  	[tilespmem:s14+$0xFFFFFFF0] =	vst v12;
	v16 =	vld.idx.msk [tilespmem:v16+s25+$0x0], $0xffff  }
0x3bc: {  	[tilespmem:s14+$0x1F0] =	vst v17  }
0x3bd: {  	[tilespmem:s14+$0x70] =	vst v13  }
0x3be: {  	s10 =	sadd.s32 @p0 s8, s19;
	[tilespmem:s14+$0xFFFFFE70] =	vst v11  }
0x3bf: {  	s11 =	simm.s32 @p0 $0x2000;
	s10 =	sshrl.u32 @p0 s10, $0x3;
	[tilespmem:s14+$0xF0] =	vst v15  }
0x3c0: {  	s13 =	simm.s32 @p0 $0xDD00;
	s10 =	sadd.s32 @p0 s1, s10;
	s6 =	simm.s32 @p0 $0x400;
	[tilespmem:s14+$0x170] =	vst v16  }
0x3c1: {  	[hbm4b:s10+s6] =	stream.strided.scatter @p0 [tilespmem:s13], [sflag:$0x4], $0x4000, s11, s6, $0x38;
	[tilespmem:$0x11D00] =	vst v63  }
0x3c2: {  	s6 =	sadd.s32 @!p0 s19, s12  }
0x3c3: {  	s10 =	simm.s32 @!p0 $0x400;
	s6 =	sshrl.u32 @!p0 s6, $0x3  }
0x3c4: {  	s11 =	simm.s32 @!p0 $0x2000;
	s13 =	simm.s32 @!p0 $0xDD00;
	s6 =	sadd.s32 @!p0 s1, s6  }
0x3c5: {  	[hbm4b:s6+s10] =	stream.strided.scatter @!p0 [tilespmem:s13], [sflag:$0x4], $0x3400, s11, s10, $0x38;
	[tilespmem:$0x11D00] =	vst v63  }
0x3c6: {  	v10 =	vld [tilespmem:s3+$0x0];
	_ =	sdelay $0x4  }
0x3c7: {  	v10 =	vshll.u32 v10, $0x3  }
0x3c8: {  	v10 =	vor.u32 v2, v10  }
0x3c9: {  	[tilespmem:$0x1C80] =	vst v10  }
0x3ca: {  	v10 =	vld [tilespmem:s3+$0x10];
	_ =	sdelay $0x4  }
0x3cb: {  	v10 =	vshll.u32 v10, $0x3  }
0x3cc: {  	v10 =	vor.u32 v2, v10  }
0x3cd: {  	[tilespmem:$0x1C90] =	vst v10  }
0x3ce: {  	v10 =	vld [tilespmem:s3+$0x20];
	_ =	sdelay $0x4  }
0x3cf: {  	v10 =	vshll.u32 v10, $0x3  }
0x3d0: {  	v10 =	vor.u32 v2, v10  }
0x3d1: {  	[tilespmem:$0x1CA0] =	vst v10  }
0x3d2: {  	v10 =	vld [tilespmem:s3+$0x30];
	_ =	sdelay $0x4  }
0x3d3: {  	v10 =	vshll.u32 v10, $0x3  }
0x3d4: {  	v10 =	vor.u32 v2, v10  }
0x3d5: {  	[tilespmem:$0x1CB0] =	vst v10  }
0x3d6: {  	v10 =	vld [tilespmem:s3+$0x40];
	_ =	sdelay $0x4  }
0x3d7: {  	v10 =	vshll.u32 v10, $0x3  }
0x3d8: {  	v10 =	vor.u32 v2, v10  }
0x3d9: {  	[tilespmem:$0x1CC0] =	vst v10  }
0x3da: {  	v10 =	vld [tilespmem:s3+$0x50];
	_ =	sdelay $0x4  }
0x3db: {  	v10 =	vshll.u32 v10, $0x3  }
0x3dc: {  	v10 =	vor.u32 v2, v10  }
0x3dd: {  	[tilespmem:$0x1CD0] =	vst v10  }
0x3de: {  	v10 =	vld [tilespmem:s3+$0x60];
	_ =	sdelay $0x4  }
0x3df: {  	v10 =	vshll.u32 v10, $0x3  }
0x3e0: {  	v10 =	vor.u32 v2, v10  }
0x3e1: {  	[tilespmem:$0x1CE0] =	vst v10  }
0x3e2: {  	v10 =	vld [tilespmem:s3+$0x70];
	_ =	sdelay $0x2  }
0x3e3: {  	p1 =	sne.s32 s0, $0x31  }
.Ltmp4:
0x3e4: {  	_ = 	snop;
	(pc) =	sbr.rel @p1 .LBB2_6-.Ltmp4, $4  }
0x3e5: {  	v10 =	vshll.u32 v10, $0x3  }
0x3e6: {  	v10 =	vor.u32 v2, v10  }
0x3e7: {  	[tilespmem:$0x1CF0] =	vst v10  }
0x3e8: {  	[tilespmem:s25], [sflag:$0x2] =	stream.indirect.gather [hbm4b:s4+s21], $0x80, s24, s21, $0xb8;
	[tilespmem:$0x11D00] =	vst v63  }
0x3e9: {  	s0 =	simm.s32 $0x0;
	s13 =	simm.s32 $0x1;
	s3 =	simm.s32 $0x2  }
0x3ea: {  	s6 =	simm.s32 $0x7;
	s14 =	simm.s32 $0x3;
	v10 =	vmov s0;
	v12 =	vmov s13;
	v13 =	vmov s3  }
0x3eb: {  	s19 =	simm.s32 $0x4;
	v14 =	vmov s6;
	v15 =	vmov s14;
	v10 =	vand.u32 $0x78, v10  }
0x3ec: {  	s10 =	simm.s32 $0x5;
	v18 =	vmov s19;
	v14 =	vand.u32 $0x7F, v14;
	v10 =	vbroadcast v10, $0x0  }
0x3ed: {  	_ =	swait.ge [sflag:s26], $0x4000;
	v19 =	vmov s10;
	v12 =	vand.u32 $0x79, v12;
	v14 =	vbroadcast v14, $0x0  }
0x3ee: {  	[sflag:s26] =	ssyncset.done $0x0;
	v17 =	vbroadcast v12, $0x0;
	v12 =	vand.u32 $0x7A, v13;
	v11 =	vor.u32 v0, v10  }
0x3ef: {  	[sflag:s26] =	ssyncadd.s32 $0xFFFFC000;
	v16 =	vbroadcast v12, $0x0;
	v12 =	vand.u32 $0x7B, v15;
	v21 =	vor.u32 v0, v14  }
0x3f0: {  	_ =	swait.ge [sflag:s30], $0x4000;
	v22 =	vor.u32 v0, v17;
	v15 =	vbroadcast v12, $0x0;
	v12 =	vand.u32 $0x7C, v18  }
0x3f1: {  	s11 =	simm.s32 $0x6;
	[sflag:s30] =	ssyncset.done $0x0;
	v18 =	vor.u32 v0, v16;
	v13 =	vbroadcast v12, $0x0;
	v12 =	vand.u32 $0x7D, v19  }
0x3f2: {  	v20 =	vmov s11;
	[sflag:s30] =	ssyncadd.s32 $0xFFFFC000;
	v19 =	vor.u32 v0, v15;
	v12 =	vbroadcast v12, $0x0  }
0x3f3: {  	v20 =	vand.u32 $0x7E, v20;
	v24 =	vor.u32 v0, v13;
	v23 =	vld.idx.msk [tilespmem:v11+s23+$0x0], $0xffff  }
0x3f4: {  	v11 =	vbroadcast v20, $0x0;
	v20 =	vor.u32 v0, v12;
	v21 =	vld.idx.msk [tilespmem:v21+s23+$0x0], $0xffff  }
0x3f5: {  	v26 =	vor.u32 v3, v14;
	v22 =	vld.idx.msk [tilespmem:v22+s23+$0x0], $0xffff  }
0x3f6: {  	v27 =	vor.u32 v3, v17;
	v18 =	vld.idx.msk [tilespmem:v18+s23+$0x0], $0xffff  }
0x3f7: {  	v25 =	vor.u32 v0, v11;
	v19 =	vld.idx.msk [tilespmem:v19+s23+$0x0], $0xffff  }
0x3f8: {  	s0 =	simm.s32 $0x9F00;
	v28 =	vor.u32 v3, v16;
	v24 =	vld.idx.msk [tilespmem:v24+s23+$0x0], $0xffff  }
0x3f9: {  	v29 =	vor.u32 v3, v15;
	v20 =	vld.idx.msk [tilespmem:v20+s23+$0x0], $0xffff;
	[tilespmem:s0+$0x180] =	vst v21  }
0x3fa: {  	v30 =	vor.u32 v3, v13;
	[tilespmem:s0+$0xFFFFFE80] =	vst v22;
	v22 =	vld.idx.msk [tilespmem:v26+s23+$0x0], $0xffff  }
0x3fb: {  	v21 =	vor.u32 v3, v12;
	v26 =	vld.idx.msk [tilespmem:v27+s23+$0x0], $0xffff;
	[tilespmem:s0+$0xFFFFFF00] =	vst v18  }
0x3fc: {  	v25 =	vld.idx.msk [tilespmem:v25+s23+$0x0], $0xffff;
	[tilespmem:s0+$0xFFFFFF80] =	vst v19;
	v19 =	vor.u32 v4, v14  }
0x3fd: {  	[tilespmem:s0+$0xFFFFFE00] =	vst v23;
	v27 =	vld.idx.msk [tilespmem:v28+s23+$0x0], $0xffff;
	v28 =	vor.u32 v3, v10  }
0x3fe: {  	v18 =	vor.u32 v3, v11;
	v29 =	vld.idx.msk [tilespmem:v29+s23+$0x0], $0xffff;
	[tilespmem:s0+$0x0] =	vst v24  }
0x3ff: {  	v24 =	vor.u32 v4, v17;
	v30 =	vld.idx.msk [tilespmem:v30+s23+$0x0], $0xffff;
	[tilespmem:s0+$0x80] =	vst v20  }
0x400: {  	v20 =	vor.u32 v4, v16;
	v21 =	vld.idx.msk [tilespmem:v21+s23+$0x0], $0xffff;
	[tilespmem:s0+$0x190] =	vst v22  }
0x401: {  	v22 =	vor.u32 v4, v13;
	[tilespmem:s0+$0xFFFFFE90] =	vst v26;
	v19 =	vld.idx.msk [tilespmem:v19+s23+$0x0], $0xffff  }
0x402: {  	[tilespmem:s0+$0x100] =	vst v25;
	v25 =	vor.u32 v4, v15;
	v23 =	vld.idx.msk [tilespmem:v28+s23+$0x0], $0xffff  }
0x403: {  	v26 =	vor.u32 v4, v12;
	[tilespmem:s0+$0xFFFFFF10] =	vst v27;
	v18 =	vld.idx.msk [tilespmem:v18+s23+$0x0], $0xffff  }
0x404: {  	v27 =	vor.u32 v5, v14;
	v24 =	vld.idx.msk [tilespmem:v24+s23+$0x0], $0xffff;
	[tilespmem:s0+$0xFFFFFF90] =	vst v29  }
0x405: {  	v28 =	vor.u32 v4, v11;
	[tilespmem:s0+$0x10] =	vst v30;
	v20 =	vld.idx.msk [tilespmem:v20+s23+$0x0], $0xffff  }
0x406: {  	v29 =	vor.u32 v4, v10;
	v22 =	vld.idx.msk [tilespmem:v22+s23+$0x0], $0xffff;
	[tilespmem:s0+$0x90] =	vst v21  }
0x407: {  	v30 =	vor.u32 v5, v17;
	v25 =	vld.idx.msk [tilespmem:v25+s23+$0x0], $0xffff;
	[tilespmem:s0+$0x1A0] =	vst v19  }
0x408: {  	v21 =	vor.u32 v5, v16;
	v26 =	vld.idx.msk [tilespmem:v26+s23+$0x0], $0xffff;
	[tilespmem:s0+$0xFFFFFE10] =	vst v23  }
0x409: {  	v23 =	vor.u32 v5, v13;
	[tilespmem:s0+$0x110] =	vst v18;
	v18 =	vld.idx.msk [tilespmem:v27+s23+$0x0], $0xffff  }
0x40a: {  	v19 =	vor.u32 v5, v15;
	[tilespmem:s0+$0xFFFFFEA0] =	vst v24;
	v27 =	vld.idx.msk [tilespmem:v28+s23+$0x0], $0xffff  }
0x40b: {  	v24 =	vor.u32 v6, v14;
	v28 =	vld.idx.msk [tilespmem:v29+s23+$0x0], $0xffff;
	[tilespmem:s0+$0xFFFFFF20] =	vst v20  }
0x40c: {  	v29 =	vld.idx.msk [tilespmem:v30+s23+$0x0], $0xffff;
	v20 =	vor.u32 v5, v12;
	[tilespmem:s0+$0x20] =	vst v22  }
0x40d: {  	v30 =	vor.u32 v5, v10;
	v21 =	vld.idx.msk [tilespmem:v21+s23+$0x0], $0xffff;
	[tilespmem:s0+$0xFFFFFFA0] =	vst v25  }
0x40e: {  	v22 =	vor.u32 v6, v17;
	v23 =	vld.idx.msk [tilespmem:v23+s23+$0x0], $0xffff;
	[tilespmem:s0+$0xA0] =	vst v26  }
0x40f: {  	v25 =	vor.u32 v5, v11;
	v19 =	vld.idx.msk [tilespmem:v19+s23+$0x0], $0xffff;
	[tilespmem:s0+$0x1B0] =	vst v18  }
0x410: {  	v18 =	vor.u32 v6, v16;
	v24 =	vld.idx.msk [tilespmem:v24+s23+$0x0], $0xffff;
	[tilespmem:s0+$0x120] =	vst v27  }
0x411: {  	v26 =	vor.u32 v6, v15;
	[tilespmem:s0+$0xFFFFFE20] =	vst v28;
	v20 =	vld.idx.msk [tilespmem:v20+s23+$0x0], $0xffff  }
0x412: {  	[tilespmem:s0+$0xFFFFFEB0] =	vst v29;
	v29 =	vor.u32 v6, v13;
	v28 =	vld.idx.msk [tilespmem:v30+s23+$0x0], $0xffff  }
0x413: {  	v27 =	vor.u32 v7, v14;
	v22 =	vld.idx.msk [tilespmem:v22+s23+$0x0], $0xffff;
	[tilespmem:s0+$0xFFFFFF30] =	vst v21  }
0x414: {  	v21 =	vor.u32 v6, v12;
	v25 =	vld.idx.msk [tilespmem:v25+s23+$0x0], $0xffff;
	[tilespmem:s0+$0x30] =	vst v23  }
0x415: {  	v30 =	vor.u32 v6, v10;
	v18 =	vld.idx.msk [tilespmem:v18+s23+$0x0], $0xffff;
	[tilespmem:s0+$0xFFFFFFB0] =	vst v19  }
0x416: {  	v19 =	vor.u32 v6, v11;
	v26 =	vld.idx.msk [tilespmem:v26+s23+$0x0], $0xffff;
	[tilespmem:s0+$0x1C0] =	vst v24  }
0x417: {  	v24 =	vor.u32 v7, v17;
	v29 =	vld.idx.msk [tilespmem:v29+s23+$0x0], $0xffff;
	[tilespmem:s0+$0xB0] =	vst v20  }
0x418: {  	v23 =	vld.idx.msk [tilespmem:v27+s23+$0x0], $0xffff;
	v27 =	vor.u32 v7, v16;
	[tilespmem:s0+$0xFFFFFE30] =	vst v28  }
0x419: {  	v20 =	vld.idx.msk [tilespmem:v21+s23+$0x0], $0xffff;
	v21 =	vor.u32 v8, v14;
	[tilespmem:s0+$0xFFFFFEC0] =	vst v22  }
0x41a: {  	v28 =	vld.idx.msk [tilespmem:v30+s23+$0x0], $0xffff;
	v22 =	vor.u32 v7, v13;
	[tilespmem:s0+$0x130] =	vst v25  }
0x41b: {  	v25 =	vor.u32 v7, v15;
	v19 =	vld.idx.msk [tilespmem:v19+s23+$0x0], $0xffff  }
0x41c: {  	[tilespmem:s0+$0xFFFFFF40] =	vst v18;
	v18 =	vor.u32 v7, v12;
	v24 =	vld.idx.msk [tilespmem:v24+s23+$0x0], $0xffff  }
0x41d: {  	v30 =	vor.u32 v7, v11;
	v27 =	vld.idx.msk [tilespmem:v27+s23+$0x0], $0xffff;
	[tilespmem:s0+$0x1D0] =	vst v23  }
0x41e: {  	[tilespmem:s0+$0x40] =	vst v29;
	v23 =	vor.u32 v7, v10;
	v21 =	vld.idx.msk [tilespmem:v21+s23+$0x0], $0xffff  }
0x41f: {  	[tilespmem:s0+$0xFFFFFFC0] =	vst v26;
	v26 =	vor.u32 v8, v17;
	v22 =	vld.idx.msk [tilespmem:v22+s23+$0x0], $0xffff  }
0x420: {  	v14 =	vor.u32 v9, v14;
	[tilespmem:s0+$0xC0] =	vst v20;
	v25 =	vld.idx.msk [tilespmem:v25+s23+$0x0], $0xffff  }
0x421: {  	v20 =	vor.u32 v8, v16;
	v31 =	vld.idx.msk [tilespmem:v18+s23+$0x0], $0xffff;
	[tilespmem:s0+$0x140] =	vst v19  }
0x422: {  	s3 =	simm.s32 $0x8;
	[tilespmem:s0+$0xFFFFFE40] =	vst v28;
	v18 =	vor.u32 v8, v15;
	v28 =	vld.idx.msk [tilespmem:v30+s23+$0x0], $0xffff  }
0x423: {  	[tilespmem:s0+$0xFFFFFED0] =	vst v24;
	v24 =	vor.u32 v8, v13;
	v32 =	vld.idx.msk [tilespmem:v23+s23+$0x0], $0xffff;
	v23 =	vmov s3  }
0x424: {  	v33 =	vor.u32 v8, v12;
	v19 =	vld.idx.msk [tilespmem:v26+s23+$0x0], $0xffff;
	[tilespmem:s0+$0x1E0] =	vst v21;
	v21 =	vand.u32 $0x78, v23  }
0x425: {  	v34 =	vor.u32 v8, v11;
	[tilespmem:s0+$0xFFFFFF50] =	vst v27;
	v29 =	vld.idx.msk [tilespmem:v14+s23+$0x0], $0xffff;
	v14 =	vbroadcast v21, $0x0  }
0x426: {  	v30 =	vor.u32 v8, v10;
	v23 =	vld.idx.msk [tilespmem:v20+s23+$0x0], $0xffff;
	[tilespmem:s0+$0xFFFFFFD0] =	vst v25  }
0x427: {  	[tilespmem:s0+$0x50] =	vst v22;
	v20 =	vld.idx.msk [tilespmem:v18+s23+$0x0], $0xffff;
	v18 =	vor.u32 v0, v14  }
0x428: {  	s13 =	simm.s32 $0x9;
	s10 =	simm.s32 $0xA;
	v26 =	vor.u32 v9, v17;
	[tilespmem:s0+$0xD0] =	vst v31;
	v21 =	vld.idx.msk [tilespmem:v24+s23+$0x0], $0xffff  }
0x429: {  	s14 =	simm.s32 $0xB;
	s19 =	simm.s32 $0xC;
	v16 =	vor.u32 v9, v16;
	v17 =	vmov s13;
	v27 =	vmov s10;
	v22 =	vld.idx.msk [tilespmem:v33+s23+$0x0], $0xffff;
	[tilespmem:s0+$0x150] =	vst v28  }
0x42a: {  	s11 =	simm.s32 $0xD;
	s6 =	simm.s32 $0x10;
	v15 =	vor.u32 v9, v15;
	s10 =	simm.s32 $0xF;
	v28 =	vmov s14;
	v24 =	vmov s19;
	[tilespmem:s0+$0xFFFFFE50] =	vst v32;
	v25 =	vld.idx.msk [tilespmem:v34+s23+$0x0], $0xffff  }
.LBB2_12:
0x42b: {  	p1 =	slt.u32 s6, $0x78;
	v31 =	vmov s11;
	s11 =	sadd.s32 $0x6, s3;
	v32 =	vmov s10;
	v30 =	vld.idx.msk [tilespmem:v30+s23+$0x0], $0xffff;
	v13 =	vor.u32 v9, v13;
	[tilespmem:s0+$0x1F0] =	vst v29;
	s3 =	smov.u32 s6  }
0x42c: {  	v12 =	vor.u32 v9, v12;
	v29 =	vld.idx.msk [tilespmem:v18+s23+$0x0], $0xffff;
	v33 =	vmov s11;
	v18 =	vand.u32 $0x7F, v32;
	[tilespmem:s0+$0xFFFFFEE0] =	vst v19  }
0x42d: {  	v17 =	vand.u32 $0x79, v17;
	v11 =	vor.u32 v9, v11;
	v18 =	vbroadcast v18, $0x0;
	v19 =	vld.idx.msk [tilespmem:v26+s23+$0x0], $0xffff;
	[tilespmem:s0+$0xFFFFFF60] =	vst v23  }
0x42e: {  	v17 =	vbroadcast v17, $0x0;
	v23 =	vand.u32 $0x7A, v27;
	v26 =	vor.u32 v9, v10;
	v10 =	vmovc v14;
	v27 =	vld.idx.msk [tilespmem:v16+s23+$0x0], $0xffff;
	[tilespmem:s0+$0xFFFFFFE0] =	vst v20  }
0x42f: {  	v14 =	vand.u32 $0x7B, v28;
	v16 =	vbroadcast v23, $0x0;
	v20 =	vor.u32 v0, v18;
	v23 =	vld.idx.msk [tilespmem:v15+s23+$0x0], $0xffff;
	[tilespmem:s0+$0x60] =	vst v21  }
0x430: {  	v21 =	vor.u32 v0, v17;
	v15 =	vbroadcast v14, $0x0;
	v14 =	vand.u32 $0x7C, v24;
	v24 =	vld.idx.msk [tilespmem:v13+s23+$0x0], $0xffff;
	[tilespmem:s0+$0xE0] =	vst v22  }
0x431: {  	v22 =	vor.u32 v0, v16;
	v13 =	vbroadcast v14, $0x0;
	v14 =	vand.u32 $0x7D, v31;
	v28 =	vld.idx.msk [tilespmem:v12+s23+$0x0], $0xffff;
	[tilespmem:s0+$0x160] =	vst v25  }
0x432: {  	v25 =	vor.u32 v0, v15;
	v12 =	vbroadcast v14, $0x0;
	v14 =	vand.u32 $0x7E, v33;
	[tilespmem:s0+$0xFFFFFE60] =	vst v30;
	v30 =	vld.idx.msk [tilespmem:v11+s23+$0x0], $0xffff  }
0x433: {  	v31 =	vor.u32 v0, v13;
	v11 =	vbroadcast v14, $0x0;
	v14 =	vld.idx.msk [tilespmem:v26+s23+$0x0], $0xffff;
	[tilespmem:s0+$0xFFFFFEF0] =	vst v19  }
0x434: {  	v19 =	vor.u32 v0, v12;
	v20 =	vld.idx.msk [tilespmem:v20+s23+$0x0], $0xffff;
	[tilespmem:s0+$0xFFFFFF70] =	vst v27  }
0x435: {  	v26 =	vor.u32 v0, v11;
	v21 =	vld.idx.msk [tilespmem:v21+s23+$0x0], $0xffff;
	[tilespmem:s0+$0xFFFFFFF0] =	vst v23  }
0x436: {  	v23 =	vor.u32 v3, v18;
	v22 =	vld.idx.msk [tilespmem:v22+s23+$0x0], $0xffff;
	[tilespmem:s0+$0x70] =	vst v24  }
0x437: {  	v24 =	vor.u32 v3, v17;
	v25 =	vld.idx.msk [tilespmem:v25+s23+$0x0], $0xffff;
	[tilespmem:s0+$0xF0] =	vst v28  }
0x438: {  	v27 =	vor.u32 v3, v16;
	v28 =	vld.idx.msk [tilespmem:v31+s23+$0x0], $0xffff;
	[tilespmem:s0+$0x170] =	vst v30  }
0x439: {  	v30 =	vor.u32 v3, v15;
	v19 =	vld.idx.msk [tilespmem:v19+s23+$0x0], $0xffff;
	[tilespmem:s0+$0xFFFFFE70] =	vst v14;
	s0 =	sadd.s32 $0x400, s0  }
0x43a: {  	v14 =	vor.u32 v3, v13;
	v26 =	vld.idx.msk [tilespmem:v26+s23+$0x0], $0xffff;
	[tilespmem:s0+$0x180] =	vst v20  }
0x43b: {  	v20 =	vor.u32 v3, v12;
	[tilespmem:s0+$0xFFFFFE80] =	vst v21;
	v21 =	vld.idx.msk [tilespmem:v23+s23+$0x0], $0xffff  }
0x43c: {  	v23 =	vld.idx.msk [tilespmem:v24+s23+$0x0], $0xffff;
	[tilespmem:s0+$0xFFFFFF00] =	vst v22;
	v22 =	vor.u32 v3, v11  }
0x43d: {  	v24 =	vld.idx.msk [tilespmem:v27+s23+$0x0], $0xffff;
	[tilespmem:s0+$0xFFFFFF80] =	vst v25;
	v25 =	vor.u32 v4, v18  }
0x43e: {  	v27 =	vor.u32 v3, v10;
	v30 =	vld.idx.msk [tilespmem:v30+s23+$0x0], $0xffff;
	[tilespmem:s0+$0x0] =	vst v28  }
0x43f: {  	v28 =	vor.u32 v4, v17;
	v14 =	vld.idx.msk [tilespmem:v14+s23+$0x0], $0xffff;
	[tilespmem:s0+$0x80] =	vst v19  }
0x440: {  	v19 =	vor.u32 v4, v16;
	v20 =	vld.idx.msk [tilespmem:v20+s23+$0x0], $0xffff;
	[tilespmem:s0+$0x100] =	vst v26  }
0x441: {  	v26 =	vor.u32 v4, v15;
	v22 =	vld.idx.msk [tilespmem:v22+s23+$0x0], $0xffff;
	[tilespmem:s0+$0x190] =	vst v21  }
0x442: {  	v21 =	vor.u32 v4, v13;
	[tilespmem:s0+$0xFFFFFE00] =	vst v29;
	v25 =	vld.idx.msk [tilespmem:v25+s23+$0x0], $0xffff  }
0x443: {  	v27 =	vld.idx.msk [tilespmem:v27+s23+$0x0], $0xffff;
	[tilespmem:s0+$0xFFFFFE90] =	vst v23;
	v23 =	vor.u32 v4, v12  }
0x444: {  	v28 =	vld.idx.msk [tilespmem:v28+s23+$0x0], $0xffff;
	[tilespmem:s0+$0xFFFFFF10] =	vst v24;
	v24 =	vor.u32 v5, v18  }
0x445: {  	v29 =	vor.u32 v4, v11;
	v19 =	vld.idx.msk [tilespmem:v19+s23+$0x0], $0xffff;
	[tilespmem:s0+$0xFFFFFF90] =	vst v30  }
0x446: {  	v30 =	vor.u32 v4, v10;
	v26 =	vld.idx.msk [tilespmem:v26+s23+$0x0], $0xffff;
	[tilespmem:s0+$0x10] =	vst v14  }
0x447: {  	v14 =	vor.u32 v5, v17;
	v21 =	vld.idx.msk [tilespmem:v21+s23+$0x0], $0xffff;
	[tilespmem:s0+$0x90] =	vst v20  }
0x448: {  	v20 =	vor.u32 v5, v16;
	v23 =	vld.idx.msk [tilespmem:v23+s23+$0x0], $0xffff;
	[tilespmem:s0+$0x1A0] =	vst v25  }
0x449: {  	v25 =	vor.u32 v5, v15;
	[tilespmem:s0+$0x110] =	vst v22;
	v22 =	vld.idx.msk [tilespmem:v24+s23+$0x0], $0xffff  }
0x44a: {  	v24 =	vor.u32 v5, v13;
	[tilespmem:s0+$0xFFFFFE10] =	vst v27;
	v27 =	vld.idx.msk [tilespmem:v29+s23+$0x0], $0xffff  }
0x44b: {  	v29 =	vld.idx.msk [tilespmem:v30+s23+$0x0], $0xffff;
	[tilespmem:s0+$0xFFFFFEA0] =	vst v28;
	v28 =	vor.u32 v6, v18  }
0x44c: {  	v14 =	vld.idx.msk [tilespmem:v14+s23+$0x0], $0xffff;
	[tilespmem:s0+$0xFFFFFF20] =	vst v19;
	v19 =	vor.u32 v5, v12  }
0x44d: {  	v20 =	vld.idx.msk [tilespmem:v20+s23+$0x0], $0xffff;
	[tilespmem:s0+$0xFFFFFFA0] =	vst v26;
	v26 =	vor.u32 v5, v11  }
0x44e: {  	v30 =	vor.u32 v5, v10;
	v25 =	vld.idx.msk [tilespmem:v25+s23+$0x0], $0xffff;
	[tilespmem:s0+$0x20] =	vst v21  }
0x44f: {  	v21 =	vor.u32 v6, v17;
	v24 =	vld.idx.msk [tilespmem:v24+s23+$0x0], $0xffff;
	[tilespmem:s0+$0x1B0] =	vst v22  }
0x450: {  	v22 =	vor.u32 v6, v16;
	[tilespmem:s0+$0xA0] =	vst v23;
	v23 =	vld.idx.msk [tilespmem:v28+s23+$0x0], $0xffff  }
0x451: {  	v28 =	vor.u32 v6, v15;
	v19 =	vld.idx.msk [tilespmem:v19+s23+$0x0], $0xffff;
	[tilespmem:s0+$0x120] =	vst v27  }
0x452: {  	v27 =	vor.u32 v7, v18;
	[tilespmem:s0+$0xFFFFFE20] =	vst v29;
	v26 =	vld.idx.msk [tilespmem:v26+s23+$0x0], $0xffff  }
0x453: {  	v29 =	vld.idx.msk [tilespmem:v30+s23+$0x0], $0xffff;
	[tilespmem:s0+$0xFFFFFEB0] =	vst v14;
	v14 =	vor.u32 v6, v13  }
0x454: {  	v21 =	vld.idx.msk [tilespmem:v21+s23+$0x0], $0xffff;
	[tilespmem:s0+$0xFFFFFF30] =	vst v20;
	v20 =	vor.u32 v6, v12  }
0x455: {  	v22 =	vld.idx.msk [tilespmem:v22+s23+$0x0], $0xffff;
	[tilespmem:s0+$0xFFFFFFB0] =	vst v25;
	v25 =	vor.u32 v6, v11  }
0x456: {  	v30 =	vor.u32 v6, v10;
	v28 =	vld.idx.msk [tilespmem:v28+s23+$0x0], $0xffff;
	[tilespmem:s0+$0x1C0] =	vst v23  }
0x457: {  	v23 =	vor.u32 v7, v17;
	[tilespmem:s0+$0x30] =	vst v24;
	v24 =	vld.idx.msk [tilespmem:v27+s23+$0x0], $0xffff  }
0x458: {  	v27 =	vor.u32 v7, v16;
	v14 =	vld.idx.msk [tilespmem:v14+s23+$0x0], $0xffff;
	[tilespmem:s0+$0xB0] =	vst v19  }
0x459: {  	v19 =	vld.idx.msk [tilespmem:v20+s23+$0x0], $0xffff;
	[tilespmem:s0+$0x130] =	vst v26;
	v20 =	vor.u32 v8, v18  }
0x45a: {  	v26 =	vor.u32 v7, v15;
	[tilespmem:s0+$0xFFFFFE30] =	vst v29;
	v25 =	vld.idx.msk [tilespmem:v25+s23+$0x0], $0xffff  }
0x45b: {  	v29 =	vld.idx.msk [tilespmem:v30+s23+$0x0], $0xffff;
	[tilespmem:s0+$0xFFFFFEC0] =	vst v21;
	v21 =	vor.u32 v7, v13  }
0x45c: {  	v23 =	vld.idx.msk [tilespmem:v23+s23+$0x0], $0xffff;
	[tilespmem:s0+$0xFFFFFF40] =	vst v22;
	v22 =	vor.u32 v7, v12  }
0x45d: {  	v30 =	vor.u32 v7, v11;
	v27 =	vld.idx.msk [tilespmem:v27+s23+$0x0], $0xffff;
	[tilespmem:s0+$0x1D0] =	vst v24  }
0x45e: {  	v24 =	vor.u32 v7, v10;
	[tilespmem:s0+$0xFFFFFFC0] =	vst v28;
	v20 =	vld.idx.msk [tilespmem:v20+s23+$0x0], $0xffff  }
0x45f: {  	v28 =	vor.u32 v8, v17;
	v26 =	vld.idx.msk [tilespmem:v26+s23+$0x0], $0xffff;
	[tilespmem:s0+$0x40] =	vst v14  }
0x460: {  	v18 =	vor.u32 v9, v18;
	v21 =	vld.idx.msk [tilespmem:v21+s23+$0x0], $0xffff;
	[tilespmem:s0+$0xC0] =	vst v19  }
0x461: {  	v31 =	vor.u32 v8, v16;
	v22 =	vld.idx.msk [tilespmem:v22+s23+$0x0], $0xffff;
	[tilespmem:s0+$0x140] =	vst v25  }
0x462: {  	v25 =	vor.u32 v8, v15;
	[tilespmem:s0+$0xFFFFFE40] =	vst v29;
	v32 =	vld.idx.msk [tilespmem:v30+s23+$0x0], $0xffff  }
0x463: {  	v14 =	vmov s6;
	v33 =	vld.idx.msk [tilespmem:v24+s23+$0x0], $0xffff;
	[tilespmem:s0+$0xFFFFFED0] =	vst v23;
	v24 =	vor.u32 v8, v13  }
0x464: {  	v14 =	vand.u32 $0x78, v14;
	v19 =	vld.idx.msk [tilespmem:v28+s23+$0x0], $0xffff;
	v28 =	vor.u32 v8, v12;
	[tilespmem:s0+$0x1E0] =	vst v20  }
0x465: {  	v34 =	vor.u32 v8, v11;
	v14 =	vbroadcast v14, $0x0;
	[tilespmem:s0+$0xFFFFFF50] =	vst v27;
	v29 =	vld.idx.msk [tilespmem:v18+s23+$0x0], $0xffff  }
.Ltmp5:
0x466: {  	v30 =	vor.u32 v8, v10;
	v23 =	vld.idx.msk [tilespmem:v31+s23+$0x0], $0xffff;
	[tilespmem:s0+$0xFFFFFFD0] =	vst v26;
	(pc) =	sbr.rel @p1 .LBB2_12-.Ltmp5, $4  }
0x467: {  	v18 =	vor.u32 v0, v14;
	v20 =	vld.idx.msk [tilespmem:v25+s23+$0x0], $0xffff;
	[tilespmem:s0+$0x50] =	vst v21  }
0x468: {  	s10 =	sadd.s32 $0x1, s6;
	s11 =	sadd.s32 $0x2, s6;
	v26 =	vor.u32 v9, v17;
	v21 =	vld.idx.msk [tilespmem:v24+s23+$0x0], $0xffff;
	[tilespmem:s0+$0xD0] =	vst v22  }
0x469: {  	v16 =	vor.u32 v9, v16;
	v27 =	vmov s11;
	s11 =	sadd.s32 $0x4, s6;
	v17 =	vmov s10;
	s10 =	sadd.s32 $0x3, s6;
	v22 =	vld.idx.msk [tilespmem:v28+s23+$0x0], $0xffff;
	[tilespmem:s0+$0x150] =	vst v32  }
0x46a: {  	v15 =	vor.u32 v9, v15;
	s6 =	sadd.s32 $0x8, s6;
	v24 =	vmov s11;
	s11 =	sadd.s32 $0x5, s3;
	v28 =	vmov s10;
	s10 =	sadd.s32 $0x7, s3;
	[tilespmem:s0+$0xFFFFFE50] =	vst v33;
	v25 =	vld.idx.msk [tilespmem:v34+s23+$0x0], $0xffff  }
0x46b: {  	_ =	sdelay $0x2  }
0x46c: {  	[tilespmem:s0+$0x1F0] =	vst v29;
	v29 =	vmov s11  }
0x46d: {  	s3 =	sadd.s32 $0x6, s3;
	v31 =	vmov s10;
	v13 =	vor.u32 v9, v13;
	[tilespmem:s0+$0xFFFFFEE0] =	vst v19;
	v19 =	vld.idx.msk [tilespmem:v30+s23+$0x0], $0xffff;
	v32 =	vor.u32 v9, v12  }
0x46e: {  	[tilespmem:s0+$0xFFFFFF60] =	vst v23;
	v12 =	vand.u32 $0x79, v17;
	v18 =	vld.idx.msk [tilespmem:v18+s23+$0x0], $0xffff;
	v30 =	vmov s3;
	v31 =	vand.u32 $0x7F, v31  }
0x46f: {  	v23 =	vld.idx.msk [tilespmem:v26+s23+$0x0], $0xffff;
	v26 =	vor.u32 v9, v11;
	[tilespmem:s0+$0xFFFFFFE0] =	vst v20;
	v11 =	vbroadcast v12, $0x0;
	v12 =	vand.u32 $0x7A, v27  }
0x470: {  	v20 =	vor.u32 v9, v10;
	v27 =	vld.idx.msk [tilespmem:v16+s23+$0x0], $0xffff;
	v17 =	vbroadcast v31, $0x0;
	[tilespmem:s0+$0x60] =	vst v21;
	v10 =	vbroadcast v12, $0x0  }
0x471: {  	v12 =	vand.u32 $0x7B, v28;
	v28 =	vld.idx.msk [tilespmem:v15+s23+$0x0], $0xffff;
	v15 =	vand.u32 $0x7C, v24;
	[tilespmem:s0+$0xE0] =	vst v22;
	v22 =	vor.u32 v0, v11  }
0x472: {  	v16 =	vand.u32 $0x7E, v30;
	v12 =	vbroadcast v12, $0x0;
	v21 =	vor.u32 v0, v17;
	[tilespmem:s0+$0x160] =	vst v25;
	v24 =	vld.idx.msk [tilespmem:v13+s23+$0x0], $0xffff  }
0x473: {  	s6 =	sadd.s32 $0x400, s0;
	v25 =	vor.u32 v0, v10;
	v13 =	vbroadcast v15, $0x0;
	v15 =	vand.u32 $0x7D, v29;
	v29 =	vld.idx.msk [tilespmem:v32+s23+$0x0], $0xffff;
	[tilespmem:s0+$0xFFFFFE60] =	vst v19  }
0x474: {  	v16 =	vbroadcast v16, $0x0;
	v19 =	vor.u32 v0, v12;
	[tilespmem:s6+$0xFFFFFE00] =	vst v18;
	v26 =	vld.idx.msk [tilespmem:v26+s23+$0x0], $0xffff  }
0x475: {  	v15 =	vbroadcast v15, $0x0;
	[tilespmem:s0+$0xFFFFFEF0] =	vst v23;
	v20 =	vld.idx.msk [tilespmem:v20+s23+$0x0], $0xffff;
	v23 =	vor.u32 v0, v13  }
0x476: {  	[tilespmem:s0+$0xFFFFFFF0] =	vst v28;
	v28 =	vor.u32 v0, v16;
	v22 =	vld.idx.msk [tilespmem:v22+s23+$0x0], $0xffff  }
0x477: {  	[tilespmem:s0+$0xFFFFFF70] =	vst v27;
	v27 =	vor.u32 v0, v15;
	v21 =	vld.idx.msk [tilespmem:v21+s23+$0x0], $0xffff  }
0x478: {  	[tilespmem:s0+$0x70] =	vst v24;
	v24 =	vld.idx.msk [tilespmem:v25+s23+$0x0], $0xffff;
	v25 =	vor.u32 v3, v17  }
0x479: {  	v19 =	vld.idx.msk [tilespmem:v19+s23+$0x0], $0xffff;
	[tilespmem:s0+$0x170] =	vst v26;
	v26 =	vor.u32 v3, v11  }
0x47a: {  	[tilespmem:s0+$0xFFFFFE70] =	vst v20;
	v20 =	vor.u32 v3, v10;
	v23 =	vld.idx.msk [tilespmem:v23+s23+$0x0], $0xffff  }
0x47b: {  	v28 =	vld.idx.msk [tilespmem:v28+s23+$0x0], $0xffff;
	[tilespmem:s6+$0xFFFFFE80] =	vst v22;
	v22 =	vor.u32 v3, v13  }
0x47c: {  	v27 =	vld.idx.msk [tilespmem:v27+s23+$0x0], $0xffff;
	[tilespmem:s6+$0x180] =	vst v21;
	v21 =	vor.u32 v3, v12  }
0x47d: {  	v25 =	vld.idx.msk [tilespmem:v25+s23+$0x0], $0xffff;
	[tilespmem:s6+$0xFFFFFF00] =	vst v24;
	v24 =	vor.u32 v3, v15  }
0x47e: {  	[tilespmem:s6+$0xFFFFFF80] =	vst v19;
	v19 =	vld.idx.msk [tilespmem:v26+s23+$0x0], $0xffff;
	v26 =	vor.u32 v4, v17  }
0x47f: {  	v20 =	vld.idx.msk [tilespmem:v20+s23+$0x0], $0xffff;
	[tilespmem:s6+$0x0] =	vst v23;
	v23 =	vor.u32 v3, v16  }
0x480: {  	[tilespmem:s6+$0x100] =	vst v28;
	v28 =	vor.u32 v4, v11;
	v22 =	vld.idx.msk [tilespmem:v22+s23+$0x0], $0xffff  }
0x481: {  	[tilespmem:s6+$0x80] =	vst v27;
	v27 =	vor.u32 v3, v14;
	v21 =	vld.idx.msk [tilespmem:v21+s23+$0x0], $0xffff  }
0x482: {  	[tilespmem:s6+$0x190] =	vst v25;
	v24 =	vld.idx.msk [tilespmem:v24+s23+$0x0], $0xffff  }
0x483: {  	[tilespmem:s0+$0xF0] =	vst v29;
	v25 =	vor.u32 v4, v10;
	v26 =	vld.idx.msk [tilespmem:v26+s23+$0x0], $0xffff  }
0x484: {  	v18 =	vor.u32 v4, v12;
	[tilespmem:s6+$0xFFFFFE90] =	vst v19;
	v19 =	vld.idx.msk [tilespmem:v23+s23+$0x0], $0xffff  }
0x485: {  	[tilespmem:s6+$0xFFFFFF10] =	vst v20;
	v23 =	vor.u32 v4, v13;
	v28 =	vld.idx.msk [tilespmem:v28+s23+$0x0], $0xffff  }
0x486: {  	v20 =	vld.idx.msk [tilespmem:v27+s23+$0x0], $0xffff;
	v27 =	vor.u32 v5, v17;
	[tilespmem:s6+$0x10] =	vst v22  }
0x487: {  	[tilespmem:s6+$0xFFFFFF90] =	vst v21;
	v21 =	vor.u32 v4, v15  }
0x488: {  	v22 =	vld.idx.msk [tilespmem:v25+s23+$0x0], $0xffff;
	v25 =	vor.u32 v4, v16;
	[tilespmem:s6+$0x90] =	vst v24  }
0x489: {  	v24 =	vor.u32 v4, v14;
	v18 =	vld.idx.msk [tilespmem:v18+s23+$0x0], $0xffff;
	[tilespmem:s6+$0x1A0] =	vst v26  }
0x48a: {  	v26 =	vor.u32 v5, v11;
	v23 =	vld.idx.msk [tilespmem:v23+s23+$0x0], $0xffff;
	[tilespmem:s6+$0x110] =	vst v19  }
0x48b: {  	v19 =	vor.u32 v5, v10;
	[tilespmem:s6+$0xFFFFFEA0] =	vst v28;
	v27 =	vld.idx.msk [tilespmem:v27+s23+$0x0], $0xffff  }
0x48c: {  	[tilespmem:s6+$0xFFFFFE10] =	vst v20;
	v20 =	vld.idx.msk [tilespmem:v21+s23+$0x0], $0xffff;
	v21 =	vor.u32 v5, v12  }
0x48d: {  	v28 =	vor.u32 v6, v17;
	v25 =	vld.idx.msk [tilespmem:v25+s23+$0x0], $0xffff;
	[tilespmem:s6+$0xFFFFFF20] =	vst v22  }
0x48e: {  	v22 =	vor.u32 v5, v13;
	v24 =	vld.idx.msk [tilespmem:v24+s23+$0x0], $0xffff;
	[tilespmem:s6+$0xFFFFFFA0] =	vst v18  }
0x48f: {  	v18 =	vld.idx.msk [tilespmem:v26+s23+$0x0], $0xffff;
	v26 =	vor.u32 v5, v15;
	[tilespmem:s6+$0x20] =	vst v23  }
0x490: {  	v19 =	vld.idx.msk [tilespmem:v19+s23+$0x0], $0xffff;
	v23 =	vor.u32 v5, v16;
	[tilespmem:s6+$0x1B0] =	vst v27  }
0x491: {  	v27 =	vor.u32 v5, v14;
	v21 =	vld.idx.msk [tilespmem:v21+s23+$0x0], $0xffff;
	[tilespmem:s6+$0xA0] =	vst v20  }
0x492: {  	v20 =	vor.u32 v6, v11;
	v28 =	vld.idx.msk [tilespmem:v28+s23+$0x0], $0xffff;
	[tilespmem:s6+$0x120] =	vst v25  }
0x493: {  	v22 =	vld.idx.msk [tilespmem:v22+s23+$0x0], $0xffff;
	v25 =	vor.u32 v6, v10;
	[tilespmem:s6+$0xFFFFFE20] =	vst v24  }
0x494: {  	v24 =	vld.idx.msk [tilespmem:v26+s23+$0x0], $0xffff;
	v26 =	vor.u32 v7, v17;
	[tilespmem:s6+$0xFFFFFEB0] =	vst v18  }
0x495: {  	v18 =	vor.u32 v6, v12;
	v23 =	vld.idx.msk [tilespmem:v23+s23+$0x0], $0xffff;
	[tilespmem:s6+$0xFFFFFF30] =	vst v19  }
0x496: {  	v19 =	vld.idx.msk [tilespmem:v27+s23+$0x0], $0xffff;
	v27 =	vor.u32 v6, v13;
	[tilespmem:s6+$0xFFFFFFB0] =	vst v21  }
0x497: {  	v20 =	vld.idx.msk [tilespmem:v20+s23+$0x0], $0xffff;
	v21 =	vor.u32 v6, v15;
	[tilespmem:s6+$0x1C0] =	vst v28  }
0x498: {  	v28 =	vor.u32 v6, v16;
	v25 =	vld.idx.msk [tilespmem:v25+s23+$0x0], $0xffff;
	[tilespmem:s6+$0x30] =	vst v22  }
0x499: {  	v22 =	vor.u32 v6, v14;
	v26 =	vld.idx.msk [tilespmem:v26+s23+$0x0], $0xffff;
	[tilespmem:s6+$0xB0] =	vst v24  }
0x49a: {  	v18 =	vld.idx.msk [tilespmem:v18+s23+$0x0], $0xffff;
	v24 =	vor.u32 v7, v11;
	[tilespmem:s6+$0x130] =	vst v23  }
0x49b: {  	v23 =	vld.idx.msk [tilespmem:v27+s23+$0x0], $0xffff;
	v27 =	vor.u32 v8, v17;
	[tilespmem:s6+$0xFFFFFE30] =	vst v19  }
0x49c: {  	v19 =	vor.u32 v7, v10;
	v21 =	vld.idx.msk [tilespmem:v21+s23+$0x0], $0xffff;
	[tilespmem:s6+$0xFFFFFEC0] =	vst v20  }
0x49d: {  	v20 =	vor.u32 v7, v12;
	v28 =	vld.idx.msk [tilespmem:v28+s23+$0x0], $0xffff;
	[tilespmem:s6+$0xFFFFFF40] =	vst v25  }
0x49e: {  	v22 =	vld.idx.msk [tilespmem:v22+s23+$0x0], $0xffff;
	v25 =	vor.u32 v7, v13;
	[tilespmem:s6+$0x1D0] =	vst v26  }
0x49f: {  	v24 =	vld.idx.msk [tilespmem:v24+s23+$0x0], $0xffff;
	v26 =	vor.u32 v7, v15;
	[tilespmem:s6+$0xFFFFFFC0] =	vst v18  }
0x4a0: {  	v18 =	vor.u32 v7, v16;
	v27 =	vld.idx.msk [tilespmem:v27+s23+$0x0], $0xffff;
	[tilespmem:s6+$0x40] =	vst v23  }
0x4a1: {  	v19 =	vld.idx.msk [tilespmem:v19+s23+$0x0], $0xffff;
	v23 =	vor.u32 v7, v14;
	[tilespmem:s6+$0xC0] =	vst v21  }
0x4a2: {  	v17 =	vor.u32 v9, v17;
	v20 =	vld.idx.msk [tilespmem:v20+s23+$0x0], $0xffff;
	[tilespmem:s6+$0x140] =	vst v28  }
0x4a3: {  	v21 =	vor.u32 v8, v11;
	v25 =	vld.idx.msk [tilespmem:v25+s23+$0x0], $0xffff;
	[tilespmem:s6+$0xFFFFFE40] =	vst v22  }
0x4a4: {  	v22 =	vor.u32 v8, v10;
	v26 =	vld.idx.msk [tilespmem:v26+s23+$0x0], $0xffff;
	[tilespmem:s6+$0xFFFFFED0] =	vst v24  }
0x4a5: {  	v24 =	vor.u32 v8, v12;
	v18 =	vld.idx.msk [tilespmem:v18+s23+$0x0], $0xffff;
	[tilespmem:s6+$0x1E0] =	vst v27  }
0x4a6: {  	v23 =	vld.idx.msk [tilespmem:v23+s23+$0x0], $0xffff;
	v27 =	vor.u32 v8, v13;
	[tilespmem:s6+$0xFFFFFF50] =	vst v19  }
0x4a7: {  	v19 =	vor.u32 v8, v15;
	v17 =	vld.idx.msk [tilespmem:v17+s23+$0x0], $0xffff;
	[tilespmem:s6+$0xFFFFFFD0] =	vst v20  }
0x4a8: {  	v20 =	vld.idx.msk [tilespmem:v21+s23+$0x0], $0xffff;
	v21 =	vor.u32 v8, v16;
	[tilespmem:s6+$0x50] =	vst v25  }
0x4a9: {  	v25 =	vor.u32 v8, v14;
	v22 =	vld.idx.msk [tilespmem:v22+s23+$0x0], $0xffff;
	[tilespmem:s6+$0xD0] =	vst v26  }
0x4aa: {  	v11 =	vor.u32 v9, v11;
	v24 =	vld.idx.msk [tilespmem:v24+s23+$0x0], $0xffff;
	[tilespmem:s6+$0x150] =	vst v18  }
0x4ab: {  	v10 =	vor.u32 v9, v10;
	v18 =	vld.idx.msk [tilespmem:v27+s23+$0x0], $0xffff;
	[tilespmem:s6+$0xFFFFFE50] =	vst v23  }
0x4ac: {  	v12 =	vor.u32 v9, v12;
	v19 =	vld.idx.msk [tilespmem:v19+s23+$0x0], $0xffff;
	[tilespmem:s6+$0x1F0] =	vst v17  }
0x4ad: {  	v13 =	vor.u32 v9, v13;
	v17 =	vld.idx.msk [tilespmem:v21+s23+$0x0], $0xffff;
	[tilespmem:s6+$0xFFFFFEE0] =	vst v20  }
0x4ae: {  	v15 =	vor.u32 v9, v15;
	v20 =	vld.idx.msk [tilespmem:v25+s23+$0x0], $0xffff;
	[tilespmem:s6+$0xFFFFFF60] =	vst v22  }
0x4af: {  	v16 =	vor.u32 v9, v16;
	v11 =	vld.idx.msk [tilespmem:v11+s23+$0x0], $0xffff;
	[tilespmem:s6+$0xFFFFFFE0] =	vst v24  }
0x4b0: {  	v14 =	vor.u32 v9, v14;
	v10 =	vld.idx.msk [tilespmem:v10+s23+$0x0], $0xffff;
	[tilespmem:s6+$0x60] =	vst v18  }
0x4b1: {  	v12 =	vld.idx.msk [tilespmem:v12+s23+$0x0], $0xffff;
	[tilespmem:s6+$0xE0] =	vst v19  }
0x4b2: {  	v13 =	vld.idx.msk [tilespmem:v13+s23+$0x0], $0xffff;
	[tilespmem:s6+$0x160] =	vst v17  }
0x4b3: {  	v15 =	vld.idx.msk [tilespmem:v15+s23+$0x0], $0xffff;
	[tilespmem:s6+$0xFFFFFE60] =	vst v20  }
0x4b4: {  	v16 =	vld.idx.msk [tilespmem:v16+s23+$0x0], $0xffff;
	[tilespmem:s6+$0xFFFFFEF0] =	vst v11  }
0x4b5: {  	v11 =	vld.idx.msk [tilespmem:v14+s23+$0x0], $0xffff;
	[tilespmem:s6+$0xFFFFFF70] =	vst v10  }
0x4b6: {  	[tilespmem:s6+$0xFFFFFFF0] =	vst v12  }
0x4b7: {  	[tilespmem:s6+$0x70] =	vst v13  }
0x4b8: {  	[tilespmem:s6+$0xF0] =	vst v15  }
0x4b9: {  	[tilespmem:s6+$0x170] =	vst v16  }
0x4ba: {  	s10 =	simm.s32 $0x0;
	[tilespmem:s6+$0xFFFFFE70] =	vst v11  }
0x4bb: {  	s19 =	simm.s32 $0x4;
	s3 =	simm.s32 $0x5;
	s0 =	rddreg [dreg:$0x7]  }
0x4bc: {  	[hbm4b:s0+s17] =	stream.strided.scatter [tilespmem:s28], [sflag:$0x3], $0x4000, s18, s17, $0x38;
	[tilespmem:$0x11D00] =	vst v63  }
0x4bd: {  	s11 =	simm.s32 $0x1;
	v18 =	vmov s19;
	v19 =	vmov s3;
	v10 =	vmov s10;
	s6 =	simm.s32 $0x7;
	_ =	swait.ge [sflag:s29], $0x4000  }
0x4be: {  	s13 =	simm.s32 $0x2;
	v10 =	vand.u32 $0x78, v10;
	v12 =	vmov s11;
	v14 =	vmov s6;
	[sflag:s29] =	ssyncset.done $0x0  }
0x4bf: {  	s14 =	simm.s32 $0x3;
	v10 =	vbroadcast v10, $0x0;
	v12 =	vand.u32 $0x79, v12;
	s6 =	simm.s32 @p0 $0x4;
	v14 =	vand.u32 $0x7F, v14;
	[sflag:s29] =	ssyncadd.s32 $0xFFFFC000  }
0x4c0: {  	v13 =	vmov s13;
	v15 =	vmov s14;
	v14 =	vbroadcast v14, $0x0;
	_ =	swait.ge @p0 [sflag:s6], $0x4000  }
0x4c1: {  	v17 =	vbroadcast v12, $0x0;
	v12 =	vand.u32 $0x7A, v13;
	v11 =	vor.u32 v0, v10;
	[sflag:s6] =	ssyncset.done @p0 $0x0  }
0x4c2: {  	v16 =	vbroadcast v12, $0x0;
	v12 =	vand.u32 $0x7B, v15;
	s0 =	simm.s32 @!p0 $0x4;
	v21 =	vor.u32 v0, v14;
	[sflag:s6] =	ssyncadd.s32 @p0 $0xFFFFC000  }
0x4c3: {  	v22 =	vor.u32 v0, v17;
	v15 =	vbroadcast v12, $0x0;
	v12 =	vand.u32 $0x7C, v18;
	_ =	swait.ge @!p0 [sflag:s0], $0x3400  }
0x4c4: {  	s10 =	simm.s32 $0x6;
	v18 =	vor.u32 v0, v16;
	v13 =	vbroadcast v12, $0x0;
	v12 =	vand.u32 $0x7D, v19;
	[sflag:s0] =	ssyncset.done @!p0 $0x0  }
0x4c5: {  	v20 =	vmov s10;
	v19 =	vor.u32 v0, v15;
	v12 =	vbroadcast v12, $0x0;
	[sflag:s0] =	ssyncadd.s32 @!p0 $0xFFFFCC00  }
0x4c6: {  	v20 =	vand.u32 $0x7E, v20;
	v24 =	vor.u32 v0, v13;
	v23 =	vld.idx.msk [tilespmem:v11+s25+$0x0], $0xffff  }
0x4c7: {  	v11 =	vbroadcast v20, $0x0;
	v20 =	vor.u32 v0, v12;
	v21 =	vld.idx.msk [tilespmem:v21+s25+$0x0], $0xffff  }
0x4c8: {  	v26 =	vor.u32 v3, v14;
	v22 =	vld.idx.msk [tilespmem:v22+s25+$0x0], $0xffff  }
0x4c9: {  	v27 =	vor.u32 v3, v17;
	v18 =	vld.idx.msk [tilespmem:v18+s25+$0x0], $0xffff  }
0x4ca: {  	v28 =	vor.u32 v3, v16;
	v19 =	vld.idx.msk [tilespmem:v19+s25+$0x0], $0xffff  }
0x4cb: {  	s0 =	simm.s32 $0xDF00;
	v24 =	vld.idx.msk [tilespmem:v24+s25+$0x0], $0xffff;
	v25 =	vor.u32 v0, v11  }
0x4cc: {  	v29 =	vor.u32 v3, v15;
	v20 =	vld.idx.msk [tilespmem:v20+s25+$0x0], $0xffff;
	[tilespmem:s0+$0x180] =	vst v21  }
0x4cd: {  	v30 =	vor.u32 v3, v13;
	[tilespmem:s0+$0xFFFFFE80] =	vst v22;
	v22 =	vld.idx.msk [tilespmem:v26+s25+$0x0], $0xffff  }
0x4ce: {  	v21 =	vor.u32 v3, v12;
	[tilespmem:s0+$0xFFFFFF00] =	vst v18;
	v26 =	vld.idx.msk [tilespmem:v27+s25+$0x0], $0xffff  }
0x4cf: {  	[tilespmem:s0+$0xFFFFFF80] =	vst v19;
	v27 =	vld.idx.msk [tilespmem:v28+s25+$0x0], $0xffff;
	v28 =	vor.u32 v3, v10  }
0x4d0: {  	v19 =	vor.u32 v4, v14;
	[tilespmem:s0+$0x0] =	vst v24;
	v25 =	vld.idx.msk [tilespmem:v25+s25+$0x0], $0xffff  }
0x4d1: {  	v24 =	vor.u32 v4, v17;
	[tilespmem:s0+$0xFFFFFE00] =	vst v23;
	v29 =	vld.idx.msk [tilespmem:v29+s25+$0x0], $0xffff  }
0x4d2: {  	v18 =	vor.u32 v3, v11;
	v30 =	vld.idx.msk [tilespmem:v30+s25+$0x0], $0xffff;
	[tilespmem:s0+$0x80] =	vst v20  }
0x4d3: {  	v20 =	vor.u32 v4, v16;
	v21 =	vld.idx.msk [tilespmem:v21+s25+$0x0], $0xffff;
	[tilespmem:s0+$0x190] =	vst v22  }
0x4d4: {  	v22 =	vor.u32 v4, v13;
	v23 =	vld.idx.msk [tilespmem:v28+s25+$0x0], $0xffff;
	[tilespmem:s0+$0xFFFFFE90] =	vst v26  }
0x4d5: {  	[tilespmem:s0+$0x100] =	vst v25;
	v25 =	vor.u32 v4, v15;
	v19 =	vld.idx.msk [tilespmem:v19+s25+$0x0], $0xffff  }
0x4d6: {  	v26 =	vor.u32 v4, v12;
	[tilespmem:s0+$0xFFFFFF10] =	vst v27;
	v24 =	vld.idx.msk [tilespmem:v24+s25+$0x0], $0xffff  }
0x4d7: {  	v27 =	vor.u32 v5, v14;
	[tilespmem:s0+$0xFFFFFF90] =	vst v29;
	v18 =	vld.idx.msk [tilespmem:v18+s25+$0x0], $0xffff  }
0x4d8: {  	v28 =	vor.u32 v4, v11;
	[tilespmem:s0+$0x10] =	vst v30;
	v20 =	vld.idx.msk [tilespmem:v20+s25+$0x0], $0xffff  }
0x4d9: {  	v29 =	vor.u32 v4, v10;
	v22 =	vld.idx.msk [tilespmem:v22+s25+$0x0], $0xffff;
	[tilespmem:s0+$0x90] =	vst v21  }
0x4da: {  	v30 =	vor.u32 v5, v17;
	[tilespmem:s0+$0xFFFFFE10] =	vst v23;
	v25 =	vld.idx.msk [tilespmem:v25+s25+$0x0], $0xffff  }
0x4db: {  	v21 =	vor.u32 v5, v16;
	v26 =	vld.idx.msk [tilespmem:v26+s25+$0x0], $0xffff;
	[tilespmem:s0+$0x1A0] =	vst v19  }
0x4dc: {  	v23 =	vor.u32 v5, v13;
	[tilespmem:s0+$0x110] =	vst v18;
	v18 =	vld.idx.msk [tilespmem:v27+s25+$0x0], $0xffff  }
0x4dd: {  	v19 =	vor.u32 v5, v15;
	[tilespmem:s0+$0xFFFFFEA0] =	vst v24;
	v27 =	vld.idx.msk [tilespmem:v28+s25+$0x0], $0xffff  }
0x4de: {  	v24 =	vor.u32 v6, v14;
	v28 =	vld.idx.msk [tilespmem:v29+s25+$0x0], $0xffff;
	[tilespmem:s0+$0xFFFFFF20] =	vst v20  }
0x4df: {  	v29 =	vld.idx.msk [tilespmem:v30+s25+$0x0], $0xffff;
	v20 =	vor.u32 v5, v12;
	[tilespmem:s0+$0x20] =	vst v22  }
0x4e0: {  	v30 =	vor.u32 v5, v10;
	v21 =	vld.idx.msk [tilespmem:v21+s25+$0x0], $0xffff;
	[tilespmem:s0+$0xFFFFFFA0] =	vst v25  }
0x4e1: {  	v22 =	vor.u32 v6, v17;
	v23 =	vld.idx.msk [tilespmem:v23+s25+$0x0], $0xffff;
	[tilespmem:s0+$0xA0] =	vst v26  }
0x4e2: {  	v25 =	vor.u32 v5, v11;
	v19 =	vld.idx.msk [tilespmem:v19+s25+$0x0], $0xffff;
	[tilespmem:s0+$0x1B0] =	vst v18  }
0x4e3: {  	v18 =	vor.u32 v6, v16;
	v24 =	vld.idx.msk [tilespmem:v24+s25+$0x0], $0xffff;
	[tilespmem:s0+$0x120] =	vst v27  }
0x4e4: {  	v26 =	vor.u32 v6, v15;
	[tilespmem:s0+$0xFFFFFE20] =	vst v28;
	v20 =	vld.idx.msk [tilespmem:v20+s25+$0x0], $0xffff  }
0x4e5: {  	[tilespmem:s0+$0xFFFFFEB0] =	vst v29;
	v29 =	vor.u32 v6, v13;
	v28 =	vld.idx.msk [tilespmem:v30+s25+$0x0], $0xffff  }
0x4e6: {  	v27 =	vor.u32 v7, v14;
	v22 =	vld.idx.msk [tilespmem:v22+s25+$0x0], $0xffff;
	[tilespmem:s0+$0xFFFFFF30] =	vst v21  }
0x4e7: {  	v21 =	vor.u32 v6, v12;
	v25 =	vld.idx.msk [tilespmem:v25+s25+$0x0], $0xffff;
	[tilespmem:s0+$0x30] =	vst v23  }
0x4e8: {  	v30 =	vor.u32 v6, v10;
	v18 =	vld.idx.msk [tilespmem:v18+s25+$0x0], $0xffff;
	[tilespmem:s0+$0xFFFFFFB0] =	vst v19  }
0x4e9: {  	v19 =	vor.u32 v6, v11;
	v26 =	vld.idx.msk [tilespmem:v26+s25+$0x0], $0xffff;
	[tilespmem:s0+$0x1C0] =	vst v24  }
0x4ea: {  	v24 =	vor.u32 v7, v17;
	v29 =	vld.idx.msk [tilespmem:v29+s25+$0x0], $0xffff;
	[tilespmem:s0+$0xB0] =	vst v20  }
0x4eb: {  	v23 =	vld.idx.msk [tilespmem:v27+s25+$0x0], $0xffff;
	v27 =	vor.u32 v7, v16;
	[tilespmem:s0+$0xFFFFFE30] =	vst v28  }
0x4ec: {  	v20 =	vld.idx.msk [tilespmem:v21+s25+$0x0], $0xffff;
	v21 =	vor.u32 v8, v14;
	[tilespmem:s0+$0xFFFFFEC0] =	vst v22  }
0x4ed: {  	v28 =	vld.idx.msk [tilespmem:v30+s25+$0x0], $0xffff;
	v22 =	vor.u32 v7, v13;
	[tilespmem:s0+$0x130] =	vst v25  }
0x4ee: {  	v25 =	vor.u32 v7, v15;
	v19 =	vld.idx.msk [tilespmem:v19+s25+$0x0], $0xffff  }
0x4ef: {  	[tilespmem:s0+$0xFFFFFF40] =	vst v18;
	v18 =	vor.u32 v7, v12;
	v24 =	vld.idx.msk [tilespmem:v24+s25+$0x0], $0xffff  }
0x4f0: {  	v30 =	vor.u32 v7, v11;
	v27 =	vld.idx.msk [tilespmem:v27+s25+$0x0], $0xffff;
	[tilespmem:s0+$0x1D0] =	vst v23  }
0x4f1: {  	[tilespmem:s0+$0x40] =	vst v29;
	v23 =	vor.u32 v7, v10;
	v21 =	vld.idx.msk [tilespmem:v21+s25+$0x0], $0xffff  }
0x4f2: {  	[tilespmem:s0+$0xFFFFFFC0] =	vst v26;
	v26 =	vor.u32 v8, v17;
	v22 =	vld.idx.msk [tilespmem:v22+s25+$0x0], $0xffff  }
0x4f3: {  	v14 =	vor.u32 v9, v14;
	[tilespmem:s0+$0xC0] =	vst v20;
	v25 =	vld.idx.msk [tilespmem:v25+s25+$0x0], $0xffff  }
0x4f4: {  	v20 =	vor.u32 v8, v16;
	v31 =	vld.idx.msk [tilespmem:v18+s25+$0x0], $0xffff;
	[tilespmem:s0+$0x140] =	vst v19  }
0x4f5: {  	s3 =	simm.s32 $0x8;
	[tilespmem:s0+$0xFFFFFE40] =	vst v28;
	v18 =	vor.u32 v8, v15;
	v28 =	vld.idx.msk [tilespmem:v30+s25+$0x0], $0xffff  }
0x4f6: {  	[tilespmem:s0+$0xFFFFFED0] =	vst v24;
	v24 =	vor.u32 v8, v13;
	v63 =	vld.idx.msk [tilespmem:v23+s25+$0x0], $0xffff;
	v23 =	vmov s3  }
0x4f7: {  	v33 =	vor.u32 v8, v12;
	v19 =	vld.idx.msk [tilespmem:v26+s25+$0x0], $0xffff;
	[tilespmem:s0+$0x1E0] =	vst v21;
	v21 =	vand.u32 $0x78, v23  }
0x4f8: {  	v34 =	vor.u32 v8, v11;
	[tilespmem:s0+$0xFFFFFF50] =	vst v27;
	v29 =	vld.idx.msk [tilespmem:v14+s25+$0x0], $0xffff;
	v14 =	vbroadcast v21, $0x0  }
0x4f9: {  	v30 =	vor.u32 v8, v10;
	v23 =	vld.idx.msk [tilespmem:v20+s25+$0x0], $0xffff;
	[tilespmem:s0+$0xFFFFFFD0] =	vst v25  }
0x4fa: {  	[tilespmem:s0+$0x50] =	vst v22;
	v20 =	vld.idx.msk [tilespmem:v18+s25+$0x0], $0xffff;
	v18 =	vor.u32 v0, v14  }
0x4fb: {  	s11 =	simm.s32 $0x9;
	s13 =	simm.s32 $0xA;
	v26 =	vor.u32 v9, v17;
	[tilespmem:s0+$0xD0] =	vst v31;
	v21 =	vld.idx.msk [tilespmem:v24+s25+$0x0], $0xffff  }
0x4fc: {  	s19 =	simm.s32 $0xC;
	s14 =	simm.s32 $0xB;
	v16 =	vor.u32 v9, v16;
	v17 =	vmov s11;
	v27 =	vmov s13;
	v22 =	vld.idx.msk [tilespmem:v33+s25+$0x0], $0xffff;
	[tilespmem:s0+$0x150] =	vst v28  }
0x4fd: {  	s10 =	simm.s32 $0xF;
	s6 =	simm.s32 $0x10;
	v15 =	vor.u32 v9, v15;
	s11 =	simm.s32 $0xD;
	v28 =	vmov s14;
	v24 =	vmov s19;
	[tilespmem:s0+$0xFFFFFE50] =	vst v63;
	v25 =	vld.idx.msk [tilespmem:v34+s25+$0x0], $0xffff  }
.LBB2_14:
0x4fe: {  	p1 =	slt.u32 s6, $0x78;
	v31 =	vmov s11;
	s11 =	sadd.s32 $0x6, s3;
	v32 =	vmov s10;
	v30 =	vld.idx.msk [tilespmem:v30+s25+$0x0], $0xffff;
	v13 =	vor.u32 v9, v13;
	[tilespmem:s0+$0x1F0] =	vst v29;
	s3 =	smov.u32 s6  }
0x4ff: {  	v12 =	vor.u32 v9, v12;
	v29 =	vld.idx.msk [tilespmem:v18+s25+$0x0], $0xffff;
	v33 =	vmov s11;
	v18 =	vand.u32 $0x7F, v32;
	[tilespmem:s0+$0xFFFFFEE0] =	vst v19  }
0x500: {  	v17 =	vand.u32 $0x79, v17;
	v11 =	vor.u32 v9, v11;
	v18 =	vbroadcast v18, $0x0;
	v19 =	vld.idx.msk [tilespmem:v26+s25+$0x0], $0xffff;
	[tilespmem:s0+$0xFFFFFF60] =	vst v23  }
0x501: {  	v17 =	vbroadcast v17, $0x0;
	v23 =	vand.u32 $0x7A, v27;
	v26 =	vor.u32 v9, v10;
	v10 =	vmovc v14;
	v27 =	vld.idx.msk [tilespmem:v16+s25+$0x0], $0xffff;
	[tilespmem:s0+$0xFFFFFFE0] =	vst v20  }
0x502: {  	v14 =	vand.u32 $0x7B, v28;
	v16 =	vbroadcast v23, $0x0;
	v20 =	vor.u32 v0, v18;
	v23 =	vld.idx.msk [tilespmem:v15+s25+$0x0], $0xffff;
	[tilespmem:s0+$0x60] =	vst v21  }
0x503: {  	v21 =	vor.u32 v0, v17;
	v15 =	vbroadcast v14, $0x0;
	v14 =	vand.u32 $0x7C, v24;
	v24 =	vld.idx.msk [tilespmem:v13+s25+$0x0], $0xffff;
	[tilespmem:s0+$0xE0] =	vst v22  }
0x504: {  	v22 =	vor.u32 v0, v16;
	v13 =	vbroadcast v14, $0x0;
	v14 =	vand.u32 $0x7D, v31;
	v28 =	vld.idx.msk [tilespmem:v12+s25+$0x0], $0xffff;
	[tilespmem:s0+$0x160] =	vst v25  }
0x505: {  	v25 =	vor.u32 v0, v15;
	v12 =	vbroadcast v14, $0x0;
	v14 =	vand.u32 $0x7E, v33;
	[tilespmem:s0+$0xFFFFFE60] =	vst v30;
	v30 =	vld.idx.msk [tilespmem:v11+s25+$0x0], $0xffff  }
0x506: {  	v31 =	vor.u32 v0, v13;
	v11 =	vbroadcast v14, $0x0;
	v14 =	vld.idx.msk [tilespmem:v26+s25+$0x0], $0xffff;
	[tilespmem:s0+$0xFFFFFEF0] =	vst v19  }
0x507: {  	v19 =	vor.u32 v0, v12;
	v20 =	vld.idx.msk [tilespmem:v20+s25+$0x0], $0xffff;
	[tilespmem:s0+$0xFFFFFF70] =	vst v27  }
0x508: {  	v26 =	vor.u32 v0, v11;
	v21 =	vld.idx.msk [tilespmem:v21+s25+$0x0], $0xffff;
	[tilespmem:s0+$0xFFFFFFF0] =	vst v23  }
0x509: {  	v23 =	vor.u32 v3, v18;
	v22 =	vld.idx.msk [tilespmem:v22+s25+$0x0], $0xffff;
	[tilespmem:s0+$0x70] =	vst v24  }
0x50a: {  	v24 =	vor.u32 v3, v17;
	v25 =	vld.idx.msk [tilespmem:v25+s25+$0x0], $0xffff;
	[tilespmem:s0+$0xF0] =	vst v28  }
0x50b: {  	v27 =	vor.u32 v3, v16;
	v28 =	vld.idx.msk [tilespmem:v31+s25+$0x0], $0xffff;
	[tilespmem:s0+$0x170] =	vst v30  }
0x50c: {  	v30 =	vor.u32 v3, v15;
	v19 =	vld.idx.msk [tilespmem:v19+s25+$0x0], $0xffff;
	[tilespmem:s0+$0xFFFFFE70] =	vst v14;
	s0 =	sadd.s32 $0x400, s0  }
0x50d: {  	v14 =	vor.u32 v3, v13;
	v26 =	vld.idx.msk [tilespmem:v26+s25+$0x0], $0xffff;
	[tilespmem:s0+$0x180] =	vst v20  }
0x50e: {  	v20 =	vor.u32 v3, v12;
	[tilespmem:s0+$0xFFFFFE80] =	vst v21;
	v21 =	vld.idx.msk [tilespmem:v23+s25+$0x0], $0xffff  }
0x50f: {  	v23 =	vld.idx.msk [tilespmem:v24+s25+$0x0], $0xffff;
	[tilespmem:s0+$0xFFFFFF00] =	vst v22;
	v22 =	vor.u32 v3, v11  }
0x510: {  	v24 =	vld.idx.msk [tilespmem:v27+s25+$0x0], $0xffff;
	[tilespmem:s0+$0xFFFFFF80] =	vst v25;
	v25 =	vor.u32 v4, v18  }
0x511: {  	v27 =	vor.u32 v3, v10;
	v30 =	vld.idx.msk [tilespmem:v30+s25+$0x0], $0xffff;
	[tilespmem:s0+$0x0] =	vst v28  }
0x512: {  	v28 =	vor.u32 v4, v17;
	v14 =	vld.idx.msk [tilespmem:v14+s25+$0x0], $0xffff;
	[tilespmem:s0+$0x80] =	vst v19  }
0x513: {  	v19 =	vor.u32 v4, v16;
	v20 =	vld.idx.msk [tilespmem:v20+s25+$0x0], $0xffff;
	[tilespmem:s0+$0x100] =	vst v26  }
0x514: {  	v26 =	vor.u32 v4, v15;
	v22 =	vld.idx.msk [tilespmem:v22+s25+$0x0], $0xffff;
	[tilespmem:s0+$0x190] =	vst v21  }
0x515: {  	v21 =	vor.u32 v4, v13;
	[tilespmem:s0+$0xFFFFFE00] =	vst v29;
	v25 =	vld.idx.msk [tilespmem:v25+s25+$0x0], $0xffff  }
0x516: {  	v27 =	vld.idx.msk [tilespmem:v27+s25+$0x0], $0xffff;
	[tilespmem:s0+$0xFFFFFE90] =	vst v23;
	v23 =	vor.u32 v4, v12  }
0x517: {  	v28 =	vld.idx.msk [tilespmem:v28+s25+$0x0], $0xffff;
	[tilespmem:s0+$0xFFFFFF10] =	vst v24;
	v24 =	vor.u32 v5, v18  }
0x518: {  	v29 =	vor.u32 v4, v11;
	v19 =	vld.idx.msk [tilespmem:v19+s25+$0x0], $0xffff;
	[tilespmem:s0+$0xFFFFFF90] =	vst v30  }
0x519: {  	v30 =	vor.u32 v4, v10;
	v26 =	vld.idx.msk [tilespmem:v26+s25+$0x0], $0xffff;
	[tilespmem:s0+$0x10] =	vst v14  }
0x51a: {  	v14 =	vor.u32 v5, v17;
	v21 =	vld.idx.msk [tilespmem:v21+s25+$0x0], $0xffff;
	[tilespmem:s0+$0x90] =	vst v20  }
0x51b: {  	v20 =	vor.u32 v5, v16;
	v23 =	vld.idx.msk [tilespmem:v23+s25+$0x0], $0xffff;
	[tilespmem:s0+$0x1A0] =	vst v25  }
0x51c: {  	v25 =	vor.u32 v5, v15;
	[tilespmem:s0+$0x110] =	vst v22;
	v22 =	vld.idx.msk [tilespmem:v24+s25+$0x0], $0xffff  }
0x51d: {  	v24 =	vor.u32 v5, v13;
	[tilespmem:s0+$0xFFFFFE10] =	vst v27;
	v27 =	vld.idx.msk [tilespmem:v29+s25+$0x0], $0xffff  }
0x51e: {  	v29 =	vld.idx.msk [tilespmem:v30+s25+$0x0], $0xffff;
	[tilespmem:s0+$0xFFFFFEA0] =	vst v28;
	v28 =	vor.u32 v6, v18  }
0x51f: {  	v14 =	vld.idx.msk [tilespmem:v14+s25+$0x0], $0xffff;
	[tilespmem:s0+$0xFFFFFF20] =	vst v19;
	v19 =	vor.u32 v5, v12  }
0x520: {  	v20 =	vld.idx.msk [tilespmem:v20+s25+$0x0], $0xffff;
	[tilespmem:s0+$0xFFFFFFA0] =	vst v26;
	v26 =	vor.u32 v5, v11  }
0x521: {  	v30 =	vor.u32 v5, v10;
	v25 =	vld.idx.msk [tilespmem:v25+s25+$0x0], $0xffff;
	[tilespmem:s0+$0x20] =	vst v21  }
0x522: {  	v21 =	vor.u32 v6, v17;
	v24 =	vld.idx.msk [tilespmem:v24+s25+$0x0], $0xffff;
	[tilespmem:s0+$0x1B0] =	vst v22  }
0x523: {  	v22 =	vor.u32 v6, v16;
	[tilespmem:s0+$0xA0] =	vst v23;
	v23 =	vld.idx.msk [tilespmem:v28+s25+$0x0], $0xffff  }
0x524: {  	v28 =	vor.u32 v6, v15;
	v19 =	vld.idx.msk [tilespmem:v19+s25+$0x0], $0xffff;
	[tilespmem:s0+$0x120] =	vst v27  }
0x525: {  	v27 =	vor.u32 v7, v18;
	[tilespmem:s0+$0xFFFFFE20] =	vst v29;
	v26 =	vld.idx.msk [tilespmem:v26+s25+$0x0], $0xffff  }
0x526: {  	v29 =	vld.idx.msk [tilespmem:v30+s25+$0x0], $0xffff;
	[tilespmem:s0+$0xFFFFFEB0] =	vst v14;
	v14 =	vor.u32 v6, v13  }
0x527: {  	v21 =	vld.idx.msk [tilespmem:v21+s25+$0x0], $0xffff;
	[tilespmem:s0+$0xFFFFFF30] =	vst v20;
	v20 =	vor.u32 v6, v12  }
0x528: {  	v22 =	vld.idx.msk [tilespmem:v22+s25+$0x0], $0xffff;
	[tilespmem:s0+$0xFFFFFFB0] =	vst v25;
	v25 =	vor.u32 v6, v11  }
0x529: {  	v30 =	vor.u32 v6, v10;
	v28 =	vld.idx.msk [tilespmem:v28+s25+$0x0], $0xffff;
	[tilespmem:s0+$0x1C0] =	vst v23  }
0x52a: {  	v23 =	vor.u32 v7, v17;
	[tilespmem:s0+$0x30] =	vst v24;
	v24 =	vld.idx.msk [tilespmem:v27+s25+$0x0], $0xffff  }
0x52b: {  	v27 =	vor.u32 v7, v16;
	v14 =	vld.idx.msk [tilespmem:v14+s25+$0x0], $0xffff;
	[tilespmem:s0+$0xB0] =	vst v19  }
0x52c: {  	v19 =	vld.idx.msk [tilespmem:v20+s25+$0x0], $0xffff;
	[tilespmem:s0+$0x130] =	vst v26;
	v20 =	vor.u32 v8, v18  }
0x52d: {  	v26 =	vor.u32 v7, v15;
	[tilespmem:s0+$0xFFFFFE30] =	vst v29;
	v25 =	vld.idx.msk [tilespmem:v25+s25+$0x0], $0xffff  }
0x52e: {  	v29 =	vld.idx.msk [tilespmem:v30+s25+$0x0], $0xffff;
	[tilespmem:s0+$0xFFFFFEC0] =	vst v21;
	v21 =	vor.u32 v7, v13  }
0x52f: {  	v23 =	vld.idx.msk [tilespmem:v23+s25+$0x0], $0xffff;
	[tilespmem:s0+$0xFFFFFF40] =	vst v22;
	v22 =	vor.u32 v7, v12  }
0x530: {  	v30 =	vor.u32 v7, v11;
	v27 =	vld.idx.msk [tilespmem:v27+s25+$0x0], $0xffff;
	[tilespmem:s0+$0x1D0] =	vst v24  }
0x531: {  	v24 =	vor.u32 v7, v10;
	[tilespmem:s0+$0xFFFFFFC0] =	vst v28;
	v20 =	vld.idx.msk [tilespmem:v20+s25+$0x0], $0xffff  }
0x532: {  	v28 =	vor.u32 v8, v17;
	v26 =	vld.idx.msk [tilespmem:v26+s25+$0x0], $0xffff;
	[tilespmem:s0+$0x40] =	vst v14  }
0x533: {  	v18 =	vor.u32 v9, v18;
	v21 =	vld.idx.msk [tilespmem:v21+s25+$0x0], $0xffff;
	[tilespmem:s0+$0xC0] =	vst v19  }
0x534: {  	v31 =	vor.u32 v8, v16;
	v22 =	vld.idx.msk [tilespmem:v22+s25+$0x0], $0xffff;
	[tilespmem:s0+$0x140] =	vst v25  }
0x535: {  	v25 =	vor.u32 v8, v15;
	[tilespmem:s0+$0xFFFFFE40] =	vst v29;
	v32 =	vld.idx.msk [tilespmem:v30+s25+$0x0], $0xffff  }
0x536: {  	v14 =	vmov s6;
	v33 =	vld.idx.msk [tilespmem:v24+s25+$0x0], $0xffff;
	[tilespmem:s0+$0xFFFFFED0] =	vst v23;
	v24 =	vor.u32 v8, v13  }
0x537: {  	v14 =	vand.u32 $0x78, v14;
	v19 =	vld.idx.msk [tilespmem:v28+s25+$0x0], $0xffff;
	v28 =	vor.u32 v8, v12;
	[tilespmem:s0+$0x1E0] =	vst v20  }
0x538: {  	v34 =	vor.u32 v8, v11;
	v14 =	vbroadcast v14, $0x0;
	[tilespmem:s0+$0xFFFFFF50] =	vst v27;
	v29 =	vld.idx.msk [tilespmem:v18+s25+$0x0], $0xffff  }
.Ltmp6:
0x539: {  	v30 =	vor.u32 v8, v10;
	v23 =	vld.idx.msk [tilespmem:v31+s25+$0x0], $0xffff;
	[tilespmem:s0+$0xFFFFFFD0] =	vst v26;
	(pc) =	sbr.rel @p1 .LBB2_14-.Ltmp6, $4  }
0x53a: {  	v18 =	vor.u32 v0, v14;
	v20 =	vld.idx.msk [tilespmem:v25+s25+$0x0], $0xffff;
	[tilespmem:s0+$0x50] =	vst v21  }
0x53b: {  	s10 =	sadd.s32 $0x1, s6;
	s11 =	sadd.s32 $0x2, s6;
	v26 =	vor.u32 v9, v17;
	v21 =	vld.idx.msk [tilespmem:v24+s25+$0x0], $0xffff;
	[tilespmem:s0+$0xD0] =	vst v22  }
0x53c: {  	v16 =	vor.u32 v9, v16;
	v27 =	vmov s11;
	s11 =	sadd.s32 $0x4, s6;
	v17 =	vmov s10;
	s10 =	sadd.s32 $0x3, s6;
	v22 =	vld.idx.msk [tilespmem:v28+s25+$0x0], $0xffff;
	[tilespmem:s0+$0x150] =	vst v32  }
0x53d: {  	v15 =	vor.u32 v9, v15;
	s6 =	sadd.s32 $0x8, s6;
	v24 =	vmov s11;
	s11 =	sadd.s32 $0x5, s3;
	v28 =	vmov s10;
	s10 =	sadd.s32 $0x7, s3;
	[tilespmem:s0+$0xFFFFFE50] =	vst v33;
	v25 =	vld.idx.msk [tilespmem:v34+s25+$0x0], $0xffff  }
0x53e: {  	_ =	sdelay $0x1  }
0x53f: {  	[tilespmem:s0+$0x1F0] =	vst v29  }
0x540: {  	[tilespmem:s0+$0xFFFFFEE0] =	vst v19  }
0x541: {  	v42 =	vmov s11;
	v31 =	vmov s10;
	v13 =	vor.u32 v9, v13;
	v43 =	vld.idx.msk [tilespmem:v30+s25+$0x0], $0xffff;
	[tilespmem:s0+$0xFFFFFF60] =	vst v23  }
0x542: {  	v32 =	vor.u32 v9, v12;
	v45 =	vand.u32 $0x79, v17;
	v47 =	vor.u32 v9, v11;
	v18 =	vld.idx.msk [tilespmem:v18+s25+$0x0], $0xffff;
	[tilespmem:s0+$0xFFFFFFE0] =	vst v20  }
0x543: {  	s3 =	sadd.s32 $0x6, s3;
	v48 =	vand.u32 $0x7A, v27;
	v49 =	vor.u32 v9, v10;
	v46 =	vld.idx.msk [tilespmem:v26+s25+$0x0], $0xffff;
	v11 =	vbroadcast v45, $0x0;
	[tilespmem:s0+$0x60] =	vst v21  }
0x544: {  	v51 =	vand.u32 $0x7B, v28;
	v44 =	vmov s3;
	v50 =	vld.idx.msk [tilespmem:v16+s25+$0x0], $0xffff;
	v10 =	vbroadcast v48, $0x0;
	[tilespmem:s0+$0xE0] =	vst v22  }
0x545: {  	v31 =	vand.u32 $0x7F, v31;
	v12 =	vbroadcast v51, $0x0;
	v53 =	vld.idx.msk [tilespmem:v15+s25+$0x0], $0xffff;
	v54 =	vor.u32 v0, v11;
	[tilespmem:s0+$0x160] =	vst v25  }
0x546: {  	s19 =	sadd.s32 $0x400, s0;
	v58 =	vand.u32 $0x7D, v42;
	v17 =	vbroadcast v31, $0x0;
	v57 =	vor.u32 v0, v10;
	v56 =	vld.idx.msk [tilespmem:v13+s25+$0x0], $0xffff;
	[tilespmem:s0+$0xFFFFFE60] =	vst v43  }
0x547: {  	v15 =	vbroadcast v58, $0x0;
	v61 =	vand.u32 $0x7E, v44;
	v60 =	vor.u32 v0, v12;
	v59 =	vld.idx.msk [tilespmem:v32+s25+$0x0], $0xffff;
	[tilespmem:s19+$0xFFFFFE00] =	vst v18  }
0x548: {  	v16 =	vbroadcast v61, $0x0;
	v52 =	vor.u32 v0, v17;
	v26 =	vld.idx.msk [tilespmem:v47+s25+$0x0], $0xffff;
	[tilespmem:s0+$0xFFFFFEF0] =	vst v46  }
0x549: {  	v55 =	vand.u32 $0x7C, v24;
	v63 =	vor.u32 v0, v15;
	v20 =	vld.idx.msk [tilespmem:v49+s25+$0x0], $0xffff;
	[tilespmem:s0+$0xFFFFFF70] =	vst v50  }
0x54a: {  	v13 =	vbroadcast v55, $0x0;
	v32 =	vor.u32 v0, v16;
	[tilespmem:s0+$0xFFFFFFF0] =	vst v53;
	v22 =	vld.idx.msk [tilespmem:v54+s25+$0x0], $0xffff  }
0x54b: {  	v43 =	vor.u32 v3, v14;
	v33 =	vld.idx.msk [tilespmem:v57+s25+$0x0], $0xffff;
	[tilespmem:s0+$0x70] =	vst v56  }
0x54c: {  	v62 =	vor.u32 v0, v13;
	v19 =	vld.idx.msk [tilespmem:v60+s25+$0x0], $0xffff;
	[tilespmem:s0+$0xF0] =	vst v59  }
0x54d: {  	v35 =	vor.u32 v3, v11;
	v21 =	vld.idx.msk [tilespmem:v52+s25+$0x0], $0xffff;
	[tilespmem:s0+$0x170] =	vst v26  }
0x54e: {  	v36 =	vor.u32 v3, v10;
	v27 =	vld.idx.msk [tilespmem:v63+s25+$0x0], $0xffff;
	[tilespmem:s0+$0xFFFFFE70] =	vst v20  }
0x54f: {  	v37 =	vor.u32 v3, v12;
	v28 =	vld.idx.msk [tilespmem:v32+s25+$0x0], $0xffff;
	[tilespmem:s19+$0xFFFFFE80] =	vst v22  }
0x550: {  	v34 =	vor.u32 v3, v17;
	v49 =	vld.idx.msk [tilespmem:v43+s25+$0x0], $0xffff;
	[tilespmem:s19+$0xFFFFFF00] =	vst v33  }
0x551: {  	v39 =	vor.u32 v3, v15;
	v23 =	vld.idx.msk [tilespmem:v62+s25+$0x0], $0xffff;
	[tilespmem:s19+$0xFFFFFF80] =	vst v19  }
0x552: {  	v42 =	vor.u32 v3, v16;
	[tilespmem:s19+$0x180] =	vst v21;
	v40 =	vld.idx.msk [tilespmem:v35+s25+$0x0], $0xffff  }
0x553: {  	v38 =	vor.u32 v3, v13;
	v20 =	vld.idx.msk [tilespmem:v36+s25+$0x0], $0xffff;
	[tilespmem:s19+$0x80] =	vst v27  }
0x554: {  	v44 =	vor.u32 v4, v11;
	v21 =	vld.idx.msk [tilespmem:v37+s25+$0x0], $0xffff;
	[tilespmem:s19+$0x100] =	vst v28  }
0x555: {  	v45 =	vor.u32 v4, v10;
	v25 =	vld.idx.msk [tilespmem:v34+s25+$0x0], $0xffff;
	[tilespmem:s19+$0xFFFFFE10] =	vst v49  }
0x556: {  	v46 =	vor.u32 v4, v12;
	v24 =	vld.idx.msk [tilespmem:v39+s25+$0x0], $0xffff;
	[tilespmem:s19+$0x0] =	vst v23  }
0x557: {  	v54 =	vor.u32 v4, v14;
	v47 =	vld.idx.msk [tilespmem:v42+s25+$0x0], $0xffff;
	[tilespmem:s19+$0xFFFFFE90] =	vst v40  }
0x558: {  	v41 =	vor.u32 v4, v17;
	v22 =	vld.idx.msk [tilespmem:v38+s25+$0x0], $0xffff;
	[tilespmem:s19+$0xFFFFFF10] =	vst v20  }
0x559: {  	v51 =	vor.u32 v4, v15;
	[tilespmem:s19+$0xFFFFFF90] =	vst v21;
	v28 =	vld.idx.msk [tilespmem:v44+s25+$0x0], $0xffff  }
0x55a: {  	v53 =	vor.u32 v4, v16;
	[tilespmem:s19+$0x190] =	vst v25;
	v52 =	vld.idx.msk [tilespmem:v45+s25+$0x0], $0xffff  }
0x55b: {  	v48 =	vor.u32 v4, v13;
	[tilespmem:s19+$0x90] =	vst v24;
	v18 =	vld.idx.msk [tilespmem:v46+s25+$0x0], $0xffff  }
0x55c: {  	v55 =	vor.u32 v5, v11;
	v24 =	vld.idx.msk [tilespmem:v54+s25+$0x0], $0xffff;
	[tilespmem:s19+$0x110] =	vst v47  }
0x55d: {  	v56 =	vor.u32 v5, v10;
	v26 =	vld.idx.msk [tilespmem:v41+s25+$0x0], $0xffff;
	[tilespmem:s19+$0x10] =	vst v22  }
0x55e: {  	v58 =	vor.u32 v5, v12;
	v57 =	vld.idx.msk [tilespmem:v51+s25+$0x0], $0xffff;
	[tilespmem:s19+$0xFFFFFEA0] =	vst v28  }
0x55f: {  	v32 =	vor.u32 v5, v14;
	v25 =	vld.idx.msk [tilespmem:v53+s25+$0x0], $0xffff;
	[tilespmem:s19+$0xFFFFFF20] =	vst v52  }
0x560: {  	v50 =	vor.u32 v5, v17;
	v23 =	vld.idx.msk [tilespmem:v48+s25+$0x0], $0xffff;
	[tilespmem:s19+$0xFFFFFFA0] =	vst v18  }
0x561: {  	v62 =	vor.u32 v5, v15;
	[tilespmem:s19+$0xFFFFFE20] =	vst v24;
	v61 =	vld.idx.msk [tilespmem:v55+s25+$0x0], $0xffff  }
0x562: {  	v63 =	vor.u32 v5, v16;
	[tilespmem:s19+$0x1A0] =	vst v26;
	v19 =	vld.idx.msk [tilespmem:v56+s25+$0x0], $0xffff  }
0x563: {  	v60 =	vor.u32 v5, v13;
	v21 =	vld.idx.msk [tilespmem:v58+s25+$0x0], $0xffff;
	[tilespmem:s19+$0xA0] =	vst v57  }
0x564: {  	v33 =	vor.u32 v6, v11;
	v38 =	vld.idx.msk [tilespmem:v32+s25+$0x0], $0xffff;
	[tilespmem:s19+$0x120] =	vst v25  }
0x565: {  	v34 =	vor.u32 v6, v10;
	v27 =	vld.idx.msk [tilespmem:v50+s25+$0x0], $0xffff;
	[tilespmem:s19+$0x20] =	vst v23  }
0x566: {  	v59 =	vor.u32 v6, v17;
	v35 =	vld.idx.msk [tilespmem:v62+s25+$0x0], $0xffff;
	[tilespmem:s19+$0xFFFFFEB0] =	vst v61  }
0x567: {  	v37 =	vor.u32 v6, v12;
	v23 =	vld.idx.msk [tilespmem:v63+s25+$0x0], $0xffff;
	[tilespmem:s19+$0xFFFFFF30] =	vst v19  }
0x568: {  	v40 =	vor.u32 v6, v15;
	v22 =	vld.idx.msk [tilespmem:v60+s25+$0x0], $0xffff;
	[tilespmem:s19+$0xFFFFFFB0] =	vst v21  }
0x569: {  	v42 =	vor.u32 v6, v14;
	[tilespmem:s19+$0xFFFFFE30] =	vst v38;
	v20 =	vld.idx.msk [tilespmem:v33+s25+$0x0], $0xffff  }
0x56a: {  	v39 =	vor.u32 v6, v13;
	[tilespmem:s19+$0x1B0] =	vst v27;
	v25 =	vld.idx.msk [tilespmem:v34+s25+$0x0], $0xffff  }
0x56b: {  	v41 =	vor.u32 v6, v16;
	[tilespmem:s19+$0xB0] =	vst v35;
	v28 =	vld.idx.msk [tilespmem:v59+s25+$0x0], $0xffff  }
0x56c: {  	v43 =	vor.u32 v7, v11;
	v18 =	vld.idx.msk [tilespmem:v37+s25+$0x0], $0xffff;
	[tilespmem:s19+$0x130] =	vst v23  }
0x56d: {  	v36 =	vor.u32 v7, v17;
	v21 =	vld.idx.msk [tilespmem:v40+s25+$0x0], $0xffff;
	[tilespmem:s19+$0x30] =	vst v22  }
0x56e: {  	v46 =	vor.u32 v7, v10;
	v22 =	vld.idx.msk [tilespmem:v42+s25+$0x0], $0xffff;
	[tilespmem:s19+$0xFFFFFEC0] =	vst v20  }
0x56f: {  	v47 =	vor.u32 v7, v12;
	v44 =	vld.idx.msk [tilespmem:v39+s25+$0x0], $0xffff;
	[tilespmem:s19+$0xFFFFFF40] =	vst v25  }
0x570: {  	v51 =	vor.u32 v7, v14;
	[tilespmem:s19+$0x1C0] =	vst v28;
	v28 =	vld.idx.msk [tilespmem:v41+s25+$0x0], $0xffff  }
0x571: {  	v48 =	vor.u32 v7, v13;
	[tilespmem:s19+$0xFFFFFFC0] =	vst v18;
	v24 =	vld.idx.msk [tilespmem:v43+s25+$0x0], $0xffff  }
0x572: {  	v49 =	vor.u32 v7, v15;
	[tilespmem:s19+$0xC0] =	vst v21;
	v26 =	vld.idx.msk [tilespmem:v36+s25+$0x0], $0xffff  }
0x573: {  	v50 =	vor.u32 v7, v16;
	v19 =	vld.idx.msk [tilespmem:v46+s25+$0x0], $0xffff;
	[tilespmem:s19+$0xFFFFFE40] =	vst v22  }
0x574: {  	v52 =	vor.u32 v8, v11;
	v20 =	vld.idx.msk [tilespmem:v47+s25+$0x0], $0xffff;
	[tilespmem:s19+$0x40] =	vst v44  }
0x575: {  	v53 =	vor.u32 v8, v10;
	v23 =	vld.idx.msk [tilespmem:v51+s25+$0x0], $0xffff;
	[tilespmem:s19+$0x140] =	vst v28  }
0x576: {  	v54 =	vor.u32 v8, v12;
	v25 =	vld.idx.msk [tilespmem:v48+s25+$0x0], $0xffff;
	[tilespmem:s19+$0xFFFFFED0] =	vst v24  }
0x577: {  	v45 =	vor.u32 v8, v17;
	[tilespmem:s19+$0x1D0] =	vst v26;
	v26 =	vld.idx.msk [tilespmem:v49+s25+$0x0], $0xffff  }
0x578: {  	v59 =	vor.u32 v8, v14;
	[tilespmem:s19+$0xFFFFFF50] =	vst v19;
	v18 =	vld.idx.msk [tilespmem:v50+s25+$0x0], $0xffff  }
0x579: {  	v55 =	vor.u32 v8, v13;
	[tilespmem:s19+$0xFFFFFFD0] =	vst v20;
	v57 =	vld.idx.msk [tilespmem:v52+s25+$0x0], $0xffff  }
0x57a: {  	v56 =	vor.u32 v8, v15;
	v22 =	vld.idx.msk [tilespmem:v53+s25+$0x0], $0xffff;
	[tilespmem:s19+$0xFFFFFE50] =	vst v23  }
0x57b: {  	v58 =	vor.u32 v8, v16;
	v24 =	vld.idx.msk [tilespmem:v54+s25+$0x0], $0xffff;
	[tilespmem:s19+$0x50] =	vst v25  }
0x57c: {  	v11 =	vor.u32 v9, v11;
	v27 =	vld.idx.msk [tilespmem:v45+s25+$0x0], $0xffff;
	[tilespmem:s19+$0xD0] =	vst v26  }
0x57d: {  	v10 =	vor.u32 v9, v10;
	v62 =	vld.idx.msk [tilespmem:v59+s25+$0x0], $0xffff;
	[tilespmem:s19+$0x150] =	vst v18  }
0x57e: {  	v12 =	vor.u32 v9, v12;
	v60 =	vld.idx.msk [tilespmem:v55+s25+$0x0], $0xffff;
	[tilespmem:s19+$0xFFFFFEE0] =	vst v57  }
0x57f: {  	v17 =	vor.u32 v9, v17;
	[tilespmem:s19+$0xFFFFFF60] =	vst v22;
	v19 =	vld.idx.msk [tilespmem:v56+s25+$0x0], $0xffff  }
0x580: {  	v13 =	vor.u32 v9, v13;
	[tilespmem:s19+$0xFFFFFFE0] =	vst v24;
	v61 =	vld.idx.msk [tilespmem:v58+s25+$0x0], $0xffff  }
0x581: {  	v63 =	vor.u32 v9, v14;
	[tilespmem:s19+$0x1E0] =	vst v27;
	v11 =	vld.idx.msk [tilespmem:v11+s25+$0x0], $0xffff  }
0x582: {  	v15 =	vor.u32 v9, v15;
	v10 =	vld.idx.msk [tilespmem:v10+s25+$0x0], $0xffff;
	[tilespmem:s19+$0xFFFFFE60] =	vst v62  }
0x583: {  	v16 =	vor.u32 v9, v16;
	v12 =	vld.idx.msk [tilespmem:v12+s25+$0x0], $0xffff;
	[tilespmem:s19+$0x60] =	vst v60  }
0x584: {  	v17 =	vld.idx.msk [tilespmem:v17+s25+$0x0], $0xffff;
	[tilespmem:s19+$0xE0] =	vst v19  }
0x585: {  	v13 =	vld.idx.msk [tilespmem:v13+s25+$0x0], $0xffff;
	[tilespmem:s19+$0x160] =	vst v61  }
0x586: {  	[tilespmem:s19+$0xFFFFFEF0] =	vst v11;
	v11 =	vld.idx.msk [tilespmem:v63+s25+$0x0], $0xffff  }
0x587: {  	[tilespmem:s19+$0xFFFFFF70] =	vst v10;
	v15 =	vld.idx.msk [tilespmem:v15+s25+$0x0], $0xffff  }
0x588: {  	[tilespmem:s19+$0xFFFFFFF0] =	vst v12;
	v16 =	vld.idx.msk [tilespmem:v16+s25+$0x0], $0xffff  }
0x589: {  	[tilespmem:s19+$0x1F0] =	vst v17  }
0x58a: {  	[tilespmem:s19+$0x70] =	vst v13  }
0x58b: {  	[tilespmem:s19+$0xFFFFFE70] =	vst v11  }
0x58c: {  	[tilespmem:s19+$0xF0] =	vst v15  }
0x58d: {  	s6 =	simm.s32 @p0 $0xDD00;
	[tilespmem:s19+$0x170] =	vst v16  }
0x58e: {  	s3 =	simm.s32 @p0 $0x2000;
	s0 =	simm.s32 @p0 $0x400;
	s10 =	rddreg [dreg:$0x8]  }
0x58f: {  	[hbm4b:s10+s0] =	stream.strided.scatter @p0 [tilespmem:s6], [sflag:$0x4], $0x4000, s3, s0, $0x38;
	[tilespmem:$0x11D00] =	vst v63  }
0x590: {  	s0 =	simm.s32 @p0 $0x3  }
0x591: {  	_ =	swait.ge @p0 [sflag:s0], $0x4000  }
0x592: {  	[sflag:s0] =	ssyncset.done @p0 $0x0  }
0x593: {  	[sflag:s0] =	ssyncadd.s32 @p0 $0xFFFFC000;
	s0 =	simm.s32 @p0 $0x4  }
0x594: {  	_ =	swait.ge @p0 [sflag:s0], $0x4000  }
0x595: {  	s3 =	simm.s32 @!p0 $0x2000;
	[sflag:s0] =	ssyncset.done @p0 $0x0  }
0x596: {  	s6 =	simm.s32 @!p0 $0xDD00;
	[sflag:s0] =	ssyncadd.s32 @p0 $0xFFFFC000;
	s0 =	simm.s32 @!p0 $0x400  }
0x597: {  	[hbm4b:s15+s0] =	stream.strided.scatter @!p0 [tilespmem:s6], [sflag:$0x4], $0x3400, s3, s0, $0x38;
	[tilespmem:$0x11D00] =	vst v63  }
0x598: {  	s31 =	sadd.s32 $0x1, s31;
	s0 =	simm.s32 @!p0 $0x3  }
0x599: {  	p1 =	sne.s32 s31, s16;
	_ =	swait.ge @!p0 [sflag:s0], $0x4000  }
.Ltmp7:
0x59a: {  	[sflag:s0] =	ssyncset.done @!p0 $0x0;
	(pc) =	sbr.rel @p1 .LBB2_1-.Ltmp7, $4  }
0x59b: {  	[sflag:s0] =	ssyncadd.s32 @!p0 $0xFFFFC000;
	s0 =	simm.s32 @!p0 $0x4  }
0x59c: {  	_ =	swait.ge @!p0 [sflag:s0], $0x3400  }
0x59d: {  	[sflag:s0] =	ssyncset.done @!p0 $0x0  }
0x59e: {  	[sflag:s0] =	ssyncadd.s32 @!p0 $0xFFFFCC00  }
0x59f: {  	_ =	sfence.sel $0x180000  }
0x5a0: {  	[bflag:$0x0] =	sbarrier.arrive $0xFFFF  }
0x5a1: {  	_ =	strace $0x90000047  }
0x5a2: {  	s0 =	stileid.u32;
	[bflag:$0x2] =	sbarrier.arrive $0xFFFF  }
0x5a3: {  	p0 =	sne.s32 s0, $0x0;
	s0 =	rddreg [dreg:$0x3]  }
0x5a4: {  	s0 =	sadd.s32 @!p0 $0x100000, s0  }
0x5a5: {  	[sflag:s0] =	ssyncadd.tile.s32 @!p0 $0x1;
	_ =	shalt  }
.Lfunc_end2:
_tile_overlayer_lowered:
.L_overlay_start_2:
0x5a6: {  	(tag) =	ssettag $0x2  }
0x5a7: {  	s0 =	rddreg [dreg:$0x0];
	s2 =	stileid.u32  }
0x5a8: {  	s1 =	rddreg [dreg:$0x1];
	p0 =	sne.s32 s2, $0x0  }
0x5a9: {  	s3 =	rddreg [dreg:$0x2];
	[bflag:$0x3] =	sbarrier.arrive $0xFFFF;
	s2 =	simm.s32 @!p0 $0x1C05  }
0x5aa: {  	[timem:s3], [sflag:s2] =	dma.local @!p0 [hbm:s0], s1  }
0x5ab: {  	s0 =	simm.s32 @!p0 $0x5  }
0x5ac: {  	_ =	swait.ge @!p0 [sflag:s0], s1  }
0x5ad: {  	s1 =	ssub.s32 @!p0 $0x0, s1;
	[sflag:s0] =	ssyncset.done @!p0 $0x0  }
0x5ae: {  	[sflag:s0] =	ssyncadd.s32 @!p0 s1  }
0x5af: {  	[bflag:$0x3] =	sbarrier.arrive $0xFFFF  }
0x5b0: {  	_ =	shalt  }

</sc_bundles>
